<compile_context>
chip_gen: v7x
topology: tpu7x:2x2x1
jax: 0.10.2.dev20260603
libtpu: 0.0.44.dev20260713+nightly
codegen_flags: <defaults>
</compile_context>

<pallas_src>
import jax
import jax.numpy as jnp
from jax import lax
from jax.experimental import pallas as pl
from jax.experimental.pallas import tpu as pltpu
from jax.experimental.pallas import tpu_sc as plsc

_NE = 6
_NO = 2
_D = 1024
_B = 256
_R = 24
_NC = 2
_NS = 16
_NW = _NC * _NS
_BPW = _B // _NW
_L = 16
_CH = _D // _L
_U = 2


def _moe_body(hs, wall, ball, out, w_v, b_v, x_v, o_v, sem, sem2):
    wid = lax.axis_index("s") * _NC + lax.axis_index("c")
    base = wid * _BPW

    cp = pltpu.async_copy(
        wall.at[pl.ds(8, 16)], w_v.at[pl.ds(8, 16)], sem)
    cp_g = pltpu.async_copy(
        wall.at[pl.ds(0, 8)], w_v.at[pl.ds(0, 8)], sem2)
    cp_b = pltpu.async_copy(ball, b_v, sem2)
    cp_x = pltpu.async_copy(hs.at[pl.ds(base, _BPW), 0, :], x_v, sem2)
    cp_g.wait()
    cp_b.wait()
    cp_x.wait()

    lane = lax.iota(jnp.int32, _L)
    bgate = b_v[pl.ds(0, _L)]
    bexp0 = b_v[pl.ds(_L, _L)]
    bexp1 = b_v[pl.ds(2 * _L, _L)]

    def hsum(v):
        for sh in (8, 4, 2, 1):
            v = v + jnp.take(v, lane ^ sh)
        return v

    def bf16r(v):
        u = plsc.bitcast(v, jnp.uint32)
        lsb = lax.shift_right_logical(u, jnp.uint32(16)) & jnp.uint32(1)
        r = (u + jnp.uint32(0x7FFF) + lsb) & jnp.uint32(0xFFFF0000)
        return plsc.bitcast(r, jnp.float32)

    def chunk1(c, accs):
        new = list(accs)
        for u in range(_U):
            off = (c * _U + u) * _L
            xs = []
            for i in range(_BPW):
                xr = bf16r(x_v[i, pl.ds(off, _L)])
                x_v[i, pl.ds(off, _L)] = xr
                xs.append(xr)
            for r in range(_NE):
                w = w_v[r, pl.ds(off, _L)]
                for i in range(_BPW):
                    new[r * _BPW + i] = new[r * _BPW + i] + xs[i] * w
        return tuple(new)

    init1 = tuple(jnp.zeros((_L,), jnp.float32) for _ in range(_NE * _BPW))
    accs = lax.fori_loop(0, _CH // _U, chunk1, init1)

    gs = []
    for r in range(_NE):
        g = jnp.zeros((_L,), jnp.float32)
        for i in range(_BPW):
            g = jnp.where(lane == i, hsum(accs[r * _BPW + i]), g)
        gs.append(g + bgate[r])

    best = gs[0]
    bi = jnp.zeros((_L,), jnp.int32)
    for e in range(1, _NE):
        m = gs[e] > best
        best = jnp.where(m, gs[e], best)
        bi = jnp.where(m, jnp.int32(e), bi)

    r0 = [bi[i] + 8 for i in range(_BPW)]
    r1 = [bi[i] + 8 + _NE for i in range(_BPW)]

    cp.wait()

    def chunk2(c, accs2):
        new = list(accs2)
        for u in range(_U):
            off = (c * _U + u) * _L
            for i in range(_BPW):
                x = x_v[i, pl.ds(off, _L)]
                w0 = w_v[r0[i], pl.ds(off, _L)]
                w1 = w_v[r1[i], pl.ds(off, _L)]
                new[2 * i] = new[2 * i] + x * w0
                new[2 * i + 1] = new[2 * i + 1] + x * w1
        return tuple(new)

    init2 = tuple(jnp.zeros((_L,), jnp.float32) for _ in range(_NO * _BPW))
    accs2 = lax.fori_loop(0, _CH // _U, chunk2, init2)

    o0 = jnp.zeros((_L,), jnp.float32)
    o1 = jnp.zeros((_L,), jnp.float32)
    for i in range(_BPW):
        o0 = jnp.where(lane == i, hsum(accs2[2 * i]), o0)
        o1 = jnp.where(lane == i, hsum(accs2[2 * i + 1]), o1)
    o0 = o0 + jnp.take(bexp0, bi)
    o1 = o1 + jnp.take(bexp1, bi)

    half = lax.shift_right_logical(lane, 1)
    evenm = (lane & 1) == 0
    ovec = jnp.where(evenm, jnp.take(o0, half), jnp.take(o1, half))
    o_v[...] = ovec
    pltpu.sync_copy(o_v, out.at[pl.ds(wid * _L, _L)])


def kernel(hidden_state, input_ids, attention_mask, W_gate, b_gate,
           W_experts, b_experts):
    del input_ids, attention_mask
    wall = jnp.concatenate(
        [W_gate, jnp.zeros((2, _D), jnp.float32),
         W_experts[:, 0, :], W_experts[:, 1, :],
         jnp.zeros((4, _D), jnp.float32)], axis=0)
    wall = wall.astype(jnp.bfloat16).astype(jnp.float32)
    pad = (0, _L - _NE)
    ball = jnp.concatenate([
        jnp.pad(b_gate, pad),
        jnp.pad(b_experts[:, 0], pad),
        jnp.pad(b_experts[:, 1], pad),
    ])

    mesh = plsc.VectorSubcoreMesh(
        core_axis_name="c", subcore_axis_name="s",
        num_cores=_NC, num_subcores=_NS)
    f = pl.kernel(
        _moe_body,
        out_type=jax.ShapeDtypeStruct((_B * _NO,), jnp.float32),
        mesh=mesh,
        compiler_params=pltpu.CompilerParams(needs_layout_passes=False, skip_device_barrier=True),
        scratch_types=[
            pltpu.VMEM((_R, _D), jnp.float32),
            pltpu.VMEM((3 * _L,), jnp.float32),
            pltpu.VMEM((_BPW, _D), jnp.float32),
            pltpu.VMEM((_L,), jnp.float32),
            pltpu.SemaphoreType.DMA,
            pltpu.SemaphoreType.DMA,
        ],
    )
    return f(hidden_state, wall, ball).reshape(_B, _NO)

# --- scband reference (transcript-rebuilt; emitter-appended) ---
"""Pipeline reference for scband-hard-mo-eclassifier-67388036874691 (READ-ONLY COPY).

The authoritative reference and input builder live on the scoring server;
editing this copy changes nothing except your own understanding.
"""

import jax, jax.numpy as jnp
import numpy as np

NUM_EXPERTS = 6
NUM_LABELS = 2
D_MODEL = 1024
BATCH = 256
SEQ = 128


def setup_inputs(seed: int = 0) -> dict:
    key = jax.random.key(seed)
    k1, k2, k3, k4 = jax.random.split(key, 4)
    input_ids = jax.random.randint(k1, (BATCH, SEQ), 0, 32000, dtype=jnp.int32)
    attention_mask = jnp.ones((BATCH, SEQ), dtype=jnp.int32)
    # Stand-in for base_model(...).last_hidden_state (pretrained DeBERTa weights
    # are external; the MoE head consumes this tensor directly).
    hidden_state = jax.random.normal(k2, (BATCH, SEQ, D_MODEL), dtype=jnp.float32)
    # gate: nn.Linear(1024, 6)
    W_gate = jax.random.normal(k3, (NUM_EXPERTS, D_MODEL), dtype=jnp.float32) * 0.02
    b_gate = jnp.zeros((NUM_EXPERTS,), dtype=jnp.float32)
    # experts: 6 x nn.Linear(1024, num_labels), stacked
    W_experts = jax.random.normal(k4, (NUM_EXPERTS, NUM_LABELS, D_MODEL), dtype=jnp.float32) * 0.02
    b_experts = jnp.zeros((NUM_EXPERTS, NUM_LABELS), dtype=jnp.float32)
    return {
        "hidden_state": hidden_state,
        "input_ids": input_ids,
        "attention_mask": attention_mask,
        "W_gate": W_gate,
        "b_gate": b_gate,
        "W_experts": W_experts,
        "b_experts": b_experts,
    }


def reference(hidden_state, input_ids, attention_mask, W_gate, b_gate, W_experts, b_experts):
    # cls_token = last_hidden_state[:, 0, :]
    cls_token = hidden_state[:, 0, :]  # [B, D]
    # dropout is identity in eval mode
    gate_logits = cls_token @ W_gate.T + b_gate  # [B, E]
    expert_choice = jnp.argmax(gate_logits, axis=1)  # [B]
    # compute every expert's output for every token, then hard-select by argmax.
    # equivalent to the masked per-expert loop: output[b] = expert_{choice[b]}(cls[b])
    expert_out = jnp.einsum('bd,eod->ebo', cls_token, W_experts) + b_experts[:, None, :]  # [E, B, O]
    onehot = jax.nn.one_hot(expert_choice, NUM_EXPERTS, dtype=cls_token.dtype)  # [B, E]
    output = jnp.einsum('ebo,be->bo', expert_out, onehot)  # [B, O]
    return output

if __name__ == "__main__":
    import jax
    _d = setup_inputs()
    print(jax.jit(kernel)(*tuple(_d.values())))

</pallas_src>

<mosaic_0001>
#map = affine_map<(d0, d1) -> (0, 0, 0)>
#map1 = affine_map<(d0, d1) -> (0, 0)>
#map2 = affine_map<(d0, d1) -> (0)>
module attributes {stable_mosaic.version = 14 : i64} {
  func.func @_moe_body(%arg0: i32, %arg1: i32, %arg2: memref<256x128x1024xf32, #tpu.memory_space<hbm>>, %arg3: memref<24x1024xf32, #tpu.memory_space<hbm>>, %arg4: memref<48xf32, #tpu.memory_space<hbm>>, %arg5: memref<512xf32, #tpu.memory_space<hbm>>, %arg6: memref<24x1024xf32, #tpu.memory_space<vmem>>, %arg7: memref<48xf32, #tpu.memory_space<vmem>>, %arg8: memref<8x1024xf32, #tpu.memory_space<vmem>>, %arg9: memref<16xf32, #tpu.memory_space<vmem>>, %arg10: memref<!tpu.dma_semaphore, #tpu.memory_space<semaphore_mem>>, %arg11: memref<!tpu.dma_semaphore, #tpu.memory_space<semaphore_mem>>) attributes {dimension_semantics = [#tpu.dimension_semantics<core_parallel>, #tpu.dimension_semantics<subcore_parallel>], iteration_bounds = array<i64: 2, 16>, scalar_prefetch = 0 : i64, scratch_operands = 6 : i64, tpu.core_type = #tpu.core_type<sc_vector_subcore>, window_params = [{transform_indices = #map}, {transform_indices = #map1}, {transform_indices = #map2}, {transform_indices = #map2}]} {
    %mul3A = arith.constant 2 : i32
    %mul3A_0 = arith.muli %arg1, %mul3A : i32
    %add3A = arith.addi %mul3A_0, %arg0 : i32
    %mul3A_1 = arith.constant 8 : i32
    %mul3A_2 = arith.muli %add3A, %mul3A_1 : i32
    %dma_start3A = arith.constant 8 : i32
    %dma_start3A_3 = arith.constant 0 : i32
    %dma_start3A_4 = tpu.memref_slice %arg6[%dma_start3A, %dma_start3A_3] : memref<24x1024xf32, #tpu.memory_space<vmem>> -> memref<16x1024xf32, #tpu.memory_space<vmem>>
    %dma_start3A_5 = arith.constant 8 : i32
    %dma_start3A_6 = arith.constant 0 : i32
    %dma_start3A_7 = tpu.memref_slice %arg3[%dma_start3A_5, %dma_start3A_6] : memref<24x1024xf32, #tpu.memory_space<hbm>> -> memref<16x1024xf32, #tpu.memory_space<hbm>>
    %dma_start3A_8 = arith.constant 8 : i32
    %dma_start3A_9 = arith.constant 0 : i32
    %dma_start3A_10 = tpu.memref_slice %arg6[%dma_start3A_8, %dma_start3A_9] : memref<24x1024xf32, #tpu.memory_space<vmem>> -> memref<16x1024xf32, #tpu.memory_space<vmem>>
    %dma_start3A_11 = arith.constant 8 : i32
    %dma_start3A_12 = arith.constant 0 : i32
    %dma_start3A_13 = tpu.memref_slice %arg3[%dma_start3A_11, %dma_start3A_12] : memref<24x1024xf32, #tpu.memory_space<hbm>> -> memref<16x1024xf32, #tpu.memory_space<hbm>>
    tpu.enqueue_dma source(%dma_start3A_13 : memref<16x1024xf32, #tpu.memory_space<hbm>>) target(%dma_start3A_10 : memref<16x1024xf32, #tpu.memory_space<vmem>>) target_semaphore(%arg10 : memref<!tpu.dma_semaphore, #tpu.memory_space<semaphore_mem>>)
    %dma_start3A_14 = arith.constant 0 : i32
    %dma_start3A_15 = arith.constant 0 : i32
    %dma_start3A_16 = tpu.memref_slice %arg6[%dma_start3A_14, %dma_start3A_15] : memref<24x1024xf32, #tpu.memory_space<vmem>> -> memref<8x1024xf32, #tpu.memory_space<vmem>>
    %dma_start3A_17 = arith.constant 0 : i32
    %dma_start3A_18 = arith.constant 0 : i32
    %dma_start3A_19 = tpu.memref_slice %arg3[%dma_start3A_17, %dma_start3A_18] : memref<24x1024xf32, #tpu.memory_space<hbm>> -> memref<8x1024xf32, #tpu.memory_space<hbm>>
    %dma_start3A_20 = arith.constant 0 : i32
    %dma_start3A_21 = arith.constant 0 : i32
    %dma_start3A_22 = tpu.memref_slice %arg6[%dma_start3A_20, %dma_start3A_21] : memref<24x1024xf32, #tpu.memory_space<vmem>> -> memref<8x1024xf32, #tpu.memory_space<vmem>>
    %dma_start3A_23 = arith.constant 0 : i32
    %dma_start3A_24 = arith.constant 0 : i32
    %dma_start3A_25 = tpu.memref_slice %arg3[%dma_start3A_23, %dma_start3A_24] : memref<24x1024xf32, #tpu.memory_space<hbm>> -> memref<8x1024xf32, #tpu.memory_space<hbm>>
    tpu.enqueue_dma source(%dma_start3A_25 : memref<8x1024xf32, #tpu.memory_space<hbm>>) target(%dma_start3A_22 : memref<8x1024xf32, #tpu.memory_space<vmem>>) target_semaphore(%arg11 : memref<!tpu.dma_semaphore, #tpu.memory_space<semaphore_mem>>)
    tpu.enqueue_dma source(%arg4 : memref<48xf32, #tpu.memory_space<hbm>>) target(%arg7 : memref<48xf32, #tpu.memory_space<vmem>>) target_semaphore(%arg11 : memref<!tpu.dma_semaphore, #tpu.memory_space<semaphore_mem>>)
    %dma_start3A_26 = arith.constant 0 : i32
    %dma_start3A_27 = arith.constant 0 : i32
    %dma_start3A_28 = tpu.memref_slice %arg2[%mul3A_2, %dma_start3A_26, %dma_start3A_27] : memref<256x128x1024xf32, #tpu.memory_space<hbm>> -> memref<8x1x1024xf32, #tpu.memory_space<hbm>>
    %dma_start3A_29 = tpu.memref_squeeze %dma_start3A_28 : memref<8x1x1024xf32, #tpu.memory_space<hbm>> -> memref<8x1024xf32, #tpu.memory_space<hbm>>
    %dma_start3A_30 = arith.constant 0 : i32
    %dma_start3A_31 = tpu.memref_slice %arg2[%mul3A_2, %dma_start3A_26, %dma_start3A_30] : memref<256x128x1024xf32, #tpu.memory_space<hbm>> -> memref<8x1x1024xf32, #tpu.memory_space<hbm>>
    %dma_start3A_32 = tpu.memref_squeeze %dma_start3A_31 : memref<8x1x1024xf32, #tpu.memory_space<hbm>> -> memref<8x1024xf32, #tpu.memory_space<hbm>>
    tpu.enqueue_dma source(%dma_start3A_32 : memref<8x1024xf32, #tpu.memory_space<hbm>>) target(%arg8 : memref<8x1024xf32, #tpu.memory_space<vmem>>) target_semaphore(%arg11 : memref<!tpu.dma_semaphore, #tpu.memory_space<semaphore_mem>>)
    %dma_wait3A = arith.constant 0 : i32
    %dma_wait3A_33 = arith.constant 0 : i32
    %dma_wait3A_34 = tpu.memref_slice %arg6[%dma_wait3A, %dma_wait3A_33] : memref<24x1024xf32, #tpu.memory_space<vmem>> -> memref<8x1024xf32, #tpu.memory_space<vmem>>
    %dma_wait3A_35 = arith.constant 0 : i32
    %dma_wait3A_36 = arith.constant 0 : i32
    %dma_wait3A_37 = tpu.memref_slice %arg3[%dma_wait3A_35, %dma_wait3A_36] : memref<24x1024xf32, #tpu.memory_space<hbm>> -> memref<8x1024xf32, #tpu.memory_space<hbm>>
    %dma_wait3A_38 = arith.constant 0 : i32
    %dma_wait3A_39 = arith.constant 0 : i32
    %dma_wait3A_40 = tpu.memref_slice %arg6[%dma_wait3A_38, %dma_wait3A_39] : memref<24x1024xf32, #tpu.memory_space<vmem>> -> memref<8x1024xf32, #tpu.memory_space<vmem>>
    %dma_wait3A_41 = arith.constant 0 : i32
    %dma_wait3A_42 = arith.constant 0 : i32
    %dma_wait3A_43 = tpu.memref_slice %arg3[%dma_wait3A_41, %dma_wait3A_42] : memref<24x1024xf32, #tpu.memory_space<hbm>> -> memref<8x1024xf32, #tpu.memory_space<hbm>>
    tpu.wait_dma2 semaphore(%arg11 : memref<!tpu.dma_semaphore, #tpu.memory_space<semaphore_mem>>) src(%dma_wait3A_43 : memref<8x1024xf32, #tpu.memory_space<hbm>>) dst(%dma_wait3A_40 : memref<8x1024xf32, #tpu.memory_space<vmem>>)
    tpu.wait_dma2 semaphore(%arg11 : memref<!tpu.dma_semaphore, #tpu.memory_space<semaphore_mem>>) src(%arg4 : memref<48xf32, #tpu.memory_space<hbm>>) dst(%arg7 : memref<48xf32, #tpu.memory_space<vmem>>)
    %dma_wait3A_44 = arith.constant 0 : i32
    %dma_wait3A_45 = arith.constant 0 : i32
    %dma_wait3A_46 = tpu.memref_slice %arg2[%mul3A_2, %dma_wait3A_44, %dma_wait3A_45] : memref<256x128x1024xf32, #tpu.memory_space<hbm>> -> memref<8x1x1024xf32, #tpu.memory_space<hbm>>
    %dma_wait3A_47 = tpu.memref_squeeze %dma_wait3A_46 : memref<8x1x1024xf32, #tpu.memory_space<hbm>> -> memref<8x1024xf32, #tpu.memory_space<hbm>>
    %dma_wait3A_48 = arith.constant 0 : i32
    %dma_wait3A_49 = tpu.memref_slice %arg2[%mul3A_2, %dma_wait3A_44, %dma_wait3A_48] : memref<256x128x1024xf32, #tpu.memory_space<hbm>> -> memref<8x1x1024xf32, #tpu.memory_space<hbm>>
    %dma_wait3A_50 = tpu.memref_squeeze %dma_wait3A_49 : memref<8x1x1024xf32, #tpu.memory_space<hbm>> -> memref<8x1024xf32, #tpu.memory_space<hbm>>
    tpu.wait_dma2 semaphore(%arg11 : memref<!tpu.dma_semaphore, #tpu.memory_space<semaphore_mem>>) src(%dma_wait3A_50 : memref<8x1024xf32, #tpu.memory_space<hbm>>) dst(%arg8 : memref<8x1024xf32, #tpu.memory_space<vmem>>)
    %iota3A = tpu.iota {dimensions = array<i32: 0>} : vector<16xi32>
    %get3A = arith.constant 0 : index
    %get3A_51 = tpu.vector_load %arg7[%get3A] {strides = array<i32>} : memref<48xf32, #tpu.memory_space<vmem>>, vector<16xf32>,
    %get3A_52 = arith.constant 16 : index
    %get3A_53 = tpu.vector_load %arg7[%get3A_52] {strides = array<i32>} : memref<48xf32, #tpu.memory_space<vmem>>, vector<16xf32>,
    %get3A_54 = arith.constant 32 : index
    %get3A_55 = tpu.vector_load %arg7[%get3A_54] {strides = array<i32>} : memref<48xf32, #tpu.memory_space<vmem>>, vector<16xf32>,
    %broadcast_in_dim3A = arith.constant 0.000000e+00 : f32
    %broadcast_in_dim3A_56 = vector.broadcast %broadcast_in_dim3A : f32 to vector<16xf32>
    %broadcast_in_dim3A_57 = arith.constant 0.000000e+00 : f32
    %broadcast_in_dim3A_58 = vector.broadcast %broadcast_in_dim3A_57 : f32 to vector<16xf32>
    %broadcast_in_dim3A_59 = arith.constant 0.000000e+00 : f32
    %broadcast_in_dim3A_60 = vector.broadcast %broadcast_in_dim3A_59 : f32 to vector<16xf32>
    %broadcast_in_dim3A_61 = arith.constant 0.000000e+00 : f32
    %broadcast_in_dim3A_62 = vector.broadcast %broadcast_in_dim3A_61 : f32 to vector<16xf32>
    %broadcast_in_dim3A_63 = arith.constant 0.000000e+00 : f32
    %broadcast_in_dim3A_64 = vector.broadcast %broadcast_in_dim3A_63 : f32 to vector<16xf32>
    %broadcast_in_dim3A_65 = arith.constant 0.000000e+00 : f32
    %broadcast_in_dim3A_66 = vector.broadcast %broadcast_in_dim3A_65 : f32 to vector<16xf32>
    %broadcast_in_dim3A_67 = arith.constant 0.000000e+00 : f32
    %broadcast_in_dim3A_68 = vector.broadcast %broadcast_in_dim3A_67 : f32 to vector<16xf32>
    %broadcast_in_dim3A_69 = arith.constant 0.000000e+00 : f32
    %broadcast_in_dim3A_70 = vector.broadcast %broadcast_in_dim3A_69 : f32 to vector<16xf32>
    %broadcast_in_dim3A_71 = arith.constant 0.000000e+00 : f32
    %broadcast_in_dim3A_72 = vector.broadcast %broadcast_in_dim3A_71 : f32 to vector<16xf32>
    %broadcast_in_dim3A_73 = arith.constant 0.000000e+00 : f32
    %broadcast_in_dim3A_74 = vector.broadcast %broadcast_in_dim3A_73 : f32 to vector<16xf32>
    %broadcast_in_dim3A_75 = arith.constant 0.000000e+00 : f32
    %broadcast_in_dim3A_76 = vector.broadcast %broadcast_in_dim3A_75 : f32 to vector<16xf32>
    %broadcast_in_dim3A_77 = arith.constant 0.000000e+00 : f32
    %broadcast_in_dim3A_78 = vector.broadcast %broadcast_in_dim3A_77 : f32 to vector<16xf32>
    %broadcast_in_dim3A_79 = arith.constant 0.000000e+00 : f32
    %broadcast_in_dim3A_80 = vector.broadcast %broadcast_in_dim3A_79 : f32 to vector<16xf32>
    %broadcast_in_dim3A_81 = arith.constant 0.000000e+00 : f32
    %broadcast_in_dim3A_82 = vector.broadcast %broadcast_in_dim3A_81 : f32 to vector<16xf32>
    %broadcast_in_dim3A_83 = arith.constant 0.000000e+00 : f32
    %broadcast_in_dim3A_84 = vector.broadcast %broadcast_in_dim3A_83 : f32 to vector<16xf32>
    %broadcast_in_dim3A_85 = arith.constant 0.000000e+00 : f32
    %broadcast_in_dim3A_86 = vector.broadcast %broadcast_in_dim3A_85 : f32 to vector<16xf32>
    %broadcast_in_dim3A_87 = arith.constant 0.000000e+00 : f32
    %broadcast_in_dim3A_88 = vector.broadcast %broadcast_in_dim3A_87 : f32 to vector<16xf32>
    %broadcast_in_dim3A_89 = arith.constant 0.000000e+00 : f32
    %broadcast_in_dim3A_90 = vector.broadcast %broadcast_in_dim3A_89 : f32 to vector<16xf32>
    %broadcast_in_dim3A_91 = arith.constant 0.000000e+00 : f32
    %broadcast_in_dim3A_92 = vector.broadcast %broadcast_in_dim3A_91 : f32 to vector<16xf32>
    %broadcast_in_dim3A_93 = arith.constant 0.000000e+00 : f32
    %broadcast_in_dim3A_94 = vector.broadcast %broadcast_in_dim3A_93 : f32 to vector<16xf32>
    %broadcast_in_dim3A_95 = arith.constant 0.000000e+00 : f32
    %broadcast_in_dim3A_96 = vector.broadcast %broadcast_in_dim3A_95 : f32 to vector<16xf32>
    %broadcast_in_dim3A_97 = arith.constant 0.000000e+00 : f32
    %broadcast_in_dim3A_98 = vector.broadcast %broadcast_in_dim3A_97 : f32 to vector<16xf32>
    %broadcast_in_dim3A_99 = arith.constant 0.000000e+00 : f32
    %broadcast_in_dim3A_100 = vector.broadcast %broadcast_in_dim3A_99 : f32 to vector<16xf32>
    %broadcast_in_dim3A_101 = arith.constant 0.000000e+00 : f32
    %broadcast_in_dim3A_102 = vector.broadcast %broadcast_in_dim3A_101 : f32 to vector<16xf32>
    %broadcast_in_dim3A_103 = arith.constant 0.000000e+00 : f32
    %broadcast_in_dim3A_104 = vector.broadcast %broadcast_in_dim3A_103 : f32 to vector<16xf32>
    %broadcast_in_dim3A_105 = arith.constant 0.000000e+00 : f32
    %broadcast_in_dim3A_106 = vector.broadcast %broadcast_in_dim3A_105 : f32 to vector<16xf32>
    %broadcast_in_dim3A_107 = arith.constant 0.000000e+00 : f32
    %broadcast_in_dim3A_108 = vector.broadcast %broadcast_in_dim3A_107 : f32 to vector<16xf32>
    %broadcast_in_dim3A_109 = arith.constant 0.000000e+00 : f32
    %broadcast_in_dim3A_110 = vector.broadcast %broadcast_in_dim3A_109 : f32 to vector<16xf32>
    %broadcast_in_dim3A_111 = arith.constant 0.000000e+00 : f32
    %broadcast_in_dim3A_112 = vector.broadcast %broadcast_in_dim3A_111 : f32 to vector<16xf32>
    %broadcast_in_dim3A_113 = arith.constant 0.000000e+00 : f32
    %broadcast_in_dim3A_114 = vector.broadcast %broadcast_in_dim3A_113 : f32 to vector<16xf32>
    %broadcast_in_dim3A_115 = arith.constant 0.000000e+00 : f32
    %broadcast_in_dim3A_116 = vector.broadcast %broadcast_in_dim3A_115 : f32 to vector<16xf32>
    %broadcast_in_dim3A_117 = arith.constant 0.000000e+00 : f32
    %broadcast_in_dim3A_118 = vector.broadcast %broadcast_in_dim3A_117 : f32 to vector<16xf32>
    %broadcast_in_dim3A_119 = arith.constant 0.000000e+00 : f32
    %broadcast_in_dim3A_120 = vector.broadcast %broadcast_in_dim3A_119 : f32 to vector<16xf32>
    %broadcast_in_dim3A_121 = arith.constant 0.000000e+00 : f32
    %broadcast_in_dim3A_122 = vector.broadcast %broadcast_in_dim3A_121 : f32 to vector<16xf32>
    %broadcast_in_dim3A_123 = arith.constant 0.000000e+00 : f32
    %broadcast_in_dim3A_124 = vector.broadcast %broadcast_in_dim3A_123 : f32 to vector<16xf32>
    %broadcast_in_dim3A_125 = arith.constant 0.000000e+00 : f32
    %broadcast_in_dim3A_126 = vector.broadcast %broadcast_in_dim3A_125 : f32 to vector<16xf32>
    %broadcast_in_dim3A_127 = arith.constant 0.000000e+00 : f32
    %broadcast_in_dim3A_128 = vector.broadcast %broadcast_in_dim3A_127 : f32 to vector<16xf32>
    %broadcast_in_dim3A_129 = arith.constant 0.000000e+00 : f32
    %broadcast_in_dim3A_130 = vector.broadcast %broadcast_in_dim3A_129 : f32 to vector<16xf32>
    %broadcast_in_dim3A_131 = arith.constant 0.000000e+00 : f32
    %broadcast_in_dim3A_132 = vector.broadcast %broadcast_in_dim3A_131 : f32 to vector<16xf32>
    %broadcast_in_dim3A_133 = arith.constant 0.000000e+00 : f32
    %broadcast_in_dim3A_134 = vector.broadcast %broadcast_in_dim3A_133 : f32 to vector<16xf32>
    %broadcast_in_dim3A_135 = arith.constant 0.000000e+00 : f32
    %broadcast_in_dim3A_136 = vector.broadcast %broadcast_in_dim3A_135 : f32 to vector<16xf32>
    %broadcast_in_dim3A_137 = arith.constant 0.000000e+00 : f32
    %broadcast_in_dim3A_138 = vector.broadcast %broadcast_in_dim3A_137 : f32 to vector<16xf32>
    %broadcast_in_dim3A_139 = arith.constant 0.000000e+00 : f32
    %broadcast_in_dim3A_140 = vector.broadcast %broadcast_in_dim3A_139 : f32 to vector<16xf32>
    %broadcast_in_dim3A_141 = arith.constant 0.000000e+00 : f32
    %broadcast_in_dim3A_142 = vector.broadcast %broadcast_in_dim3A_141 : f32 to vector<16xf32>
    %broadcast_in_dim3A_143 = arith.constant 0.000000e+00 : f32
    %broadcast_in_dim3A_144 = vector.broadcast %broadcast_in_dim3A_143 : f32 to vector<16xf32>
    %broadcast_in_dim3A_145 = arith.constant 0.000000e+00 : f32
    %broadcast_in_dim3A_146 = vector.broadcast %broadcast_in_dim3A_145 : f32 to vector<16xf32>
    %broadcast_in_dim3A_147 = arith.constant 0.000000e+00 : f32
    %broadcast_in_dim3A_148 = vector.broadcast %broadcast_in_dim3A_147 : f32 to vector<16xf32>
    %broadcast_in_dim3A_149 = arith.constant 0.000000e+00 : f32
    %broadcast_in_dim3A_150 = vector.broadcast %broadcast_in_dim3A_149 : f32 to vector<16xf32>
    %scan3A = arith.constant 0 : i32
    %scan3A_151 = arith.constant 32 : i32
    %scan3A_152 = arith.addi %scan3A, %scan3A_151 : i32
    %scan3A_153 = arith.constant 1 : i32
    %scan3A_154:48 = scf.for %scan3A_4237 = %scan3A to %scan3A_152 step %scan3A_153 iter_args(%scan3A_4238 = %broadcast_in_dim3A_56, %scan3A_4239 = %broadcast_in_dim3A_58, %scan3A_4240 = %broadcast_in_dim3A_60, %scan3A_4241 = %broadcast_in_dim3A_62, %scan3A_4242 = %broadcast_in_dim3A_64, %scan3A_4243 = %broadcast_in_dim3A_66, %scan3A_4244 = %broadcast_in_dim3A_68, %scan3A_4245 = %broadcast_in_dim3A_70, %scan3A_4246 = %broadcast_in_dim3A_72, %scan3A_4247 = %broadcast_in_dim3A_74, %scan3A_4248 = %broadcast_in_dim3A_76, %scan3A_4249 = %broadcast_in_dim3A_78, %scan3A_4250 = %broadcast_in_dim3A_80, %scan3A_4251 = %broadcast_in_dim3A_82, %scan3A_4252 = %broadcast_in_dim3A_84, %scan3A_4253 = %broadcast_in_dim3A_86, %scan3A_4254 = %broadcast_in_dim3A_88, %scan3A_4255 = %broadcast_in_dim3A_90, %scan3A_4256 = %broadcast_in_dim3A_92, %scan3A_4257 = %broadcast_in_dim3A_94, %scan3A_4258 = %broadcast_in_dim3A_96, %scan3A_4259 = %broadcast_in_dim3A_98, %scan3A_4260 = %broadcast_in_dim3A_100, %scan3A_4261 = %broadcast_in_dim3A_102, %scan3A_4262 = %broadcast_in_dim3A_104, %scan3A_4263 = %broadcast_in_dim3A_106, %scan3A_4264 = %broadcast_in_dim3A_108, %scan3A_4265 = %broadcast_in_dim3A_110, %scan3A_4266 = %broadcast_in_dim3A_112, %scan3A_4267 = %broadcast_in_dim3A_114, %scan3A_4268 = %broadcast_in_dim3A_116, %scan3A_4269 = %broadcast_in_dim3A_118, %scan3A_4270 = %broadcast_in_dim3A_120, %scan3A_4271 = %broadcast_in_dim3A_122, %scan3A_4272 = %broadcast_in_dim3A_124, %scan3A_4273 = %broadcast_in_dim3A_126, %scan3A_4274 = %broadcast_in_dim3A_128, %scan3A_4275 = %broadcast_in_dim3A_130, %scan3A_4276 = %broadcast_in_dim3A_132, %scan3A_4277 = %broadcast_in_dim3A_134, %scan3A_4278 = %broadcast_in_dim3A_136, %scan3A_4279 = %broadcast_in_dim3A_138, %scan3A_4280 = %broadcast_in_dim3A_140, %scan3A_4281 = %broadcast_in_dim3A_142, %scan3A_4282 = %broadcast_in_dim3A_144, %scan3A_4283 = %broadcast_in_dim3A_146, %scan3A_4284 = %broadcast_in_dim3A_148, %scan3A_4285 = %broadcast_in_dim3A_150) -> (vector<16xf32>, vector<16xf32>, vector<16xf32>, vector<16xf32>, vector<16xf32>, vector<16xf32>, vector<16xf32>, vector<16xf32>, vector<16xf32>, vector<16xf32>, vector<16xf32>, vector<16xf32>, vector<16xf32>, vector<16xf32>, vector<16xf32>, vector<16xf32>, vector<16xf32>, vector<16xf32>, vector<16xf32>, vector<16xf32>, vector<16xf32>, vector<16xf32>, vector<16xf32>, vector<16xf32>, vector<16xf32>, vector<16xf32>, vector<16xf32>, vector<16xf32>, vector<16xf32>, vector<16xf32>, vector<16xf32>, vector<16xf32>, vector<16xf32>, vector<16xf32>, vector<16xf32>, vector<16xf32>, vector<16xf32>, vector<16xf32>, vector<16xf32>, vector<16xf32>, vector<16xf32>, vector<16xf32>, vector<16xf32>, vector<16xf32>, vector<16xf32>, vector<16xf32>, vector<16xf32>, vector<16xf32>)  : i32 {
      %mul3A_4286 = arith.constant 2 : i32
      %mul3A_4287 = arith.muli %scan3A_4237, %mul3A_4286 : i32
      %add3A_4288 = arith.constant 0 : i32
      %add3A_4289 = arith.addi %mul3A_4287, %add3A_4288 : i32
      %mul3A_4290 = arith.constant 16 : i32
      %mul3A_4291 = arith.muli %add3A_4289, %mul3A_4290 : i32
      %get3A_4292 = arith.constant 0 : i32
      %get3A_4293 = arith.index_cast %get3A_4292 : i32 to index
      %get3A_4294 = arith.index_cast %mul3A_4291 : i32 to index
      %get3A_4295 = tpu.vector_load %arg8[%get3A_4293, %get3A_4294] {strides = array<i32>} : memref<8x1024xf32, #tpu.memory_space<vmem>>, vector<16xf32>,
      %bitcast3A = vector.bitcast %get3A_4295 : vector<16xf32> to vector<16xi32>
      %shift_right_logical3A_4296 = arith.constant 16 : i32
      %shift_right_logical3A_4297 = vector.broadcast %shift_right_logical3A_4296 : i32 to vector<16xi32>
      %shift_right_logical3A_4298 = arith.shrui %bitcast3A, %shift_right_logical3A_4297 : vector<16xi32>
      %and3A_4299 = arith.constant 1 : i32
      %and3A_4300 = vector.broadcast %and3A_4299 : i32 to vector<16xi32>
      %and3A_4301 = arith.andi %shift_right_logical3A_4298, %and3A_4300 : vector<16xi32>
      %add3A_4302 = arith.constant 32767 : i32
      %add3A_4303 = vector.broadcast %add3A_4302 : i32 to vector<16xi32>
      %add3A_4304 = arith.addi %bitcast3A, %add3A_4303 : vector<16xi32>
      %add3A_4305 = arith.addi %add3A_4304, %and3A_4301 : vector<16xi32>
      %and3A_4306 = arith.constant -65536 : i32
      %and3A_4307 = vector.broadcast %and3A_4306 : i32 to vector<16xi32>
      %and3A_4308 = arith.andi %add3A_4305, %and3A_4307 : vector<16xi32>
      %bitcast3A_4309 = vector.bitcast %and3A_4308 : vector<16xi32> to vector<16xf32>
      %swap3A_4310 = arith.constant 0 : i32
      %swap3A_4311 = arith.index_cast %swap3A_4310 : i32 to index
      %swap3A_4312 = arith.index_cast %mul3A_4291 : i32 to index
      %swap3A_4313 = tpu.vector_load %arg8[%swap3A_4311, %swap3A_4312] {strides = array<i32>} : memref<8x1024xf32, #tpu.memory_space<vmem>>, vector<16xf32>,
      tpu.vector_store %arg8[%swap3A_4311, %swap3A_4312], %bitcast3A_4309 {strides = array<i32>} : memref<8x1024xf32, #tpu.memory_space<vmem>>, vector<16xf32>,
      %get3A_4314 = arith.constant 1 : i32
      %get3A_4315 = arith.index_cast %get3A_4314 : i32 to index
      %get3A_4316 = arith.index_cast %mul3A_4291 : i32 to index
      %get3A_4317 = tpu.vector_load %arg8[%get3A_4315, %get3A_4316] {strides = array<i32>} : memref<8x1024xf32, #tpu.memory_space<vmem>>, vector<16xf32>,
      %bitcast3A_4318 = vector.bitcast %get3A_4317 : vector<16xf32> to vector<16xi32>
      %shift_right_logical3A_4319 = arith.constant 16 : i32
      %shift_right_logical3A_4320 = vector.broadcast %shift_right_logical3A_4319 : i32 to vector<16xi32>
      %shift_right_logical3A_4321 = arith.shrui %bitcast3A_4318, %shift_right_logical3A_4320 : vector<16xi32>
      %and3A_4322 = arith.constant 1 : i32
      %and3A_4323 = vector.broadcast %and3A_4322 : i32 to vector<16xi32>
      %and3A_4324 = arith.andi %shift_right_logical3A_4321, %and3A_4323 : vector<16xi32>
      %add3A_4325 = arith.constant 32767 : i32
      %add3A_4326 = vector.broadcast %add3A_4325 : i32 to vector<16xi32>
      %add3A_4327 = arith.addi %bitcast3A_4318, %add3A_4326 : vector<16xi32>
      %add3A_4328 = arith.addi %add3A_4327, %and3A_4324 : vector<16xi32>
      %and3A_4329 = arith.constant -65536 : i32
      %and3A_4330 = vector.broadcast %and3A_4329 : i32 to vector<16xi32>
      %and3A_4331 = arith.andi %add3A_4328, %and3A_4330 : vector<16xi32>
      %bitcast3A_4332 = vector.bitcast %and3A_4331 : vector<16xi32> to vector<16xf32>
      %swap3A_4333 = arith.constant 1 : i32
      %swap3A_4334 = arith.index_cast %swap3A_4333 : i32 to index
      %swap3A_4335 = arith.index_cast %mul3A_4291 : i32 to index
      %swap3A_4336 = tpu.vector_load %arg8[%swap3A_4334, %swap3A_4335] {strides = array<i32>} : memref<8x1024xf32, #tpu.memory_space<vmem>>, vector<16xf32>,
      tpu.vector_store %arg8[%swap3A_4334, %swap3A_4335], %bitcast3A_4332 {strides = array<i32>} : memref<8x1024xf32, #tpu.memory_space<vmem>>, vector<16xf32>,
      %get3A_4337 = arith.constant 2 : i32
      %get3A_4338 = arith.index_cast %get3A_4337 : i32 to index
      %get3A_4339 = arith.index_cast %mul3A_4291 : i32 to index
      %get3A_4340 = tpu.vector_load %arg8[%get3A_4338, %get3A_4339] {strides = array<i32>} : memref<8x1024xf32, #tpu.memory_space<vmem>>, vector<16xf32>,
      %bitcast3A_4341 = vector.bitcast %get3A_4340 : vector<16xf32> to vector<16xi32>
      %shift_right_logical3A_4342 = arith.constant 16 : i32
      %shift_right_logical3A_4343 = vector.broadcast %shift_right_logical3A_4342 : i32 to vector<16xi32>
      %shift_right_logical3A_4344 = arith.shrui %bitcast3A_4341, %shift_right_logical3A_4343 : vector<16xi32>
      %and3A_4345 = arith.constant 1 : i32
      %and3A_4346 = vector.broadcast %and3A_4345 : i32 to vector<16xi32>
      %and3A_4347 = arith.andi %shift_right_logical3A_4344, %and3A_4346 : vector<16xi32>
      %add3A_4348 = arith.constant 32767 : i32
      %add3A_4349 = vector.broadcast %add3A_4348 : i32 to vector<16xi32>
      %add3A_4350 = arith.addi %bitcast3A_4341, %add3A_4349 : vector<16xi32>
      %add3A_4351 = arith.addi %add3A_4350, %and3A_4347 : vector<16xi32>
      %and3A_4352 = arith.constant -65536 : i32
      %and3A_4353 = vector.broadcast %and3A_4352 : i32 to vector<16xi32>
      %and3A_4354 = arith.andi %add3A_4351, %and3A_4353 : vector<16xi32>
      %bitcast3A_4355 = vector.bitcast %and3A_4354 : vector<16xi32> to vector<16xf32>
      %swap3A_4356 = arith.constant 2 : i32
      %swap3A_4357 = arith.index_cast %swap3A_4356 : i32 to index
      %swap3A_4358 = arith.index_cast %mul3A_4291 : i32 to index
      %swap3A_4359 = tpu.vector_load %arg8[%swap3A_4357, %swap3A_4358] {strides = array<i32>} : memref<8x1024xf32, #tpu.memory_space<vmem>>, vector<16xf32>,
      tpu.vector_store %arg8[%swap3A_4357, %swap3A_4358], %bitcast3A_4355 {strides = array<i32>} : memref<8x1024xf32, #tpu.memory_space<vmem>>, vector<16xf32>,
      %get3A_4360 = arith.constant 3 : i32
      %get3A_4361 = arith.index_cast %get3A_4360 : i32 to index
      %get3A_4362 = arith.index_cast %mul3A_4291 : i32 to index
      %get3A_4363 = tpu.vector_load %arg8[%get3A_4361, %get3A_4362] {strides = array<i32>} : memref<8x1024xf32, #tpu.memory_space<vmem>>, vector<16xf32>,
      %bitcast3A_4364 = vector.bitcast %get3A_4363 : vector<16xf32> to vector<16xi32>
      %shift_right_logical3A_4365 = arith.constant 16 : i32
      %shift_right_logical3A_4366 = vector.broadcast %shift_right_logical3A_4365 : i32 to vector<16xi32>
      %shift_right_logical3A_4367 = arith.shrui %bitcast3A_4364, %shift_right_logical3A_4366 : vector<16xi32>
      %and3A_4368 = arith.constant 1 : i32
      %and3A_4369 = vector.broadcast %and3A_4368 : i32 to vector<16xi32>
      %and3A_4370 = arith.andi %shift_right_logical3A_4367, %and3A_4369 : vector<16xi32>
      %add3A_4371 = arith.constant 32767 : i32
      %add3A_4372 = vector.broadcast %add3A_4371 : i32 to vector<16xi32>
      %add3A_4373 = arith.addi %bitcast3A_4364, %add3A_4372 : vector<16xi32>
      %add3A_4374 = arith.addi %add3A_4373, %and3A_4370 : vector<16xi32>
      %and3A_4375 = arith.constant -65536 : i32
      %and3A_4376 = vector.broadcast %and3A_4375 : i32 to vector<16xi32>
      %and3A_4377 = arith.andi %add3A_4374, %and3A_4376 : vector<16xi32>
      %bitcast3A_4378 = vector.bitcast %and3A_4377 : vector<16xi32> to vector<16xf32>
      %swap3A_4379 = arith.constant 3 : i32
      %swap3A_4380 = arith.index_cast %swap3A_4379 : i32 to index
      %swap3A_4381 = arith.index_cast %mul3A_4291 : i32 to index
      %swap3A_4382 = tpu.vector_load %arg8[%swap3A_4380, %swap3A_4381] {strides = array<i32>} : memref<8x1024xf32, #tpu.memory_space<vmem>>, vector<16xf32>,
      tpu.vector_store %arg8[%swap3A_4380, %swap3A_4381], %bitcast3A_4378 {strides = array<i32>} : memref<8x1024xf32, #tpu.memory_space<vmem>>, vector<16xf32>,
      %get3A_4383 = arith.constant 4 : i32
      %get3A_4384 = arith.index_cast %get3A_4383 : i32 to index
      %get3A_4385 = arith.index_cast %mul3A_4291 : i32 to index
      %get3A_4386 = tpu.vector_load %arg8[%get3A_4384, %get3A_4385] {strides = array<i32>} : memref<8x1024xf32, #tpu.memory_space<vmem>>, vector<16xf32>,
      %bitcast3A_4387 = vector.bitcast %get3A_4386 : vector<16xf32> to vector<16xi32>
      %shift_right_logical3A_4388 = arith.constant 16 : i32
      %shift_right_logical3A_4389 = vector.broadcast %shift_right_logical3A_4388 : i32 to vector<16xi32>
      %shift_right_logical3A_4390 = arith.shrui %bitcast3A_4387, %shift_right_logical3A_4389 : vector<16xi32>
      %and3A_4391 = arith.constant 1 : i32
      %and3A_4392 = vector.broadcast %and3A_4391 : i32 to vector<16xi32>
      %and3A_4393 = arith.andi %shift_right_logical3A_4390, %and3A_4392 : vector<16xi32>
      %add3A_4394 = arith.constant 32767 : i32
      %add3A_4395 = vector.broadcast %add3A_4394 : i32 to vector<16xi32>
      %add3A_4396 = arith.addi %bitcast3A_4387, %add3A_4395 : vector<16xi32>
      %add3A_4397 = arith.addi %add3A_4396, %and3A_4393 : vector<16xi32>
      %and3A_4398 = arith.constant -65536 : i32
      %and3A_4399 = vector.broadcast %and3A_4398 : i32 to vector<16xi32>
      %and3A_4400 = arith.andi %add3A_4397, %and3A_4399 : vector<16xi32>
      %bitcast3A_4401 = vector.bitcast %and3A_4400 : vector<16xi32> to vector<16xf32>
      %swap3A_4402 = arith.constant 4 : i32
      %swap3A_4403 = arith.index_cast %swap3A_4402 : i32 to index
      %swap3A_4404 = arith.index_cast %mul3A_4291 : i32 to index
      %swap3A_4405 = tpu.vector_load %arg8[%swap3A_4403, %swap3A_4404] {strides = array<i32>} : memref<8x1024xf32, #tpu.memory_space<vmem>>, vector<16xf32>,
      tpu.vector_store %arg8[%swap3A_4403, %swap3A_4404], %bitcast3A_4401 {strides = array<i32>} : memref<8x1024xf32, #tpu.memory_space<vmem>>, vector<16xf32>,
      %get3A_4406 = arith.constant 5 : i32
      %get3A_4407 = arith.index_cast %get3A_4406 : i32 to index
      %get3A_4408 = arith.index_cast %mul3A_4291 : i32 to index
      %get3A_4409 = tpu.vector_load %arg8[%get3A_4407, %get3A_4408] {strides = array<i32>} : memref<8x1024xf32, #tpu.memory_space<vmem>>, vector<16xf32>,
      %bitcast3A_4410 = vector.bitcast %get3A_4409 : vector<16xf32> to vector<16xi32>
      %shift_right_logical3A_4411 = arith.constant 16 : i32
      %shift_right_logical3A_4412 = vector.broadcast %shift_right_logical3A_4411 : i32 to vector<16xi32>
      %shift_right_logical3A_4413 = arith.shrui %bitcast3A_4410, %shift_right_logical3A_4412 : vector<16xi32>
      %and3A_4414 = arith.constant 1 : i32
      %and3A_4415 = vector.broadcast %and3A_4414 : i32 to vector<16xi32>
      %and3A_4416 = arith.andi %shift_right_logical3A_4413, %and3A_4415 : vector<16xi32>
      %add3A_4417 = arith.constant 32767 : i32
      %add3A_4418 = vector.broadcast %add3A_4417 : i32 to vector<16xi32>
      %add3A_4419 = arith.addi %bitcast3A_4410, %add3A_4418 : vector<16xi32>
      %add3A_4420 = arith.addi %add3A_4419, %and3A_4416 : vector<16xi32>
      %and3A_4421 = arith.constant -65536 : i32
      %and3A_4422 = vector.broadcast %and3A_4421 : i32 to vector<16xi32>
      %and3A_4423 = arith.andi %add3A_4420, %and3A_4422 : vector<16xi32>
      %bitcast3A_4424 = vector.bitcast %and3A_4423 : vector<16xi32> to vector<16xf32>
      %swap3A_4425 = arith.constant 5 : i32
      %swap3A_4426 = arith.index_cast %swap3A_4425 : i32 to index
      %swap3A_4427 = arith.index_cast %mul3A_4291 : i32 to index
      %swap3A_4428 = tpu.vector_load %arg8[%swap3A_4426, %swap3A_4427] {strides = array<i32>} : memref<8x1024xf32, #tpu.memory_space<vmem>>, vector<16xf32>,
      tpu.vector_store %arg8[%swap3A_4426, %swap3A_4427], %bitcast3A_4424 {strides = array<i32>} : memref<8x1024xf32, #tpu.memory_space<vmem>>, vector<16xf32>,
      %get3A_4429 = arith.constant 6 : i32
      %get3A_4430 = arith.index_cast %get3A_4429 : i32 to index
      %get3A_4431 = arith.index_cast %mul3A_4291 : i32 to index
      %get3A_4432 = tpu.vector_load %arg8[%get3A_4430, %get3A_4431] {strides = array<i32>} : memref<8x1024xf32, #tpu.memory_space<vmem>>, vector<16xf32>,
      %bitcast3A_4433 = vector.bitcast %get3A_4432 : vector<16xf32> to vector<16xi32>
      %shift_right_logical3A_4434 = arith.constant 16 : i32
      %shift_right_logical3A_4435 = vector.broadcast %shift_right_logical3A_4434 : i32 to vector<16xi32>
      %shift_right_logical3A_4436 = arith.shrui %bitcast3A_4433, %shift_right_logical3A_4435 : vector<16xi32>
      %and3A_4437 = arith.constant 1 : i32
      %and3A_4438 = vector.broadcast %and3A_4437 : i32 to vector<16xi32>
      %and3A_4439 = arith.andi %shift_right_logical3A_4436, %and3A_4438 : vector<16xi32>
      %add3A_4440 = arith.constant 32767 : i32
      %add3A_4441 = vector.broadcast %add3A_4440 : i32 to vector<16xi32>
      %add3A_4442 = arith.addi %bitcast3A_4433, %add3A_4441 : vector<16xi32>
      %add3A_4443 = arith.addi %add3A_4442, %and3A_4439 : vector<16xi32>
      %and3A_4444 = arith.constant -65536 : i32
      %and3A_4445 = vector.broadcast %and3A_4444 : i32 to vector<16xi32>
      %and3A_4446 = arith.andi %add3A_4443, %and3A_4445 : vector<16xi32>
      %bitcast3A_4447 = vector.bitcast %and3A_4446 : vector<16xi32> to vector<16xf32>
      %swap3A_4448 = arith.constant 6 : i32
      %swap3A_4449 = arith.index_cast %swap3A_4448 : i32 to index
      %swap3A_4450 = arith.index_cast %mul3A_4291 : i32 to index
      %swap3A_4451 = tpu.vector_load %arg8[%swap3A_4449, %swap3A_4450] {strides = array<i32>} : memref<8x1024xf32, #tpu.memory_space<vmem>>, vector<16xf32>,
      tpu.vector_store %arg8[%swap3A_4449, %swap3A_4450], %bitcast3A_4447 {strides = array<i32>} : memref<8x1024xf32, #tpu.memory_space<vmem>>, vector<16xf32>,
      %get3A_4452 = arith.constant 7 : i32
      %get3A_4453 = arith.index_cast %get3A_4452 : i32 to index
      %get3A_4454 = arith.index_cast %mul3A_4291 : i32 to index
      %get3A_4455 = tpu.vector_load %arg8[%get3A_4453, %get3A_4454] {strides = array<i32>} : memref<8x1024xf32, #tpu.memory_space<vmem>>, vector<16xf32>,
      %bitcast3A_4456 = vector.bitcast %get3A_4455 : vector<16xf32> to vector<16xi32>
      %shift_right_logical3A_4457 = arith.constant 16 : i32
      %shift_right_logical3A_4458 = vector.broadcast %shift_right_logical3A_4457 : i32 to vector<16xi32>
      %shift_right_logical3A_4459 = arith.shrui %bitcast3A_4456, %shift_right_logical3A_4458 : vector<16xi32>
      %and3A_4460 = arith.constant 1 : i32
      %and3A_4461 = vector.broadcast %and3A_4460 : i32 to vector<16xi32>
      %and3A_4462 = arith.andi %shift_right_logical3A_4459, %and3A_4461 : vector<16xi32>
      %add3A_4463 = arith.constant 32767 : i32
      %add3A_4464 = vector.broadcast %add3A_4463 : i32 to vector<16xi32>
      %add3A_4465 = arith.addi %bitcast3A_4456, %add3A_4464 : vector<16xi32>
      %add3A_4466 = arith.addi %add3A_4465, %and3A_4462 : vector<16xi32>
      %and3A_4467 = arith.constant -65536 : i32
      %and3A_4468 = vector.broadcast %and3A_4467 : i32 to vector<16xi32>
      %and3A_4469 = arith.andi %add3A_4466, %and3A_4468 : vector<16xi32>
      %bitcast3A_4470 = vector.bitcast %and3A_4469 : vector<16xi32> to vector<16xf32>
      %swap3A_4471 = arith.constant 7 : i32
      %swap3A_4472 = arith.index_cast %swap3A_4471 : i32 to index
      %swap3A_4473 = arith.index_cast %mul3A_4291 : i32 to index
      %swap3A_4474 = tpu.vector_load %arg8[%swap3A_4472, %swap3A_4473] {strides = array<i32>} : memref<8x1024xf32, #tpu.memory_space<vmem>>, vector<16xf32>,
      tpu.vector_store %arg8[%swap3A_4472, %swap3A_4473], %bitcast3A_4470 {strides = array<i32>} : memref<8x1024xf32, #tpu.memory_space<vmem>>, vector<16xf32>,
      %get3A_4475 = arith.constant 0 : i32
      %get3A_4476 = arith.index_cast %get3A_4475 : i32 to index
      %get3A_4477 = arith.index_cast %mul3A_4291 : i32 to index
      %get3A_4478 = tpu.vector_load %arg6[%get3A_4476, %get3A_4477] {strides = array<i32>} : memref<24x1024xf32, #tpu.memory_space<vmem>>, vector<16xf32>,
      %mul3A_4479 = arith.mulf %bitcast3A_4309, %get3A_4478 : vector<16xf32>
      %add3A_4480 = arith.addf %scan3A_4238, %mul3A_4479 : vector<16xf32>
      %mul3A_4481 = arith.mulf %bitcast3A_4332, %get3A_4478 : vector<16xf32>
      %add3A_4482 = arith.addf %scan3A_4239, %mul3A_4481 : vector<16xf32>
      %mul3A_4483 = arith.mulf %bitcast3A_4355, %get3A_4478 : vector<16xf32>
      %add3A_4484 = arith.addf %scan3A_4240, %mul3A_4483 : vector<16xf32>
      %mul3A_4485 = arith.mulf %bitcast3A_4378, %get3A_4478 : vector<16xf32>
      %add3A_4486 = arith.addf %scan3A_4241, %mul3A_4485 : vector<16xf32>
      %mul3A_4487 = arith.mulf %bitcast3A_4401, %get3A_4478 : vector<16xf32>
      %add3A_4488 = arith.addf %scan3A_4242, %mul3A_4487 : vector<16xf32>
      %mul3A_4489 = arith.mulf %bitcast3A_4424, %get3A_4478 : vector<16xf32>
      %add3A_4490 = arith.addf %scan3A_4243, %mul3A_4489 : vector<16xf32>
      %mul3A_4491 = arith.mulf %bitcast3A_4447, %get3A_4478 : vector<16xf32>
      %add3A_4492 = arith.addf %scan3A_4244, %mul3A_4491 : vector<16xf32>
      %mul3A_4493 = arith.mulf %bitcast3A_4470, %get3A_4478 : vector<16xf32>
      %add3A_4494 = arith.addf %scan3A_4245, %mul3A_4493 : vector<16xf32>
      %get3A_4495 = arith.constant 1 : i32
      %get3A_4496 = arith.index_cast %get3A_4495 : i32 to index
      %get3A_4497 = arith.index_cast %mul3A_4291 : i32 to index
      %get3A_4498 = tpu.vector_load %arg6[%get3A_4496, %get3A_4497] {strides = array<i32>} : memref<24x1024xf32, #tpu.memory_space<vmem>>, vector<16xf32>,
      %mul3A_4499 = arith.mulf %bitcast3A_4309, %get3A_4498 : vector<16xf32>
      %add3A_4500 = arith.addf %scan3A_4246, %mul3A_4499 : vector<16xf32>
      %mul3A_4501 = arith.mulf %bitcast3A_4332, %get3A_4498 : vector<16xf32>
      %add3A_4502 = arith.addf %scan3A_4247, %mul3A_4501 : vector<16xf32>
      %mul3A_4503 = arith.mulf %bitcast3A_4355, %get3A_4498 : vector<16xf32>
      %add3A_4504 = arith.addf %scan3A_4248, %mul3A_4503 : vector<16xf32>
      %mul3A_4505 = arith.mulf %bitcast3A_4378, %get3A_4498 : vector<16xf32>
      %add3A_4506 = arith.addf %scan3A_4249, %mul3A_4505 : vector<16xf32>
      %mul3A_4507 = arith.mulf %bitcast3A_4401, %get3A_4498 : vector<16xf32>
      %add3A_4508 = arith.addf %scan3A_4250, %mul3A_4507 : vector<16xf32>
      %mul3A_4509 = arith.mulf %bitcast3A_4424, %get3A_4498 : vector<16xf32>
      %add3A_4510 = arith.addf %scan3A_4251, %mul3A_4509 : vector<16xf32>
      %mul3A_4511 = arith.mulf %bitcast3A_4447, %get3A_4498 : vector<16xf32>
      %add3A_4512 = arith.addf %scan3A_4252, %mul3A_4511 : vector<16xf32>
      %mul3A_4513 = arith.mulf %bitcast3A_4470, %get3A_4498 : vector<16xf32>
      %add3A_4514 = arith.addf %scan3A_4253, %mul3A_4513 : vector<16xf32>
      %get3A_4515 = arith.constant 2 : i32
      %get3A_4516 = arith.index_cast %get3A_4515 : i32 to index
      %get3A_4517 = arith.index_cast %mul3A_4291 : i32 to index
      %get3A_4518 = tpu.vector_load %arg6[%get3A_4516, %get3A_4517] {strides = array<i32>} : memref<24x1024xf32, #tpu.memory_space<vmem>>, vector<16xf32>,
      %mul3A_4519 = arith.mulf %bitcast3A_4309, %get3A_4518 : vector<16xf32>
      %add3A_4520 = arith.addf %scan3A_4254, %mul3A_4519 : vector<16xf32>
      %mul3A_4521 = arith.mulf %bitcast3A_4332, %get3A_4518 : vector<16xf32>
      %add3A_4522 = arith.addf %scan3A_4255, %mul3A_4521 : vector<16xf32>
      %mul3A_4523 = arith.mulf %bitcast3A_4355, %get3A_4518 : vector<16xf32>
      %add3A_4524 = arith.addf %scan3A_4256, %mul3A_4523 : vector<16xf32>
      %mul3A_4525 = arith.mulf %bitcast3A_4378, %get3A_4518 : vector<16xf32>
      %add3A_4526 = arith.addf %scan3A_4257, %mul3A_4525 : vector<16xf32>
      %mul3A_4527 = arith.mulf %bitcast3A_4401, %get3A_4518 : vector<16xf32>
      %add3A_4528 = arith.addf %scan3A_4258, %mul3A_4527 : vector<16xf32>
      %mul3A_4529 = arith.mulf %bitcast3A_4424, %get3A_4518 : vector<16xf32>
      %add3A_4530 = arith.addf %scan3A_4259, %mul3A_4529 : vector<16xf32>
      %mul3A_4531 = arith.mulf %bitcast3A_4447, %get3A_4518 : vector<16xf32>
      %add3A_4532 = arith.addf %scan3A_4260, %mul3A_4531 : vector<16xf32>
      %mul3A_4533 = arith.mulf %bitcast3A_4470, %get3A_4518 : vector<16xf32>
      %add3A_4534 = arith.addf %scan3A_4261, %mul3A_4533 : vector<16xf32>
      %get3A_4535 = arith.constant 3 : i32
      %get3A_4536 = arith.index_cast %get3A_4535 : i32 to index
      %get3A_4537 = arith.index_cast %mul3A_4291 : i32 to index
      %get3A_4538 = tpu.vector_load %arg6[%get3A_4536, %get3A_4537] {strides = array<i32>} : memref<24x1024xf32, #tpu.memory_space<vmem>>, vector<16xf32>,
      %mul3A_4539 = arith.mulf %bitcast3A_4309, %get3A_4538 : vector<16xf32>
      %add3A_4540 = arith.addf %scan3A_4262, %mul3A_4539 : vector<16xf32>
      %mul3A_4541 = arith.mulf %bitcast3A_4332, %get3A_4538 : vector<16xf32>
      %add3A_4542 = arith.addf %scan3A_4263, %mul3A_4541 : vector<16xf32>
      %mul3A_4543 = arith.mulf %bitcast3A_4355, %get3A_4538 : vector<16xf32>
      %add3A_4544 = arith.addf %scan3A_4264, %mul3A_4543 : vector<16xf32>
      %mul3A_4545 = arith.mulf %bitcast3A_4378, %get3A_4538 : vector<16xf32>
      %add3A_4546 = arith.addf %scan3A_4265, %mul3A_4545 : vector<16xf32>
      %mul3A_4547 = arith.mulf %bitcast3A_4401, %get3A_4538 : vector<16xf32>
      %add3A_4548 = arith.addf %scan3A_4266, %mul3A_4547 : vector<16xf32>
      %mul3A_4549 = arith.mulf %bitcast3A_4424, %get3A_4538 : vector<16xf32>
      %add3A_4550 = arith.addf %scan3A_4267, %mul3A_4549 : vector<16xf32>
      %mul3A_4551 = arith.mulf %bitcast3A_4447, %get3A_4538 : vector<16xf32>
      %add3A_4552 = arith.addf %scan3A_4268, %mul3A_4551 : vector<16xf32>
      %mul3A_4553 = arith.mulf %bitcast3A_4470, %get3A_4538 : vector<16xf32>
      %add3A_4554 = arith.addf %scan3A_4269, %mul3A_4553 : vector<16xf32>
      %get3A_4555 = arith.constant 4 : i32
      %get3A_4556 = arith.index_cast %get3A_4555 : i32 to index
      %get3A_4557 = arith.index_cast %mul3A_4291 : i32 to index
      %get3A_4558 = tpu.vector_load %arg6[%get3A_4556, %get3A_4557] {strides = array<i32>} : memref<24x1024xf32, #tpu.memory_space<vmem>>, vector<16xf32>,
      %mul3A_4559 = arith.mulf %bitcast3A_4309, %get3A_4558 : vector<16xf32>
      %add3A_4560 = arith.addf %scan3A_4270, %mul3A_4559 : vector<16xf32>
      %mul3A_4561 = arith.mulf %bitcast3A_4332, %get3A_4558 : vector<16xf32>
      %add3A_4562 = arith.addf %scan3A_4271, %mul3A_4561 : vector<16xf32>
      %mul3A_4563 = arith.mulf %bitcast3A_4355, %get3A_4558 : vector<16xf32>
      %add3A_4564 = arith.addf %scan3A_4272, %mul3A_4563 : vector<16xf32>
      %mul3A_4565 = arith.mulf %bitcast3A_4378, %get3A_4558 : vector<16xf32>
      %add3A_4566 = arith.addf %scan3A_4273, %mul3A_4565 : vector<16xf32>
      %mul3A_4567 = arith.mulf %bitcast3A_4401, %get3A_4558 : vector<16xf32>
      %add3A_4568 = arith.addf %scan3A_4274, %mul3A_4567 : vector<16xf32>
      %mul3A_4569 = arith.mulf %bitcast3A_4424, %get3A_4558 : vector<16xf32>
      %add3A_4570 = arith.addf %scan3A_4275, %mul3A_4569 : vector<16xf32>
      %mul3A_4571 = arith.mulf %bitcast3A_4447, %get3A_4558 : vector<16xf32>
      %add3A_4572 = arith.addf %scan3A_4276, %mul3A_4571 : vector<16xf32>
      %mul3A_4573 = arith.mulf %bitcast3A_4470, %get3A_4558 : vector<16xf32>
      %add3A_4574 = arith.addf %scan3A_4277, %mul3A_4573 : vector<16xf32>
      %get3A_4575 = arith.constant 5 : i32
      %get3A_4576 = arith.index_cast %get3A_4575 : i32 to index
      %get3A_4577 = arith.index_cast %mul3A_4291 : i32 to index
      %get3A_4578 = tpu.vector_load %arg6[%get3A_4576, %get3A_4577] {strides = array<i32>} : memref<24x1024xf32, #tpu.memory_space<vmem>>, vector<16xf32>,
      %mul3A_4579 = arith.mulf %bitcast3A_4309, %get3A_4578 : vector<16xf32>
      %add3A_4580 = arith.addf %scan3A_4278, %mul3A_4579 : vector<16xf32>
      %mul3A_4581 = arith.mulf %bitcast3A_4332, %get3A_4578 : vector<16xf32>
      %add3A_4582 = arith.addf %scan3A_4279, %mul3A_4581 : vector<16xf32>
      %mul3A_4583 = arith.mulf %bitcast3A_4355, %get3A_4578 : vector<16xf32>
      %add3A_4584 = arith.addf %scan3A_4280, %mul3A_4583 : vector<16xf32>
      %mul3A_4585 = arith.mulf %bitcast3A_4378, %get3A_4578 : vector<16xf32>
      %add3A_4586 = arith.addf %scan3A_4281, %mul3A_4585 : vector<16xf32>
      %mul3A_4587 = arith.mulf %bitcast3A_4401, %get3A_4578 : vector<16xf32>
      %add3A_4588 = arith.addf %scan3A_4282, %mul3A_4587 : vector<16xf32>
      %mul3A_4589 = arith.mulf %bitcast3A_4424, %get3A_4578 : vector<16xf32>
      %add3A_4590 = arith.addf %scan3A_4283, %mul3A_4589 : vector<16xf32>
      %mul3A_4591 = arith.mulf %bitcast3A_4447, %get3A_4578 : vector<16xf32>
      %add3A_4592 = arith.addf %scan3A_4284, %mul3A_4591 : vector<16xf32>
      %mul3A_4593 = arith.mulf %bitcast3A_4470, %get3A_4578 : vector<16xf32>
      %add3A_4594 = arith.addf %scan3A_4285, %mul3A_4593 : vector<16xf32>
      %mul3A_4595 = arith.constant 2 : i32
      %mul3A_4596 = arith.muli %scan3A_4237, %mul3A_4595 : i32
      %add3A_4597 = arith.constant 1 : i32
      %add3A_4598 = arith.addi %mul3A_4596, %add3A_4597 : i32
      %mul3A_4599 = arith.constant 16 : i32
      %mul3A_4600 = arith.muli %add3A_4598, %mul3A_4599 : i32
      %get3A_4601 = arith.constant 0 : i32
      %get3A_4602 = arith.index_cast %get3A_4601 : i32 to index
      %get3A_4603 = arith.index_cast %mul3A_4600 : i32 to index
      %get3A_4604 = tpu.vector_load %arg8[%get3A_4602, %get3A_4603] {strides = array<i32>} : memref<8x1024xf32, #tpu.memory_space<vmem>>, vector<16xf32>,
      %bitcast3A_4605 = vector.bitcast %get3A_4604 : vector<16xf32> to vector<16xi32>
      %shift_right_logical3A_4606 = arith.constant 16 : i32
      %shift_right_logical3A_4607 = vector.broadcast %shift_right_logical3A_4606 : i32 to vector<16xi32>
      %shift_right_logical3A_4608 = arith.shrui %bitcast3A_4605, %shift_right_logical3A_4607 : vector<16xi32>
      %and3A_4609 = arith.constant 1 : i32
      %and3A_4610 = vector.broadcast %and3A_4609 : i32 to vector<16xi32>
      %and3A_4611 = arith.andi %shift_right_logical3A_4608, %and3A_4610 : vector<16xi32>
      %add3A_4612 = arith.constant 32767 : i32
      %add3A_4613 = vector.broadcast %add3A_4612 : i32 to vector<16xi32>
      %add3A_4614 = arith.addi %bitcast3A_4605, %add3A_4613 : vector<16xi32>
      %add3A_4615 = arith.addi %add3A_4614, %and3A_4611 : vector<16xi32>
      %and3A_4616 = arith.constant -65536 : i32
      %and3A_4617 = vector.broadcast %and3A_4616 : i32 to vector<16xi32>
      %and3A_4618 = arith.andi %add3A_4615, %and3A_4617 : vector<16xi32>
      %bitcast3A_4619 = vector.bitcast %and3A_4618 : vector<16xi32> to vector<16xf32>
      %swap3A_4620 = arith.constant 0 : i32
      %swap3A_4621 = arith.index_cast %swap3A_4620 : i32 to index
      %swap3A_4622 = arith.index_cast %mul3A_4600 : i32 to index
      %swap3A_4623 = tpu.vector_load %arg8[%swap3A_4621, %swap3A_4622] {strides = array<i32>} : memref<8x1024xf32, #tpu.memory_space<vmem>>, vector<16xf32>,
      tpu.vector_store %arg8[%swap3A_4621, %swap3A_4622], %bitcast3A_4619 {strides = array<i32>} : memref<8x1024xf32, #tpu.memory_space<vmem>>, vector<16xf32>,
      %get3A_4624 = arith.constant 1 : i32
      %get3A_4625 = arith.index_cast %get3A_4624 : i32 to index
      %get3A_4626 = arith.index_cast %mul3A_4600 : i32 to index
      %get3A_4627 = tpu.vector_load %arg8[%get3A_4625, %get3A_4626] {strides = array<i32>} : memref<8x1024xf32, #tpu.memory_space<vmem>>, vector<16xf32>,
      %bitcast3A_4628 = vector.bitcast %get3A_4627 : vector<16xf32> to vector<16xi32>
      %shift_right_logical3A_4629 = arith.constant 16 : i32
      %shift_right_logical3A_4630 = vector.broadcast %shift_right_logical3A_4629 : i32 to vector<16xi32>
      %shift_right_logical3A_4631 = arith.shrui %bitcast3A_4628, %shift_right_logical3A_4630 : vector<16xi32>
      %and3A_4632 = arith.constant 1 : i32
      %and3A_4633 = vector.broadcast %and3A_4632 : i32 to vector<16xi32>
      %and3A_4634 = arith.andi %shift_right_logical3A_4631, %and3A_4633 : vector<16xi32>
      %add3A_4635 = arith.constant 32767 : i32
      %add3A_4636 = vector.broadcast %add3A_4635 : i32 to vector<16xi32>
      %add3A_4637 = arith.addi %bitcast3A_4628, %add3A_4636 : vector<16xi32>
      %add3A_4638 = arith.addi %add3A_4637, %and3A_4634 : vector<16xi32>
      %and3A_4639 = arith.constant -65536 : i32
      %and3A_4640 = vector.broadcast %and3A_4639 : i32 to vector<16xi32>
      %and3A_4641 = arith.andi %add3A_4638, %and3A_4640 : vector<16xi32>
      %bitcast3A_4642 = vector.bitcast %and3A_4641 : vector<16xi32> to vector<16xf32>
      %swap3A_4643 = arith.constant 1 : i32
      %swap3A_4644 = arith.index_cast %swap3A_4643 : i32 to index
      %swap3A_4645 = arith.index_cast %mul3A_4600 : i32 to index
      %swap3A_4646 = tpu.vector_load %arg8[%swap3A_4644, %swap3A_4645] {strides = array<i32>} : memref<8x1024xf32, #tpu.memory_space<vmem>>, vector<16xf32>,
      tpu.vector_store %arg8[%swap3A_4644, %swap3A_4645], %bitcast3A_4642 {strides = array<i32>} : memref<8x1024xf32, #tpu.memory_space<vmem>>, vector<16xf32>,
      %get3A_4647 = arith.constant 2 : i32
      %get3A_4648 = arith.index_cast %get3A_4647 : i32 to index
      %get3A_4649 = arith.index_cast %mul3A_4600 : i32 to index
      %get3A_4650 = tpu.vector_load %arg8[%get3A_4648, %get3A_4649] {strides = array<i32>} : memref<8x1024xf32, #tpu.memory_space<vmem>>, vector<16xf32>,
      %bitcast3A_4651 = vector.bitcast %get3A_4650 : vector<16xf32> to vector<16xi32>
      %shift_right_logical3A_4652 = arith.constant 16 : i32
      %shift_right_logical3A_4653 = vector.broadcast %shift_right_logical3A_4652 : i32 to vector<16xi32>
      %shift_right_logical3A_4654 = arith.shrui %bitcast3A_4651, %shift_right_logical3A_4653 : vector<16xi32>
      %and3A_4655 = arith.constant 1 : i32
      %and3A_4656 = vector.broadcast %and3A_4655 : i32 to vector<16xi32>
      %and3A_4657 = arith.andi %shift_right_logical3A_4654, %and3A_4656 : vector<16xi32>
      %add3A_4658 = arith.constant 32767 : i32
      %add3A_4659 = vector.broadcast %add3A_4658 : i32 to vector<16xi32>
      %add3A_4660 = arith.addi %bitcast3A_4651, %add3A_4659 : vector<16xi32>
      %add3A_4661 = arith.addi %add3A_4660, %and3A_4657 : vector<16xi32>
      %and3A_4662 = arith.constant -65536 : i32
      %and3A_4663 = vector.broadcast %and3A_4662 : i32 to vector<16xi32>
      %and3A_4664 = arith.andi %add3A_4661, %and3A_4663 : vector<16xi32>
      %bitcast3A_4665 = vector.bitcast %and3A_4664 : vector<16xi32> to vector<16xf32>
      %swap3A_4666 = arith.constant 2 : i32
      %swap3A_4667 = arith.index_cast %swap3A_4666 : i32 to index
      %swap3A_4668 = arith.index_cast %mul3A_4600 : i32 to index
      %swap3A_4669 = tpu.vector_load %arg8[%swap3A_4667, %swap3A_4668] {strides = array<i32>} : memref<8x1024xf32, #tpu.memory_space<vmem>>, vector<16xf32>,
      tpu.vector_store %arg8[%swap3A_4667, %swap3A_4668], %bitcast3A_4665 {strides = array<i32>} : memref<8x1024xf32, #tpu.memory_space<vmem>>, vector<16xf32>,
      %get3A_4670 = arith.constant 3 : i32
      %get3A_4671 = arith.index_cast %get3A_4670 : i32 to index
      %get3A_4672 = arith.index_cast %mul3A_4600 : i32 to index
      %get3A_4673 = tpu.vector_load %arg8[%get3A_4671, %get3A_4672] {strides = array<i32>} : memref<8x1024xf32, #tpu.memory_space<vmem>>, vector<16xf32>,
      %bitcast3A_4674 = vector.bitcast %get3A_4673 : vector<16xf32> to vector<16xi32>
      %shift_right_logical3A_4675 = arith.constant 16 : i32
      %shift_right_logical3A_4676 = vector.broadcast %shift_right_logical3A_4675 : i32 to vector<16xi32>
      %shift_right_logical3A_4677 = arith.shrui %bitcast3A_4674, %shift_right_logical3A_4676 : vector<16xi32>
      %and3A_4678 = arith.constant 1 : i32
      %and3A_4679 = vector.broadcast %and3A_4678 : i32 to vector<16xi32>
      %and3A_4680 = arith.andi %shift_right_logical3A_4677, %and3A_4679 : vector<16xi32>
      %add3A_4681 = arith.constant 32767 : i32
      %add3A_4682 = vector.broadcast %add3A_4681 : i32 to vector<16xi32>
      %add3A_4683 = arith.addi %bitcast3A_4674, %add3A_4682 : vector<16xi32>
      %add3A_4684 = arith.addi %add3A_4683, %and3A_4680 : vector<16xi32>
      %and3A_4685 = arith.constant -65536 : i32
      %and3A_4686 = vector.broadcast %and3A_4685 : i32 to vector<16xi32>
      %and3A_4687 = arith.andi %add3A_4684, %and3A_4686 : vector<16xi32>
      %bitcast3A_4688 = vector.bitcast %and3A_4687 : vector<16xi32> to vector<16xf32>
      %swap3A_4689 = arith.constant 3 : i32
      %swap3A_4690 = arith.index_cast %swap3A_4689 : i32 to index
      %swap3A_4691 = arith.index_cast %mul3A_4600 : i32 to index
      %swap3A_4692 = tpu.vector_load %arg8[%swap3A_4690, %swap3A_4691] {strides = array<i32>} : memref<8x1024xf32, #tpu.memory_space<vmem>>, vector<16xf32>,
      tpu.vector_store %arg8[%swap3A_4690, %swap3A_4691], %bitcast3A_4688 {strides = array<i32>} : memref<8x1024xf32, #tpu.memory_space<vmem>>, vector<16xf32>,
      %get3A_4693 = arith.constant 4 : i32
      %get3A_4694 = arith.index_cast %get3A_4693 : i32 to index
      %get3A_4695 = arith.index_cast %mul3A_4600 : i32 to index
      %get3A_4696 = tpu.vector_load %arg8[%get3A_4694, %get3A_4695] {strides = array<i32>} : memref<8x1024xf32, #tpu.memory_space<vmem>>, vector<16xf32>,
      %bitcast3A_4697 = vector.bitcast %get3A_4696 : vector<16xf32> to vector<16xi32>
      %shift_right_logical3A_4698 = arith.constant 16 : i32
      %shift_right_logical3A_4699 = vector.broadcast %shift_right_logical3A_4698 : i32 to vector<16xi32>
      %shift_right_logical3A_4700 = arith.shrui %bitcast3A_4697, %shift_right_logical3A_4699 : vector<16xi32>
      %and3A_4701 = arith.constant 1 : i32
      %and3A_4702 = vector.broadcast %and3A_4701 : i32 to vector<16xi32>
      %and3A_4703 = arith.andi %shift_right_logical3A_4700, %and3A_4702 : vector<16xi32>
      %add3A_4704 = arith.constant 32767 : i32
      %add3A_4705 = vector.broadcast %add3A_4704 : i32 to vector<16xi32>
      %add3A_4706 = arith.addi %bitcast3A_4697, %add3A_4705 : vector<16xi32>
      %add3A_4707 = arith.addi %add3A_4706, %and3A_4703 : vector<16xi32>
      %and3A_4708 = arith.constant -65536 : i32
      %and3A_4709 = vector.broadcast %and3A_4708 : i32 to vector<16xi32>
      %and3A_4710 = arith.andi %add3A_4707, %and3A_4709 : vector<16xi32>
      %bitcast3A_4711 = vector.bitcast %and3A_4710 : vector<16xi32> to vector<16xf32>
      %swap3A_4712 = arith.constant 4 : i32
      %swap3A_4713 = arith.index_cast %swap3A_4712 : i32 to index
      %swap3A_4714 = arith.index_cast %mul3A_4600 : i32 to index
      %swap3A_4715 = tpu.vector_load %arg8[%swap3A_4713, %swap3A_4714] {strides = array<i32>} : memref<8x1024xf32, #tpu.memory_space<vmem>>, vector<16xf32>,
      tpu.vector_store %arg8[%swap3A_4713, %swap3A_4714], %bitcast3A_4711 {strides = array<i32>} : memref<8x1024xf32, #tpu.memory_space<vmem>>, vector<16xf32>,
      %get3A_4716 = arith.constant 5 : i32
      %get3A_4717 = arith.index_cast %get3A_4716 : i32 to index
      %get3A_4718 = arith.index_cast %mul3A_4600 : i32 to index
      %get3A_4719 = tpu.vector_load %arg8[%get3A_4717, %get3A_4718] {strides = array<i32>} : memref<8x1024xf32, #tpu.memory_space<vmem>>, vector<16xf32>,
      %bitcast3A_4720 = vector.bitcast %get3A_4719 : vector<16xf32> to vector<16xi32>
      %shift_right_logical3A_4721 = arith.constant 16 : i32
      %shift_right_logical3A_4722 = vector.broadcast %shift_right_logical3A_4721 : i32 to vector<16xi32>
      %shift_right_logical3A_4723 = arith.shrui %bitcast3A_4720, %shift_right_logical3A_4722 : vector<16xi32>
      %and3A_4724 = arith.constant 1 : i32
      %and3A_4725 = vector.broadcast %and3A_4724 : i32 to vector<16xi32>
      %and3A_4726 = arith.andi %shift_right_logical3A_4723, %and3A_4725 : vector<16xi32>
      %add3A_4727 = arith.constant 32767 : i32
      %add3A_4728 = vector.broadcast %add3A_4727 : i32 to vector<16xi32>
      %add3A_4729 = arith.addi %bitcast3A_4720, %add3A_4728 : vector<16xi32>
      %add3A_4730 = arith.addi %add3A_4729, %and3A_4726 : vector<16xi32>
      %and3A_4731 = arith.constant -65536 : i32
      %and3A_4732 = vector.broadcast %and3A_4731 : i32 to vector<16xi32>
      %and3A_4733 = arith.andi %add3A_4730, %and3A_4732 : vector<16xi32>
      %bitcast3A_4734 = vector.bitcast %and3A_4733 : vector<16xi32> to vector<16xf32>
      %swap3A_4735 = arith.constant 5 : i32
      %swap3A_4736 = arith.index_cast %swap3A_4735 : i32 to index
      %swap3A_4737 = arith.index_cast %mul3A_4600 : i32 to index
      %swap3A_4738 = tpu.vector_load %arg8[%swap3A_4736, %swap3A_4737] {strides = array<i32>} : memref<8x1024xf32, #tpu.memory_space<vmem>>, vector<16xf32>,
      tpu.vector_store %arg8[%swap3A_4736, %swap3A_4737], %bitcast3A_4734 {strides = array<i32>} : memref<8x1024xf32, #tpu.memory_space<vmem>>, vector<16xf32>,
      %get3A_4739 = arith.constant 6 : i32
      %get3A_4740 = arith.index_cast %get3A_4739 : i32 to index
      %get3A_4741 = arith.index_cast %mul3A_4600 : i32 to index
      %get3A_4742 = tpu.vector_load %arg8[%get3A_4740, %get3A_4741] {strides = array<i32>} : memref<8x1024xf32, #tpu.memory_space<vmem>>, vector<16xf32>,
      %bitcast3A_4743 = vector.bitcast %get3A_4742 : vector<16xf32> to vector<16xi32>
      %shift_right_logical3A_4744 = arith.constant 16 : i32
      %shift_right_logical3A_4745 = vector.broadcast %shift_right_logical3A_4744 : i32 to vector<16xi32>
      %shift_right_logical3A_4746 = arith.shrui %bitcast3A_4743, %shift_right_logical3A_4745 : vector<16xi32>
      %and3A_4747 = arith.constant 1 : i32
      %and3A_4748 = vector.broadcast %and3A_4747 : i32 to vector<16xi32>
      %and3A_4749 = arith.andi %shift_right_logical3A_4746, %and3A_4748 : vector<16xi32>
      %add3A_4750 = arith.constant 32767 : i32
      %add3A_4751 = vector.broadcast %add3A_4750 : i32 to vector<16xi32>
      %add3A_4752 = arith.addi %bitcast3A_4743, %add3A_4751 : vector<16xi32>
      %add3A_4753 = arith.addi %add3A_4752, %and3A_4749 : vector<16xi32>
      %and3A_4754 = arith.constant -65536 : i32
      %and3A_4755 = vector.broadcast %and3A_4754 : i32 to vector<16xi32>
      %and3A_4756 = arith.andi %add3A_4753, %and3A_4755 : vector<16xi32>
      %bitcast3A_4757 = vector.bitcast %and3A_4756 : vector<16xi32> to vector<16xf32>
      %swap3A_4758 = arith.constant 6 : i32
      %swap3A_4759 = arith.index_cast %swap3A_4758 : i32 to index
      %swap3A_4760 = arith.index_cast %mul3A_4600 : i32 to index
      %swap3A_4761 = tpu.vector_load %arg8[%swap3A_4759, %swap3A_4760] {strides = array<i32>} : memref<8x1024xf32, #tpu.memory_space<vmem>>, vector<16xf32>,
      tpu.vector_store %arg8[%swap3A_4759, %swap3A_4760], %bitcast3A_4757 {strides = array<i32>} : memref<8x1024xf32, #tpu.memory_space<vmem>>, vector<16xf32>,
      %get3A_4762 = arith.constant 7 : i32
      %get3A_4763 = arith.index_cast %get3A_4762 : i32 to index
      %get3A_4764 = arith.index_cast %mul3A_4600 : i32 to index
      %get3A_4765 = tpu.vector_load %arg8[%get3A_4763, %get3A_4764] {strides = array<i32>} : memref<8x1024xf32, #tpu.memory_space<vmem>>, vector<16xf32>,
      %bitcast3A_4766 = vector.bitcast %get3A_4765 : vector<16xf32> to vector<16xi32>
      %shift_right_logical3A_4767 = arith.constant 16 : i32
      %shift_right_logical3A_4768 = vector.broadcast %shift_right_logical3A_4767 : i32 to vector<16xi32>
      %shift_right_logical3A_4769 = arith.shrui %bitcast3A_4766, %shift_right_logical3A_4768 : vector<16xi32>
      %and3A_4770 = arith.constant 1 : i32
      %and3A_4771 = vector.broadcast %and3A_4770 : i32 to vector<16xi32>
      %and3A_4772 = arith.andi %shift_right_logical3A_4769, %and3A_4771 : vector<16xi32>
      %add3A_4773 = arith.constant 32767 : i32
      %add3A_4774 = vector.broadcast %add3A_4773 : i32 to vector<16xi32>
      %add3A_4775 = arith.addi %bitcast3A_4766, %add3A_4774 : vector<16xi32>
      %add3A_4776 = arith.addi %add3A_4775, %and3A_4772 : vector<16xi32>
      %and3A_4777 = arith.constant -65536 : i32
      %and3A_4778 = vector.broadcast %and3A_4777 : i32 to vector<16xi32>
      %and3A_4779 = arith.andi %add3A_4776, %and3A_4778 : vector<16xi32>
      %bitcast3A_4780 = vector.bitcast %and3A_4779 : vector<16xi32> to vector<16xf32>
      %swap3A_4781 = arith.constant 7 : i32
      %swap3A_4782 = arith.index_cast %swap3A_4781 : i32 to index
      %swap3A_4783 = arith.index_cast %mul3A_4600 : i32 to index
      %swap3A_4784 = tpu.vector_load %arg8[%swap3A_4782, %swap3A_4783] {strides = array<i32>} : memref<8x1024xf32, #tpu.memory_space<vmem>>, vector<16xf32>,
      tpu.vector_store %arg8[%swap3A_4782, %swap3A_4783], %bitcast3A_4780 {strides = array<i32>} : memref<8x1024xf32, #tpu.memory_space<vmem>>, vector<16xf32>,
      %get3A_4785 = arith.constant 0 : i32
      %get3A_4786 = arith.index_cast %get3A_4785 : i32 to index
      %get3A_4787 = arith.index_cast %mul3A_4600 : i32 to index
      %get3A_4788 = tpu.vector_load %arg6[%get3A_4786, %get3A_4787] {strides = array<i32>} : memref<24x1024xf32, #tpu.memory_space<vmem>>, vector<16xf32>,
      %mul3A_4789 = arith.mulf %bitcast3A_4619, %get3A_4788 : vector<16xf32>
      %add3A_4790 = arith.addf %add3A_4480, %mul3A_4789 : vector<16xf32>
      %mul3A_4791 = arith.mulf %bitcast3A_4642, %get3A_4788 : vector<16xf32>
      %add3A_4792 = arith.addf %add3A_4482, %mul3A_4791 : vector<16xf32>
      %mul3A_4793 = arith.mulf %bitcast3A_4665, %get3A_4788 : vector<16xf32>
      %add3A_4794 = arith.addf %add3A_4484, %mul3A_4793 : vector<16xf32>
      %mul3A_4795 = arith.mulf %bitcast3A_4688, %get3A_4788 : vector<16xf32>
      %add3A_4796 = arith.addf %add3A_4486, %mul3A_4795 : vector<16xf32>
      %mul3A_4797 = arith.mulf %bitcast3A_4711, %get3A_4788 : vector<16xf32>
      %add3A_4798 = arith.addf %add3A_4488, %mul3A_4797 : vector<16xf32>
      %mul3A_4799 = arith.mulf %bitcast3A_4734, %get3A_4788 : vector<16xf32>
      %add3A_4800 = arith.addf %add3A_4490, %mul3A_4799 : vector<16xf32>
      %mul3A_4801 = arith.mulf %bitcast3A_4757, %get3A_4788 : vector<16xf32>
      %add3A_4802 = arith.addf %add3A_4492, %mul3A_4801 : vector<16xf32>
      %mul3A_4803 = arith.mulf %bitcast3A_4780, %get3A_4788 : vector<16xf32>
      %add3A_4804 = arith.addf %add3A_4494, %mul3A_4803 : vector<16xf32>
      %get3A_4805 = arith.constant 1 : i32
      %get3A_4806 = arith.index_cast %get3A_4805 : i32 to index
      %get3A_4807 = arith.index_cast %mul3A_4600 : i32 to index
      %get3A_4808 = tpu.vector_load %arg6[%get3A_4806, %get3A_4807] {strides = array<i32>} : memref<24x1024xf32, #tpu.memory_space<vmem>>, vector<16xf32>,
      %mul3A_4809 = arith.mulf %bitcast3A_4619, %get3A_4808 : vector<16xf32>
      %add3A_4810 = arith.addf %add3A_4500, %mul3A_4809 : vector<16xf32>
      %mul3A_4811 = arith.mulf %bitcast3A_4642, %get3A_4808 : vector<16xf32>
      %add3A_4812 = arith.addf %add3A_4502, %mul3A_4811 : vector<16xf32>
      %mul3A_4813 = arith.mulf %bitcast3A_4665, %get3A_4808 : vector<16xf32>
      %add3A_4814 = arith.addf %add3A_4504, %mul3A_4813 : vector<16xf32>
      %mul3A_4815 = arith.mulf %bitcast3A_4688, %get3A_4808 : vector<16xf32>
      %add3A_4816 = arith.addf %add3A_4506, %mul3A_4815 : vector<16xf32>
      %mul3A_4817 = arith.mulf %bitcast3A_4711, %get3A_4808 : vector<16xf32>
      %add3A_4818 = arith.addf %add3A_4508, %mul3A_4817 : vector<16xf32>
      %mul3A_4819 = arith.mulf %bitcast3A_4734, %get3A_4808 : vector<16xf32>
      %add3A_4820 = arith.addf %add3A_4510, %mul3A_4819 : vector<16xf32>
      %mul3A_4821 = arith.mulf %bitcast3A_4757, %get3A_4808 : vector<16xf32>
      %add3A_4822 = arith.addf %add3A_4512, %mul3A_4821 : vector<16xf32>
      %mul3A_4823 = arith.mulf %bitcast3A_4780, %get3A_4808 : vector<16xf32>
      %add3A_4824 = arith.addf %add3A_4514, %mul3A_4823 : vector<16xf32>
      %get3A_4825 = arith.constant 2 : i32
      %get3A_4826 = arith.index_cast %get3A_4825 : i32 to index
      %get3A_4827 = arith.index_cast %mul3A_4600 : i32 to index
      %get3A_4828 = tpu.vector_load %arg6[%get3A_4826, %get3A_4827] {strides = array<i32>} : memref<24x1024xf32, #tpu.memory_space<vmem>>, vector<16xf32>,
      %mul3A_4829 = arith.mulf %bitcast3A_4619, %get3A_4828 : vector<16xf32>
      %add3A_4830 = arith.addf %add3A_4520, %mul3A_4829 : vector<16xf32>
      %mul3A_4831 = arith.mulf %bitcast3A_4642, %get3A_4828 : vector<16xf32>
      %add3A_4832 = arith.addf %add3A_4522, %mul3A_4831 : vector<16xf32>
      %mul3A_4833 = arith.mulf %bitcast3A_4665, %get3A_4828 : vector<16xf32>
      %add3A_4834 = arith.addf %add3A_4524, %mul3A_4833 : vector<16xf32>
      %mul3A_4835 = arith.mulf %bitcast3A_4688, %get3A_4828 : vector<16xf32>
      %add3A_4836 = arith.addf %add3A_4526, %mul3A_4835 : vector<16xf32>
      %mul3A_4837 = arith.mulf %bitcast3A_4711, %get3A_4828 : vector<16xf32>
      %add3A_4838 = arith.addf %add3A_4528, %mul3A_4837 : vector<16xf32>
      %mul3A_4839 = arith.mulf %bitcast3A_4734, %get3A_4828 : vector<16xf32>
      %add3A_4840 = arith.addf %add3A_4530, %mul3A_4839 : vector<16xf32>
      %mul3A_4841 = arith.mulf %bitcast3A_4757, %get3A_4828 : vector<16xf32>
      %add3A_4842 = arith.addf %add3A_4532, %mul3A_4841 : vector<16xf32>
      %mul3A_4843 = arith.mulf %bitcast3A_4780, %get3A_4828 : vector<16xf32>
      %add3A_4844 = arith.addf %add3A_4534, %mul3A_4843 : vector<16xf32>
      %get3A_4845 = arith.constant 3 : i32
      %get3A_4846 = arith.index_cast %get3A_4845 : i32 to index
      %get3A_4847 = arith.index_cast %mul3A_4600 : i32 to index
      %get3A_4848 = tpu.vector_load %arg6[%get3A_4846, %get3A_4847] {strides = array<i32>} : memref<24x1024xf32, #tpu.memory_space<vmem>>, vector<16xf32>,
      %mul3A_4849 = arith.mulf %bitcast3A_4619, %get3A_4848 : vector<16xf32>
      %add3A_4850 = arith.addf %add3A_4540, %mul3A_4849 : vector<16xf32>
      %mul3A_4851 = arith.mulf %bitcast3A_4642, %get3A_4848 : vector<16xf32>
      %add3A_4852 = arith.addf %add3A_4542, %mul3A_4851 : vector<16xf32>
      %mul3A_4853 = arith.mulf %bitcast3A_4665, %get3A_4848 : vector<16xf32>
      %add3A_4854 = arith.addf %add3A_4544, %mul3A_4853 : vector<16xf32>
      %mul3A_4855 = arith.mulf %bitcast3A_4688, %get3A_4848 : vector<16xf32>
      %add3A_4856 = arith.addf %add3A_4546, %mul3A_4855 : vector<16xf32>
      %mul3A_4857 = arith.mulf %bitcast3A_4711, %get3A_4848 : vector<16xf32>
      %add3A_4858 = arith.addf %add3A_4548, %mul3A_4857 : vector<16xf32>
      %mul3A_4859 = arith.mulf %bitcast3A_4734, %get3A_4848 : vector<16xf32>
      %add3A_4860 = arith.addf %add3A_4550, %mul3A_4859 : vector<16xf32>
      %mul3A_4861 = arith.mulf %bitcast3A_4757, %get3A_4848 : vector<16xf32>
      %add3A_4862 = arith.addf %add3A_4552, %mul3A_4861 : vector<16xf32>
      %mul3A_4863 = arith.mulf %bitcast3A_4780, %get3A_4848 : vector<16xf32>
      %add3A_4864 = arith.addf %add3A_4554, %mul3A_4863 : vector<16xf32>
      %get3A_4865 = arith.constant 4 : i32
      %get3A_4866 = arith.index_cast %get3A_4865 : i32 to index
      %get3A_4867 = arith.index_cast %mul3A_4600 : i32 to index
      %get3A_4868 = tpu.vector_load %arg6[%get3A_4866, %get3A_4867] {strides = array<i32>} : memref<24x1024xf32, #tpu.memory_space<vmem>>, vector<16xf32>,
      %mul3A_4869 = arith.mulf %bitcast3A_4619, %get3A_4868 : vector<16xf32>
      %add3A_4870 = arith.addf %add3A_4560, %mul3A_4869 : vector<16xf32>
      %mul3A_4871 = arith.mulf %bitcast3A_4642, %get3A_4868 : vector<16xf32>
      %add3A_4872 = arith.addf %add3A_4562, %mul3A_4871 : vector<16xf32>
      %mul3A_4873 = arith.mulf %bitcast3A_4665, %get3A_4868 : vector<16xf32>
      %add3A_4874 = arith.addf %add3A_4564, %mul3A_4873 : vector<16xf32>
      %mul3A_4875 = arith.mulf %bitcast3A_4688, %get3A_4868 : vector<16xf32>
      %add3A_4876 = arith.addf %add3A_4566, %mul3A_4875 : vector<16xf32>
      %mul3A_4877 = arith.mulf %bitcast3A_4711, %get3A_4868 : vector<16xf32>
      %add3A_4878 = arith.addf %add3A_4568, %mul3A_4877 : vector<16xf32>
      %mul3A_4879 = arith.mulf %bitcast3A_4734, %get3A_4868 : vector<16xf32>
      %add3A_4880 = arith.addf %add3A_4570, %mul3A_4879 : vector<16xf32>
      %mul3A_4881 = arith.mulf %bitcast3A_4757, %get3A_4868 : vector<16xf32>
      %add3A_4882 = arith.addf %add3A_4572, %mul3A_4881 : vector<16xf32>
      %mul3A_4883 = arith.mulf %bitcast3A_4780, %get3A_4868 : vector<16xf32>
      %add3A_4884 = arith.addf %add3A_4574, %mul3A_4883 : vector<16xf32>
      %get3A_4885 = arith.constant 5 : i32
      %get3A_4886 = arith.index_cast %get3A_4885 : i32 to index
      %get3A_4887 = arith.index_cast %mul3A_4600 : i32 to index
      %get3A_4888 = tpu.vector_load %arg6[%get3A_4886, %get3A_4887] {strides = array<i32>} : memref<24x1024xf32, #tpu.memory_space<vmem>>, vector<16xf32>,
      %mul3A_4889 = arith.mulf %bitcast3A_4619, %get3A_4888 : vector<16xf32>
      %add3A_4890 = arith.addf %add3A_4580, %mul3A_4889 : vector<16xf32>
      %mul3A_4891 = arith.mulf %bitcast3A_4642, %get3A_4888 : vector<16xf32>
      %add3A_4892 = arith.addf %add3A_4582, %mul3A_4891 : vector<16xf32>
      %mul3A_4893 = arith.mulf %bitcast3A_4665, %get3A_4888 : vector<16xf32>
      %add3A_4894 = arith.addf %add3A_4584, %mul3A_4893 : vector<16xf32>
      %mul3A_4895 = arith.mulf %bitcast3A_4688, %get3A_4888 : vector<16xf32>
      %add3A_4896 = arith.addf %add3A_4586, %mul3A_4895 : vector<16xf32>
      %mul3A_4897 = arith.mulf %bitcast3A_4711, %get3A_4888 : vector<16xf32>
      %add3A_4898 = arith.addf %add3A_4588, %mul3A_4897 : vector<16xf32>
      %mul3A_4899 = arith.mulf %bitcast3A_4734, %get3A_4888 : vector<16xf32>
      %add3A_4900 = arith.addf %add3A_4590, %mul3A_4899 : vector<16xf32>
      %mul3A_4901 = arith.mulf %bitcast3A_4757, %get3A_4888 : vector<16xf32>
      %add3A_4902 = arith.addf %add3A_4592, %mul3A_4901 : vector<16xf32>
      %mul3A_4903 = arith.mulf %bitcast3A_4780, %get3A_4888 : vector<16xf32>
      %add3A_4904 = arith.addf %add3A_4594, %mul3A_4903 : vector<16xf32>
      scf.yield %add3A_4790, %add3A_4792, %add3A_4794, %add3A_4796, %add3A_4798, %add3A_4800, %add3A_4802, %add3A_4804, %add3A_4810, %add3A_4812, %add3A_4814, %add3A_4816, %add3A_4818, %add3A_4820, %add3A_4822, %add3A_4824, %add3A_4830, %add3A_4832, %add3A_4834, %add3A_4836, %add3A_4838, %add3A_4840, %add3A_4842, %add3A_4844, %add3A_4850, %add3A_4852, %add3A_4854, %add3A_4856, %add3A_4858, %add3A_4860, %add3A_4862, %add3A_4864, %add3A_4870, %add3A_4872, %add3A_4874, %add3A_4876, %add3A_4878, %add3A_4880, %add3A_4882, %add3A_4884, %add3A_4890, %add3A_4892, %add3A_4894, %add3A_4896, %add3A_4898, %add3A_4900, %add3A_4902, %add3A_4904 : vector<16xf32>, vector<16xf32>, vector<16xf32>, vector<16xf32>, vector<16xf32>, vector<16xf32>, vector<16xf32>, vector<16xf32>, vector<16xf32>, vector<16xf32>, vector<16xf32>, vector<16xf32>, vector<16xf32>, vector<16xf32>, vector<16xf32>, vector<16xf32>, vector<16xf32>, vector<16xf32>, vector<16xf32>, vector<16xf32>, vector<16xf32>, vector<16xf32>, vector<16xf32>, vector<16xf32>, vector<16xf32>, vector<16xf32>, vector<16xf32>, vector<16xf32>, vector<16xf32>, vector<16xf32>, vector<16xf32>, vector<16xf32>, vector<16xf32>, vector<16xf32>, vector<16xf32>, vector<16xf32>, vector<16xf32>, vector<16xf32>, vector<16xf32>, vector<16xf32>, vector<16xf32>, vector<16xf32>, vector<16xf32>, vector<16xf32>, vector<16xf32>, vector<16xf32>, vector<16xf32>, vector<16xf32>
    }
    %scan3A_155 = arith.constant 32 : i32
    %broadcast_in_dim3A_156 = arith.constant 0.000000e+00 : f32
    %broadcast_in_dim3A_157 = vector.broadcast %broadcast_in_dim3A_156 : f32 to vector<16xf32>
    %eq3A = arith.constant 0 : i32
    %eq3A_158 = vector.broadcast %eq3A : i32 to vector<16xi32>
    %eq3A_159 = arith.cmpi eq, %iota3A, %eq3A_158 : vector<16xi32>
    %xor3A = arith.constant 8 : i32
    %xor3A_160 = vector.broadcast %xor3A : i32 to vector<16xi32>
    %xor3A_161 = arith.xori %iota3A, %xor3A_160 : vector<16xi32>
    %lt3A = arith.constant 0 : i32
    %lt3A_162 = vector.broadcast %lt3A : i32 to vector<16xi32>
    %lt3A_163 = arith.cmpi slt, %xor3A_161, %lt3A_162 : vector<16xi32>
    %add3A_164 = arith.constant 16 : i32
    %add3A_165 = vector.broadcast %add3A_164 : i32 to vector<16xi32>
    %add3A_166 = arith.addi %xor3A_161, %add3A_165 : vector<16xi32>
    %select_n3A = arith.select %lt3A_163, %add3A_166, %xor3A_161 : vector<16xi1>, vector<16xi32>
    %broadcast_in_dim3A_167 = vector.shape_cast %select_n3A : vector<16xi32> to vector<16x1xi32>
    %gather3A = vector.shape_cast %broadcast_in_dim3A_167 : vector<16x1xi32> to vector<16xi32>
    %gather3A_168 = tpu.dynamic_gather %scan3A_154#0[%gather3A] in [0] : vector<16xf32>, vector<16xi32> -> vector<16xf32>
    %add3A_169 = arith.addf %scan3A_154#0, %gather3A_168 : vector<16xf32>
    %xor3A_170 = arith.constant 4 : i32
    %xor3A_171 = vector.broadcast %xor3A_170 : i32 to vector<16xi32>
    %xor3A_172 = arith.xori %iota3A, %xor3A_171 : vector<16xi32>
    %lt3A_173 = arith.constant 0 : i32
    %lt3A_174 = vector.broadcast %lt3A_173 : i32 to vector<16xi32>
    %lt3A_175 = arith.cmpi slt, %xor3A_172, %lt3A_174 : vector<16xi32>
    %add3A_176 = arith.constant 16 : i32
    %add3A_177 = vector.broadcast %add3A_176 : i32 to vector<16xi32>
    %add3A_178 = arith.addi %xor3A_172, %add3A_177 : vector<16xi32>
    %select_n3A_179 = arith.select %lt3A_175, %add3A_178, %xor3A_172 : vector<16xi1>, vector<16xi32>
    %broadcast_in_dim3A_180 = vector.shape_cast %select_n3A_179 : vector<16xi32> to vector<16x1xi32>
    %gather3A_181 = vector.shape_cast %broadcast_in_dim3A_180 : vector<16x1xi32> to vector<16xi32>
    %gather3A_182 = tpu.dynamic_gather %add3A_169[%gather3A_181] in [0] : vector<16xf32>, vector<16xi32> -> vector<16xf32>
    %add3A_183 = arith.addf %add3A_169, %gather3A_182 : vector<16xf32>
    %xor3A_184 = arith.constant 2 : i32
    %xor3A_185 = vector.broadcast %xor3A_184 : i32 to vector<16xi32>
    %xor3A_186 = arith.xori %iota3A, %xor3A_185 : vector<16xi32>
    %lt3A_187 = arith.constant 0 : i32
    %lt3A_188 = vector.broadcast %lt3A_187 : i32 to vector<16xi32>
    %lt3A_189 = arith.cmpi slt, %xor3A_186, %lt3A_188 : vector<16xi32>
    %add3A_190 = arith.constant 16 : i32
    %add3A_191 = vector.broadcast %add3A_190 : i32 to vector<16xi32>
    %add3A_192 = arith.addi %xor3A_186, %add3A_191 : vector<16xi32>
    %select_n3A_193 = arith.select %lt3A_189, %add3A_192, %xor3A_186 : vector<16xi1>, vector<16xi32>
    %broadcast_in_dim3A_194 = vector.shape_cast %select_n3A_193 : vector<16xi32> to vector<16x1xi32>
    %gather3A_195 = vector.shape_cast %broadcast_in_dim3A_194 : vector<16x1xi32> to vector<16xi32>
    %gather3A_196 = tpu.dynamic_gather %add3A_183[%gather3A_195] in [0] : vector<16xf32>, vector<16xi32> -> vector<16xf32>
    %add3A_197 = arith.addf %add3A_183, %gather3A_196 : vector<16xf32>
    %xor3A_198 = arith.constant 1 : i32
    %xor3A_199 = vector.broadcast %xor3A_198 : i32 to vector<16xi32>
    %xor3A_200 = arith.xori %iota3A, %xor3A_199 : vector<16xi32>
    %lt3A_201 = arith.constant 0 : i32
    %lt3A_202 = vector.broadcast %lt3A_201 : i32 to vector<16xi32>
    %lt3A_203 = arith.cmpi slt, %xor3A_200, %lt3A_202 : vector<16xi32>
    %add3A_204 = arith.constant 16 : i32
    %add3A_205 = vector.broadcast %add3A_204 : i32 to vector<16xi32>
    %add3A_206 = arith.addi %xor3A_200, %add3A_205 : vector<16xi32>
    %select_n3A_207 = arith.select %lt3A_203, %add3A_206, %xor3A_200 : vector<16xi1>, vector<16xi32>
    %broadcast_in_dim3A_208 = vector.shape_cast %select_n3A_207 : vector<16xi32> to vector<16x1xi32>
    %gather3A_209 = vector.shape_cast %broadcast_in_dim3A_208 : vector<16x1xi32> to vector<16xi32>
    %gather3A_210 = tpu.dynamic_gather %add3A_197[%gather3A_209] in [0] : vector<16xf32>, vector<16xi32> -> vector<16xf32>
    %add3A_211 = arith.addf %add3A_197, %gather3A_210 : vector<16xf32>
    %select_n3A_212 = arith.select %eq3A_159, %add3A_211, %broadcast_in_dim3A_157 : vector<16xi1>, vector<16xf32>
    %eq3A_213 = arith.constant 1 : i32
    %eq3A_214 = vector.broadcast %eq3A_213 : i32 to vector<16xi32>
    %eq3A_215 = arith.cmpi eq, %iota3A, %eq3A_214 : vector<16xi32>
    %xor3A_216 = arith.constant 8 : i32
    %xor3A_217 = vector.broadcast %xor3A_216 : i32 to vector<16xi32>
    %xor3A_218 = arith.xori %iota3A, %xor3A_217 : vector<16xi32>
    %lt3A_219 = arith.constant 0 : i32
    %lt3A_220 = vector.broadcast %lt3A_219 : i32 to vector<16xi32>
    %lt3A_221 = arith.cmpi slt, %xor3A_218, %lt3A_220 : vector<16xi32>
    %add3A_222 = arith.constant 16 : i32
    %add3A_223 = vector.broadcast %add3A_222 : i32 to vector<16xi32>
    %add3A_224 = arith.addi %xor3A_218, %add3A_223 : vector<16xi32>
    %select_n3A_225 = arith.select %lt3A_221, %add3A_224, %xor3A_218 : vector<16xi1>, vector<16xi32>
    %broadcast_in_dim3A_226 = vector.shape_cast %select_n3A_225 : vector<16xi32> to vector<16x1xi32>
    %gather3A_227 = vector.shape_cast %broadcast_in_dim3A_226 : vector<16x1xi32> to vector<16xi32>
    %gather3A_228 = tpu.dynamic_gather %scan3A_154#1[%gather3A_227] in [0] : vector<16xf32>, vector<16xi32> -> vector<16xf32>
    %add3A_229 = arith.addf %scan3A_154#1, %gather3A_228 : vector<16xf32>
    %xor3A_230 = arith.constant 4 : i32
    %xor3A_231 = vector.broadcast %xor3A_230 : i32 to vector<16xi32>
    %xor3A_232 = arith.xori %iota3A, %xor3A_231 : vector<16xi32>
    %lt3A_233 = arith.constant 0 : i32
    %lt3A_234 = vector.broadcast %lt3A_233 : i32 to vector<16xi32>
    %lt3A_235 = arith.cmpi slt, %xor3A_232, %lt3A_234 : vector<16xi32>
    %add3A_236 = arith.constant 16 : i32
    %add3A_237 = vector.broadcast %add3A_236 : i32 to vector<16xi32>
    %add3A_238 = arith.addi %xor3A_232, %add3A_237 : vector<16xi32>
    %select_n3A_239 = arith.select %lt3A_235, %add3A_238, %xor3A_232 : vector<16xi1>, vector<16xi32>
    %broadcast_in_dim3A_240 = vector.shape_cast %select_n3A_239 : vector<16xi32> to vector<16x1xi32>
    %gather3A_241 = vector.shape_cast %broadcast_in_dim3A_240 : vector<16x1xi32> to vector<16xi32>
    %gather3A_242 = tpu.dynamic_gather %add3A_229[%gather3A_241] in [0] : vector<16xf32>, vector<16xi32> -> vector<16xf32>
    %add3A_243 = arith.addf %add3A_229, %gather3A_242 : vector<16xf32>
    %xor3A_244 = arith.constant 2 : i32
    %xor3A_245 = vector.broadcast %xor3A_244 : i32 to vector<16xi32>
    %xor3A_246 = arith.xori %iota3A, %xor3A_245 : vector<16xi32>
    %lt3A_247 = arith.constant 0 : i32
    %lt3A_248 = vector.broadcast %lt3A_247 : i32 to vector<16xi32>
    %lt3A_249 = arith.cmpi slt, %xor3A_246, %lt3A_248 : vector<16xi32>
    %add3A_250 = arith.constant 16 : i32
    %add3A_251 = vector.broadcast %add3A_250 : i32 to vector<16xi32>
    %add3A_252 = arith.addi %xor3A_246, %add3A_251 : vector<16xi32>
    %select_n3A_253 = arith.select %lt3A_249, %add3A_252, %xor3A_246 : vector<16xi1>, vector<16xi32>
    %broadcast_in_dim3A_254 = vector.shape_cast %select_n3A_253 : vector<16xi32> to vector<16x1xi32>
    %gather3A_255 = vector.shape_cast %broadcast_in_dim3A_254 : vector<16x1xi32> to vector<16xi32>
    %gather3A_256 = tpu.dynamic_gather %add3A_243[%gather3A_255] in [0] : vector<16xf32>, vector<16xi32> -> vector<16xf32>
    %add3A_257 = arith.addf %add3A_243, %gather3A_256 : vector<16xf32>
    %xor3A_258 = arith.constant 1 : i32
    %xor3A_259 = vector.broadcast %xor3A_258 : i32 to vector<16xi32>
    %xor3A_260 = arith.xori %iota3A, %xor3A_259 : vector<16xi32>
    %lt3A_261 = arith.constant 0 : i32
    %lt3A_262 = vector.broadcast %lt3A_261 : i32 to vector<16xi32>
    %lt3A_263 = arith.cmpi slt, %xor3A_260, %lt3A_262 : vector<16xi32>
    %add3A_264 = arith.constant 16 : i32
    %add3A_265 = vector.broadcast %add3A_264 : i32 to vector<16xi32>
    %add3A_266 = arith.addi %xor3A_260, %add3A_265 : vector<16xi32>
    %select_n3A_267 = arith.select %lt3A_263, %add3A_266, %xor3A_260 : vector<16xi1>, vector<16xi32>
    %broadcast_in_dim3A_268 = vector.shape_cast %select_n3A_267 : vector<16xi32> to vector<16x1xi32>
    %gather3A_269 = vector.shape_cast %broadcast_in_dim3A_268 : vector<16x1xi32> to vector<16xi32>
    %gather3A_270 = tpu.dynamic_gather %add3A_257[%gather3A_269] in [0] : vector<16xf32>, vector<16xi32> -> vector<16xf32>
    %add3A_271 = arith.addf %add3A_257, %gather3A_270 : vector<16xf32>
    %select_n3A_272 = arith.select %eq3A_215, %add3A_271, %select_n3A_212 : vector<16xi1>, vector<16xf32>
    %eq3A_273 = arith.constant 2 : i32
    %eq3A_274 = vector.broadcast %eq3A_273 : i32 to vector<16xi32>
    %eq3A_275 = arith.cmpi eq, %iota3A, %eq3A_274 : vector<16xi32>
    %xor3A_276 = arith.constant 8 : i32
    %xor3A_277 = vector.broadcast %xor3A_276 : i32 to vector<16xi32>
    %xor3A_278 = arith.xori %iota3A, %xor3A_277 : vector<16xi32>
    %lt3A_279 = arith.constant 0 : i32
    %lt3A_280 = vector.broadcast %lt3A_279 : i32 to vector<16xi32>
    %lt3A_281 = arith.cmpi slt, %xor3A_278, %lt3A_280 : vector<16xi32>
    %add3A_282 = arith.constant 16 : i32
    %add3A_283 = vector.broadcast %add3A_282 : i32 to vector<16xi32>
    %add3A_284 = arith.addi %xor3A_278, %add3A_283 : vector<16xi32>
    %select_n3A_285 = arith.select %lt3A_281, %add3A_284, %xor3A_278 : vector<16xi1>, vector<16xi32>
    %broadcast_in_dim3A_286 = vector.shape_cast %select_n3A_285 : vector<16xi32> to vector<16x1xi32>
    %gather3A_287 = vector.shape_cast %broadcast_in_dim3A_286 : vector<16x1xi32> to vector<16xi32>
    %gather3A_288 = tpu.dynamic_gather %scan3A_154#2[%gather3A_287] in [0] : vector<16xf32>, vector<16xi32> -> vector<16xf32>
    %add3A_289 = arith.addf %scan3A_154#2, %gather3A_288 : vector<16xf32>
    %xor3A_290 = arith.constant 4 : i32
    %xor3A_291 = vector.broadcast %xor3A_290 : i32 to vector<16xi32>
    %xor3A_292 = arith.xori %iota3A, %xor3A_291 : vector<16xi32>
    %lt3A_293 = arith.constant 0 : i32
    %lt3A_294 = vector.broadcast %lt3A_293 : i32 to vector<16xi32>
    %lt3A_295 = arith.cmpi slt, %xor3A_292, %lt3A_294 : vector<16xi32>
    %add3A_296 = arith.constant 16 : i32
    %add3A_297 = vector.broadcast %add3A_296 : i32 to vector<16xi32>
    %add3A_298 = arith.addi %xor3A_292, %add3A_297 : vector<16xi32>
    %select_n3A_299 = arith.select %lt3A_295, %add3A_298, %xor3A_292 : vector<16xi1>, vector<16xi32>
    %broadcast_in_dim3A_300 = vector.shape_cast %select_n3A_299 : vector<16xi32> to vector<16x1xi32>
    %gather3A_301 = vector.shape_cast %broadcast_in_dim3A_300 : vector<16x1xi32> to vector<16xi32>
    %gather3A_302 = tpu.dynamic_gather %add3A_289[%gather3A_301] in [0] : vector<16xf32>, vector<16xi32> -> vector<16xf32>
    %add3A_303 = arith.addf %add3A_289, %gather3A_302 : vector<16xf32>
    %xor3A_304 = arith.constant 2 : i32
    %xor3A_305 = vector.broadcast %xor3A_304 : i32 to vector<16xi32>
    %xor3A_306 = arith.xori %iota3A, %xor3A_305 : vector<16xi32>
    %lt3A_307 = arith.constant 0 : i32
    %lt3A_308 = vector.broadcast %lt3A_307 : i32 to vector<16xi32>
    %lt3A_309 = arith.cmpi slt, %xor3A_306, %lt3A_308 : vector<16xi32>
    %add3A_310 = arith.constant 16 : i32
    %add3A_311 = vector.broadcast %add3A_310 : i32 to vector<16xi32>
    %add3A_312 = arith.addi %xor3A_306, %add3A_311 : vector<16xi32>
    %select_n3A_313 = arith.select %lt3A_309, %add3A_312, %xor3A_306 : vector<16xi1>, vector<16xi32>
    %broadcast_in_dim3A_314 = vector.shape_cast %select_n3A_313 : vector<16xi32> to vector<16x1xi32>
    %gather3A_315 = vector.shape_cast %broadcast_in_dim3A_314 : vector<16x1xi32> to vector<16xi32>
    %gather3A_316 = tpu.dynamic_gather %add3A_303[%gather3A_315] in [0] : vector<16xf32>, vector<16xi32> -> vector<16xf32>
    %add3A_317 = arith.addf %add3A_303, %gather3A_316 : vector<16xf32>
    %xor3A_318 = arith.constant 1 : i32
    %xor3A_319 = vector.broadcast %xor3A_318 : i32 to vector<16xi32>
    %xor3A_320 = arith.xori %iota3A, %xor3A_319 : vector<16xi32>
    %lt3A_321 = arith.constant 0 : i32
    %lt3A_322 = vector.broadcast %lt3A_321 : i32 to vector<16xi32>
    %lt3A_323 = arith.cmpi slt, %xor3A_320, %lt3A_322 : vector<16xi32>
    %add3A_324 = arith.constant 16 : i32
    %add3A_325 = vector.broadcast %add3A_324 : i32 to vector<16xi32>
    %add3A_326 = arith.addi %xor3A_320, %add3A_325 : vector<16xi32>
    %select_n3A_327 = arith.select %lt3A_323, %add3A_326, %xor3A_320 : vector<16xi1>, vector<16xi32>
    %broadcast_in_dim3A_328 = vector.shape_cast %select_n3A_327 : vector<16xi32> to vector<16x1xi32>
    %gather3A_329 = vector.shape_cast %broadcast_in_dim3A_328 : vector<16x1xi32> to vector<16xi32>
    %gather3A_330 = tpu.dynamic_gather %add3A_317[%gather3A_329] in [0] : vector<16xf32>, vector<16xi32> -> vector<16xf32>
    %add3A_331 = arith.addf %add3A_317, %gather3A_330 : vector<16xf32>
    %select_n3A_332 = arith.select %eq3A_275, %add3A_331, %select_n3A_272 : vector<16xi1>, vector<16xf32>
    %eq3A_333 = arith.constant 3 : i32
    %eq3A_334 = vector.broadcast %eq3A_333 : i32 to vector<16xi32>
    %eq3A_335 = arith.cmpi eq, %iota3A, %eq3A_334 : vector<16xi32>
    %xor3A_336 = arith.constant 8 : i32
    %xor3A_337 = vector.broadcast %xor3A_336 : i32 to vector<16xi32>
    %xor3A_338 = arith.xori %iota3A, %xor3A_337 : vector<16xi32>
    %lt3A_339 = arith.constant 0 : i32
    %lt3A_340 = vector.broadcast %lt3A_339 : i32 to vector<16xi32>
    %lt3A_341 = arith.cmpi slt, %xor3A_338, %lt3A_340 : vector<16xi32>
    %add3A_342 = arith.constant 16 : i32
    %add3A_343 = vector.broadcast %add3A_342 : i32 to vector<16xi32>
    %add3A_344 = arith.addi %xor3A_338, %add3A_343 : vector<16xi32>
    %select_n3A_345 = arith.select %lt3A_341, %add3A_344, %xor3A_338 : vector<16xi1>, vector<16xi32>
    %broadcast_in_dim3A_346 = vector.shape_cast %select_n3A_345 : vector<16xi32> to vector<16x1xi32>
    %gather3A_347 = vector.shape_cast %broadcast_in_dim3A_346 : vector<16x1xi32> to vector<16xi32>
    %gather3A_348 = tpu.dynamic_gather %scan3A_154#3[%gather3A_347] in [0] : vector<16xf32>, vector<16xi32> -> vector<16xf32>
    %add3A_349 = arith.addf %scan3A_154#3, %gather3A_348 : vector<16xf32>
    %xor3A_350 = arith.constant 4 : i32
    %xor3A_351 = vector.broadcast %xor3A_350 : i32 to vector<16xi32>
    %xor3A_352 = arith.xori %iota3A, %xor3A_351 : vector<16xi32>
    %lt3A_353 = arith.constant 0 : i32
    %lt3A_354 = vector.broadcast %lt3A_353 : i32 to vector<16xi32>
    %lt3A_355 = arith.cmpi slt, %xor3A_352, %lt3A_354 : vector<16xi32>
    %add3A_356 = arith.constant 16 : i32
    %add3A_357 = vector.broadcast %add3A_356 : i32 to vector<16xi32>
    %add3A_358 = arith.addi %xor3A_352, %add3A_357 : vector<16xi32>
    %select_n3A_359 = arith.select %lt3A_355, %add3A_358, %xor3A_352 : vector<16xi1>, vector<16xi32>
    %broadcast_in_dim3A_360 = vector.shape_cast %select_n3A_359 : vector<16xi32> to vector<16x1xi32>
    %gather3A_361 = vector.shape_cast %broadcast_in_dim3A_360 : vector<16x1xi32> to vector<16xi32>
    %gather3A_362 = tpu.dynamic_gather %add3A_349[%gather3A_361] in [0] : vector<16xf32>, vector<16xi32> -> vector<16xf32>
    %add3A_363 = arith.addf %add3A_349, %gather3A_362 : vector<16xf32>
    %xor3A_364 = arith.constant 2 : i32
    %xor3A_365 = vector.broadcast %xor3A_364 : i32 to vector<16xi32>
    %xor3A_366 = arith.xori %iota3A, %xor3A_365 : vector<16xi32>
    %lt3A_367 = arith.constant 0 : i32
    %lt3A_368 = vector.broadcast %lt3A_367 : i32 to vector<16xi32>
    %lt3A_369 = arith.cmpi slt, %xor3A_366, %lt3A_368 : vector<16xi32>
    %add3A_370 = arith.constant 16 : i32
    %add3A_371 = vector.broadcast %add3A_370 : i32 to vector<16xi32>
    %add3A_372 = arith.addi %xor3A_366, %add3A_371 : vector<16xi32>
    %select_n3A_373 = arith.select %lt3A_369, %add3A_372, %xor3A_366 : vector<16xi1>, vector<16xi32>
    %broadcast_in_dim3A_374 = vector.shape_cast %select_n3A_373 : vector<16xi32> to vector<16x1xi32>
    %gather3A_375 = vector.shape_cast %broadcast_in_dim3A_374 : vector<16x1xi32> to vector<16xi32>
    %gather3A_376 = tpu.dynamic_gather %add3A_363[%gather3A_375] in [0] : vector<16xf32>, vector<16xi32> -> vector<16xf32>
    %add3A_377 = arith.addf %add3A_363, %gather3A_376 : vector<16xf32>
    %xor3A_378 = arith.constant 1 : i32
    %xor3A_379 = vector.broadcast %xor3A_378 : i32 to vector<16xi32>
    %xor3A_380 = arith.xori %iota3A, %xor3A_379 : vector<16xi32>
    %lt3A_381 = arith.constant 0 : i32
    %lt3A_382 = vector.broadcast %lt3A_381 : i32 to vector<16xi32>
    %lt3A_383 = arith.cmpi slt, %xor3A_380, %lt3A_382 : vector<16xi32>
    %add3A_384 = arith.constant 16 : i32
    %add3A_385 = vector.broadcast %add3A_384 : i32 to vector<16xi32>
    %add3A_386 = arith.addi %xor3A_380, %add3A_385 : vector<16xi32>
    %select_n3A_387 = arith.select %lt3A_383, %add3A_386, %xor3A_380 : vector<16xi1>, vector<16xi32>
    %broadcast_in_dim3A_388 = vector.shape_cast %select_n3A_387 : vector<16xi32> to vector<16x1xi32>
    %gather3A_389 = vector.shape_cast %broadcast_in_dim3A_388 : vector<16x1xi32> to vector<16xi32>
    %gather3A_390 = tpu.dynamic_gather %add3A_377[%gather3A_389] in [0] : vector<16xf32>, vector<16xi32> -> vector<16xf32>
    %add3A_391 = arith.addf %add3A_377, %gather3A_390 : vector<16xf32>
    %select_n3A_392 = arith.select %eq3A_335, %add3A_391, %select_n3A_332 : vector<16xi1>, vector<16xf32>
    %eq3A_393 = arith.constant 4 : i32
    %eq3A_394 = vector.broadcast %eq3A_393 : i32 to vector<16xi32>
    %eq3A_395 = arith.cmpi eq, %iota3A, %eq3A_394 : vector<16xi32>
    %xor3A_396 = arith.constant 8 : i32
    %xor3A_397 = vector.broadcast %xor3A_396 : i32 to vector<16xi32>
    %xor3A_398 = arith.xori %iota3A, %xor3A_397 : vector<16xi32>
    %lt3A_399 = arith.constant 0 : i32
    %lt3A_400 = vector.broadcast %lt3A_399 : i32 to vector<16xi32>
    %lt3A_401 = arith.cmpi slt, %xor3A_398, %lt3A_400 : vector<16xi32>
    %add3A_402 = arith.constant 16 : i32
    %add3A_403 = vector.broadcast %add3A_402 : i32 to vector<16xi32>
    %add3A_404 = arith.addi %xor3A_398, %add3A_403 : vector<16xi32>
    %select_n3A_405 = arith.select %lt3A_401, %add3A_404, %xor3A_398 : vector<16xi1>, vector<16xi32>
    %broadcast_in_dim3A_406 = vector.shape_cast %select_n3A_405 : vector<16xi32> to vector<16x1xi32>
    %gather3A_407 = vector.shape_cast %broadcast_in_dim3A_406 : vector<16x1xi32> to vector<16xi32>
    %gather3A_408 = tpu.dynamic_gather %scan3A_154#4[%gather3A_407] in [0] : vector<16xf32>, vector<16xi32> -> vector<16xf32>
    %add3A_409 = arith.addf %scan3A_154#4, %gather3A_408 : vector<16xf32>
    %xor3A_410 = arith.constant 4 : i32
    %xor3A_411 = vector.broadcast %xor3A_410 : i32 to vector<16xi32>
    %xor3A_412 = arith.xori %iota3A, %xor3A_411 : vector<16xi32>
    %lt3A_413 = arith.constant 0 : i32
    %lt3A_414 = vector.broadcast %lt3A_413 : i32 to vector<16xi32>
    %lt3A_415 = arith.cmpi slt, %xor3A_412, %lt3A_414 : vector<16xi32>
    %add3A_416 = arith.constant 16 : i32
    %add3A_417 = vector.broadcast %add3A_416 : i32 to vector<16xi32>
    %add3A_418 = arith.addi %xor3A_412, %add3A_417 : vector<16xi32>
    %select_n3A_419 = arith.select %lt3A_415, %add3A_418, %xor3A_412 : vector<16xi1>, vector<16xi32>
    %broadcast_in_dim3A_420 = vector.shape_cast %select_n3A_419 : vector<16xi32> to vector<16x1xi32>
    %gather3A_421 = vector.shape_cast %broadcast_in_dim3A_420 : vector<16x1xi32> to vector<16xi32>
    %gather3A_422 = tpu.dynamic_gather %add3A_409[%gather3A_421] in [0] : vector<16xf32>, vector<16xi32> -> vector<16xf32>
    %add3A_423 = arith.addf %add3A_409, %gather3A_422 : vector<16xf32>
    %xor3A_424 = arith.constant 2 : i32
    %xor3A_425 = vector.broadcast %xor3A_424 : i32 to vector<16xi32>
    %xor3A_426 = arith.xori %iota3A, %xor3A_425 : vector<16xi32>
    %lt3A_427 = arith.constant 0 : i32
    %lt3A_428 = vector.broadcast %lt3A_427 : i32 to vector<16xi32>
    %lt3A_429 = arith.cmpi slt, %xor3A_426, %lt3A_428 : vector<16xi32>
    %add3A_430 = arith.constant 16 : i32
    %add3A_431 = vector.broadcast %add3A_430 : i32 to vector<16xi32>
    %add3A_432 = arith.addi %xor3A_426, %add3A_431 : vector<16xi32>
    %select_n3A_433 = arith.select %lt3A_429, %add3A_432, %xor3A_426 : vector<16xi1>, vector<16xi32>
    %broadcast_in_dim3A_434 = vector.shape_cast %select_n3A_433 : vector<16xi32> to vector<16x1xi32>
    %gather3A_435 = vector.shape_cast %broadcast_in_dim3A_434 : vector<16x1xi32> to vector<16xi32>
    %gather3A_436 = tpu.dynamic_gather %add3A_423[%gather3A_435] in [0] : vector<16xf32>, vector<16xi32> -> vector<16xf32>
    %add3A_437 = arith.addf %add3A_423, %gather3A_436 : vector<16xf32>
    %xor3A_438 = arith.constant 1 : i32
    %xor3A_439 = vector.broadcast %xor3A_438 : i32 to vector<16xi32>
    %xor3A_440 = arith.xori %iota3A, %xor3A_439 : vector<16xi32>
    %lt3A_441 = arith.constant 0 : i32
    %lt3A_442 = vector.broadcast %lt3A_441 : i32 to vector<16xi32>
    %lt3A_443 = arith.cmpi slt, %xor3A_440, %lt3A_442 : vector<16xi32>
    %add3A_444 = arith.constant 16 : i32
    %add3A_445 = vector.broadcast %add3A_444 : i32 to vector<16xi32>
    %add3A_446 = arith.addi %xor3A_440, %add3A_445 : vector<16xi32>
    %select_n3A_447 = arith.select %lt3A_443, %add3A_446, %xor3A_440 : vector<16xi1>, vector<16xi32>
    %broadcast_in_dim3A_448 = vector.shape_cast %select_n3A_447 : vector<16xi32> to vector<16x1xi32>
    %gather3A_449 = vector.shape_cast %broadcast_in_dim3A_448 : vector<16x1xi32> to vector<16xi32>
    %gather3A_450 = tpu.dynamic_gather %add3A_437[%gather3A_449] in [0] : vector<16xf32>, vector<16xi32> -> vector<16xf32>
    %add3A_451 = arith.addf %add3A_437, %gather3A_450 : vector<16xf32>
    %select_n3A_452 = arith.select %eq3A_395, %add3A_451, %select_n3A_392 : vector<16xi1>, vector<16xf32>
    %eq3A_453 = arith.constant 5 : i32
    %eq3A_454 = vector.broadcast %eq3A_453 : i32 to vector<16xi32>
    %eq3A_455 = arith.cmpi eq, %iota3A, %eq3A_454 : vector<16xi32>
    %xor3A_456 = arith.constant 8 : i32
    %xor3A_457 = vector.broadcast %xor3A_456 : i32 to vector<16xi32>
    %xor3A_458 = arith.xori %iota3A, %xor3A_457 : vector<16xi32>
    %lt3A_459 = arith.constant 0 : i32
    %lt3A_460 = vector.broadcast %lt3A_459 : i32 to vector<16xi32>
    %lt3A_461 = arith.cmpi slt, %xor3A_458, %lt3A_460 : vector<16xi32>
    %add3A_462 = arith.constant 16 : i32
    %add3A_463 = vector.broadcast %add3A_462 : i32 to vector<16xi32>
    %add3A_464 = arith.addi %xor3A_458, %add3A_463 : vector<16xi32>
    %select_n3A_465 = arith.select %lt3A_461, %add3A_464, %xor3A_458 : vector<16xi1>, vector<16xi32>
    %broadcast_in_dim3A_466 = vector.shape_cast %select_n3A_465 : vector<16xi32> to vector<16x1xi32>
    %gather3A_467 = vector.shape_cast %broadcast_in_dim3A_466 : vector<16x1xi32> to vector<16xi32>
    %gather3A_468 = tpu.dynamic_gather %scan3A_154#5[%gather3A_467] in [0] : vector<16xf32>, vector<16xi32> -> vector<16xf32>
    %add3A_469 = arith.addf %scan3A_154#5, %gather3A_468 : vector<16xf32>
    %xor3A_470 = arith.constant 4 : i32
    %xor3A_471 = vector.broadcast %xor3A_470 : i32 to vector<16xi32>
    %xor3A_472 = arith.xori %iota3A, %xor3A_471 : vector<16xi32>
    %lt3A_473 = arith.constant 0 : i32
    %lt3A_474 = vector.broadcast %lt3A_473 : i32 to vector<16xi32>
    %lt3A_475 = arith.cmpi slt, %xor3A_472, %lt3A_474 : vector<16xi32>
    %add3A_476 = arith.constant 16 : i32
    %add3A_477 = vector.broadcast %add3A_476 : i32 to vector<16xi32>
    %add3A_478 = arith.addi %xor3A_472, %add3A_477 : vector<16xi32>
    %select_n3A_479 = arith.select %lt3A_475, %add3A_478, %xor3A_472 : vector<16xi1>, vector<16xi32>
    %broadcast_in_dim3A_480 = vector.shape_cast %select_n3A_479 : vector<16xi32> to vector<16x1xi32>
    %gather3A_481 = vector.shape_cast %broadcast_in_dim3A_480 : vector<16x1xi32> to vector<16xi32>
    %gather3A_482 = tpu.dynamic_gather %add3A_469[%gather3A_481] in [0] : vector<16xf32>, vector<16xi32> -> vector<16xf32>
    %add3A_483 = arith.addf %add3A_469, %gather3A_482 : vector<16xf32>
    %xor3A_484 = arith.constant 2 : i32
    %xor3A_485 = vector.broadcast %xor3A_484 : i32 to vector<16xi32>
    %xor3A_486 = arith.xori %iota3A, %xor3A_485 : vector<16xi32>
    %lt3A_487 = arith.constant 0 : i32
    %lt3A_488 = vector.broadcast %lt3A_487 : i32 to vector<16xi32>
    %lt3A_489 = arith.cmpi slt, %xor3A_486, %lt3A_488 : vector<16xi32>
    %add3A_490 = arith.constant 16 : i32
    %add3A_491 = vector.broadcast %add3A_490 : i32 to vector<16xi32>
    %add3A_492 = arith.addi %xor3A_486, %add3A_491 : vector<16xi32>
    %select_n3A_493 = arith.select %lt3A_489, %add3A_492, %xor3A_486 : vector<16xi1>, vector<16xi32>
    %broadcast_in_dim3A_494 = vector.shape_cast %select_n3A_493 : vector<16xi32> to vector<16x1xi32>
    %gather3A_495 = vector.shape_cast %broadcast_in_dim3A_494 : vector<16x1xi32> to vector<16xi32>
    %gather3A_496 = tpu.dynamic_gather %add3A_483[%gather3A_495] in [0] : vector<16xf32>, vector<16xi32> -> vector<16xf32>
    %add3A_497 = arith.addf %add3A_483, %gather3A_496 : vector<16xf32>
    %xor3A_498 = arith.constant 1 : i32
    %xor3A_499 = vector.broadcast %xor3A_498 : i32 to vector<16xi32>
    %xor3A_500 = arith.xori %iota3A, %xor3A_499 : vector<16xi32>
    %lt3A_501 = arith.constant 0 : i32
    %lt3A_502 = vector.broadcast %lt3A_501 : i32 to vector<16xi32>
    %lt3A_503 = arith.cmpi slt, %xor3A_500, %lt3A_502 : vector<16xi32>
    %add3A_504 = arith.constant 16 : i32
    %add3A_505 = vector.broadcast %add3A_504 : i32 to vector<16xi32>
    %add3A_506 = arith.addi %xor3A_500, %add3A_505 : vector<16xi32>
    %select_n3A_507 = arith.select %lt3A_503, %add3A_506, %xor3A_500 : vector<16xi1>, vector<16xi32>
    %broadcast_in_dim3A_508 = vector.shape_cast %select_n3A_507 : vector<16xi32> to vector<16x1xi32>
    %gather3A_509 = vector.shape_cast %broadcast_in_dim3A_508 : vector<16x1xi32> to vector<16xi32>
    %gather3A_510 = tpu.dynamic_gather %add3A_497[%gather3A_509] in [0] : vector<16xf32>, vector<16xi32> -> vector<16xf32>
    %add3A_511 = arith.addf %add3A_497, %gather3A_510 : vector<16xf32>
    %select_n3A_512 = arith.select %eq3A_455, %add3A_511, %select_n3A_452 : vector<16xi1>, vector<16xf32>
    %eq3A_513 = arith.constant 6 : i32
    %eq3A_514 = vector.broadcast %eq3A_513 : i32 to vector<16xi32>
    %eq3A_515 = arith.cmpi eq, %iota3A, %eq3A_514 : vector<16xi32>
    %xor3A_516 = arith.constant 8 : i32
    %xor3A_517 = vector.broadcast %xor3A_516 : i32 to vector<16xi32>
    %xor3A_518 = arith.xori %iota3A, %xor3A_517 : vector<16xi32>
    %lt3A_519 = arith.constant 0 : i32
    %lt3A_520 = vector.broadcast %lt3A_519 : i32 to vector<16xi32>
    %lt3A_521 = arith.cmpi slt, %xor3A_518, %lt3A_520 : vector<16xi32>
    %add3A_522 = arith.constant 16 : i32
    %add3A_523 = vector.broadcast %add3A_522 : i32 to vector<16xi32>
    %add3A_524 = arith.addi %xor3A_518, %add3A_523 : vector<16xi32>
    %select_n3A_525 = arith.select %lt3A_521, %add3A_524, %xor3A_518 : vector<16xi1>, vector<16xi32>
    %broadcast_in_dim3A_526 = vector.shape_cast %select_n3A_525 : vector<16xi32> to vector<16x1xi32>
    %gather3A_527 = vector.shape_cast %broadcast_in_dim3A_526 : vector<16x1xi32> to vector<16xi32>
    %gather3A_528 = tpu.dynamic_gather %scan3A_154#6[%gather3A_527] in [0] : vector<16xf32>, vector<16xi32> -> vector<16xf32>
    %add3A_529 = arith.addf %scan3A_154#6, %gather3A_528 : vector<16xf32>
    %xor3A_530 = arith.constant 4 : i32
    %xor3A_531 = vector.broadcast %xor3A_530 : i32 to vector<16xi32>
    %xor3A_532 = arith.xori %iota3A, %xor3A_531 : vector<16xi32>
    %lt3A_533 = arith.constant 0 : i32
    %lt3A_534 = vector.broadcast %lt3A_533 : i32 to vector<16xi32>
    %lt3A_535 = arith.cmpi slt, %xor3A_532, %lt3A_534 : vector<16xi32>
    %add3A_536 = arith.constant 16 : i32
    %add3A_537 = vector.broadcast %add3A_536 : i32 to vector<16xi32>
    %add3A_538 = arith.addi %xor3A_532, %add3A_537 : vector<16xi32>
    %select_n3A_539 = arith.select %lt3A_535, %add3A_538, %xor3A_532 : vector<16xi1>, vector<16xi32>
    %broadcast_in_dim3A_540 = vector.shape_cast %select_n3A_539 : vector<16xi32> to vector<16x1xi32>
    %gather3A_541 = vector.shape_cast %broadcast_in_dim3A_540 : vector<16x1xi32> to vector<16xi32>
    %gather3A_542 = tpu.dynamic_gather %add3A_529[%gather3A_541] in [0] : vector<16xf32>, vector<16xi32> -> vector<16xf32>
    %add3A_543 = arith.addf %add3A_529, %gather3A_542 : vector<16xf32>
    %xor3A_544 = arith.constant 2 : i32
    %xor3A_545 = vector.broadcast %xor3A_544 : i32 to vector<16xi32>
    %xor3A_546 = arith.xori %iota3A, %xor3A_545 : vector<16xi32>
    %lt3A_547 = arith.constant 0 : i32
    %lt3A_548 = vector.broadcast %lt3A_547 : i32 to vector<16xi32>
    %lt3A_549 = arith.cmpi slt, %xor3A_546, %lt3A_548 : vector<16xi32>
    %add3A_550 = arith.constant 16 : i32
    %add3A_551 = vector.broadcast %add3A_550 : i32 to vector<16xi32>
    %add3A_552 = arith.addi %xor3A_546, %add3A_551 : vector<16xi32>
    %select_n3A_553 = arith.select %lt3A_549, %add3A_552, %xor3A_546 : vector<16xi1>, vector<16xi32>
    %broadcast_in_dim3A_554 = vector.shape_cast %select_n3A_553 : vector<16xi32> to vector<16x1xi32>
    %gather3A_555 = vector.shape_cast %broadcast_in_dim3A_554 : vector<16x1xi32> to vector<16xi32>
    %gather3A_556 = tpu.dynamic_gather %add3A_543[%gather3A_555] in [0] : vector<16xf32>, vector<16xi32> -> vector<16xf32>
    %add3A_557 = arith.addf %add3A_543, %gather3A_556 : vector<16xf32>
    %xor3A_558 = arith.constant 1 : i32
    %xor3A_559 = vector.broadcast %xor3A_558 : i32 to vector<16xi32>
    %xor3A_560 = arith.xori %iota3A, %xor3A_559 : vector<16xi32>
    %lt3A_561 = arith.constant 0 : i32
    %lt3A_562 = vector.broadcast %lt3A_561 : i32 to vector<16xi32>
    %lt3A_563 = arith.cmpi slt, %xor3A_560, %lt3A_562 : vector<16xi32>
    %add3A_564 = arith.constant 16 : i32
    %add3A_565 = vector.broadcast %add3A_564 : i32 to vector<16xi32>
    %add3A_566 = arith.addi %xor3A_560, %add3A_565 : vector<16xi32>
    %select_n3A_567 = arith.select %lt3A_563, %add3A_566, %xor3A_560 : vector<16xi1>, vector<16xi32>
    %broadcast_in_dim3A_568 = vector.shape_cast %select_n3A_567 : vector<16xi32> to vector<16x1xi32>
    %gather3A_569 = vector.shape_cast %broadcast_in_dim3A_568 : vector<16x1xi32> to vector<16xi32>
    %gather3A_570 = tpu.dynamic_gather %add3A_557[%gather3A_569] in [0] : vector<16xf32>, vector<16xi32> -> vector<16xf32>
    %add3A_571 = arith.addf %add3A_557, %gather3A_570 : vector<16xf32>
    %select_n3A_572 = arith.select %eq3A_515, %add3A_571, %select_n3A_512 : vector<16xi1>, vector<16xf32>
    %eq3A_573 = arith.constant 7 : i32
    %eq3A_574 = vector.broadcast %eq3A_573 : i32 to vector<16xi32>
    %eq3A_575 = arith.cmpi eq, %iota3A, %eq3A_574 : vector<16xi32>
    %xor3A_576 = arith.constant 8 : i32
    %xor3A_577 = vector.broadcast %xor3A_576 : i32 to vector<16xi32>
    %xor3A_578 = arith.xori %iota3A, %xor3A_577 : vector<16xi32>
    %lt3A_579 = arith.constant 0 : i32
    %lt3A_580 = vector.broadcast %lt3A_579 : i32 to vector<16xi32>
    %lt3A_581 = arith.cmpi slt, %xor3A_578, %lt3A_580 : vector<16xi32>
    %add3A_582 = arith.constant 16 : i32
    %add3A_583 = vector.broadcast %add3A_582 : i32 to vector<16xi32>
    %add3A_584 = arith.addi %xor3A_578, %add3A_583 : vector<16xi32>
    %select_n3A_585 = arith.select %lt3A_581, %add3A_584, %xor3A_578 : vector<16xi1>, vector<16xi32>
    %broadcast_in_dim3A_586 = vector.shape_cast %select_n3A_585 : vector<16xi32> to vector<16x1xi32>
    %gather3A_587 = vector.shape_cast %broadcast_in_dim3A_586 : vector<16x1xi32> to vector<16xi32>
    %gather3A_588 = tpu.dynamic_gather %scan3A_154#7[%gather3A_587] in [0] : vector<16xf32>, vector<16xi32> -> vector<16xf32>
    %add3A_589 = arith.addf %scan3A_154#7, %gather3A_588 : vector<16xf32>
    %xor3A_590 = arith.constant 4 : i32
    %xor3A_591 = vector.broadcast %xor3A_590 : i32 to vector<16xi32>
    %xor3A_592 = arith.xori %iota3A, %xor3A_591 : vector<16xi32>
    %lt3A_593 = arith.constant 0 : i32
    %lt3A_594 = vector.broadcast %lt3A_593 : i32 to vector<16xi32>
    %lt3A_595 = arith.cmpi slt, %xor3A_592, %lt3A_594 : vector<16xi32>
    %add3A_596 = arith.constant 16 : i32
    %add3A_597 = vector.broadcast %add3A_596 : i32 to vector<16xi32>
    %add3A_598 = arith.addi %xor3A_592, %add3A_597 : vector<16xi32>
    %select_n3A_599 = arith.select %lt3A_595, %add3A_598, %xor3A_592 : vector<16xi1>, vector<16xi32>
    %broadcast_in_dim3A_600 = vector.shape_cast %select_n3A_599 : vector<16xi32> to vector<16x1xi32>
    %gather3A_601 = vector.shape_cast %broadcast_in_dim3A_600 : vector<16x1xi32> to vector<16xi32>
    %gather3A_602 = tpu.dynamic_gather %add3A_589[%gather3A_601] in [0] : vector<16xf32>, vector<16xi32> -> vector<16xf32>
    %add3A_603 = arith.addf %add3A_589, %gather3A_602 : vector<16xf32>
    %xor3A_604 = arith.constant 2 : i32
    %xor3A_605 = vector.broadcast %xor3A_604 : i32 to vector<16xi32>
    %xor3A_606 = arith.xori %iota3A, %xor3A_605 : vector<16xi32>
    %lt3A_607 = arith.constant 0 : i32
    %lt3A_608 = vector.broadcast %lt3A_607 : i32 to vector<16xi32>
    %lt3A_609 = arith.cmpi slt, %xor3A_606, %lt3A_608 : vector<16xi32>
    %add3A_610 = arith.constant 16 : i32
    %add3A_611 = vector.broadcast %add3A_610 : i32 to vector<16xi32>
    %add3A_612 = arith.addi %xor3A_606, %add3A_611 : vector<16xi32>
    %select_n3A_613 = arith.select %lt3A_609, %add3A_612, %xor3A_606 : vector<16xi1>, vector<16xi32>
    %broadcast_in_dim3A_614 = vector.shape_cast %select_n3A_613 : vector<16xi32> to vector<16x1xi32>
    %gather3A_615 = vector.shape_cast %broadcast_in_dim3A_614 : vector<16x1xi32> to vector<16xi32>
    %gather3A_616 = tpu.dynamic_gather %add3A_603[%gather3A_615] in [0] : vector<16xf32>, vector<16xi32> -> vector<16xf32>
    %add3A_617 = arith.addf %add3A_603, %gather3A_616 : vector<16xf32>
    %xor3A_618 = arith.constant 1 : i32
    %xor3A_619 = vector.broadcast %xor3A_618 : i32 to vector<16xi32>
    %xor3A_620 = arith.xori %iota3A, %xor3A_619 : vector<16xi32>
    %lt3A_621 = arith.constant 0 : i32
    %lt3A_622 = vector.broadcast %lt3A_621 : i32 to vector<16xi32>
    %lt3A_623 = arith.cmpi slt, %xor3A_620, %lt3A_622 : vector<16xi32>
    %add3A_624 = arith.constant 16 : i32
    %add3A_625 = vector.broadcast %add3A_624 : i32 to vector<16xi32>
    %add3A_626 = arith.addi %xor3A_620, %add3A_625 : vector<16xi32>
    %select_n3A_627 = arith.select %lt3A_623, %add3A_626, %xor3A_620 : vector<16xi1>, vector<16xi32>
    %broadcast_in_dim3A_628 = vector.shape_cast %select_n3A_627 : vector<16xi32> to vector<16x1xi32>
    %gather3A_629 = vector.shape_cast %broadcast_in_dim3A_628 : vector<16x1xi32> to vector<16xi32>
    %gather3A_630 = tpu.dynamic_gather %add3A_617[%gather3A_629] in [0] : vector<16xf32>, vector<16xi32> -> vector<16xf32>
    %add3A_631 = arith.addf %add3A_617, %gather3A_630 : vector<16xf32>
    %select_n3A_632 = arith.select %eq3A_575, %add3A_631, %select_n3A_572 : vector<16xi1>, vector<16xf32>
    %slice3A = vector.extract_strided_slice %get3A_51 {offsets = [0], sizes = [1], strides = [1]} : vector<16xf32> to vector<1xf32>
    %squeeze3A = vector.extract %slice3A[0] : f32 from vector<1xf32>
    %add3A_633 = vector.broadcast %squeeze3A : f32 to vector<16xf32>
    %add3A_634 = arith.addf %select_n3A_632, %add3A_633 : vector<16xf32>
    %broadcast_in_dim3A_635 = arith.constant 0.000000e+00 : f32
    %broadcast_in_dim3A_636 = vector.broadcast %broadcast_in_dim3A_635 : f32 to vector<16xf32>
    %eq3A_637 = arith.constant 0 : i32
    %eq3A_638 = vector.broadcast %eq3A_637 : i32 to vector<16xi32>
    %eq3A_639 = arith.cmpi eq, %iota3A, %eq3A_638 : vector<16xi32>
    %xor3A_640 = arith.constant 8 : i32
    %xor3A_641 = vector.broadcast %xor3A_640 : i32 to vector<16xi32>
    %xor3A_642 = arith.xori %iota3A, %xor3A_641 : vector<16xi32>
    %lt3A_643 = arith.constant 0 : i32
    %lt3A_644 = vector.broadcast %lt3A_643 : i32 to vector<16xi32>
    %lt3A_645 = arith.cmpi slt, %xor3A_642, %lt3A_644 : vector<16xi32>
    %add3A_646 = arith.constant 16 : i32
    %add3A_647 = vector.broadcast %add3A_646 : i32 to vector<16xi32>
    %add3A_648 = arith.addi %xor3A_642, %add3A_647 : vector<16xi32>
    %select_n3A_649 = arith.select %lt3A_645, %add3A_648, %xor3A_642 : vector<16xi1>, vector<16xi32>
    %broadcast_in_dim3A_650 = vector.shape_cast %select_n3A_649 : vector<16xi32> to vector<16x1xi32>
    %gather3A_651 = vector.shape_cast %broadcast_in_dim3A_650 : vector<16x1xi32> to vector<16xi32>
    %gather3A_652 = tpu.dynamic_gather %scan3A_154#8[%gather3A_651] in [0] : vector<16xf32>, vector<16xi32> -> vector<16xf32>
    %add3A_653 = arith.addf %scan3A_154#8, %gather3A_652 : vector<16xf32>
    %xor3A_654 = arith.constant 4 : i32
    %xor3A_655 = vector.broadcast %xor3A_654 : i32 to vector<16xi32>
    %xor3A_656 = arith.xori %iota3A, %xor3A_655 : vector<16xi32>
    %lt3A_657 = arith.constant 0 : i32
    %lt3A_658 = vector.broadcast %lt3A_657 : i32 to vector<16xi32>
    %lt3A_659 = arith.cmpi slt, %xor3A_656, %lt3A_658 : vector<16xi32>
    %add3A_660 = arith.constant 16 : i32
    %add3A_661 = vector.broadcast %add3A_660 : i32 to vector<16xi32>
    %add3A_662 = arith.addi %xor3A_656, %add3A_661 : vector<16xi32>
    %select_n3A_663 = arith.select %lt3A_659, %add3A_662, %xor3A_656 : vector<16xi1>, vector<16xi32>
    %broadcast_in_dim3A_664 = vector.shape_cast %select_n3A_663 : vector<16xi32> to vector<16x1xi32>
    %gather3A_665 = vector.shape_cast %broadcast_in_dim3A_664 : vector<16x1xi32> to vector<16xi32>
    %gather3A_666 = tpu.dynamic_gather %add3A_653[%gather3A_665] in [0] : vector<16xf32>, vector<16xi32> -> vector<16xf32>
    %add3A_667 = arith.addf %add3A_653, %gather3A_666 : vector<16xf32>
    %xor3A_668 = arith.constant 2 : i32
    %xor3A_669 = vector.broadcast %xor3A_668 : i32 to vector<16xi32>
    %xor3A_670 = arith.xori %iota3A, %xor3A_669 : vector<16xi32>
    %lt3A_671 = arith.constant 0 : i32
    %lt3A_672 = vector.broadcast %lt3A_671 : i32 to vector<16xi32>
    %lt3A_673 = arith.cmpi slt, %xor3A_670, %lt3A_672 : vector<16xi32>
    %add3A_674 = arith.constant 16 : i32
    %add3A_675 = vector.broadcast %add3A_674 : i32 to vector<16xi32>
    %add3A_676 = arith.addi %xor3A_670, %add3A_675 : vector<16xi32>
    %select_n3A_677 = arith.select %lt3A_673, %add3A_676, %xor3A_670 : vector<16xi1>, vector<16xi32>
    %broadcast_in_dim3A_678 = vector.shape_cast %select_n3A_677 : vector<16xi32> to vector<16x1xi32>
    %gather3A_679 = vector.shape_cast %broadcast_in_dim3A_678 : vector<16x1xi32> to vector<16xi32>
    %gather3A_680 = tpu.dynamic_gather %add3A_667[%gather3A_679] in [0] : vector<16xf32>, vector<16xi32> -> vector<16xf32>
    %add3A_681 = arith.addf %add3A_667, %gather3A_680 : vector<16xf32>
    %xor3A_682 = arith.constant 1 : i32
    %xor3A_683 = vector.broadcast %xor3A_682 : i32 to vector<16xi32>
    %xor3A_684 = arith.xori %iota3A, %xor3A_683 : vector<16xi32>
    %lt3A_685 = arith.constant 0 : i32
    %lt3A_686 = vector.broadcast %lt3A_685 : i32 to vector<16xi32>
    %lt3A_687 = arith.cmpi slt, %xor3A_684, %lt3A_686 : vector<16xi32>
    %add3A_688 = arith.constant 16 : i32
    %add3A_689 = vector.broadcast %add3A_688 : i32 to vector<16xi32>
    %add3A_690 = arith.addi %xor3A_684, %add3A_689 : vector<16xi32>
    %select_n3A_691 = arith.select %lt3A_687, %add3A_690, %xor3A_684 : vector<16xi1>, vector<16xi32>
    %broadcast_in_dim3A_692 = vector.shape_cast %select_n3A_691 : vector<16xi32> to vector<16x1xi32>
    %gather3A_693 = vector.shape_cast %broadcast_in_dim3A_692 : vector<16x1xi32> to vector<16xi32>
    %gather3A_694 = tpu.dynamic_gather %add3A_681[%gather3A_693] in [0] : vector<16xf32>, vector<16xi32> -> vector<16xf32>
    %add3A_695 = arith.addf %add3A_681, %gather3A_694 : vector<16xf32>
    %select_n3A_696 = arith.select %eq3A_639, %add3A_695, %broadcast_in_dim3A_636 : vector<16xi1>, vector<16xf32>
    %eq3A_697 = arith.constant 1 : i32
    %eq3A_698 = vector.broadcast %eq3A_697 : i32 to vector<16xi32>
    %eq3A_699 = arith.cmpi eq, %iota3A, %eq3A_698 : vector<16xi32>
    %xor3A_700 = arith.constant 8 : i32
    %xor3A_701 = vector.broadcast %xor3A_700 : i32 to vector<16xi32>
    %xor3A_702 = arith.xori %iota3A, %xor3A_701 : vector<16xi32>
    %lt3A_703 = arith.constant 0 : i32
    %lt3A_704 = vector.broadcast %lt3A_703 : i32 to vector<16xi32>
    %lt3A_705 = arith.cmpi slt, %xor3A_702, %lt3A_704 : vector<16xi32>
    %add3A_706 = arith.constant 16 : i32
    %add3A_707 = vector.broadcast %add3A_706 : i32 to vector<16xi32>
    %add3A_708 = arith.addi %xor3A_702, %add3A_707 : vector<16xi32>
    %select_n3A_709 = arith.select %lt3A_705, %add3A_708, %xor3A_702 : vector<16xi1>, vector<16xi32>
    %broadcast_in_dim3A_710 = vector.shape_cast %select_n3A_709 : vector<16xi32> to vector<16x1xi32>
    %gather3A_711 = vector.shape_cast %broadcast_in_dim3A_710 : vector<16x1xi32> to vector<16xi32>
    %gather3A_712 = tpu.dynamic_gather %scan3A_154#9[%gather3A_711] in [0] : vector<16xf32>, vector<16xi32> -> vector<16xf32>
    %add3A_713 = arith.addf %scan3A_154#9, %gather3A_712 : vector<16xf32>
    %xor3A_714 = arith.constant 4 : i32
    %xor3A_715 = vector.broadcast %xor3A_714 : i32 to vector<16xi32>
    %xor3A_716 = arith.xori %iota3A, %xor3A_715 : vector<16xi32>
    %lt3A_717 = arith.constant 0 : i32
    %lt3A_718 = vector.broadcast %lt3A_717 : i32 to vector<16xi32>
    %lt3A_719 = arith.cmpi slt, %xor3A_716, %lt3A_718 : vector<16xi32>
    %add3A_720 = arith.constant 16 : i32
    %add3A_721 = vector.broadcast %add3A_720 : i32 to vector<16xi32>
    %add3A_722 = arith.addi %xor3A_716, %add3A_721 : vector<16xi32>
    %select_n3A_723 = arith.select %lt3A_719, %add3A_722, %xor3A_716 : vector<16xi1>, vector<16xi32>
    %broadcast_in_dim3A_724 = vector.shape_cast %select_n3A_723 : vector<16xi32> to vector<16x1xi32>
    %gather3A_725 = vector.shape_cast %broadcast_in_dim3A_724 : vector<16x1xi32> to vector<16xi32>
    %gather3A_726 = tpu.dynamic_gather %add3A_713[%gather3A_725] in [0] : vector<16xf32>, vector<16xi32> -> vector<16xf32>
    %add3A_727 = arith.addf %add3A_713, %gather3A_726 : vector<16xf32>
    %xor3A_728 = arith.constant 2 : i32
    %xor3A_729 = vector.broadcast %xor3A_728 : i32 to vector<16xi32>
    %xor3A_730 = arith.xori %iota3A, %xor3A_729 : vector<16xi32>
    %lt3A_731 = arith.constant 0 : i32
    %lt3A_732 = vector.broadcast %lt3A_731 : i32 to vector<16xi32>
    %lt3A_733 = arith.cmpi slt, %xor3A_730, %lt3A_732 : vector<16xi32>
    %add3A_734 = arith.constant 16 : i32
    %add3A_735 = vector.broadcast %add3A_734 : i32 to vector<16xi32>
    %add3A_736 = arith.addi %xor3A_730, %add3A_735 : vector<16xi32>
    %select_n3A_737 = arith.select %lt3A_733, %add3A_736, %xor3A_730 : vector<16xi1>, vector<16xi32>
    %broadcast_in_dim3A_738 = vector.shape_cast %select_n3A_737 : vector<16xi32> to vector<16x1xi32>
    %gather3A_739 = vector.shape_cast %broadcast_in_dim3A_738 : vector<16x1xi32> to vector<16xi32>
    %gather3A_740 = tpu.dynamic_gather %add3A_727[%gather3A_739] in [0] : vector<16xf32>, vector<16xi32> -> vector<16xf32>
    %add3A_741 = arith.addf %add3A_727, %gather3A_740 : vector<16xf32>
    %xor3A_742 = arith.constant 1 : i32
    %xor3A_743 = vector.broadcast %xor3A_742 : i32 to vector<16xi32>
    %xor3A_744 = arith.xori %iota3A, %xor3A_743 : vector<16xi32>
    %lt3A_745 = arith.constant 0 : i32
    %lt3A_746 = vector.broadcast %lt3A_745 : i32 to vector<16xi32>
    %lt3A_747 = arith.cmpi slt, %xor3A_744, %lt3A_746 : vector<16xi32>
    %add3A_748 = arith.constant 16 : i32
    %add3A_749 = vector.broadcast %add3A_748 : i32 to vector<16xi32>
    %add3A_750 = arith.addi %xor3A_744, %add3A_749 : vector<16xi32>
    %select_n3A_751 = arith.select %lt3A_747, %add3A_750, %xor3A_744 : vector<16xi1>, vector<16xi32>
    %broadcast_in_dim3A_752 = vector.shape_cast %select_n3A_751 : vector<16xi32> to vector<16x1xi32>
    %gather3A_753 = vector.shape_cast %broadcast_in_dim3A_752 : vector<16x1xi32> to vector<16xi32>
    %gather3A_754 = tpu.dynamic_gather %add3A_741[%gather3A_753] in [0] : vector<16xf32>, vector<16xi32> -> vector<16xf32>
    %add3A_755 = arith.addf %add3A_741, %gather3A_754 : vector<16xf32>
    %select_n3A_756 = arith.select %eq3A_699, %add3A_755, %select_n3A_696 : vector<16xi1>, vector<16xf32>
    %eq3A_757 = arith.constant 2 : i32
    %eq3A_758 = vector.broadcast %eq3A_757 : i32 to vector<16xi32>
    %eq3A_759 = arith.cmpi eq, %iota3A, %eq3A_758 : vector<16xi32>
    %xor3A_760 = arith.constant 8 : i32
    %xor3A_761 = vector.broadcast %xor3A_760 : i32 to vector<16xi32>
    %xor3A_762 = arith.xori %iota3A, %xor3A_761 : vector<16xi32>
    %lt3A_763 = arith.constant 0 : i32
    %lt3A_764 = vector.broadcast %lt3A_763 : i32 to vector<16xi32>
    %lt3A_765 = arith.cmpi slt, %xor3A_762, %lt3A_764 : vector<16xi32>
    %add3A_766 = arith.constant 16 : i32
    %add3A_767 = vector.broadcast %add3A_766 : i32 to vector<16xi32>
    %add3A_768 = arith.addi %xor3A_762, %add3A_767 : vector<16xi32>
    %select_n3A_769 = arith.select %lt3A_765, %add3A_768, %xor3A_762 : vector<16xi1>, vector<16xi32>
    %broadcast_in_dim3A_770 = vector.shape_cast %select_n3A_769 : vector<16xi32> to vector<16x1xi32>
    %gather3A_771 = vector.shape_cast %broadcast_in_dim3A_770 : vector<16x1xi32> to vector<16xi32>
    %gather3A_772 = tpu.dynamic_gather %scan3A_154#10[%gather3A_771] in [0] : vector<16xf32>, vector<16xi32> -> vector<16xf32>
    %add3A_773 = arith.addf %scan3A_154#10, %gather3A_772 : vector<16xf32>
    %xor3A_774 = arith.constant 4 : i32
    %xor3A_775 = vector.broadcast %xor3A_774 : i32 to vector<16xi32>
    %xor3A_776 = arith.xori %iota3A, %xor3A_775 : vector<16xi32>
    %lt3A_777 = arith.constant 0 : i32
    %lt3A_778 = vector.broadcast %lt3A_777 : i32 to vector<16xi32>
    %lt3A_779 = arith.cmpi slt, %xor3A_776, %lt3A_778 : vector<16xi32>
    %add3A_780 = arith.constant 16 : i32
    %add3A_781 = vector.broadcast %add3A_780 : i32 to vector<16xi32>
    %add3A_782 = arith.addi %xor3A_776, %add3A_781 : vector<16xi32>
    %select_n3A_783 = arith.select %lt3A_779, %add3A_782, %xor3A_776 : vector<16xi1>, vector<16xi32>
    %broadcast_in_dim3A_784 = vector.shape_cast %select_n3A_783 : vector<16xi32> to vector<16x1xi32>
    %gather3A_785 = vector.shape_cast %broadcast_in_dim3A_784 : vector<16x1xi32> to vector<16xi32>
    %gather3A_786 = tpu.dynamic_gather %add3A_773[%gather3A_785] in [0] : vector<16xf32>, vector<16xi32> -> vector<16xf32>
    %add3A_787 = arith.addf %add3A_773, %gather3A_786 : vector<16xf32>
    %xor3A_788 = arith.constant 2 : i32
    %xor3A_789 = vector.broadcast %xor3A_788 : i32 to vector<16xi32>
    %xor3A_790 = arith.xori %iota3A, %xor3A_789 : vector<16xi32>
    %lt3A_791 = arith.constant 0 : i32
    %lt3A_792 = vector.broadcast %lt3A_791 : i32 to vector<16xi32>
    %lt3A_793 = arith.cmpi slt, %xor3A_790, %lt3A_792 : vector<16xi32>
    %add3A_794 = arith.constant 16 : i32
    %add3A_795 = vector.broadcast %add3A_794 : i32 to vector<16xi32>
    %add3A_796 = arith.addi %xor3A_790, %add3A_795 : vector<16xi32>
    %select_n3A_797 = arith.select %lt3A_793, %add3A_796, %xor3A_790 : vector<16xi1>, vector<16xi32>
    %broadcast_in_dim3A_798 = vector.shape_cast %select_n3A_797 : vector<16xi32> to vector<16x1xi32>
    %gather3A_799 = vector.shape_cast %broadcast_in_dim3A_798 : vector<16x1xi32> to vector<16xi32>
    %gather3A_800 = tpu.dynamic_gather %add3A_787[%gather3A_799] in [0] : vector<16xf32>, vector<16xi32> -> vector<16xf32>
    %add3A_801 = arith.addf %add3A_787, %gather3A_800 : vector<16xf32>
    %xor3A_802 = arith.constant 1 : i32
    %xor3A_803 = vector.broadcast %xor3A_802 : i32 to vector<16xi32>
    %xor3A_804 = arith.xori %iota3A, %xor3A_803 : vector<16xi32>
    %lt3A_805 = arith.constant 0 : i32
    %lt3A_806 = vector.broadcast %lt3A_805 : i32 to vector<16xi32>
    %lt3A_807 = arith.cmpi slt, %xor3A_804, %lt3A_806 : vector<16xi32>
    %add3A_808 = arith.constant 16 : i32
    %add3A_809 = vector.broadcast %add3A_808 : i32 to vector<16xi32>
    %add3A_810 = arith.addi %xor3A_804, %add3A_809 : vector<16xi32>
    %select_n3A_811 = arith.select %lt3A_807, %add3A_810, %xor3A_804 : vector<16xi1>, vector<16xi32>
    %broadcast_in_dim3A_812 = vector.shape_cast %select_n3A_811 : vector<16xi32> to vector<16x1xi32>
    %gather3A_813 = vector.shape_cast %broadcast_in_dim3A_812 : vector<16x1xi32> to vector<16xi32>
    %gather3A_814 = tpu.dynamic_gather %add3A_801[%gather3A_813] in [0] : vector<16xf32>, vector<16xi32> -> vector<16xf32>
    %add3A_815 = arith.addf %add3A_801, %gather3A_814 : vector<16xf32>
    %select_n3A_816 = arith.select %eq3A_759, %add3A_815, %select_n3A_756 : vector<16xi1>, vector<16xf32>
    %eq3A_817 = arith.constant 3 : i32
    %eq3A_818 = vector.broadcast %eq3A_817 : i32 to vector<16xi32>
    %eq3A_819 = arith.cmpi eq, %iota3A, %eq3A_818 : vector<16xi32>
    %xor3A_820 = arith.constant 8 : i32
    %xor3A_821 = vector.broadcast %xor3A_820 : i32 to vector<16xi32>
    %xor3A_822 = arith.xori %iota3A, %xor3A_821 : vector<16xi32>
    %lt3A_823 = arith.constant 0 : i32
    %lt3A_824 = vector.broadcast %lt3A_823 : i32 to vector<16xi32>
    %lt3A_825 = arith.cmpi slt, %xor3A_822, %lt3A_824 : vector<16xi32>
    %add3A_826 = arith.constant 16 : i32
    %add3A_827 = vector.broadcast %add3A_826 : i32 to vector<16xi32>
    %add3A_828 = arith.addi %xor3A_822, %add3A_827 : vector<16xi32>
    %select_n3A_829 = arith.select %lt3A_825, %add3A_828, %xor3A_822 : vector<16xi1>, vector<16xi32>
    %broadcast_in_dim3A_830 = vector.shape_cast %select_n3A_829 : vector<16xi32> to vector<16x1xi32>
    %gather3A_831 = vector.shape_cast %broadcast_in_dim3A_830 : vector<16x1xi32> to vector<16xi32>
    %gather3A_832 = tpu.dynamic_gather %scan3A_154#11[%gather3A_831] in [0] : vector<16xf32>, vector<16xi32> -> vector<16xf32>
    %add3A_833 = arith.addf %scan3A_154#11, %gather3A_832 : vector<16xf32>
    %xor3A_834 = arith.constant 4 : i32
    %xor3A_835 = vector.broadcast %xor3A_834 : i32 to vector<16xi32>
    %xor3A_836 = arith.xori %iota3A, %xor3A_835 : vector<16xi32>
    %lt3A_837 = arith.constant 0 : i32
    %lt3A_838 = vector.broadcast %lt3A_837 : i32 to vector<16xi32>
    %lt3A_839 = arith.cmpi slt, %xor3A_836, %lt3A_838 : vector<16xi32>
    %add3A_840 = arith.constant 16 : i32
    %add3A_841 = vector.broadcast %add3A_840 : i32 to vector<16xi32>
    %add3A_842 = arith.addi %xor3A_836, %add3A_841 : vector<16xi32>
    %select_n3A_843 = arith.select %lt3A_839, %add3A_842, %xor3A_836 : vector<16xi1>, vector<16xi32>
    %broadcast_in_dim3A_844 = vector.shape_cast %select_n3A_843 : vector<16xi32> to vector<16x1xi32>
    %gather3A_845 = vector.shape_cast %broadcast_in_dim3A_844 : vector<16x1xi32> to vector<16xi32>
    %gather3A_846 = tpu.dynamic_gather %add3A_833[%gather3A_845] in [0] : vector<16xf32>, vector<16xi32> -> vector<16xf32>
    %add3A_847 = arith.addf %add3A_833, %gather3A_846 : vector<16xf32>
    %xor3A_848 = arith.constant 2 : i32
    %xor3A_849 = vector.broadcast %xor3A_848 : i32 to vector<16xi32>
    %xor3A_850 = arith.xori %iota3A, %xor3A_849 : vector<16xi32>
    %lt3A_851 = arith.constant 0 : i32
    %lt3A_852 = vector.broadcast %lt3A_851 : i32 to vector<16xi32>
    %lt3A_853 = arith.cmpi slt, %xor3A_850, %lt3A_852 : vector<16xi32>
    %add3A_854 = arith.constant 16 : i32
    %add3A_855 = vector.broadcast %add3A_854 : i32 to vector<16xi32>
    %add3A_856 = arith.addi %xor3A_850, %add3A_855 : vector<16xi32>
    %select_n3A_857 = arith.select %lt3A_853, %add3A_856, %xor3A_850 : vector<16xi1>, vector<16xi32>
    %broadcast_in_dim3A_858 = vector.shape_cast %select_n3A_857 : vector<16xi32> to vector<16x1xi32>
    %gather3A_859 = vector.shape_cast %broadcast_in_dim3A_858 : vector<16x1xi32> to vector<16xi32>
    %gather3A_860 = tpu.dynamic_gather %add3A_847[%gather3A_859] in [0] : vector<16xf32>, vector<16xi32> -> vector<16xf32>
    %add3A_861 = arith.addf %add3A_847, %gather3A_860 : vector<16xf32>
    %xor3A_862 = arith.constant 1 : i32
    %xor3A_863 = vector.broadcast %xor3A_862 : i32 to vector<16xi32>
    %xor3A_864 = arith.xori %iota3A, %xor3A_863 : vector<16xi32>
    %lt3A_865 = arith.constant 0 : i32
    %lt3A_866 = vector.broadcast %lt3A_865 : i32 to vector<16xi32>
    %lt3A_867 = arith.cmpi slt, %xor3A_864, %lt3A_866 : vector<16xi32>
    %add3A_868 = arith.constant 16 : i32
    %add3A_869 = vector.broadcast %add3A_868 : i32 to vector<16xi32>
    %add3A_870 = arith.addi %xor3A_864, %add3A_869 : vector<16xi32>
    %select_n3A_871 = arith.select %lt3A_867, %add3A_870, %xor3A_864 : vector<16xi1>, vector<16xi32>
    %broadcast_in_dim3A_872 = vector.shape_cast %select_n3A_871 : vector<16xi32> to vector<16x1xi32>
    %gather3A_873 = vector.shape_cast %broadcast_in_dim3A_872 : vector<16x1xi32> to vector<16xi32>
    %gather3A_874 = tpu.dynamic_gather %add3A_861[%gather3A_873] in [0] : vector<16xf32>, vector<16xi32> -> vector<16xf32>
    %add3A_875 = arith.addf %add3A_861, %gather3A_874 : vector<16xf32>
    %select_n3A_876 = arith.select %eq3A_819, %add3A_875, %select_n3A_816 : vector<16xi1>, vector<16xf32>
    %eq3A_877 = arith.constant 4 : i32
    %eq3A_878 = vector.broadcast %eq3A_877 : i32 to vector<16xi32>
    %eq3A_879 = arith.cmpi eq, %iota3A, %eq3A_878 : vector<16xi32>
    %xor3A_880 = arith.constant 8 : i32
    %xor3A_881 = vector.broadcast %xor3A_880 : i32 to vector<16xi32>
    %xor3A_882 = arith.xori %iota3A, %xor3A_881 : vector<16xi32>
    %lt3A_883 = arith.constant 0 : i32
    %lt3A_884 = vector.broadcast %lt3A_883 : i32 to vector<16xi32>
    %lt3A_885 = arith.cmpi slt, %xor3A_882, %lt3A_884 : vector<16xi32>
    %add3A_886 = arith.constant 16 : i32
    %add3A_887 = vector.broadcast %add3A_886 : i32 to vector<16xi32>
    %add3A_888 = arith.addi %xor3A_882, %add3A_887 : vector<16xi32>
    %select_n3A_889 = arith.select %lt3A_885, %add3A_888, %xor3A_882 : vector<16xi1>, vector<16xi32>
    %broadcast_in_dim3A_890 = vector.shape_cast %select_n3A_889 : vector<16xi32> to vector<16x1xi32>
    %gather3A_891 = vector.shape_cast %broadcast_in_dim3A_890 : vector<16x1xi32> to vector<16xi32>
    %gather3A_892 = tpu.dynamic_gather %scan3A_154#12[%gather3A_891] in [0] : vector<16xf32>, vector<16xi32> -> vector<16xf32>
    %add3A_893 = arith.addf %scan3A_154#12, %gather3A_892 : vector<16xf32>
    %xor3A_894 = arith.constant 4 : i32
    %xor3A_895 = vector.broadcast %xor3A_894 : i32 to vector<16xi32>
    %xor3A_896 = arith.xori %iota3A, %xor3A_895 : vector<16xi32>
    %lt3A_897 = arith.constant 0 : i32
    %lt3A_898 = vector.broadcast %lt3A_897 : i32 to vector<16xi32>
    %lt3A_899 = arith.cmpi slt, %xor3A_896, %lt3A_898 : vector<16xi32>
    %add3A_900 = arith.constant 16 : i32
    %add3A_901 = vector.broadcast %add3A_900 : i32 to vector<16xi32>
    %add3A_902 = arith.addi %xor3A_896, %add3A_901 : vector<16xi32>
    %select_n3A_903 = arith.select %lt3A_899, %add3A_902, %xor3A_896 : vector<16xi1>, vector<16xi32>
    %broadcast_in_dim3A_904 = vector.shape_cast %select_n3A_903 : vector<16xi32> to vector<16x1xi32>
    %gather3A_905 = vector.shape_cast %broadcast_in_dim3A_904 : vector<16x1xi32> to vector<16xi32>
    %gather3A_906 = tpu.dynamic_gather %add3A_893[%gather3A_905] in [0] : vector<16xf32>, vector<16xi32> -> vector<16xf32>
    %add3A_907 = arith.addf %add3A_893, %gather3A_906 : vector<16xf32>
    %xor3A_908 = arith.constant 2 : i32
    %xor3A_909 = vector.broadcast %xor3A_908 : i32 to vector<16xi32>
    %xor3A_910 = arith.xori %iota3A, %xor3A_909 : vector<16xi32>
    %lt3A_911 = arith.constant 0 : i32
    %lt3A_912 = vector.broadcast %lt3A_911 : i32 to vector<16xi32>
    %lt3A_913 = arith.cmpi slt, %xor3A_910, %lt3A_912 : vector<16xi32>
    %add3A_914 = arith.constant 16 : i32
    %add3A_915 = vector.broadcast %add3A_914 : i32 to vector<16xi32>
    %add3A_916 = arith.addi %xor3A_910, %add3A_915 : vector<16xi32>
    %select_n3A_917 = arith.select %lt3A_913, %add3A_916, %xor3A_910 : vector<16xi1>, vector<16xi32>
    %broadcast_in_dim3A_918 = vector.shape_cast %select_n3A_917 : vector<16xi32> to vector<16x1xi32>
    %gather3A_919 = vector.shape_cast %broadcast_in_dim3A_918 : vector<16x1xi32> to vector<16xi32>
    %gather3A_920 = tpu.dynamic_gather %add3A_907[%gather3A_919] in [0] : vector<16xf32>, vector<16xi32> -> vector<16xf32>
    %add3A_921 = arith.addf %add3A_907, %gather3A_920 : vector<16xf32>
    %xor3A_922 = arith.constant 1 : i32
    %xor3A_923 = vector.broadcast %xor3A_922 : i32 to vector<16xi32>
    %xor3A_924 = arith.xori %iota3A, %xor3A_923 : vector<16xi32>
    %lt3A_925 = arith.constant 0 : i32
    %lt3A_926 = vector.broadcast %lt3A_925 : i32 to vector<16xi32>
    %lt3A_927 = arith.cmpi slt, %xor3A_924, %lt3A_926 : vector<16xi32>
    %add3A_928 = arith.constant 16 : i32
    %add3A_929 = vector.broadcast %add3A_928 : i32 to vector<16xi32>
    %add3A_930 = arith.addi %xor3A_924, %add3A_929 : vector<16xi32>
    %select_n3A_931 = arith.select %lt3A_927, %add3A_930, %xor3A_924 : vector<16xi1>, vector<16xi32>
    %broadcast_in_dim3A_932 = vector.shape_cast %select_n3A_931 : vector<16xi32> to vector<16x1xi32>
    %gather3A_933 = vector.shape_cast %broadcast_in_dim3A_932 : vector<16x1xi32> to vector<16xi32>
    %gather3A_934 = tpu.dynamic_gather %add3A_921[%gather3A_933] in [0] : vector<16xf32>, vector<16xi32> -> vector<16xf32>
    %add3A_935 = arith.addf %add3A_921, %gather3A_934 : vector<16xf32>
    %select_n3A_936 = arith.select %eq3A_879, %add3A_935, %select_n3A_876 : vector<16xi1>, vector<16xf32>
    %eq3A_937 = arith.constant 5 : i32
    %eq3A_938 = vector.broadcast %eq3A_937 : i32 to vector<16xi32>
    %eq3A_939 = arith.cmpi eq, %iota3A, %eq3A_938 : vector<16xi32>
    %xor3A_940 = arith.constant 8 : i32
    %xor3A_941 = vector.broadcast %xor3A_940 : i32 to vector<16xi32>
    %xor3A_942 = arith.xori %iota3A, %xor3A_941 : vector<16xi32>
    %lt3A_943 = arith.constant 0 : i32
    %lt3A_944 = vector.broadcast %lt3A_943 : i32 to vector<16xi32>
    %lt3A_945 = arith.cmpi slt, %xor3A_942, %lt3A_944 : vector<16xi32>
    %add3A_946 = arith.constant 16 : i32
    %add3A_947 = vector.broadcast %add3A_946 : i32 to vector<16xi32>
    %add3A_948 = arith.addi %xor3A_942, %add3A_947 : vector<16xi32>
    %select_n3A_949 = arith.select %lt3A_945, %add3A_948, %xor3A_942 : vector<16xi1>, vector<16xi32>
    %broadcast_in_dim3A_950 = vector.shape_cast %select_n3A_949 : vector<16xi32> to vector<16x1xi32>
    %gather3A_951 = vector.shape_cast %broadcast_in_dim3A_950 : vector<16x1xi32> to vector<16xi32>
    %gather3A_952 = tpu.dynamic_gather %scan3A_154#13[%gather3A_951] in [0] : vector<16xf32>, vector<16xi32> -> vector<16xf32>
    %add3A_953 = arith.addf %scan3A_154#13, %gather3A_952 : vector<16xf32>
    %xor3A_954 = arith.constant 4 : i32
    %xor3A_955 = vector.broadcast %xor3A_954 : i32 to vector<16xi32>
    %xor3A_956 = arith.xori %iota3A, %xor3A_955 : vector<16xi32>
    %lt3A_957 = arith.constant 0 : i32
    %lt3A_958 = vector.broadcast %lt3A_957 : i32 to vector<16xi32>
    %lt3A_959 = arith.cmpi slt, %xor3A_956, %lt3A_958 : vector<16xi32>
    %add3A_960 = arith.constant 16 : i32
    %add3A_961 = vector.broadcast %add3A_960 : i32 to vector<16xi32>
    %add3A_962 = arith.addi %xor3A_956, %add3A_961 : vector<16xi32>
    %select_n3A_963 = arith.select %lt3A_959, %add3A_962, %xor3A_956 : vector<16xi1>, vector<16xi32>
    %broadcast_in_dim3A_964 = vector.shape_cast %select_n3A_963 : vector<16xi32> to vector<16x1xi32>
    %gather3A_965 = vector.shape_cast %broadcast_in_dim3A_964 : vector<16x1xi32> to vector<16xi32>
    %gather3A_966 = tpu.dynamic_gather %add3A_953[%gather3A_965] in [0] : vector<16xf32>, vector<16xi32> -> vector<16xf32>
    %add3A_967 = arith.addf %add3A_953, %gather3A_966 : vector<16xf32>
    %xor3A_968 = arith.constant 2 : i32
    %xor3A_969 = vector.broadcast %xor3A_968 : i32 to vector<16xi32>
    %xor3A_970 = arith.xori %iota3A, %xor3A_969 : vector<16xi32>
    %lt3A_971 = arith.constant 0 : i32
    %lt3A_972 = vector.broadcast %lt3A_971 : i32 to vector<16xi32>
    %lt3A_973 = arith.cmpi slt, %xor3A_970, %lt3A_972 : vector<16xi32>
    %add3A_974 = arith.constant 16 : i32
    %add3A_975 = vector.broadcast %add3A_974 : i32 to vector<16xi32>
    %add3A_976 = arith.addi %xor3A_970, %add3A_975 : vector<16xi32>
    %select_n3A_977 = arith.select %lt3A_973, %add3A_976, %xor3A_970 : vector<16xi1>, vector<16xi32>
    %broadcast_in_dim3A_978 = vector.shape_cast %select_n3A_977 : vector<16xi32> to vector<16x1xi32>
    %gather3A_979 = vector.shape_cast %broadcast_in_dim3A_978 : vector<16x1xi32> to vector<16xi32>
    %gather3A_980 = tpu.dynamic_gather %add3A_967[%gather3A_979] in [0] : vector<16xf32>, vector<16xi32> -> vector<16xf32>
    %add3A_981 = arith.addf %add3A_967, %gather3A_980 : vector<16xf32>
    %xor3A_982 = arith.constant 1 : i32
    %xor3A_983 = vector.broadcast %xor3A_982 : i32 to vector<16xi32>
    %xor3A_984 = arith.xori %iota3A, %xor3A_983 : vector<16xi32>
    %lt3A_985 = arith.constant 0 : i32
    %lt3A_986 = vector.broadcast %lt3A_985 : i32 to vector<16xi32>
    %lt3A_987 = arith.cmpi slt, %xor3A_984, %lt3A_986 : vector<16xi32>
    %add3A_988 = arith.constant 16 : i32
    %add3A_989 = vector.broadcast %add3A_988 : i32 to vector<16xi32>
    %add3A_990 = arith.addi %xor3A_984, %add3A_989 : vector<16xi32>
    %select_n3A_991 = arith.select %lt3A_987, %add3A_990, %xor3A_984 : vector<16xi1>, vector<16xi32>
    %broadcast_in_dim3A_992 = vector.shape_cast %select_n3A_991 : vector<16xi32> to vector<16x1xi32>
    %gather3A_993 = vector.shape_cast %broadcast_in_dim3A_992 : vector<16x1xi32> to vector<16xi32>
    %gather3A_994 = tpu.dynamic_gather %add3A_981[%gather3A_993] in [0] : vector<16xf32>, vector<16xi32> -> vector<16xf32>
    %add3A_995 = arith.addf %add3A_981, %gather3A_994 : vector<16xf32>
    %select_n3A_996 = arith.select %eq3A_939, %add3A_995, %select_n3A_936 : vector<16xi1>, vector<16xf32>
    %eq3A_997 = arith.constant 6 : i32
    %eq3A_998 = vector.broadcast %eq3A_997 : i32 to vector<16xi32>
    %eq3A_999 = arith.cmpi eq, %iota3A, %eq3A_998 : vector<16xi32>
    %xor3A_1000 = arith.constant 8 : i32
    %xor3A_1001 = vector.broadcast %xor3A_1000 : i32 to vector<16xi32>
    %xor3A_1002 = arith.xori %iota3A, %xor3A_1001 : vector<16xi32>
    %lt3A_1003 = arith.constant 0 : i32
    %lt3A_1004 = vector.broadcast %lt3A_1003 : i32 to vector<16xi32>
    %lt3A_1005 = arith.cmpi slt, %xor3A_1002, %lt3A_1004 : vector<16xi32>
    %add3A_1006 = arith.constant 16 : i32
    %add3A_1007 = vector.broadcast %add3A_1006 : i32 to vector<16xi32>
    %add3A_1008 = arith.addi %xor3A_1002, %add3A_1007 : vector<16xi32>
    %select_n3A_1009 = arith.select %lt3A_1005, %add3A_1008, %xor3A_1002 : vector<16xi1>, vector<16xi32>
    %broadcast_in_dim3A_1010 = vector.shape_cast %select_n3A_1009 : vector<16xi32> to vector<16x1xi32>
    %gather3A_1011 = vector.shape_cast %broadcast_in_dim3A_1010 : vector<16x1xi32> to vector<16xi32>
    %gather3A_1012 = tpu.dynamic_gather %scan3A_154#14[%gather3A_1011] in [0] : vector<16xf32>, vector<16xi32> -> vector<16xf32>
    %add3A_1013 = arith.addf %scan3A_154#14, %gather3A_1012 : vector<16xf32>
    %xor3A_1014 = arith.constant 4 : i32
    %xor3A_1015 = vector.broadcast %xor3A_1014 : i32 to vector<16xi32>
    %xor3A_1016 = arith.xori %iota3A, %xor3A_1015 : vector<16xi32>
    %lt3A_1017 = arith.constant 0 : i32
    %lt3A_1018 = vector.broadcast %lt3A_1017 : i32 to vector<16xi32>
    %lt3A_1019 = arith.cmpi slt, %xor3A_1016, %lt3A_1018 : vector<16xi32>
    %add3A_1020 = arith.constant 16 : i32
    %add3A_1021 = vector.broadcast %add3A_1020 : i32 to vector<16xi32>
    %add3A_1022 = arith.addi %xor3A_1016, %add3A_1021 : vector<16xi32>
    %select_n3A_1023 = arith.select %lt3A_1019, %add3A_1022, %xor3A_1016 : vector<16xi1>, vector<16xi32>
    %broadcast_in_dim3A_1024 = vector.shape_cast %select_n3A_1023 : vector<16xi32> to vector<16x1xi32>
    %gather3A_1025 = vector.shape_cast %broadcast_in_dim3A_1024 : vector<16x1xi32> to vector<16xi32>
    %gather3A_1026 = tpu.dynamic_gather %add3A_1013[%gather3A_1025] in [0] : vector<16xf32>, vector<16xi32> -> vector<16xf32>
    %add3A_1027 = arith.addf %add3A_1013, %gather3A_1026 : vector<16xf32>
    %xor3A_1028 = arith.constant 2 : i32
    %xor3A_1029 = vector.broadcast %xor3A_1028 : i32 to vector<16xi32>
    %xor3A_1030 = arith.xori %iota3A, %xor3A_1029 : vector<16xi32>
    %lt3A_1031 = arith.constant 0 : i32
    %lt3A_1032 = vector.broadcast %lt3A_1031 : i32 to vector<16xi32>
    %lt3A_1033 = arith.cmpi slt, %xor3A_1030, %lt3A_1032 : vector<16xi32>
    %add3A_1034 = arith.constant 16 : i32
    %add3A_1035 = vector.broadcast %add3A_1034 : i32 to vector<16xi32>
    %add3A_1036 = arith.addi %xor3A_1030, %add3A_1035 : vector<16xi32>
    %select_n3A_1037 = arith.select %lt3A_1033, %add3A_1036, %xor3A_1030 : vector<16xi1>, vector<16xi32>
    %broadcast_in_dim3A_1038 = vector.shape_cast %select_n3A_1037 : vector<16xi32> to vector<16x1xi32>
    %gather3A_1039 = vector.shape_cast %broadcast_in_dim3A_1038 : vector<16x1xi32> to vector<16xi32>
    %gather3A_1040 = tpu.dynamic_gather %add3A_1027[%gather3A_1039] in [0] : vector<16xf32>, vector<16xi32> -> vector<16xf32>
    %add3A_1041 = arith.addf %add3A_1027, %gather3A_1040 : vector<16xf32>
    %xor3A_1042 = arith.constant 1 : i32
    %xor3A_1043 = vector.broadcast %xor3A_1042 : i32 to vector<16xi32>
    %xor3A_1044 = arith.xori %iota3A, %xor3A_1043 : vector<16xi32>
    %lt3A_1045 = arith.constant 0 : i32
    %lt3A_1046 = vector.broadcast %lt3A_1045 : i32 to vector<16xi32>
    %lt3A_1047 = arith.cmpi slt, %xor3A_1044, %lt3A_1046 : vector<16xi32>
    %add3A_1048 = arith.constant 16 : i32
    %add3A_1049 = vector.broadcast %add3A_1048 : i32 to vector<16xi32>
    %add3A_1050 = arith.addi %xor3A_1044, %add3A_1049 : vector<16xi32>
    %select_n3A_1051 = arith.select %lt3A_1047, %add3A_1050, %xor3A_1044 : vector<16xi1>, vector<16xi32>
    %broadcast_in_dim3A_1052 = vector.shape_cast %select_n3A_1051 : vector<16xi32> to vector<16x1xi32>
    %gather3A_1053 = vector.shape_cast %broadcast_in_dim3A_1052 : vector<16x1xi32> to vector<16xi32>
    %gather3A_1054 = tpu.dynamic_gather %add3A_1041[%gather3A_1053] in [0] : vector<16xf32>, vector<16xi32> -> vector<16xf32>
    %add3A_1055 = arith.addf %add3A_1041, %gather3A_1054 : vector<16xf32>
    %select_n3A_1056 = arith.select %eq3A_999, %add3A_1055, %select_n3A_996 : vector<16xi1>, vector<16xf32>
    %eq3A_1057 = arith.constant 7 : i32
    %eq3A_1058 = vector.broadcast %eq3A_1057 : i32 to vector<16xi32>
    %eq3A_1059 = arith.cmpi eq, %iota3A, %eq3A_1058 : vector<16xi32>
    %xor3A_1060 = arith.constant 8 : i32
    %xor3A_1061 = vector.broadcast %xor3A_1060 : i32 to vector<16xi32>
    %xor3A_1062 = arith.xori %iota3A, %xor3A_1061 : vector<16xi32>
    %lt3A_1063 = arith.constant 0 : i32
    %lt3A_1064 = vector.broadcast %lt3A_1063 : i32 to vector<16xi32>
    %lt3A_1065 = arith.cmpi slt, %xor3A_1062, %lt3A_1064 : vector<16xi32>
    %add3A_1066 = arith.constant 16 : i32
    %add3A_1067 = vector.broadcast %add3A_1066 : i32 to vector<16xi32>
    %add3A_1068 = arith.addi %xor3A_1062, %add3A_1067 : vector<16xi32>
    %select_n3A_1069 = arith.select %lt3A_1065, %add3A_1068, %xor3A_1062 : vector<16xi1>, vector<16xi32>
    %broadcast_in_dim3A_1070 = vector.shape_cast %select_n3A_1069 : vector<16xi32> to vector<16x1xi32>
    %gather3A_1071 = vector.shape_cast %broadcast_in_dim3A_1070 : vector<16x1xi32> to vector<16xi32>
    %gather3A_1072 = tpu.dynamic_gather %scan3A_154#15[%gather3A_1071] in [0] : vector<16xf32>, vector<16xi32> -> vector<16xf32>
    %add3A_1073 = arith.addf %scan3A_154#15, %gather3A_1072 : vector<16xf32>
    %xor3A_1074 = arith.constant 4 : i32
    %xor3A_1075 = vector.broadcast %xor3A_1074 : i32 to vector<16xi32>
    %xor3A_1076 = arith.xori %iota3A, %xor3A_1075 : vector<16xi32>
    %lt3A_1077 = arith.constant 0 : i32
    %lt3A_1078 = vector.broadcast %lt3A_1077 : i32 to vector<16xi32>
    %lt3A_1079 = arith.cmpi slt, %xor3A_1076, %lt3A_1078 : vector<16xi32>
    %add3A_1080 = arith.constant 16 : i32
    %add3A_1081 = vector.broadcast %add3A_1080 : i32 to vector<16xi32>
    %add3A_1082 = arith.addi %xor3A_1076, %add3A_1081 : vector<16xi32>
    %select_n3A_1083 = arith.select %lt3A_1079, %add3A_1082, %xor3A_1076 : vector<16xi1>, vector<16xi32>
    %broadcast_in_dim3A_1084 = vector.shape_cast %select_n3A_1083 : vector<16xi32> to vector<16x1xi32>
    %gather3A_1085 = vector.shape_cast %broadcast_in_dim3A_1084 : vector<16x1xi32> to vector<16xi32>
    %gather3A_1086 = tpu.dynamic_gather %add3A_1073[%gather3A_1085] in [0] : vector<16xf32>, vector<16xi32> -> vector<16xf32>
    %add3A_1087 = arith.addf %add3A_1073, %gather3A_1086 : vector<16xf32>
    %xor3A_1088 = arith.constant 2 : i32
    %xor3A_1089 = vector.broadcast %xor3A_1088 : i32 to vector<16xi32>
    %xor3A_1090 = arith.xori %iota3A, %xor3A_1089 : vector<16xi32>
    %lt3A_1091 = arith.constant 0 : i32
    %lt3A_1092 = vector.broadcast %lt3A_1091 : i32 to vector<16xi32>
    %lt3A_1093 = arith.cmpi slt, %xor3A_1090, %lt3A_1092 : vector<16xi32>
    %add3A_1094 = arith.constant 16 : i32
    %add3A_1095 = vector.broadcast %add3A_1094 : i32 to vector<16xi32>
    %add3A_1096 = arith.addi %xor3A_1090, %add3A_1095 : vector<16xi32>
    %select_n3A_1097 = arith.select %lt3A_1093, %add3A_1096, %xor3A_1090 : vector<16xi1>, vector<16xi32>
    %broadcast_in_dim3A_1098 = vector.shape_cast %select_n3A_1097 : vector<16xi32> to vector<16x1xi32>
    %gather3A_1099 = vector.shape_cast %broadcast_in_dim3A_1098 : vector<16x1xi32> to vector<16xi32>
    %gather3A_1100 = tpu.dynamic_gather %add3A_1087[%gather3A_1099] in [0] : vector<16xf32>, vector<16xi32> -> vector<16xf32>
    %add3A_1101 = arith.addf %add3A_1087, %gather3A_1100 : vector<16xf32>
    %xor3A_1102 = arith.constant 1 : i32
    %xor3A_1103 = vector.broadcast %xor3A_1102 : i32 to vector<16xi32>
    %xor3A_1104 = arith.xori %iota3A, %xor3A_1103 : vector<16xi32>
    %lt3A_1105 = arith.constant 0 : i32
    %lt3A_1106 = vector.broadcast %lt3A_1105 : i32 to vector<16xi32>
    %lt3A_1107 = arith.cmpi slt, %xor3A_1104, %lt3A_1106 : vector<16xi32>
    %add3A_1108 = arith.constant 16 : i32
    %add3A_1109 = vector.broadcast %add3A_1108 : i32 to vector<16xi32>
    %add3A_1110 = arith.addi %xor3A_1104, %add3A_1109 : vector<16xi32>
    %select_n3A_1111 = arith.select %lt3A_1107, %add3A_1110, %xor3A_1104 : vector<16xi1>, vector<16xi32>
    %broadcast_in_dim3A_1112 = vector.shape_cast %select_n3A_1111 : vector<16xi32> to vector<16x1xi32>
    %gather3A_1113 = vector.shape_cast %broadcast_in_dim3A_1112 : vector<16x1xi32> to vector<16xi32>
    %gather3A_1114 = tpu.dynamic_gather %add3A_1101[%gather3A_1113] in [0] : vector<16xf32>, vector<16xi32> -> vector<16xf32>
    %add3A_1115 = arith.addf %add3A_1101, %gather3A_1114 : vector<16xf32>
    %select_n3A_1116 = arith.select %eq3A_1059, %add3A_1115, %select_n3A_1056 : vector<16xi1>, vector<16xf32>
    %slice3A_1117 = vector.extract_strided_slice %get3A_51 {offsets = [1], sizes = [1], strides = [1]} : vector<16xf32> to vector<1xf32>
    %squeeze3A_1118 = vector.extract %slice3A_1117[0] : f32 from vector<1xf32>
    %add3A_1119 = vector.broadcast %squeeze3A_1118 : f32 to vector<16xf32>
    %add3A_1120 = arith.addf %select_n3A_1116, %add3A_1119 : vector<16xf32>
    %broadcast_in_dim3A_1121 = arith.constant 0.000000e+00 : f32
    %broadcast_in_dim3A_1122 = vector.broadcast %broadcast_in_dim3A_1121 : f32 to vector<16xf32>
    %eq3A_1123 = arith.constant 0 : i32
    %eq3A_1124 = vector.broadcast %eq3A_1123 : i32 to vector<16xi32>
    %eq3A_1125 = arith.cmpi eq, %iota3A, %eq3A_1124 : vector<16xi32>
    %xor3A_1126 = arith.constant 8 : i32
    %xor3A_1127 = vector.broadcast %xor3A_1126 : i32 to vector<16xi32>
    %xor3A_1128 = arith.xori %iota3A, %xor3A_1127 : vector<16xi32>
    %lt3A_1129 = arith.constant 0 : i32
    %lt3A_1130 = vector.broadcast %lt3A_1129 : i32 to vector<16xi32>
    %lt3A_1131 = arith.cmpi slt, %xor3A_1128, %lt3A_1130 : vector<16xi32>
    %add3A_1132 = arith.constant 16 : i32
    %add3A_1133 = vector.broadcast %add3A_1132 : i32 to vector<16xi32>
    %add3A_1134 = arith.addi %xor3A_1128, %add3A_1133 : vector<16xi32>
    %select_n3A_1135 = arith.select %lt3A_1131, %add3A_1134, %xor3A_1128 : vector<16xi1>, vector<16xi32>
    %broadcast_in_dim3A_1136 = vector.shape_cast %select_n3A_1135 : vector<16xi32> to vector<16x1xi32>
    %gather3A_1137 = vector.shape_cast %broadcast_in_dim3A_1136 : vector<16x1xi32> to vector<16xi32>
    %gather3A_1138 = tpu.dynamic_gather %scan3A_154#16[%gather3A_1137] in [0] : vector<16xf32>, vector<16xi32> -> vector<16xf32>
    %add3A_1139 = arith.addf %scan3A_154#16, %gather3A_1138 : vector<16xf32>
    %xor3A_1140 = arith.constant 4 : i32
    %xor3A_1141 = vector.broadcast %xor3A_1140 : i32 to vector<16xi32>
    %xor3A_1142 = arith.xori %iota3A, %xor3A_1141 : vector<16xi32>
    %lt3A_1143 = arith.constant 0 : i32
    %lt3A_1144 = vector.broadcast %lt3A_1143 : i32 to vector<16xi32>
    %lt3A_1145 = arith.cmpi slt, %xor3A_1142, %lt3A_1144 : vector<16xi32>
    %add3A_1146 = arith.constant 16 : i32
    %add3A_1147 = vector.broadcast %add3A_1146 : i32 to vector<16xi32>
    %add3A_1148 = arith.addi %xor3A_1142, %add3A_1147 : vector<16xi32>
    %select_n3A_1149 = arith.select %lt3A_1145, %add3A_1148, %xor3A_1142 : vector<16xi1>, vector<16xi32>
    %broadcast_in_dim3A_1150 = vector.shape_cast %select_n3A_1149 : vector<16xi32> to vector<16x1xi32>
    %gather3A_1151 = vector.shape_cast %broadcast_in_dim3A_1150 : vector<16x1xi32> to vector<16xi32>
    %gather3A_1152 = tpu.dynamic_gather %add3A_1139[%gather3A_1151] in [0] : vector<16xf32>, vector<16xi32> -> vector<16xf32>
    %add3A_1153 = arith.addf %add3A_1139, %gather3A_1152 : vector<16xf32>
    %xor3A_1154 = arith.constant 2 : i32
    %xor3A_1155 = vector.broadcast %xor3A_1154 : i32 to vector<16xi32>
    %xor3A_1156 = arith.xori %iota3A, %xor3A_1155 : vector<16xi32>
    %lt3A_1157 = arith.constant 0 : i32
    %lt3A_1158 = vector.broadcast %lt3A_1157 : i32 to vector<16xi32>
    %lt3A_1159 = arith.cmpi slt, %xor3A_1156, %lt3A_1158 : vector<16xi32>
    %add3A_1160 = arith.constant 16 : i32
    %add3A_1161 = vector.broadcast %add3A_1160 : i32 to vector<16xi32>
    %add3A_1162 = arith.addi %xor3A_1156, %add3A_1161 : vector<16xi32>
    %select_n3A_1163 = arith.select %lt3A_1159, %add3A_1162, %xor3A_1156 : vector<16xi1>, vector<16xi32>
    %broadcast_in_dim3A_1164 = vector.shape_cast %select_n3A_1163 : vector<16xi32> to vector<16x1xi32>
    %gather3A_1165 = vector.shape_cast %broadcast_in_dim3A_1164 : vector<16x1xi32> to vector<16xi32>
    %gather3A_1166 = tpu.dynamic_gather %add3A_1153[%gather3A_1165] in [0] : vector<16xf32>, vector<16xi32> -> vector<16xf32>
    %add3A_1167 = arith.addf %add3A_1153, %gather3A_1166 : vector<16xf32>
    %xor3A_1168 = arith.constant 1 : i32
    %xor3A_1169 = vector.broadcast %xor3A_1168 : i32 to vector<16xi32>
    %xor3A_1170 = arith.xori %iota3A, %xor3A_1169 : vector<16xi32>
    %lt3A_1171 = arith.constant 0 : i32
    %lt3A_1172 = vector.broadcast %lt3A_1171 : i32 to vector<16xi32>
    %lt3A_1173 = arith.cmpi slt, %xor3A_1170, %lt3A_1172 : vector<16xi32>
    %add3A_1174 = arith.constant 16 : i32
    %add3A_1175 = vector.broadcast %add3A_1174 : i32 to vector<16xi32>
    %add3A_1176 = arith.addi %xor3A_1170, %add3A_1175 : vector<16xi32>
    %select_n3A_1177 = arith.select %lt3A_1173, %add3A_1176, %xor3A_1170 : vector<16xi1>, vector<16xi32>
    %broadcast_in_dim3A_1178 = vector.shape_cast %select_n3A_1177 : vector<16xi32> to vector<16x1xi32>
    %gather3A_1179 = vector.shape_cast %broadcast_in_dim3A_1178 : vector<16x1xi32> to vector<16xi32>
    %gather3A_1180 = tpu.dynamic_gather %add3A_1167[%gather3A_1179] in [0] : vector<16xf32>, vector<16xi32> -> vector<16xf32>
    %add3A_1181 = arith.addf %add3A_1167, %gather3A_1180 : vector<16xf32>
    %select_n3A_1182 = arith.select %eq3A_1125, %add3A_1181, %broadcast_in_dim3A_1122 : vector<16xi1>, vector<16xf32>
    %eq3A_1183 = arith.constant 1 : i32
    %eq3A_1184 = vector.broadcast %eq3A_1183 : i32 to vector<16xi32>
    %eq3A_1185 = arith.cmpi eq, %iota3A, %eq3A_1184 : vector<16xi32>
    %xor3A_1186 = arith.constant 8 : i32
    %xor3A_1187 = vector.broadcast %xor3A_1186 : i32 to vector<16xi32>
    %xor3A_1188 = arith.xori %iota3A, %xor3A_1187 : vector<16xi32>
    %lt3A_1189 = arith.constant 0 : i32
    %lt3A_1190 = vector.broadcast %lt3A_1189 : i32 to vector<16xi32>
    %lt3A_1191 = arith.cmpi slt, %xor3A_1188, %lt3A_1190 : vector<16xi32>
    %add3A_1192 = arith.constant 16 : i32
    %add3A_1193 = vector.broadcast %add3A_1192 : i32 to vector<16xi32>
    %add3A_1194 = arith.addi %xor3A_1188, %add3A_1193 : vector<16xi32>
    %select_n3A_1195 = arith.select %lt3A_1191, %add3A_1194, %xor3A_1188 : vector<16xi1>, vector<16xi32>
    %broadcast_in_dim3A_1196 = vector.shape_cast %select_n3A_1195 : vector<16xi32> to vector<16x1xi32>
    %gather3A_1197 = vector.shape_cast %broadcast_in_dim3A_1196 : vector<16x1xi32> to vector<16xi32>
    %gather3A_1198 = tpu.dynamic_gather %scan3A_154#17[%gather3A_1197] in [0] : vector<16xf32>, vector<16xi32> -> vector<16xf32>
    %add3A_1199 = arith.addf %scan3A_154#17, %gather3A_1198 : vector<16xf32>
    %xor3A_1200 = arith.constant 4 : i32
    %xor3A_1201 = vector.broadcast %xor3A_1200 : i32 to vector<16xi32>
    %xor3A_1202 = arith.xori %iota3A, %xor3A_1201 : vector<16xi32>
    %lt3A_1203 = arith.constant 0 : i32
    %lt3A_1204 = vector.broadcast %lt3A_1203 : i32 to vector<16xi32>
    %lt3A_1205 = arith.cmpi slt, %xor3A_1202, %lt3A_1204 : vector<16xi32>
    %add3A_1206 = arith.constant 16 : i32
    %add3A_1207 = vector.broadcast %add3A_1206 : i32 to vector<16xi32>
    %add3A_1208 = arith.addi %xor3A_1202, %add3A_1207 : vector<16xi32>
    %select_n3A_1209 = arith.select %lt3A_1205, %add3A_1208, %xor3A_1202 : vector<16xi1>, vector<16xi32>
    %broadcast_in_dim3A_1210 = vector.shape_cast %select_n3A_1209 : vector<16xi32> to vector<16x1xi32>
    %gather3A_1211 = vector.shape_cast %broadcast_in_dim3A_1210 : vector<16x1xi32> to vector<16xi32>
    %gather3A_1212 = tpu.dynamic_gather %add3A_1199[%gather3A_1211] in [0] : vector<16xf32>, vector<16xi32> -> vector<16xf32>
    %add3A_1213 = arith.addf %add3A_1199, %gather3A_1212 : vector<16xf32>
    %xor3A_1214 = arith.constant 2 : i32
    %xor3A_1215 = vector.broadcast %xor3A_1214 : i32 to vector<16xi32>
    %xor3A_1216 = arith.xori %iota3A, %xor3A_1215 : vector<16xi32>
    %lt3A_1217 = arith.constant 0 : i32
    %lt3A_1218 = vector.broadcast %lt3A_1217 : i32 to vector<16xi32>
    %lt3A_1219 = arith.cmpi slt, %xor3A_1216, %lt3A_1218 : vector<16xi32>
    %add3A_1220 = arith.constant 16 : i32
    %add3A_1221 = vector.broadcast %add3A_1220 : i32 to vector<16xi32>
    %add3A_1222 = arith.addi %xor3A_1216, %add3A_1221 : vector<16xi32>
    %select_n3A_1223 = arith.select %lt3A_1219, %add3A_1222, %xor3A_1216 : vector<16xi1>, vector<16xi32>
    %broadcast_in_dim3A_1224 = vector.shape_cast %select_n3A_1223 : vector<16xi32> to vector<16x1xi32>
    %gather3A_1225 = vector.shape_cast %broadcast_in_dim3A_1224 : vector<16x1xi32> to vector<16xi32>
    %gather3A_1226 = tpu.dynamic_gather %add3A_1213[%gather3A_1225] in [0] : vector<16xf32>, vector<16xi32> -> vector<16xf32>
    %add3A_1227 = arith.addf %add3A_1213, %gather3A_1226 : vector<16xf32>
    %xor3A_1228 = arith.constant 1 : i32
    %xor3A_1229 = vector.broadcast %xor3A_1228 : i32 to vector<16xi32>
    %xor3A_1230 = arith.xori %iota3A, %xor3A_1229 : vector<16xi32>
    %lt3A_1231 = arith.constant 0 : i32
    %lt3A_1232 = vector.broadcast %lt3A_1231 : i32 to vector<16xi32>
    %lt3A_1233 = arith.cmpi slt, %xor3A_1230, %lt3A_1232 : vector<16xi32>
    %add3A_1234 = arith.constant 16 : i32
    %add3A_1235 = vector.broadcast %add3A_1234 : i32 to vector<16xi32>
    %add3A_1236 = arith.addi %xor3A_1230, %add3A_1235 : vector<16xi32>
    %select_n3A_1237 = arith.select %lt3A_1233, %add3A_1236, %xor3A_1230 : vector<16xi1>, vector<16xi32>
    %broadcast_in_dim3A_1238 = vector.shape_cast %select_n3A_1237 : vector<16xi32> to vector<16x1xi32>
    %gather3A_1239 = vector.shape_cast %broadcast_in_dim3A_1238 : vector<16x1xi32> to vector<16xi32>
    %gather3A_1240 = tpu.dynamic_gather %add3A_1227[%gather3A_1239] in [0] : vector<16xf32>, vector<16xi32> -> vector<16xf32>
    %add3A_1241 = arith.addf %add3A_1227, %gather3A_1240 : vector<16xf32>
    %select_n3A_1242 = arith.select %eq3A_1185, %add3A_1241, %select_n3A_1182 : vector<16xi1>, vector<16xf32>
    %eq3A_1243 = arith.constant 2 : i32
    %eq3A_1244 = vector.broadcast %eq3A_1243 : i32 to vector<16xi32>
    %eq3A_1245 = arith.cmpi eq, %iota3A, %eq3A_1244 : vector<16xi32>
    %xor3A_1246 = arith.constant 8 : i32
    %xor3A_1247 = vector.broadcast %xor3A_1246 : i32 to vector<16xi32>
    %xor3A_1248 = arith.xori %iota3A, %xor3A_1247 : vector<16xi32>
    %lt3A_1249 = arith.constant 0 : i32
    %lt3A_1250 = vector.broadcast %lt3A_1249 : i32 to vector<16xi32>
    %lt3A_1251 = arith.cmpi slt, %xor3A_1248, %lt3A_1250 : vector<16xi32>
    %add3A_1252 = arith.constant 16 : i32
    %add3A_1253 = vector.broadcast %add3A_1252 : i32 to vector<16xi32>
    %add3A_1254 = arith.addi %xor3A_1248, %add3A_1253 : vector<16xi32>
    %select_n3A_1255 = arith.select %lt3A_1251, %add3A_1254, %xor3A_1248 : vector<16xi1>, vector<16xi32>
    %broadcast_in_dim3A_1256 = vector.shape_cast %select_n3A_1255 : vector<16xi32> to vector<16x1xi32>
    %gather3A_1257 = vector.shape_cast %broadcast_in_dim3A_1256 : vector<16x1xi32> to vector<16xi32>
    %gather3A_1258 = tpu.dynamic_gather %scan3A_154#18[%gather3A_1257] in [0] : vector<16xf32>, vector<16xi32> -> vector<16xf32>
    %add3A_1259 = arith.addf %scan3A_154#18, %gather3A_1258 : vector<16xf32>
    %xor3A_1260 = arith.constant 4 : i32
    %xor3A_1261 = vector.broadcast %xor3A_1260 : i32 to vector<16xi32>
    %xor3A_1262 = arith.xori %iota3A, %xor3A_1261 : vector<16xi32>
    %lt3A_1263 = arith.constant 0 : i32
    %lt3A_1264 = vector.broadcast %lt3A_1263 : i32 to vector<16xi32>
    %lt3A_1265 = arith.cmpi slt, %xor3A_1262, %lt3A_1264 : vector<16xi32>
    %add3A_1266 = arith.constant 16 : i32
    %add3A_1267 = vector.broadcast %add3A_1266 : i32 to vector<16xi32>
    %add3A_1268 = arith.addi %xor3A_1262, %add3A_1267 : vector<16xi32>
    %select_n3A_1269 = arith.select %lt3A_1265, %add3A_1268, %xor3A_1262 : vector<16xi1>, vector<16xi32>
    %broadcast_in_dim3A_1270 = vector.shape_cast %select_n3A_1269 : vector<16xi32> to vector<16x1xi32>
    %gather3A_1271 = vector.shape_cast %broadcast_in_dim3A_1270 : vector<16x1xi32> to vector<16xi32>
    %gather3A_1272 = tpu.dynamic_gather %add3A_1259[%gather3A_1271] in [0] : vector<16xf32>, vector<16xi32> -> vector<16xf32>
    %add3A_1273 = arith.addf %add3A_1259, %gather3A_1272 : vector<16xf32>
    %xor3A_1274 = arith.constant 2 : i32
    %xor3A_1275 = vector.broadcast %xor3A_1274 : i32 to vector<16xi32>
    %xor3A_1276 = arith.xori %iota3A, %xor3A_1275 : vector<16xi32>
    %lt3A_1277 = arith.constant 0 : i32
    %lt3A_1278 = vector.broadcast %lt3A_1277 : i32 to vector<16xi32>
    %lt3A_1279 = arith.cmpi slt, %xor3A_1276, %lt3A_1278 : vector<16xi32>
    %add3A_1280 = arith.constant 16 : i32
    %add3A_1281 = vector.broadcast %add3A_1280 : i32 to vector<16xi32>
    %add3A_1282 = arith.addi %xor3A_1276, %add3A_1281 : vector<16xi32>
    %select_n3A_1283 = arith.select %lt3A_1279, %add3A_1282, %xor3A_1276 : vector<16xi1>, vector<16xi32>
    %broadcast_in_dim3A_1284 = vector.shape_cast %select_n3A_1283 : vector<16xi32> to vector<16x1xi32>
    %gather3A_1285 = vector.shape_cast %broadcast_in_dim3A_1284 : vector<16x1xi32> to vector<16xi32>
    %gather3A_1286 = tpu.dynamic_gather %add3A_1273[%gather3A_1285] in [0] : vector<16xf32>, vector<16xi32> -> vector<16xf32>
    %add3A_1287 = arith.addf %add3A_1273, %gather3A_1286 : vector<16xf32>
    %xor3A_1288 = arith.constant 1 : i32
    %xor3A_1289 = vector.broadcast %xor3A_1288 : i32 to vector<16xi32>
    %xor3A_1290 = arith.xori %iota3A, %xor3A_1289 : vector<16xi32>
    %lt3A_1291 = arith.constant 0 : i32
    %lt3A_1292 = vector.broadcast %lt3A_1291 : i32 to vector<16xi32>
    %lt3A_1293 = arith.cmpi slt, %xor3A_1290, %lt3A_1292 : vector<16xi32>
    %add3A_1294 = arith.constant 16 : i32
    %add3A_1295 = vector.broadcast %add3A_1294 : i32 to vector<16xi32>
    %add3A_1296 = arith.addi %xor3A_1290, %add3A_1295 : vector<16xi32>
    %select_n3A_1297 = arith.select %lt3A_1293, %add3A_1296, %xor3A_1290 : vector<16xi1>, vector<16xi32>
    %broadcast_in_dim3A_1298 = vector.shape_cast %select_n3A_1297 : vector<16xi32> to vector<16x1xi32>
    %gather3A_1299 = vector.shape_cast %broadcast_in_dim3A_1298 : vector<16x1xi32> to vector<16xi32>
    %gather3A_1300 = tpu.dynamic_gather %add3A_1287[%gather3A_1299] in [0] : vector<16xf32>, vector<16xi32> -> vector<16xf32>
    %add3A_1301 = arith.addf %add3A_1287, %gather3A_1300 : vector<16xf32>
    %select_n3A_1302 = arith.select %eq3A_1245, %add3A_1301, %select_n3A_1242 : vector<16xi1>, vector<16xf32>
    %eq3A_1303 = arith.constant 3 : i32
    %eq3A_1304 = vector.broadcast %eq3A_1303 : i32 to vector<16xi32>
    %eq3A_1305 = arith.cmpi eq, %iota3A, %eq3A_1304 : vector<16xi32>
    %xor3A_1306 = arith.constant 8 : i32
    %xor3A_1307 = vector.broadcast %xor3A_1306 : i32 to vector<16xi32>
    %xor3A_1308 = arith.xori %iota3A, %xor3A_1307 : vector<16xi32>
    %lt3A_1309 = arith.constant 0 : i32
    %lt3A_1310 = vector.broadcast %lt3A_1309 : i32 to vector<16xi32>
    %lt3A_1311 = arith.cmpi slt, %xor3A_1308, %lt3A_1310 : vector<16xi32>
    %add3A_1312 = arith.constant 16 : i32
    %add3A_1313 = vector.broadcast %add3A_1312 : i32 to vector<16xi32>
    %add3A_1314 = arith.addi %xor3A_1308, %add3A_1313 : vector<16xi32>
    %select_n3A_1315 = arith.select %lt3A_1311, %add3A_1314, %xor3A_1308 : vector<16xi1>, vector<16xi32>
    %broadcast_in_dim3A_1316 = vector.shape_cast %select_n3A_1315 : vector<16xi32> to vector<16x1xi32>
    %gather3A_1317 = vector.shape_cast %broadcast_in_dim3A_1316 : vector<16x1xi32> to vector<16xi32>
    %gather3A_1318 = tpu.dynamic_gather %scan3A_154#19[%gather3A_1317] in [0] : vector<16xf32>, vector<16xi32> -> vector<16xf32>
    %add3A_1319 = arith.addf %scan3A_154#19, %gather3A_1318 : vector<16xf32>
    %xor3A_1320 = arith.constant 4 : i32
    %xor3A_1321 = vector.broadcast %xor3A_1320 : i32 to vector<16xi32>
    %xor3A_1322 = arith.xori %iota3A, %xor3A_1321 : vector<16xi32>
    %lt3A_1323 = arith.constant 0 : i32
    %lt3A_1324 = vector.broadcast %lt3A_1323 : i32 to vector<16xi32>
    %lt3A_1325 = arith.cmpi slt, %xor3A_1322, %lt3A_1324 : vector<16xi32>
    %add3A_1326 = arith.constant 16 : i32
    %add3A_1327 = vector.broadcast %add3A_1326 : i32 to vector<16xi32>
    %add3A_1328 = arith.addi %xor3A_1322, %add3A_1327 : vector<16xi32>
    %select_n3A_1329 = arith.select %lt3A_1325, %add3A_1328, %xor3A_1322 : vector<16xi1>, vector<16xi32>
    %broadcast_in_dim3A_1330 = vector.shape_cast %select_n3A_1329 : vector<16xi32> to vector<16x1xi32>
    %gather3A_1331 = vector.shape_cast %broadcast_in_dim3A_1330 : vector<16x1xi32> to vector<16xi32>
    %gather3A_1332 = tpu.dynamic_gather %add3A_1319[%gather3A_1331] in [0] : vector<16xf32>, vector<16xi32> -> vector<16xf32>
    %add3A_1333 = arith.addf %add3A_1319, %gather3A_1332 : vector<16xf32>
    %xor3A_1334 = arith.constant 2 : i32
    %xor3A_1335 = vector.broadcast %xor3A_1334 : i32 to vector<16xi32>
    %xor3A_1336 = arith.xori %iota3A, %xor3A_1335 : vector<16xi32>
    %lt3A_1337 = arith.constant 0 : i32
    %lt3A_1338 = vector.broadcast %lt3A_1337 : i32 to vector<16xi32>
    %lt3A_1339 = arith.cmpi slt, %xor3A_1336, %lt3A_1338 : vector<16xi32>
    %add3A_1340 = arith.constant 16 : i32
    %add3A_1341 = vector.broadcast %add3A_1340 : i32 to vector<16xi32>
    %add3A_1342 = arith.addi %xor3A_1336, %add3A_1341 : vector<16xi32>
    %select_n3A_1343 = arith.select %lt3A_1339, %add3A_1342, %xor3A_1336 : vector<16xi1>, vector<16xi32>
    %broadcast_in_dim3A_1344 = vector.shape_cast %select_n3A_1343 : vector<16xi32> to vector<16x1xi32>
    %gather3A_1345 = vector.shape_cast %broadcast_in_dim3A_1344 : vector<16x1xi32> to vector<16xi32>
    %gather3A_1346 = tpu.dynamic_gather %add3A_1333[%gather3A_1345] in [0] : vector<16xf32>, vector<16xi32> -> vector<16xf32>
    %add3A_1347 = arith.addf %add3A_1333, %gather3A_1346 : vector<16xf32>
    %xor3A_1348 = arith.constant 1 : i32
    %xor3A_1349 = vector.broadcast %xor3A_1348 : i32 to vector<16xi32>
    %xor3A_1350 = arith.xori %iota3A, %xor3A_1349 : vector<16xi32>
    %lt3A_1351 = arith.constant 0 : i32
    %lt3A_1352 = vector.broadcast %lt3A_1351 : i32 to vector<16xi32>
    %lt3A_1353 = arith.cmpi slt, %xor3A_1350, %lt3A_1352 : vector<16xi32>
    %add3A_1354 = arith.constant 16 : i32
    %add3A_1355 = vector.broadcast %add3A_1354 : i32 to vector<16xi32>
    %add3A_1356 = arith.addi %xor3A_1350, %add3A_1355 : vector<16xi32>
    %select_n3A_1357 = arith.select %lt3A_1353, %add3A_1356, %xor3A_1350 : vector<16xi1>, vector<16xi32>
    %broadcast_in_dim3A_1358 = vector.shape_cast %select_n3A_1357 : vector<16xi32> to vector<16x1xi32>
    %gather3A_1359 = vector.shape_cast %broadcast_in_dim3A_1358 : vector<16x1xi32> to vector<16xi32>
    %gather3A_1360 = tpu.dynamic_gather %add3A_1347[%gather3A_1359] in [0] : vector<16xf32>, vector<16xi32> -> vector<16xf32>
    %add3A_1361 = arith.addf %add3A_1347, %gather3A_1360 : vector<16xf32>
    %select_n3A_1362 = arith.select %eq3A_1305, %add3A_1361, %select_n3A_1302 : vector<16xi1>, vector<16xf32>
    %eq3A_1363 = arith.constant 4 : i32
    %eq3A_1364 = vector.broadcast %eq3A_1363 : i32 to vector<16xi32>
    %eq3A_1365 = arith.cmpi eq, %iota3A, %eq3A_1364 : vector<16xi32>
    %xor3A_1366 = arith.constant 8 : i32
    %xor3A_1367 = vector.broadcast %xor3A_1366 : i32 to vector<16xi32>
    %xor3A_1368 = arith.xori %iota3A, %xor3A_1367 : vector<16xi32>
    %lt3A_1369 = arith.constant 0 : i32
    %lt3A_1370 = vector.broadcast %lt3A_1369 : i32 to vector<16xi32>
    %lt3A_1371 = arith.cmpi slt, %xor3A_1368, %lt3A_1370 : vector<16xi32>
    %add3A_1372 = arith.constant 16 : i32
    %add3A_1373 = vector.broadcast %add3A_1372 : i32 to vector<16xi32>
    %add3A_1374 = arith.addi %xor3A_1368, %add3A_1373 : vector<16xi32>
    %select_n3A_1375 = arith.select %lt3A_1371, %add3A_1374, %xor3A_1368 : vector<16xi1>, vector<16xi32>
    %broadcast_in_dim3A_1376 = vector.shape_cast %select_n3A_1375 : vector<16xi32> to vector<16x1xi32>
    %gather3A_1377 = vector.shape_cast %broadcast_in_dim3A_1376 : vector<16x1xi32> to vector<16xi32>
    %gather3A_1378 = tpu.dynamic_gather %scan3A_154#20[%gather3A_1377] in [0] : vector<16xf32>, vector<16xi32> -> vector<16xf32>
    %add3A_1379 = arith.addf %scan3A_154#20, %gather3A_1378 : vector<16xf32>
    %xor3A_1380 = arith.constant 4 : i32
    %xor3A_1381 = vector.broadcast %xor3A_1380 : i32 to vector<16xi32>
    %xor3A_1382 = arith.xori %iota3A, %xor3A_1381 : vector<16xi32>
    %lt3A_1383 = arith.constant 0 : i32
    %lt3A_1384 = vector.broadcast %lt3A_1383 : i32 to vector<16xi32>
    %lt3A_1385 = arith.cmpi slt, %xor3A_1382, %lt3A_1384 : vector<16xi32>
    %add3A_1386 = arith.constant 16 : i32
    %add3A_1387 = vector.broadcast %add3A_1386 : i32 to vector<16xi32>
    %add3A_1388 = arith.addi %xor3A_1382, %add3A_1387 : vector<16xi32>
    %select_n3A_1389 = arith.select %lt3A_1385, %add3A_1388, %xor3A_1382 : vector<16xi1>, vector<16xi32>
    %broadcast_in_dim3A_1390 = vector.shape_cast %select_n3A_1389 : vector<16xi32> to vector<16x1xi32>
    %gather3A_1391 = vector.shape_cast %broadcast_in_dim3A_1390 : vector<16x1xi32> to vector<16xi32>
    %gather3A_1392 = tpu.dynamic_gather %add3A_1379[%gather3A_1391] in [0] : vector<16xf32>, vector<16xi32> -> vector<16xf32>
    %add3A_1393 = arith.addf %add3A_1379, %gather3A_1392 : vector<16xf32>
    %xor3A_1394 = arith.constant 2 : i32
    %xor3A_1395 = vector.broadcast %xor3A_1394 : i32 to vector<16xi32>
    %xor3A_1396 = arith.xori %iota3A, %xor3A_1395 : vector<16xi32>
    %lt3A_1397 = arith.constant 0 : i32
    %lt3A_1398 = vector.broadcast %lt3A_1397 : i32 to vector<16xi32>
    %lt3A_1399 = arith.cmpi slt, %xor3A_1396, %lt3A_1398 : vector<16xi32>
    %add3A_1400 = arith.constant 16 : i32
    %add3A_1401 = vector.broadcast %add3A_1400 : i32 to vector<16xi32>
    %add3A_1402 = arith.addi %xor3A_1396, %add3A_1401 : vector<16xi32>
    %select_n3A_1403 = arith.select %lt3A_1399, %add3A_1402, %xor3A_1396 : vector<16xi1>, vector<16xi32>
    %broadcast_in_dim3A_1404 = vector.shape_cast %select_n3A_1403 : vector<16xi32> to vector<16x1xi32>
    %gather3A_1405 = vector.shape_cast %broadcast_in_dim3A_1404 : vector<16x1xi32> to vector<16xi32>
    %gather3A_1406 = tpu.dynamic_gather %add3A_1393[%gather3A_1405] in [0] : vector<16xf32>, vector<16xi32> -> vector<16xf32>
    %add3A_1407 = arith.addf %add3A_1393, %gather3A_1406 : vector<16xf32>
    %xor3A_1408 = arith.constant 1 : i32
    %xor3A_1409 = vector.broadcast %xor3A_1408 : i32 to vector<16xi32>
    %xor3A_1410 = arith.xori %iota3A, %xor3A_1409 : vector<16xi32>
    %lt3A_1411 = arith.constant 0 : i32
    %lt3A_1412 = vector.broadcast %lt3A_1411 : i32 to vector<16xi32>
    %lt3A_1413 = arith.cmpi slt, %xor3A_1410, %lt3A_1412 : vector<16xi32>
    %add3A_1414 = arith.constant 16 : i32
    %add3A_1415 = vector.broadcast %add3A_1414 : i32 to vector<16xi32>
    %add3A_1416 = arith.addi %xor3A_1410, %add3A_1415 : vector<16xi32>
    %select_n3A_1417 = arith.select %lt3A_1413, %add3A_1416, %xor3A_1410 : vector<16xi1>, vector<16xi32>
    %broadcast_in_dim3A_1418 = vector.shape_cast %select_n3A_1417 : vector<16xi32> to vector<16x1xi32>
    %gather3A_1419 = vector.shape_cast %broadcast_in_dim3A_1418 : vector<16x1xi32> to vector<16xi32>
    %gather3A_1420 = tpu.dynamic_gather %add3A_1407[%gather3A_1419] in [0] : vector<16xf32>, vector<16xi32> -> vector<16xf32>
    %add3A_1421 = arith.addf %add3A_1407, %gather3A_1420 : vector<16xf32>
    %select_n3A_1422 = arith.select %eq3A_1365, %add3A_1421, %select_n3A_1362 : vector<16xi1>, vector<16xf32>
    %eq3A_1423 = arith.constant 5 : i32
    %eq3A_1424 = vector.broadcast %eq3A_1423 : i32 to vector<16xi32>
    %eq3A_1425 = arith.cmpi eq, %iota3A, %eq3A_1424 : vector<16xi32>
    %xor3A_1426 = arith.constant 8 : i32
    %xor3A_1427 = vector.broadcast %xor3A_1426 : i32 to vector<16xi32>
    %xor3A_1428 = arith.xori %iota3A, %xor3A_1427 : vector<16xi32>
    %lt3A_1429 = arith.constant 0 : i32
    %lt3A_1430 = vector.broadcast %lt3A_1429 : i32 to vector<16xi32>
    %lt3A_1431 = arith.cmpi slt, %xor3A_1428, %lt3A_1430 : vector<16xi32>
    %add3A_1432 = arith.constant 16 : i32
    %add3A_1433 = vector.broadcast %add3A_1432 : i32 to vector<16xi32>
    %add3A_1434 = arith.addi %xor3A_1428, %add3A_1433 : vector<16xi32>
    %select_n3A_1435 = arith.select %lt3A_1431, %add3A_1434, %xor3A_1428 : vector<16xi1>, vector<16xi32>
    %broadcast_in_dim3A_1436 = vector.shape_cast %select_n3A_1435 : vector<16xi32> to vector<16x1xi32>
    %gather3A_1437 = vector.shape_cast %broadcast_in_dim3A_1436 : vector<16x1xi32> to vector<16xi32>
    %gather3A_1438 = tpu.dynamic_gather %scan3A_154#21[%gather3A_1437] in [0] : vector<16xf32>, vector<16xi32> -> vector<16xf32>
    %add3A_1439 = arith.addf %scan3A_154#21, %gather3A_1438 : vector<16xf32>
    %xor3A_1440 = arith.constant 4 : i32
    %xor3A_1441 = vector.broadcast %xor3A_1440 : i32 to vector<16xi32>
    %xor3A_1442 = arith.xori %iota3A, %xor3A_1441 : vector<16xi32>
    %lt3A_1443 = arith.constant 0 : i32
    %lt3A_1444 = vector.broadcast %lt3A_1443 : i32 to vector<16xi32>
    %lt3A_1445 = arith.cmpi slt, %xor3A_1442, %lt3A_1444 : vector<16xi32>
    %add3A_1446 = arith.constant 16 : i32
    %add3A_1447 = vector.broadcast %add3A_1446 : i32 to vector<16xi32>
    %add3A_1448 = arith.addi %xor3A_1442, %add3A_1447 : vector<16xi32>
    %select_n3A_1449 = arith.select %lt3A_1445, %add3A_1448, %xor3A_1442 : vector<16xi1>, vector<16xi32>
    %broadcast_in_dim3A_1450 = vector.shape_cast %select_n3A_1449 : vector<16xi32> to vector<16x1xi32>
    %gather3A_1451 = vector.shape_cast %broadcast_in_dim3A_1450 : vector<16x1xi32> to vector<16xi32>
    %gather3A_1452 = tpu.dynamic_gather %add3A_1439[%gather3A_1451] in [0] : vector<16xf32>, vector<16xi32> -> vector<16xf32>
    %add3A_1453 = arith.addf %add3A_1439, %gather3A_1452 : vector<16xf32>
    %xor3A_1454 = arith.constant 2 : i32
    %xor3A_1455 = vector.broadcast %xor3A_1454 : i32 to vector<16xi32>
    %xor3A_1456 = arith.xori %iota3A, %xor3A_1455 : vector<16xi32>
    %lt3A_1457 = arith.constant 0 : i32
    %lt3A_1458 = vector.broadcast %lt3A_1457 : i32 to vector<16xi32>
    %lt3A_1459 = arith.cmpi slt, %xor3A_1456, %lt3A_1458 : vector<16xi32>
    %add3A_1460 = arith.constant 16 : i32
    %add3A_1461 = vector.broadcast %add3A_1460 : i32 to vector<16xi32>
    %add3A_1462 = arith.addi %xor3A_1456, %add3A_1461 : vector<16xi32>
    %select_n3A_1463 = arith.select %lt3A_1459, %add3A_1462, %xor3A_1456 : vector<16xi1>, vector<16xi32>
    %broadcast_in_dim3A_1464 = vector.shape_cast %select_n3A_1463 : vector<16xi32> to vector<16x1xi32>
    %gather3A_1465 = vector.shape_cast %broadcast_in_dim3A_1464 : vector<16x1xi32> to vector<16xi32>
    %gather3A_1466 = tpu.dynamic_gather %add3A_1453[%gather3A_1465] in [0] : vector<16xf32>, vector<16xi32> -> vector<16xf32>
    %add3A_1467 = arith.addf %add3A_1453, %gather3A_1466 : vector<16xf32>
    %xor3A_1468 = arith.constant 1 : i32
    %xor3A_1469 = vector.broadcast %xor3A_1468 : i32 to vector<16xi32>
    %xor3A_1470 = arith.xori %iota3A, %xor3A_1469 : vector<16xi32>
    %lt3A_1471 = arith.constant 0 : i32
    %lt3A_1472 = vector.broadcast %lt3A_1471 : i32 to vector<16xi32>
    %lt3A_1473 = arith.cmpi slt, %xor3A_1470, %lt3A_1472 : vector<16xi32>
    %add3A_1474 = arith.constant 16 : i32
    %add3A_1475 = vector.broadcast %add3A_1474 : i32 to vector<16xi32>
    %add3A_1476 = arith.addi %xor3A_1470, %add3A_1475 : vector<16xi32>
    %select_n3A_1477 = arith.select %lt3A_1473, %add3A_1476, %xor3A_1470 : vector<16xi1>, vector<16xi32>
    %broadcast_in_dim3A_1478 = vector.shape_cast %select_n3A_1477 : vector<16xi32> to vector<16x1xi32>
    %gather3A_1479 = vector.shape_cast %broadcast_in_dim3A_1478 : vector<16x1xi32> to vector<16xi32>
    %gather3A_1480 = tpu.dynamic_gather %add3A_1467[%gather3A_1479] in [0] : vector<16xf32>, vector<16xi32> -> vector<16xf32>
    %add3A_1481 = arith.addf %add3A_1467, %gather3A_1480 : vector<16xf32>
    %select_n3A_1482 = arith.select %eq3A_1425, %add3A_1481, %select_n3A_1422 : vector<16xi1>, vector<16xf32>
    %eq3A_1483 = arith.constant 6 : i32
    %eq3A_1484 = vector.broadcast %eq3A_1483 : i32 to vector<16xi32>
    %eq3A_1485 = arith.cmpi eq, %iota3A, %eq3A_1484 : vector<16xi32>
    %xor3A_1486 = arith.constant 8 : i32
    %xor3A_1487 = vector.broadcast %xor3A_1486 : i32 to vector<16xi32>
    %xor3A_1488 = arith.xori %iota3A, %xor3A_1487 : vector<16xi32>
    %lt3A_1489 = arith.constant 0 : i32
    %lt3A_1490 = vector.broadcast %lt3A_1489 : i32 to vector<16xi32>
    %lt3A_1491 = arith.cmpi slt, %xor3A_1488, %lt3A_1490 : vector<16xi32>
    %add3A_1492 = arith.constant 16 : i32
    %add3A_1493 = vector.broadcast %add3A_1492 : i32 to vector<16xi32>
    %add3A_1494 = arith.addi %xor3A_1488, %add3A_1493 : vector<16xi32>
    %select_n3A_1495 = arith.select %lt3A_1491, %add3A_1494, %xor3A_1488 : vector<16xi1>, vector<16xi32>
    %broadcast_in_dim3A_1496 = vector.shape_cast %select_n3A_1495 : vector<16xi32> to vector<16x1xi32>
    %gather3A_1497 = vector.shape_cast %broadcast_in_dim3A_1496 : vector<16x1xi32> to vector<16xi32>
    %gather3A_1498 = tpu.dynamic_gather %scan3A_154#22[%gather3A_1497] in [0] : vector<16xf32>, vector<16xi32> -> vector<16xf32>
    %add3A_1499 = arith.addf %scan3A_154#22, %gather3A_1498 : vector<16xf32>
    %xor3A_1500 = arith.constant 4 : i32
    %xor3A_1501 = vector.broadcast %xor3A_1500 : i32 to vector<16xi32>
    %xor3A_1502 = arith.xori %iota3A, %xor3A_1501 : vector<16xi32>
    %lt3A_1503 = arith.constant 0 : i32
    %lt3A_1504 = vector.broadcast %lt3A_1503 : i32 to vector<16xi32>
    %lt3A_1505 = arith.cmpi slt, %xor3A_1502, %lt3A_1504 : vector<16xi32>
    %add3A_1506 = arith.constant 16 : i32
    %add3A_1507 = vector.broadcast %add3A_1506 : i32 to vector<16xi32>
    %add3A_1508 = arith.addi %xor3A_1502, %add3A_1507 : vector<16xi32>
    %select_n3A_1509 = arith.select %lt3A_1505, %add3A_1508, %xor3A_1502 : vector<16xi1>, vector<16xi32>
    %broadcast_in_dim3A_1510 = vector.shape_cast %select_n3A_1509 : vector<16xi32> to vector<16x1xi32>
    %gather3A_1511 = vector.shape_cast %broadcast_in_dim3A_1510 : vector<16x1xi32> to vector<16xi32>
    %gather3A_1512 = tpu.dynamic_gather %add3A_1499[%gather3A_1511] in [0] : vector<16xf32>, vector<16xi32> -> vector<16xf32>
    %add3A_1513 = arith.addf %add3A_1499, %gather3A_1512 : vector<16xf32>
    %xor3A_1514 = arith.constant 2 : i32
    %xor3A_1515 = vector.broadcast %xor3A_1514 : i32 to vector<16xi32>
    %xor3A_1516 = arith.xori %iota3A, %xor3A_1515 : vector<16xi32>
    %lt3A_1517 = arith.constant 0 : i32
    %lt3A_1518 = vector.broadcast %lt3A_1517 : i32 to vector<16xi32>
    %lt3A_1519 = arith.cmpi slt, %xor3A_1516, %lt3A_1518 : vector<16xi32>
    %add3A_1520 = arith.constant 16 : i32
    %add3A_1521 = vector.broadcast %add3A_1520 : i32 to vector<16xi32>
    %add3A_1522 = arith.addi %xor3A_1516, %add3A_1521 : vector<16xi32>
    %select_n3A_1523 = arith.select %lt3A_1519, %add3A_1522, %xor3A_1516 : vector<16xi1>, vector<16xi32>
    %broadcast_in_dim3A_1524 = vector.shape_cast %select_n3A_1523 : vector<16xi32> to vector<16x1xi32>
    %gather3A_1525 = vector.shape_cast %broadcast_in_dim3A_1524 : vector<16x1xi32> to vector<16xi32>
    %gather3A_1526 = tpu.dynamic_gather %add3A_1513[%gather3A_1525] in [0] : vector<16xf32>, vector<16xi32> -> vector<16xf32>
    %add3A_1527 = arith.addf %add3A_1513, %gather3A_1526 : vector<16xf32>
    %xor3A_1528 = arith.constant 1 : i32
    %xor3A_1529 = vector.broadcast %xor3A_1528 : i32 to vector<16xi32>
    %xor3A_1530 = arith.xori %iota3A, %xor3A_1529 : vector<16xi32>
    %lt3A_1531 = arith.constant 0 : i32
    %lt3A_1532 = vector.broadcast %lt3A_1531 : i32 to vector<16xi32>
    %lt3A_1533 = arith.cmpi slt, %xor3A_1530, %lt3A_1532 : vector<16xi32>
    %add3A_1534 = arith.constant 16 : i32
    %add3A_1535 = vector.broadcast %add3A_1534 : i32 to vector<16xi32>
    %add3A_1536 = arith.addi %xor3A_1530, %add3A_1535 : vector<16xi32>
    %select_n3A_1537 = arith.select %lt3A_1533, %add3A_1536, %xor3A_1530 : vector<16xi1>, vector<16xi32>
    %broadcast_in_dim3A_1538 = vector.shape_cast %select_n3A_1537 : vector<16xi32> to vector<16x1xi32>
    %gather3A_1539 = vector.shape_cast %broadcast_in_dim3A_1538 : vector<16x1xi32> to vector<16xi32>
    %gather3A_1540 = tpu.dynamic_gather %add3A_1527[%gather3A_1539] in [0] : vector<16xf32>, vector<16xi32> -> vector<16xf32>
    %add3A_1541 = arith.addf %add3A_1527, %gather3A_1540 : vector<16xf32>
    %select_n3A_1542 = arith.select %eq3A_1485, %add3A_1541, %select_n3A_1482 : vector<16xi1>, vector<16xf32>
    %eq3A_1543 = arith.constant 7 : i32
    %eq3A_1544 = vector.broadcast %eq3A_1543 : i32 to vector<16xi32>
    %eq3A_1545 = arith.cmpi eq, %iota3A, %eq3A_1544 : vector<16xi32>
    %xor3A_1546 = arith.constant 8 : i32
    %xor3A_1547 = vector.broadcast %xor3A_1546 : i32 to vector<16xi32>
    %xor3A_1548 = arith.xori %iota3A, %xor3A_1547 : vector<16xi32>
    %lt3A_1549 = arith.constant 0 : i32
    %lt3A_1550 = vector.broadcast %lt3A_1549 : i32 to vector<16xi32>
    %lt3A_1551 = arith.cmpi slt, %xor3A_1548, %lt3A_1550 : vector<16xi32>
    %add3A_1552 = arith.constant 16 : i32
    %add3A_1553 = vector.broadcast %add3A_1552 : i32 to vector<16xi32>
    %add3A_1554 = arith.addi %xor3A_1548, %add3A_1553 : vector<16xi32>
    %select_n3A_1555 = arith.select %lt3A_1551, %add3A_1554, %xor3A_1548 : vector<16xi1>, vector<16xi32>
    %broadcast_in_dim3A_1556 = vector.shape_cast %select_n3A_1555 : vector<16xi32> to vector<16x1xi32>
    %gather3A_1557 = vector.shape_cast %broadcast_in_dim3A_1556 : vector<16x1xi32> to vector<16xi32>
    %gather3A_1558 = tpu.dynamic_gather %scan3A_154#23[%gather3A_1557] in [0] : vector<16xf32>, vector<16xi32> -> vector<16xf32>
    %add3A_1559 = arith.addf %scan3A_154#23, %gather3A_1558 : vector<16xf32>
    %xor3A_1560 = arith.constant 4 : i32
    %xor3A_1561 = vector.broadcast %xor3A_1560 : i32 to vector<16xi32>
    %xor3A_1562 = arith.xori %iota3A, %xor3A_1561 : vector<16xi32>
    %lt3A_1563 = arith.constant 0 : i32
    %lt3A_1564 = vector.broadcast %lt3A_1563 : i32 to vector<16xi32>
    %lt3A_1565 = arith.cmpi slt, %xor3A_1562, %lt3A_1564 : vector<16xi32>
    %add3A_1566 = arith.constant 16 : i32
    %add3A_1567 = vector.broadcast %add3A_1566 : i32 to vector<16xi32>
    %add3A_1568 = arith.addi %xor3A_1562, %add3A_1567 : vector<16xi32>
    %select_n3A_1569 = arith.select %lt3A_1565, %add3A_1568, %xor3A_1562 : vector<16xi1>, vector<16xi32>
    %broadcast_in_dim3A_1570 = vector.shape_cast %select_n3A_1569 : vector<16xi32> to vector<16x1xi32>
    %gather3A_1571 = vector.shape_cast %broadcast_in_dim3A_1570 : vector<16x1xi32> to vector<16xi32>
    %gather3A_1572 = tpu.dynamic_gather %add3A_1559[%gather3A_1571] in [0] : vector<16xf32>, vector<16xi32> -> vector<16xf32>
    %add3A_1573 = arith.addf %add3A_1559, %gather3A_1572 : vector<16xf32>
    %xor3A_1574 = arith.constant 2 : i32
    %xor3A_1575 = vector.broadcast %xor3A_1574 : i32 to vector<16xi32>
    %xor3A_1576 = arith.xori %iota3A, %xor3A_1575 : vector<16xi32>
    %lt3A_1577 = arith.constant 0 : i32
    %lt3A_1578 = vector.broadcast %lt3A_1577 : i32 to vector<16xi32>
    %lt3A_1579 = arith.cmpi slt, %xor3A_1576, %lt3A_1578 : vector<16xi32>
    %add3A_1580 = arith.constant 16 : i32
    %add3A_1581 = vector.broadcast %add3A_1580 : i32 to vector<16xi32>
    %add3A_1582 = arith.addi %xor3A_1576, %add3A_1581 : vector<16xi32>
    %select_n3A_1583 = arith.select %lt3A_1579, %add3A_1582, %xor3A_1576 : vector<16xi1>, vector<16xi32>
    %broadcast_in_dim3A_1584 = vector.shape_cast %select_n3A_1583 : vector<16xi32> to vector<16x1xi32>
    %gather3A_1585 = vector.shape_cast %broadcast_in_dim3A_1584 : vector<16x1xi32> to vector<16xi32>
    %gather3A_1586 = tpu.dynamic_gather %add3A_1573[%gather3A_1585] in [0] : vector<16xf32>, vector<16xi32> -> vector<16xf32>
    %add3A_1587 = arith.addf %add3A_1573, %gather3A_1586 : vector<16xf32>
    %xor3A_1588 = arith.constant 1 : i32
    %xor3A_1589 = vector.broadcast %xor3A_1588 : i32 to vector<16xi32>
    %xor3A_1590 = arith.xori %iota3A, %xor3A_1589 : vector<16xi32>
    %lt3A_1591 = arith.constant 0 : i32
    %lt3A_1592 = vector.broadcast %lt3A_1591 : i32 to vector<16xi32>
    %lt3A_1593 = arith.cmpi slt, %xor3A_1590, %lt3A_1592 : vector<16xi32>
    %add3A_1594 = arith.constant 16 : i32
    %add3A_1595 = vector.broadcast %add3A_1594 : i32 to vector<16xi32>
    %add3A_1596 = arith.addi %xor3A_1590, %add3A_1595 : vector<16xi32>
    %select_n3A_1597 = arith.select %lt3A_1593, %add3A_1596, %xor3A_1590 : vector<16xi1>, vector<16xi32>
    %broadcast_in_dim3A_1598 = vector.shape_cast %select_n3A_1597 : vector<16xi32> to vector<16x1xi32>
    %gather3A_1599 = vector.shape_cast %broadcast_in_dim3A_1598 : vector<16x1xi32> to vector<16xi32>
    %gather3A_1600 = tpu.dynamic_gather %add3A_1587[%gather3A_1599] in [0] : vector<16xf32>, vector<16xi32> -> vector<16xf32>
    %add3A_1601 = arith.addf %add3A_1587, %gather3A_1600 : vector<16xf32>
    %select_n3A_1602 = arith.select %eq3A_1545, %add3A_1601, %select_n3A_1542 : vector<16xi1>, vector<16xf32>
    %slice3A_1603 = vector.extract_strided_slice %get3A_51 {offsets = [2], sizes = [1], strides = [1]} : vector<16xf32> to vector<1xf32>
    %squeeze3A_1604 = vector.extract %slice3A_1603[0] : f32 from vector<1xf32>
    %add3A_1605 = vector.broadcast %squeeze3A_1604 : f32 to vector<16xf32>
    %add3A_1606 = arith.addf %select_n3A_1602, %add3A_1605 : vector<16xf32>
    %broadcast_in_dim3A_1607 = arith.constant 0.000000e+00 : f32
    %broadcast_in_dim3A_1608 = vector.broadcast %broadcast_in_dim3A_1607 : f32 to vector<16xf32>
    %eq3A_1609 = arith.constant 0 : i32
    %eq3A_1610 = vector.broadcast %eq3A_1609 : i32 to vector<16xi32>
    %eq3A_1611 = arith.cmpi eq, %iota3A, %eq3A_1610 : vector<16xi32>
    %xor3A_1612 = arith.constant 8 : i32
    %xor3A_1613 = vector.broadcast %xor3A_1612 : i32 to vector<16xi32>
    %xor3A_1614 = arith.xori %iota3A, %xor3A_1613 : vector<16xi32>
    %lt3A_1615 = arith.constant 0 : i32
    %lt3A_1616 = vector.broadcast %lt3A_1615 : i32 to vector<16xi32>
    %lt3A_1617 = arith.cmpi slt, %xor3A_1614, %lt3A_1616 : vector<16xi32>
    %add3A_1618 = arith.constant 16 : i32
    %add3A_1619 = vector.broadcast %add3A_1618 : i32 to vector<16xi32>
    %add3A_1620 = arith.addi %xor3A_1614, %add3A_1619 : vector<16xi32>
    %select_n3A_1621 = arith.select %lt3A_1617, %add3A_1620, %xor3A_1614 : vector<16xi1>, vector<16xi32>
    %broadcast_in_dim3A_1622 = vector.shape_cast %select_n3A_1621 : vector<16xi32> to vector<16x1xi32>
    %gather3A_1623 = vector.shape_cast %broadcast_in_dim3A_1622 : vector<16x1xi32> to vector<16xi32>
    %gather3A_1624 = tpu.dynamic_gather %scan3A_154#24[%gather3A_1623] in [0] : vector<16xf32>, vector<16xi32> -> vector<16xf32>
    %add3A_1625 = arith.addf %scan3A_154#24, %gather3A_1624 : vector<16xf32>
    %xor3A_1626 = arith.constant 4 : i32
    %xor3A_1627 = vector.broadcast %xor3A_1626 : i32 to vector<16xi32>
    %xor3A_1628 = arith.xori %iota3A, %xor3A_1627 : vector<16xi32>
    %lt3A_1629 = arith.constant 0 : i32
    %lt3A_1630 = vector.broadcast %lt3A_1629 : i32 to vector<16xi32>
    %lt3A_1631 = arith.cmpi slt, %xor3A_1628, %lt3A_1630 : vector<16xi32>
    %add3A_1632 = arith.constant 16 : i32
    %add3A_1633 = vector.broadcast %add3A_1632 : i32 to vector<16xi32>
    %add3A_1634 = arith.addi %xor3A_1628, %add3A_1633 : vector<16xi32>
    %select_n3A_1635 = arith.select %lt3A_1631, %add3A_1634, %xor3A_1628 : vector<16xi1>, vector<16xi32>
    %broadcast_in_dim3A_1636 = vector.shape_cast %select_n3A_1635 : vector<16xi32> to vector<16x1xi32>
    %gather3A_1637 = vector.shape_cast %broadcast_in_dim3A_1636 : vector<16x1xi32> to vector<16xi32>
    %gather3A_1638 = tpu.dynamic_gather %add3A_1625[%gather3A_1637] in [0] : vector<16xf32>, vector<16xi32> -> vector<16xf32>
    %add3A_1639 = arith.addf %add3A_1625, %gather3A_1638 : vector<16xf32>
    %xor3A_1640 = arith.constant 2 : i32
    %xor3A_1641 = vector.broadcast %xor3A_1640 : i32 to vector<16xi32>
    %xor3A_1642 = arith.xori %iota3A, %xor3A_1641 : vector<16xi32>
    %lt3A_1643 = arith.constant 0 : i32
    %lt3A_1644 = vector.broadcast %lt3A_1643 : i32 to vector<16xi32>
    %lt3A_1645 = arith.cmpi slt, %xor3A_1642, %lt3A_1644 : vector<16xi32>
    %add3A_1646 = arith.constant 16 : i32
    %add3A_1647 = vector.broadcast %add3A_1646 : i32 to vector<16xi32>
    %add3A_1648 = arith.addi %xor3A_1642, %add3A_1647 : vector<16xi32>
    %select_n3A_1649 = arith.select %lt3A_1645, %add3A_1648, %xor3A_1642 : vector<16xi1>, vector<16xi32>
    %broadcast_in_dim3A_1650 = vector.shape_cast %select_n3A_1649 : vector<16xi32> to vector<16x1xi32>
    %gather3A_1651 = vector.shape_cast %broadcast_in_dim3A_1650 : vector<16x1xi32> to vector<16xi32>
    %gather3A_1652 = tpu.dynamic_gather %add3A_1639[%gather3A_1651] in [0] : vector<16xf32>, vector<16xi32> -> vector<16xf32>
    %add3A_1653 = arith.addf %add3A_1639, %gather3A_1652 : vector<16xf32>
    %xor3A_1654 = arith.constant 1 : i32
    %xor3A_1655 = vector.broadcast %xor3A_1654 : i32 to vector<16xi32>
    %xor3A_1656 = arith.xori %iota3A, %xor3A_1655 : vector<16xi32>
    %lt3A_1657 = arith.constant 0 : i32
    %lt3A_1658 = vector.broadcast %lt3A_1657 : i32 to vector<16xi32>
    %lt3A_1659 = arith.cmpi slt, %xor3A_1656, %lt3A_1658 : vector<16xi32>
    %add3A_1660 = arith.constant 16 : i32
    %add3A_1661 = vector.broadcast %add3A_1660 : i32 to vector<16xi32>
    %add3A_1662 = arith.addi %xor3A_1656, %add3A_1661 : vector<16xi32>
    %select_n3A_1663 = arith.select %lt3A_1659, %add3A_1662, %xor3A_1656 : vector<16xi1>, vector<16xi32>
    %broadcast_in_dim3A_1664 = vector.shape_cast %select_n3A_1663 : vector<16xi32> to vector<16x1xi32>
    %gather3A_1665 = vector.shape_cast %broadcast_in_dim3A_1664 : vector<16x1xi32> to vector<16xi32>
    %gather3A_1666 = tpu.dynamic_gather %add3A_1653[%gather3A_1665] in [0] : vector<16xf32>, vector<16xi32> -> vector<16xf32>
    %add3A_1667 = arith.addf %add3A_1653, %gather3A_1666 : vector<16xf32>
    %select_n3A_1668 = arith.select %eq3A_1611, %add3A_1667, %broadcast_in_dim3A_1608 : vector<16xi1>, vector<16xf32>
    %eq3A_1669 = arith.constant 1 : i32
    %eq3A_1670 = vector.broadcast %eq3A_1669 : i32 to vector<16xi32>
    %eq3A_1671 = arith.cmpi eq, %iota3A, %eq3A_1670 : vector<16xi32>
    %xor3A_1672 = arith.constant 8 : i32
    %xor3A_1673 = vector.broadcast %xor3A_1672 : i32 to vector<16xi32>
    %xor3A_1674 = arith.xori %iota3A, %xor3A_1673 : vector<16xi32>
    %lt3A_1675 = arith.constant 0 : i32
    %lt3A_1676 = vector.broadcast %lt3A_1675 : i32 to vector<16xi32>
    %lt3A_1677 = arith.cmpi slt, %xor3A_1674, %lt3A_1676 : vector<16xi32>
    %add3A_1678 = arith.constant 16 : i32
    %add3A_1679 = vector.broadcast %add3A_1678 : i32 to vector<16xi32>
    %add3A_1680 = arith.addi %xor3A_1674, %add3A_1679 : vector<16xi32>
    %select_n3A_1681 = arith.select %lt3A_1677, %add3A_1680, %xor3A_1674 : vector<16xi1>, vector<16xi32>
    %broadcast_in_dim3A_1682 = vector.shape_cast %select_n3A_1681 : vector<16xi32> to vector<16x1xi32>
    %gather3A_1683 = vector.shape_cast %broadcast_in_dim3A_1682 : vector<16x1xi32> to vector<16xi32>
    %gather3A_1684 = tpu.dynamic_gather %scan3A_154#25[%gather3A_1683] in [0] : vector<16xf32>, vector<16xi32> -> vector<16xf32>
    %add3A_1685 = arith.addf %scan3A_154#25, %gather3A_1684 : vector<16xf32>
    %xor3A_1686 = arith.constant 4 : i32
    %xor3A_1687 = vector.broadcast %xor3A_1686 : i32 to vector<16xi32>
    %xor3A_1688 = arith.xori %iota3A, %xor3A_1687 : vector<16xi32>
    %lt3A_1689 = arith.constant 0 : i32
    %lt3A_1690 = vector.broadcast %lt3A_1689 : i32 to vector<16xi32>
    %lt3A_1691 = arith.cmpi slt, %xor3A_1688, %lt3A_1690 : vector<16xi32>
    %add3A_1692 = arith.constant 16 : i32
    %add3A_1693 = vector.broadcast %add3A_1692 : i32 to vector<16xi32>
    %add3A_1694 = arith.addi %xor3A_1688, %add3A_1693 : vector<16xi32>
    %select_n3A_1695 = arith.select %lt3A_1691, %add3A_1694, %xor3A_1688 : vector<16xi1>, vector<16xi32>
    %broadcast_in_dim3A_1696 = vector.shape_cast %select_n3A_1695 : vector<16xi32> to vector<16x1xi32>
    %gather3A_1697 = vector.shape_cast %broadcast_in_dim3A_1696 : vector<16x1xi32> to vector<16xi32>
    %gather3A_1698 = tpu.dynamic_gather %add3A_1685[%gather3A_1697] in [0] : vector<16xf32>, vector<16xi32> -> vector<16xf32>
    %add3A_1699 = arith.addf %add3A_1685, %gather3A_1698 : vector<16xf32>
    %xor3A_1700 = arith.constant 2 : i32
    %xor3A_1701 = vector.broadcast %xor3A_1700 : i32 to vector<16xi32>
    %xor3A_1702 = arith.xori %iota3A, %xor3A_1701 : vector<16xi32>
    %lt3A_1703 = arith.constant 0 : i32
    %lt3A_1704 = vector.broadcast %lt3A_1703 : i32 to vector<16xi32>
    %lt3A_1705 = arith.cmpi slt, %xor3A_1702, %lt3A_1704 : vector<16xi32>
    %add3A_1706 = arith.constant 16 : i32
    %add3A_1707 = vector.broadcast %add3A_1706 : i32 to vector<16xi32>
    %add3A_1708 = arith.addi %xor3A_1702, %add3A_1707 : vector<16xi32>
    %select_n3A_1709 = arith.select %lt3A_1705, %add3A_1708, %xor3A_1702 : vector<16xi1>, vector<16xi32>
    %broadcast_in_dim3A_1710 = vector.shape_cast %select_n3A_1709 : vector<16xi32> to vector<16x1xi32>
    %gather3A_1711 = vector.shape_cast %broadcast_in_dim3A_1710 : vector<16x1xi32> to vector<16xi32>
    %gather3A_1712 = tpu.dynamic_gather %add3A_1699[%gather3A_1711] in [0] : vector<16xf32>, vector<16xi32> -> vector<16xf32>
    %add3A_1713 = arith.addf %add3A_1699, %gather3A_1712 : vector<16xf32>
    %xor3A_1714 = arith.constant 1 : i32
    %xor3A_1715 = vector.broadcast %xor3A_1714 : i32 to vector<16xi32>
    %xor3A_1716 = arith.xori %iota3A, %xor3A_1715 : vector<16xi32>
    %lt3A_1717 = arith.constant 0 : i32
    %lt3A_1718 = vector.broadcast %lt3A_1717 : i32 to vector<16xi32>
    %lt3A_1719 = arith.cmpi slt, %xor3A_1716, %lt3A_1718 : vector<16xi32>
    %add3A_1720 = arith.constant 16 : i32
    %add3A_1721 = vector.broadcast %add3A_1720 : i32 to vector<16xi32>
    %add3A_1722 = arith.addi %xor3A_1716, %add3A_1721 : vector<16xi32>
    %select_n3A_1723 = arith.select %lt3A_1719, %add3A_1722, %xor3A_1716 : vector<16xi1>, vector<16xi32>
    %broadcast_in_dim3A_1724 = vector.shape_cast %select_n3A_1723 : vector<16xi32> to vector<16x1xi32>
    %gather3A_1725 = vector.shape_cast %broadcast_in_dim3A_1724 : vector<16x1xi32> to vector<16xi32>
    %gather3A_1726 = tpu.dynamic_gather %add3A_1713[%gather3A_1725] in [0] : vector<16xf32>, vector<16xi32> -> vector<16xf32>
    %add3A_1727 = arith.addf %add3A_1713, %gather3A_1726 : vector<16xf32>
    %select_n3A_1728 = arith.select %eq3A_1671, %add3A_1727, %select_n3A_1668 : vector<16xi1>, vector<16xf32>
    %eq3A_1729 = arith.constant 2 : i32
    %eq3A_1730 = vector.broadcast %eq3A_1729 : i32 to vector<16xi32>
    %eq3A_1731 = arith.cmpi eq, %iota3A, %eq3A_1730 : vector<16xi32>
    %xor3A_1732 = arith.constant 8 : i32
    %xor3A_1733 = vector.broadcast %xor3A_1732 : i32 to vector<16xi32>
    %xor3A_1734 = arith.xori %iota3A, %xor3A_1733 : vector<16xi32>
    %lt3A_1735 = arith.constant 0 : i32
    %lt3A_1736 = vector.broadcast %lt3A_1735 : i32 to vector<16xi32>
    %lt3A_1737 = arith.cmpi slt, %xor3A_1734, %lt3A_1736 : vector<16xi32>
    %add3A_1738 = arith.constant 16 : i32
    %add3A_1739 = vector.broadcast %add3A_1738 : i32 to vector<16xi32>
    %add3A_1740 = arith.addi %xor3A_1734, %add3A_1739 : vector<16xi32>
    %select_n3A_1741 = arith.select %lt3A_1737, %add3A_1740, %xor3A_1734 : vector<16xi1>, vector<16xi32>
    %broadcast_in_dim3A_1742 = vector.shape_cast %select_n3A_1741 : vector<16xi32> to vector<16x1xi32>
    %gather3A_1743 = vector.shape_cast %broadcast_in_dim3A_1742 : vector<16x1xi32> to vector<16xi32>
    %gather3A_1744 = tpu.dynamic_gather %scan3A_154#26[%gather3A_1743] in [0] : vector<16xf32>, vector<16xi32> -> vector<16xf32>
    %add3A_1745 = arith.addf %scan3A_154#26, %gather3A_1744 : vector<16xf32>
    %xor3A_1746 = arith.constant 4 : i32
    %xor3A_1747 = vector.broadcast %xor3A_1746 : i32 to vector<16xi32>
    %xor3A_1748 = arith.xori %iota3A, %xor3A_1747 : vector<16xi32>
    %lt3A_1749 = arith.constant 0 : i32
    %lt3A_1750 = vector.broadcast %lt3A_1749 : i32 to vector<16xi32>
    %lt3A_1751 = arith.cmpi slt, %xor3A_1748, %lt3A_1750 : vector<16xi32>
    %add3A_1752 = arith.constant 16 : i32
    %add3A_1753 = vector.broadcast %add3A_1752 : i32 to vector<16xi32>
    %add3A_1754 = arith.addi %xor3A_1748, %add3A_1753 : vector<16xi32>
    %select_n3A_1755 = arith.select %lt3A_1751, %add3A_1754, %xor3A_1748 : vector<16xi1>, vector<16xi32>
    %broadcast_in_dim3A_1756 = vector.shape_cast %select_n3A_1755 : vector<16xi32> to vector<16x1xi32>
    %gather3A_1757 = vector.shape_cast %broadcast_in_dim3A_1756 : vector<16x1xi32> to vector<16xi32>
    %gather3A_1758 = tpu.dynamic_gather %add3A_1745[%gather3A_1757] in [0] : vector<16xf32>, vector<16xi32> -> vector<16xf32>
    %add3A_1759 = arith.addf %add3A_1745, %gather3A_1758 : vector<16xf32>
    %xor3A_1760 = arith.constant 2 : i32
    %xor3A_1761 = vector.broadcast %xor3A_1760 : i32 to vector<16xi32>
    %xor3A_1762 = arith.xori %iota3A, %xor3A_1761 : vector<16xi32>
    %lt3A_1763 = arith.constant 0 : i32
    %lt3A_1764 = vector.broadcast %lt3A_1763 : i32 to vector<16xi32>
    %lt3A_1765 = arith.cmpi slt, %xor3A_1762, %lt3A_1764 : vector<16xi32>
    %add3A_1766 = arith.constant 16 : i32
    %add3A_1767 = vector.broadcast %add3A_1766 : i32 to vector<16xi32>
    %add3A_1768 = arith.addi %xor3A_1762, %add3A_1767 : vector<16xi32>
    %select_n3A_1769 = arith.select %lt3A_1765, %add3A_1768, %xor3A_1762 : vector<16xi1>, vector<16xi32>
    %broadcast_in_dim3A_1770 = vector.shape_cast %select_n3A_1769 : vector<16xi32> to vector<16x1xi32>
    %gather3A_1771 = vector.shape_cast %broadcast_in_dim3A_1770 : vector<16x1xi32> to vector<16xi32>
    %gather3A_1772 = tpu.dynamic_gather %add3A_1759[%gather3A_1771] in [0] : vector<16xf32>, vector<16xi32> -> vector<16xf32>
    %add3A_1773 = arith.addf %add3A_1759, %gather3A_1772 : vector<16xf32>
    %xor3A_1774 = arith.constant 1 : i32
    %xor3A_1775 = vector.broadcast %xor3A_1774 : i32 to vector<16xi32>
    %xor3A_1776 = arith.xori %iota3A, %xor3A_1775 : vector<16xi32>
    %lt3A_1777 = arith.constant 0 : i32
    %lt3A_1778 = vector.broadcast %lt3A_1777 : i32 to vector<16xi32>
    %lt3A_1779 = arith.cmpi slt, %xor3A_1776, %lt3A_1778 : vector<16xi32>
    %add3A_1780 = arith.constant 16 : i32
    %add3A_1781 = vector.broadcast %add3A_1780 : i32 to vector<16xi32>
    %add3A_1782 = arith.addi %xor3A_1776, %add3A_1781 : vector<16xi32>
    %select_n3A_1783 = arith.select %lt3A_1779, %add3A_1782, %xor3A_1776 : vector<16xi1>, vector<16xi32>
    %broadcast_in_dim3A_1784 = vector.shape_cast %select_n3A_1783 : vector<16xi32> to vector<16x1xi32>
    %gather3A_1785 = vector.shape_cast %broadcast_in_dim3A_1784 : vector<16x1xi32> to vector<16xi32>
    %gather3A_1786 = tpu.dynamic_gather %add3A_1773[%gather3A_1785] in [0] : vector<16xf32>, vector<16xi32> -> vector<16xf32>
    %add3A_1787 = arith.addf %add3A_1773, %gather3A_1786 : vector<16xf32>
    %select_n3A_1788 = arith.select %eq3A_1731, %add3A_1787, %select_n3A_1728 : vector<16xi1>, vector<16xf32>
    %eq3A_1789 = arith.constant 3 : i32
    %eq3A_1790 = vector.broadcast %eq3A_1789 : i32 to vector<16xi32>
    %eq3A_1791 = arith.cmpi eq, %iota3A, %eq3A_1790 : vector<16xi32>
    %xor3A_1792 = arith.constant 8 : i32
    %xor3A_1793 = vector.broadcast %xor3A_1792 : i32 to vector<16xi32>
    %xor3A_1794 = arith.xori %iota3A, %xor3A_1793 : vector<16xi32>
    %lt3A_1795 = arith.constant 0 : i32
    %lt3A_1796 = vector.broadcast %lt3A_1795 : i32 to vector<16xi32>
    %lt3A_1797 = arith.cmpi slt, %xor3A_1794, %lt3A_1796 : vector<16xi32>
    %add3A_1798 = arith.constant 16 : i32
    %add3A_1799 = vector.broadcast %add3A_1798 : i32 to vector<16xi32>
    %add3A_1800 = arith.addi %xor3A_1794, %add3A_1799 : vector<16xi32>
    %select_n3A_1801 = arith.select %lt3A_1797, %add3A_1800, %xor3A_1794 : vector<16xi1>, vector<16xi32>
    %broadcast_in_dim3A_1802 = vector.shape_cast %select_n3A_1801 : vector<16xi32> to vector<16x1xi32>
    %gather3A_1803 = vector.shape_cast %broadcast_in_dim3A_1802 : vector<16x1xi32> to vector<16xi32>
    %gather3A_1804 = tpu.dynamic_gather %scan3A_154#27[%gather3A_1803] in [0] : vector<16xf32>, vector<16xi32> -> vector<16xf32>
    %add3A_1805 = arith.addf %scan3A_154#27, %gather3A_1804 : vector<16xf32>
    %xor3A_1806 = arith.constant 4 : i32
    %xor3A_1807 = vector.broadcast %xor3A_1806 : i32 to vector<16xi32>
    %xor3A_1808 = arith.xori %iota3A, %xor3A_1807 : vector<16xi32>
    %lt3A_1809 = arith.constant 0 : i32
    %lt3A_1810 = vector.broadcast %lt3A_1809 : i32 to vector<16xi32>
    %lt3A_1811 = arith.cmpi slt, %xor3A_1808, %lt3A_1810 : vector<16xi32>
    %add3A_1812 = arith.constant 16 : i32
    %add3A_1813 = vector.broadcast %add3A_1812 : i32 to vector<16xi32>
    %add3A_1814 = arith.addi %xor3A_1808, %add3A_1813 : vector<16xi32>
    %select_n3A_1815 = arith.select %lt3A_1811, %add3A_1814, %xor3A_1808 : vector<16xi1>, vector<16xi32>
    %broadcast_in_dim3A_1816 = vector.shape_cast %select_n3A_1815 : vector<16xi32> to vector<16x1xi32>
    %gather3A_1817 = vector.shape_cast %broadcast_in_dim3A_1816 : vector<16x1xi32> to vector<16xi32>
    %gather3A_1818 = tpu.dynamic_gather %add3A_1805[%gather3A_1817] in [0] : vector<16xf32>, vector<16xi32> -> vector<16xf32>
    %add3A_1819 = arith.addf %add3A_1805, %gather3A_1818 : vector<16xf32>
    %xor3A_1820 = arith.constant 2 : i32
    %xor3A_1821 = vector.broadcast %xor3A_1820 : i32 to vector<16xi32>
    %xor3A_1822 = arith.xori %iota3A, %xor3A_1821 : vector<16xi32>
    %lt3A_1823 = arith.constant 0 : i32
    %lt3A_1824 = vector.broadcast %lt3A_1823 : i32 to vector<16xi32>
    %lt3A_1825 = arith.cmpi slt, %xor3A_1822, %lt3A_1824 : vector<16xi32>
    %add3A_1826 = arith.constant 16 : i32
    %add3A_1827 = vector.broadcast %add3A_1826 : i32 to vector<16xi32>
    %add3A_1828 = arith.addi %xor3A_1822, %add3A_1827 : vector<16xi32>
    %select_n3A_1829 = arith.select %lt3A_1825, %add3A_1828, %xor3A_1822 : vector<16xi1>, vector<16xi32>
    %broadcast_in_dim3A_1830 = vector.shape_cast %select_n3A_1829 : vector<16xi32> to vector<16x1xi32>
    %gather3A_1831 = vector.shape_cast %broadcast_in_dim3A_1830 : vector<16x1xi32> to vector<16xi32>
    %gather3A_1832 = tpu.dynamic_gather %add3A_1819[%gather3A_1831] in [0] : vector<16xf32>, vector<16xi32> -> vector<16xf32>
    %add3A_1833 = arith.addf %add3A_1819, %gather3A_1832 : vector<16xf32>
    %xor3A_1834 = arith.constant 1 : i32
    %xor3A_1835 = vector.broadcast %xor3A_1834 : i32 to vector<16xi32>
    %xor3A_1836 = arith.xori %iota3A, %xor3A_1835 : vector<16xi32>
    %lt3A_1837 = arith.constant 0 : i32
    %lt3A_1838 = vector.broadcast %lt3A_1837 : i32 to vector<16xi32>
    %lt3A_1839 = arith.cmpi slt, %xor3A_1836, %lt3A_1838 : vector<16xi32>
    %add3A_1840 = arith.constant 16 : i32
    %add3A_1841 = vector.broadcast %add3A_1840 : i32 to vector<16xi32>
    %add3A_1842 = arith.addi %xor3A_1836, %add3A_1841 : vector<16xi32>
    %select_n3A_1843 = arith.select %lt3A_1839, %add3A_1842, %xor3A_1836 : vector<16xi1>, vector<16xi32>
    %broadcast_in_dim3A_1844 = vector.shape_cast %select_n3A_1843 : vector<16xi32> to vector<16x1xi32>
    %gather3A_1845 = vector.shape_cast %broadcast_in_dim3A_1844 : vector<16x1xi32> to vector<16xi32>
    %gather3A_1846 = tpu.dynamic_gather %add3A_1833[%gather3A_1845] in [0] : vector<16xf32>, vector<16xi32> -> vector<16xf32>
    %add3A_1847 = arith.addf %add3A_1833, %gather3A_1846 : vector<16xf32>
    %select_n3A_1848 = arith.select %eq3A_1791, %add3A_1847, %select_n3A_1788 : vector<16xi1>, vector<16xf32>
    %eq3A_1849 = arith.constant 4 : i32
    %eq3A_1850 = vector.broadcast %eq3A_1849 : i32 to vector<16xi32>
    %eq3A_1851 = arith.cmpi eq, %iota3A, %eq3A_1850 : vector<16xi32>
    %xor3A_1852 = arith.constant 8 : i32
    %xor3A_1853 = vector.broadcast %xor3A_1852 : i32 to vector<16xi32>
    %xor3A_1854 = arith.xori %iota3A, %xor3A_1853 : vector<16xi32>
    %lt3A_1855 = arith.constant 0 : i32
    %lt3A_1856 = vector.broadcast %lt3A_1855 : i32 to vector<16xi32>
    %lt3A_1857 = arith.cmpi slt, %xor3A_1854, %lt3A_1856 : vector<16xi32>
    %add3A_1858 = arith.constant 16 : i32
    %add3A_1859 = vector.broadcast %add3A_1858 : i32 to vector<16xi32>
    %add3A_1860 = arith.addi %xor3A_1854, %add3A_1859 : vector<16xi32>
    %select_n3A_1861 = arith.select %lt3A_1857, %add3A_1860, %xor3A_1854 : vector<16xi1>, vector<16xi32>
    %broadcast_in_dim3A_1862 = vector.shape_cast %select_n3A_1861 : vector<16xi32> to vector<16x1xi32>
    %gather3A_1863 = vector.shape_cast %broadcast_in_dim3A_1862 : vector<16x1xi32> to vector<16xi32>
    %gather3A_1864 = tpu.dynamic_gather %scan3A_154#28[%gather3A_1863] in [0] : vector<16xf32>, vector<16xi32> -> vector<16xf32>
    %add3A_1865 = arith.addf %scan3A_154#28, %gather3A_1864 : vector<16xf32>
    %xor3A_1866 = arith.constant 4 : i32
    %xor3A_1867 = vector.broadcast %xor3A_1866 : i32 to vector<16xi32>
    %xor3A_1868 = arith.xori %iota3A, %xor3A_1867 : vector<16xi32>
    %lt3A_1869 = arith.constant 0 : i32
    %lt3A_1870 = vector.broadcast %lt3A_1869 : i32 to vector<16xi32>
    %lt3A_1871 = arith.cmpi slt, %xor3A_1868, %lt3A_1870 : vector<16xi32>
    %add3A_1872 = arith.constant 16 : i32
    %add3A_1873 = vector.broadcast %add3A_1872 : i32 to vector<16xi32>
    %add3A_1874 = arith.addi %xor3A_1868, %add3A_1873 : vector<16xi32>
    %select_n3A_1875 = arith.select %lt3A_1871, %add3A_1874, %xor3A_1868 : vector<16xi1>, vector<16xi32>
    %broadcast_in_dim3A_1876 = vector.shape_cast %select_n3A_1875 : vector<16xi32> to vector<16x1xi32>
    %gather3A_1877 = vector.shape_cast %broadcast_in_dim3A_1876 : vector<16x1xi32> to vector<16xi32>
    %gather3A_1878 = tpu.dynamic_gather %add3A_1865[%gather3A_1877] in [0] : vector<16xf32>, vector<16xi32> -> vector<16xf32>
    %add3A_1879 = arith.addf %add3A_1865, %gather3A_1878 : vector<16xf32>
    %xor3A_1880 = arith.constant 2 : i32
    %xor3A_1881 = vector.broadcast %xor3A_1880 : i32 to vector<16xi32>
    %xor3A_1882 = arith.xori %iota3A, %xor3A_1881 : vector<16xi32>
    %lt3A_1883 = arith.constant 0 : i32
    %lt3A_1884 = vector.broadcast %lt3A_1883 : i32 to vector<16xi32>
    %lt3A_1885 = arith.cmpi slt, %xor3A_1882, %lt3A_1884 : vector<16xi32>
    %add3A_1886 = arith.constant 16 : i32
    %add3A_1887 = vector.broadcast %add3A_1886 : i32 to vector<16xi32>
    %add3A_1888 = arith.addi %xor3A_1882, %add3A_1887 : vector<16xi32>
    %select_n3A_1889 = arith.select %lt3A_1885, %add3A_1888, %xor3A_1882 : vector<16xi1>, vector<16xi32>
    %broadcast_in_dim3A_1890 = vector.shape_cast %select_n3A_1889 : vector<16xi32> to vector<16x1xi32>
    %gather3A_1891 = vector.shape_cast %broadcast_in_dim3A_1890 : vector<16x1xi32> to vector<16xi32>
    %gather3A_1892 = tpu.dynamic_gather %add3A_1879[%gather3A_1891] in [0] : vector<16xf32>, vector<16xi32> -> vector<16xf32>
    %add3A_1893 = arith.addf %add3A_1879, %gather3A_1892 : vector<16xf32>
    %xor3A_1894 = arith.constant 1 : i32
    %xor3A_1895 = vector.broadcast %xor3A_1894 : i32 to vector<16xi32>
    %xor3A_1896 = arith.xori %iota3A, %xor3A_1895 : vector<16xi32>
    %lt3A_1897 = arith.constant 0 : i32
    %lt3A_1898 = vector.broadcast %lt3A_1897 : i32 to vector<16xi32>
    %lt3A_1899 = arith.cmpi slt, %xor3A_1896, %lt3A_1898 : vector<16xi32>
    %add3A_1900 = arith.constant 16 : i32
    %add3A_1901 = vector.broadcast %add3A_1900 : i32 to vector<16xi32>
    %add3A_1902 = arith.addi %xor3A_1896, %add3A_1901 : vector<16xi32>
    %select_n3A_1903 = arith.select %lt3A_1899, %add3A_1902, %xor3A_1896 : vector<16xi1>, vector<16xi32>
    %broadcast_in_dim3A_1904 = vector.shape_cast %select_n3A_1903 : vector<16xi32> to vector<16x1xi32>
    %gather3A_1905 = vector.shape_cast %broadcast_in_dim3A_1904 : vector<16x1xi32> to vector<16xi32>
    %gather3A_1906 = tpu.dynamic_gather %add3A_1893[%gather3A_1905] in [0] : vector<16xf32>, vector<16xi32> -> vector<16xf32>
    %add3A_1907 = arith.addf %add3A_1893, %gather3A_1906 : vector<16xf32>
    %select_n3A_1908 = arith.select %eq3A_1851, %add3A_1907, %select_n3A_1848 : vector<16xi1>, vector<16xf32>
    %eq3A_1909 = arith.constant 5 : i32
    %eq3A_1910 = vector.broadcast %eq3A_1909 : i32 to vector<16xi32>
    %eq3A_1911 = arith.cmpi eq, %iota3A, %eq3A_1910 : vector<16xi32>
    %xor3A_1912 = arith.constant 8 : i32
    %xor3A_1913 = vector.broadcast %xor3A_1912 : i32 to vector<16xi32>
    %xor3A_1914 = arith.xori %iota3A, %xor3A_1913 : vector<16xi32>
    %lt3A_1915 = arith.constant 0 : i32
    %lt3A_1916 = vector.broadcast %lt3A_1915 : i32 to vector<16xi32>
    %lt3A_1917 = arith.cmpi slt, %xor3A_1914, %lt3A_1916 : vector<16xi32>
    %add3A_1918 = arith.constant 16 : i32
    %add3A_1919 = vector.broadcast %add3A_1918 : i32 to vector<16xi32>
    %add3A_1920 = arith.addi %xor3A_1914, %add3A_1919 : vector<16xi32>
    %select_n3A_1921 = arith.select %lt3A_1917, %add3A_1920, %xor3A_1914 : vector<16xi1>, vector<16xi32>
    %broadcast_in_dim3A_1922 = vector.shape_cast %select_n3A_1921 : vector<16xi32> to vector<16x1xi32>
    %gather3A_1923 = vector.shape_cast %broadcast_in_dim3A_1922 : vector<16x1xi32> to vector<16xi32>
    %gather3A_1924 = tpu.dynamic_gather %scan3A_154#29[%gather3A_1923] in [0] : vector<16xf32>, vector<16xi32> -> vector<16xf32>
    %add3A_1925 = arith.addf %scan3A_154#29, %gather3A_1924 : vector<16xf32>
    %xor3A_1926 = arith.constant 4 : i32
    %xor3A_1927 = vector.broadcast %xor3A_1926 : i32 to vector<16xi32>
    %xor3A_1928 = arith.xori %iota3A, %xor3A_1927 : vector<16xi32>
    %lt3A_1929 = arith.constant 0 : i32
    %lt3A_1930 = vector.broadcast %lt3A_1929 : i32 to vector<16xi32>
    %lt3A_1931 = arith.cmpi slt, %xor3A_1928, %lt3A_1930 : vector<16xi32>
    %add3A_1932 = arith.constant 16 : i32
    %add3A_1933 = vector.broadcast %add3A_1932 : i32 to vector<16xi32>
    %add3A_1934 = arith.addi %xor3A_1928, %add3A_1933 : vector<16xi32>
    %select_n3A_1935 = arith.select %lt3A_1931, %add3A_1934, %xor3A_1928 : vector<16xi1>, vector<16xi32>
    %broadcast_in_dim3A_1936 = vector.shape_cast %select_n3A_1935 : vector<16xi32> to vector<16x1xi32>
    %gather3A_1937 = vector.shape_cast %broadcast_in_dim3A_1936 : vector<16x1xi32> to vector<16xi32>
    %gather3A_1938 = tpu.dynamic_gather %add3A_1925[%gather3A_1937] in [0] : vector<16xf32>, vector<16xi32> -> vector<16xf32>
    %add3A_1939 = arith.addf %add3A_1925, %gather3A_1938 : vector<16xf32>
    %xor3A_1940 = arith.constant 2 : i32
    %xor3A_1941 = vector.broadcast %xor3A_1940 : i32 to vector<16xi32>
    %xor3A_1942 = arith.xori %iota3A, %xor3A_1941 : vector<16xi32>
    %lt3A_1943 = arith.constant 0 : i32
    %lt3A_1944 = vector.broadcast %lt3A_1943 : i32 to vector<16xi32>
    %lt3A_1945 = arith.cmpi slt, %xor3A_1942, %lt3A_1944 : vector<16xi32>
    %add3A_1946 = arith.constant 16 : i32
    %add3A_1947 = vector.broadcast %add3A_1946 : i32 to vector<16xi32>
    %add3A_1948 = arith.addi %xor3A_1942, %add3A_1947 : vector<16xi32>
    %select_n3A_1949 = arith.select %lt3A_1945, %add3A_1948, %xor3A_1942 : vector<16xi1>, vector<16xi32>
    %broadcast_in_dim3A_1950 = vector.shape_cast %select_n3A_1949 : vector<16xi32> to vector<16x1xi32>
    %gather3A_1951 = vector.shape_cast %broadcast_in_dim3A_1950 : vector<16x1xi32> to vector<16xi32>
    %gather3A_1952 = tpu.dynamic_gather %add3A_1939[%gather3A_1951] in [0] : vector<16xf32>, vector<16xi32> -> vector<16xf32>
    %add3A_1953 = arith.addf %add3A_1939, %gather3A_1952 : vector<16xf32>
    %xor3A_1954 = arith.constant 1 : i32
    %xor3A_1955 = vector.broadcast %xor3A_1954 : i32 to vector<16xi32>
    %xor3A_1956 = arith.xori %iota3A, %xor3A_1955 : vector<16xi32>
    %lt3A_1957 = arith.constant 0 : i32
    %lt3A_1958 = vector.broadcast %lt3A_1957 : i32 to vector<16xi32>
    %lt3A_1959 = arith.cmpi slt, %xor3A_1956, %lt3A_1958 : vector<16xi32>
    %add3A_1960 = arith.constant 16 : i32
    %add3A_1961 = vector.broadcast %add3A_1960 : i32 to vector<16xi32>
    %add3A_1962 = arith.addi %xor3A_1956, %add3A_1961 : vector<16xi32>
    %select_n3A_1963 = arith.select %lt3A_1959, %add3A_1962, %xor3A_1956 : vector<16xi1>, vector<16xi32>
    %broadcast_in_dim3A_1964 = vector.shape_cast %select_n3A_1963 : vector<16xi32> to vector<16x1xi32>
    %gather3A_1965 = vector.shape_cast %broadcast_in_dim3A_1964 : vector<16x1xi32> to vector<16xi32>
    %gather3A_1966 = tpu.dynamic_gather %add3A_1953[%gather3A_1965] in [0] : vector<16xf32>, vector<16xi32> -> vector<16xf32>
    %add3A_1967 = arith.addf %add3A_1953, %gather3A_1966 : vector<16xf32>
    %select_n3A_1968 = arith.select %eq3A_1911, %add3A_1967, %select_n3A_1908 : vector<16xi1>, vector<16xf32>
    %eq3A_1969 = arith.constant 6 : i32
    %eq3A_1970 = vector.broadcast %eq3A_1969 : i32 to vector<16xi32>
    %eq3A_1971 = arith.cmpi eq, %iota3A, %eq3A_1970 : vector<16xi32>
    %xor3A_1972 = arith.constant 8 : i32
    %xor3A_1973 = vector.broadcast %xor3A_1972 : i32 to vector<16xi32>
    %xor3A_1974 = arith.xori %iota3A, %xor3A_1973 : vector<16xi32>
    %lt3A_1975 = arith.constant 0 : i32
    %lt3A_1976 = vector.broadcast %lt3A_1975 : i32 to vector<16xi32>
    %lt3A_1977 = arith.cmpi slt, %xor3A_1974, %lt3A_1976 : vector<16xi32>
    %add3A_1978 = arith.constant 16 : i32
    %add3A_1979 = vector.broadcast %add3A_1978 : i32 to vector<16xi32>
    %add3A_1980 = arith.addi %xor3A_1974, %add3A_1979 : vector<16xi32>
    %select_n3A_1981 = arith.select %lt3A_1977, %add3A_1980, %xor3A_1974 : vector<16xi1>, vector<16xi32>
    %broadcast_in_dim3A_1982 = vector.shape_cast %select_n3A_1981 : vector<16xi32> to vector<16x1xi32>
    %gather3A_1983 = vector.shape_cast %broadcast_in_dim3A_1982 : vector<16x1xi32> to vector<16xi32>
    %gather3A_1984 = tpu.dynamic_gather %scan3A_154#30[%gather3A_1983] in [0] : vector<16xf32>, vector<16xi32> -> vector<16xf32>
    %add3A_1985 = arith.addf %scan3A_154#30, %gather3A_1984 : vector<16xf32>
    %xor3A_1986 = arith.constant 4 : i32
    %xor3A_1987 = vector.broadcast %xor3A_1986 : i32 to vector<16xi32>
    %xor3A_1988 = arith.xori %iota3A, %xor3A_1987 : vector<16xi32>
    %lt3A_1989 = arith.constant 0 : i32
    %lt3A_1990 = vector.broadcast %lt3A_1989 : i32 to vector<16xi32>
    %lt3A_1991 = arith.cmpi slt, %xor3A_1988, %lt3A_1990 : vector<16xi32>
    %add3A_1992 = arith.constant 16 : i32
    %add3A_1993 = vector.broadcast %add3A_1992 : i32 to vector<16xi32>
    %add3A_1994 = arith.addi %xor3A_1988, %add3A_1993 : vector<16xi32>
    %select_n3A_1995 = arith.select %lt3A_1991, %add3A_1994, %xor3A_1988 : vector<16xi1>, vector<16xi32>
    %broadcast_in_dim3A_1996 = vector.shape_cast %select_n3A_1995 : vector<16xi32> to vector<16x1xi32>
    %gather3A_1997 = vector.shape_cast %broadcast_in_dim3A_1996 : vector<16x1xi32> to vector<16xi32>
    %gather3A_1998 = tpu.dynamic_gather %add3A_1985[%gather3A_1997] in [0] : vector<16xf32>, vector<16xi32> -> vector<16xf32>
    %add3A_1999 = arith.addf %add3A_1985, %gather3A_1998 : vector<16xf32>
    %xor3A_2000 = arith.constant 2 : i32
    %xor3A_2001 = vector.broadcast %xor3A_2000 : i32 to vector<16xi32>
    %xor3A_2002 = arith.xori %iota3A, %xor3A_2001 : vector<16xi32>
    %lt3A_2003 = arith.constant 0 : i32
    %lt3A_2004 = vector.broadcast %lt3A_2003 : i32 to vector<16xi32>
    %lt3A_2005 = arith.cmpi slt, %xor3A_2002, %lt3A_2004 : vector<16xi32>
    %add3A_2006 = arith.constant 16 : i32
    %add3A_2007 = vector.broadcast %add3A_2006 : i32 to vector<16xi32>
    %add3A_2008 = arith.addi %xor3A_2002, %add3A_2007 : vector<16xi32>
    %select_n3A_2009 = arith.select %lt3A_2005, %add3A_2008, %xor3A_2002 : vector<16xi1>, vector<16xi32>
    %broadcast_in_dim3A_2010 = vector.shape_cast %select_n3A_2009 : vector<16xi32> to vector<16x1xi32>
    %gather3A_2011 = vector.shape_cast %broadcast_in_dim3A_2010 : vector<16x1xi32> to vector<16xi32>
    %gather3A_2012 = tpu.dynamic_gather %add3A_1999[%gather3A_2011] in [0] : vector<16xf32>, vector<16xi32> -> vector<16xf32>
    %add3A_2013 = arith.addf %add3A_1999, %gather3A_2012 : vector<16xf32>
    %xor3A_2014 = arith.constant 1 : i32
    %xor3A_2015 = vector.broadcast %xor3A_2014 : i32 to vector<16xi32>
    %xor3A_2016 = arith.xori %iota3A, %xor3A_2015 : vector<16xi32>
    %lt3A_2017 = arith.constant 0 : i32
    %lt3A_2018 = vector.broadcast %lt3A_2017 : i32 to vector<16xi32>
    %lt3A_2019 = arith.cmpi slt, %xor3A_2016, %lt3A_2018 : vector<16xi32>
    %add3A_2020 = arith.constant 16 : i32
    %add3A_2021 = vector.broadcast %add3A_2020 : i32 to vector<16xi32>
    %add3A_2022 = arith.addi %xor3A_2016, %add3A_2021 : vector<16xi32>
    %select_n3A_2023 = arith.select %lt3A_2019, %add3A_2022, %xor3A_2016 : vector<16xi1>, vector<16xi32>
    %broadcast_in_dim3A_2024 = vector.shape_cast %select_n3A_2023 : vector<16xi32> to vector<16x1xi32>
    %gather3A_2025 = vector.shape_cast %broadcast_in_dim3A_2024 : vector<16x1xi32> to vector<16xi32>
    %gather3A_2026 = tpu.dynamic_gather %add3A_2013[%gather3A_2025] in [0] : vector<16xf32>, vector<16xi32> -> vector<16xf32>
    %add3A_2027 = arith.addf %add3A_2013, %gather3A_2026 : vector<16xf32>
    %select_n3A_2028 = arith.select %eq3A_1971, %add3A_2027, %select_n3A_1968 : vector<16xi1>, vector<16xf32>
    %eq3A_2029 = arith.constant 7 : i32
    %eq3A_2030 = vector.broadcast %eq3A_2029 : i32 to vector<16xi32>
    %eq3A_2031 = arith.cmpi eq, %iota3A, %eq3A_2030 : vector<16xi32>
    %xor3A_2032 = arith.constant 8 : i32
    %xor3A_2033 = vector.broadcast %xor3A_2032 : i32 to vector<16xi32>
    %xor3A_2034 = arith.xori %iota3A, %xor3A_2033 : vector<16xi32>
    %lt3A_2035 = arith.constant 0 : i32
    %lt3A_2036 = vector.broadcast %lt3A_2035 : i32 to vector<16xi32>
    %lt3A_2037 = arith.cmpi slt, %xor3A_2034, %lt3A_2036 : vector<16xi32>
    %add3A_2038 = arith.constant 16 : i32
    %add3A_2039 = vector.broadcast %add3A_2038 : i32 to vector<16xi32>
    %add3A_2040 = arith.addi %xor3A_2034, %add3A_2039 : vector<16xi32>
    %select_n3A_2041 = arith.select %lt3A_2037, %add3A_2040, %xor3A_2034 : vector<16xi1>, vector<16xi32>
    %broadcast_in_dim3A_2042 = vector.shape_cast %select_n3A_2041 : vector<16xi32> to vector<16x1xi32>
    %gather3A_2043 = vector.shape_cast %broadcast_in_dim3A_2042 : vector<16x1xi32> to vector<16xi32>
    %gather3A_2044 = tpu.dynamic_gather %scan3A_154#31[%gather3A_2043] in [0] : vector<16xf32>, vector<16xi32> -> vector<16xf32>
    %add3A_2045 = arith.addf %scan3A_154#31, %gather3A_2044 : vector<16xf32>
    %xor3A_2046 = arith.constant 4 : i32
    %xor3A_2047 = vector.broadcast %xor3A_2046 : i32 to vector<16xi32>
    %xor3A_2048 = arith.xori %iota3A, %xor3A_2047 : vector<16xi32>
    %lt3A_2049 = arith.constant 0 : i32
    %lt3A_2050 = vector.broadcast %lt3A_2049 : i32 to vector<16xi32>
    %lt3A_2051 = arith.cmpi slt, %xor3A_2048, %lt3A_2050 : vector<16xi32>
    %add3A_2052 = arith.constant 16 : i32
    %add3A_2053 = vector.broadcast %add3A_2052 : i32 to vector<16xi32>
    %add3A_2054 = arith.addi %xor3A_2048, %add3A_2053 : vector<16xi32>
    %select_n3A_2055 = arith.select %lt3A_2051, %add3A_2054, %xor3A_2048 : vector<16xi1>, vector<16xi32>
    %broadcast_in_dim3A_2056 = vector.shape_cast %select_n3A_2055 : vector<16xi32> to vector<16x1xi32>
    %gather3A_2057 = vector.shape_cast %broadcast_in_dim3A_2056 : vector<16x1xi32> to vector<16xi32>
    %gather3A_2058 = tpu.dynamic_gather %add3A_2045[%gather3A_2057] in [0] : vector<16xf32>, vector<16xi32> -> vector<16xf32>
    %add3A_2059 = arith.addf %add3A_2045, %gather3A_2058 : vector<16xf32>
    %xor3A_2060 = arith.constant 2 : i32
    %xor3A_2061 = vector.broadcast %xor3A_2060 : i32 to vector<16xi32>
    %xor3A_2062 = arith.xori %iota3A, %xor3A_2061 : vector<16xi32>
    %lt3A_2063 = arith.constant 0 : i32
    %lt3A_2064 = vector.broadcast %lt3A_2063 : i32 to vector<16xi32>
    %lt3A_2065 = arith.cmpi slt, %xor3A_2062, %lt3A_2064 : vector<16xi32>
    %add3A_2066 = arith.constant 16 : i32
    %add3A_2067 = vector.broadcast %add3A_2066 : i32 to vector<16xi32>
    %add3A_2068 = arith.addi %xor3A_2062, %add3A_2067 : vector<16xi32>
    %select_n3A_2069 = arith.select %lt3A_2065, %add3A_2068, %xor3A_2062 : vector<16xi1>, vector<16xi32>
    %broadcast_in_dim3A_2070 = vector.shape_cast %select_n3A_2069 : vector<16xi32> to vector<16x1xi32>
    %gather3A_2071 = vector.shape_cast %broadcast_in_dim3A_2070 : vector<16x1xi32> to vector<16xi32>
    %gather3A_2072 = tpu.dynamic_gather %add3A_2059[%gather3A_2071] in [0] : vector<16xf32>, vector<16xi32> -> vector<16xf32>
    %add3A_2073 = arith.addf %add3A_2059, %gather3A_2072 : vector<16xf32>
    %xor3A_2074 = arith.constant 1 : i32
    %xor3A_2075 = vector.broadcast %xor3A_2074 : i32 to vector<16xi32>
    %xor3A_2076 = arith.xori %iota3A, %xor3A_2075 : vector<16xi32>
    %lt3A_2077 = arith.constant 0 : i32
    %lt3A_2078 = vector.broadcast %lt3A_2077 : i32 to vector<16xi32>
    %lt3A_2079 = arith.cmpi slt, %xor3A_2076, %lt3A_2078 : vector<16xi32>
    %add3A_2080 = arith.constant 16 : i32
    %add3A_2081 = vector.broadcast %add3A_2080 : i32 to vector<16xi32>
    %add3A_2082 = arith.addi %xor3A_2076, %add3A_2081 : vector<16xi32>
    %select_n3A_2083 = arith.select %lt3A_2079, %add3A_2082, %xor3A_2076 : vector<16xi1>, vector<16xi32>
    %broadcast_in_dim3A_2084 = vector.shape_cast %select_n3A_2083 : vector<16xi32> to vector<16x1xi32>
    %gather3A_2085 = vector.shape_cast %broadcast_in_dim3A_2084 : vector<16x1xi32> to vector<16xi32>
    %gather3A_2086 = tpu.dynamic_gather %add3A_2073[%gather3A_2085] in [0] : vector<16xf32>, vector<16xi32> -> vector<16xf32>
    %add3A_2087 = arith.addf %add3A_2073, %gather3A_2086 : vector<16xf32>
    %select_n3A_2088 = arith.select %eq3A_2031, %add3A_2087, %select_n3A_2028 : vector<16xi1>, vector<16xf32>
    %slice3A_2089 = vector.extract_strided_slice %get3A_51 {offsets = [3], sizes = [1], strides = [1]} : vector<16xf32> to vector<1xf32>
    %squeeze3A_2090 = vector.extract %slice3A_2089[0] : f32 from vector<1xf32>
    %add3A_2091 = vector.broadcast %squeeze3A_2090 : f32 to vector<16xf32>
    %add3A_2092 = arith.addf %select_n3A_2088, %add3A_2091 : vector<16xf32>
    %broadcast_in_dim3A_2093 = arith.constant 0.000000e+00 : f32
    %broadcast_in_dim3A_2094 = vector.broadcast %broadcast_in_dim3A_2093 : f32 to vector<16xf32>
    %eq3A_2095 = arith.constant 0 : i32
    %eq3A_2096 = vector.broadcast %eq3A_2095 : i32 to vector<16xi32>
    %eq3A_2097 = arith.cmpi eq, %iota3A, %eq3A_2096 : vector<16xi32>
    %xor3A_2098 = arith.constant 8 : i32
    %xor3A_2099 = vector.broadcast %xor3A_2098 : i32 to vector<16xi32>
    %xor3A_2100 = arith.xori %iota3A, %xor3A_2099 : vector<16xi32>
    %lt3A_2101 = arith.constant 0 : i32
    %lt3A_2102 = vector.broadcast %lt3A_2101 : i32 to vector<16xi32>
    %lt3A_2103 = arith.cmpi slt, %xor3A_2100, %lt3A_2102 : vector<16xi32>
    %add3A_2104 = arith.constant 16 : i32
    %add3A_2105 = vector.broadcast %add3A_2104 : i32 to vector<16xi32>
    %add3A_2106 = arith.addi %xor3A_2100, %add3A_2105 : vector<16xi32>
    %select_n3A_2107 = arith.select %lt3A_2103, %add3A_2106, %xor3A_2100 : vector<16xi1>, vector<16xi32>
    %broadcast_in_dim3A_2108 = vector.shape_cast %select_n3A_2107 : vector<16xi32> to vector<16x1xi32>
    %gather3A_2109 = vector.shape_cast %broadcast_in_dim3A_2108 : vector<16x1xi32> to vector<16xi32>
    %gather3A_2110 = tpu.dynamic_gather %scan3A_154#32[%gather3A_2109] in [0] : vector<16xf32>, vector<16xi32> -> vector<16xf32>
    %add3A_2111 = arith.addf %scan3A_154#32, %gather3A_2110 : vector<16xf32>
    %xor3A_2112 = arith.constant 4 : i32
    %xor3A_2113 = vector.broadcast %xor3A_2112 : i32 to vector<16xi32>
    %xor3A_2114 = arith.xori %iota3A, %xor3A_2113 : vector<16xi32>
    %lt3A_2115 = arith.constant 0 : i32
    %lt3A_2116 = vector.broadcast %lt3A_2115 : i32 to vector<16xi32>
    %lt3A_2117 = arith.cmpi slt, %xor3A_2114, %lt3A_2116 : vector<16xi32>
    %add3A_2118 = arith.constant 16 : i32
    %add3A_2119 = vector.broadcast %add3A_2118 : i32 to vector<16xi32>
    %add3A_2120 = arith.addi %xor3A_2114, %add3A_2119 : vector<16xi32>
    %select_n3A_2121 = arith.select %lt3A_2117, %add3A_2120, %xor3A_2114 : vector<16xi1>, vector<16xi32>
    %broadcast_in_dim3A_2122 = vector.shape_cast %select_n3A_2121 : vector<16xi32> to vector<16x1xi32>
    %gather3A_2123 = vector.shape_cast %broadcast_in_dim3A_2122 : vector<16x1xi32> to vector<16xi32>
    %gather3A_2124 = tpu.dynamic_gather %add3A_2111[%gather3A_2123] in [0] : vector<16xf32>, vector<16xi32> -> vector<16xf32>
    %add3A_2125 = arith.addf %add3A_2111, %gather3A_2124 : vector<16xf32>
    %xor3A_2126 = arith.constant 2 : i32
    %xor3A_2127 = vector.broadcast %xor3A_2126 : i32 to vector<16xi32>
    %xor3A_2128 = arith.xori %iota3A, %xor3A_2127 : vector<16xi32>
    %lt3A_2129 = arith.constant 0 : i32
    %lt3A_2130 = vector.broadcast %lt3A_2129 : i32 to vector<16xi32>
    %lt3A_2131 = arith.cmpi slt, %xor3A_2128, %lt3A_2130 : vector<16xi32>
    %add3A_2132 = arith.constant 16 : i32
    %add3A_2133 = vector.broadcast %add3A_2132 : i32 to vector<16xi32>
    %add3A_2134 = arith.addi %xor3A_2128, %add3A_2133 : vector<16xi32>
    %select_n3A_2135 = arith.select %lt3A_2131, %add3A_2134, %xor3A_2128 : vector<16xi1>, vector<16xi32>
    %broadcast_in_dim3A_2136 = vector.shape_cast %select_n3A_2135 : vector<16xi32> to vector<16x1xi32>
    %gather3A_2137 = vector.shape_cast %broadcast_in_dim3A_2136 : vector<16x1xi32> to vector<16xi32>
    %gather3A_2138 = tpu.dynamic_gather %add3A_2125[%gather3A_2137] in [0] : vector<16xf32>, vector<16xi32> -> vector<16xf32>
    %add3A_2139 = arith.addf %add3A_2125, %gather3A_2138 : vector<16xf32>
    %xor3A_2140 = arith.constant 1 : i32
    %xor3A_2141 = vector.broadcast %xor3A_2140 : i32 to vector<16xi32>
    %xor3A_2142 = arith.xori %iota3A, %xor3A_2141 : vector<16xi32>
    %lt3A_2143 = arith.constant 0 : i32
    %lt3A_2144 = vector.broadcast %lt3A_2143 : i32 to vector<16xi32>
    %lt3A_2145 = arith.cmpi slt, %xor3A_2142, %lt3A_2144 : vector<16xi32>
    %add3A_2146 = arith.constant 16 : i32
    %add3A_2147 = vector.broadcast %add3A_2146 : i32 to vector<16xi32>
    %add3A_2148 = arith.addi %xor3A_2142, %add3A_2147 : vector<16xi32>
    %select_n3A_2149 = arith.select %lt3A_2145, %add3A_2148, %xor3A_2142 : vector<16xi1>, vector<16xi32>
    %broadcast_in_dim3A_2150 = vector.shape_cast %select_n3A_2149 : vector<16xi32> to vector<16x1xi32>
    %gather3A_2151 = vector.shape_cast %broadcast_in_dim3A_2150 : vector<16x1xi32> to vector<16xi32>
    %gather3A_2152 = tpu.dynamic_gather %add3A_2139[%gather3A_2151] in [0] : vector<16xf32>, vector<16xi32> -> vector<16xf32>
    %add3A_2153 = arith.addf %add3A_2139, %gather3A_2152 : vector<16xf32>
    %select_n3A_2154 = arith.select %eq3A_2097, %add3A_2153, %broadcast_in_dim3A_2094 : vector<16xi1>, vector<16xf32>
    %eq3A_2155 = arith.constant 1 : i32
    %eq3A_2156 = vector.broadcast %eq3A_2155 : i32 to vector<16xi32>
    %eq3A_2157 = arith.cmpi eq, %iota3A, %eq3A_2156 : vector<16xi32>
    %xor3A_2158 = arith.constant 8 : i32
    %xor3A_2159 = vector.broadcast %xor3A_2158 : i32 to vector<16xi32>
    %xor3A_2160 = arith.xori %iota3A, %xor3A_2159 : vector<16xi32>
    %lt3A_2161 = arith.constant 0 : i32
    %lt3A_2162 = vector.broadcast %lt3A_2161 : i32 to vector<16xi32>
    %lt3A_2163 = arith.cmpi slt, %xor3A_2160, %lt3A_2162 : vector<16xi32>
    %add3A_2164 = arith.constant 16 : i32
    %add3A_2165 = vector.broadcast %add3A_2164 : i32 to vector<16xi32>
    %add3A_2166 = arith.addi %xor3A_2160, %add3A_2165 : vector<16xi32>
    %select_n3A_2167 = arith.select %lt3A_2163, %add3A_2166, %xor3A_2160 : vector<16xi1>, vector<16xi32>
    %broadcast_in_dim3A_2168 = vector.shape_cast %select_n3A_2167 : vector<16xi32> to vector<16x1xi32>
    %gather3A_2169 = vector.shape_cast %broadcast_in_dim3A_2168 : vector<16x1xi32> to vector<16xi32>
    %gather3A_2170 = tpu.dynamic_gather %scan3A_154#33[%gather3A_2169] in [0] : vector<16xf32>, vector<16xi32> -> vector<16xf32>
    %add3A_2171 = arith.addf %scan3A_154#33, %gather3A_2170 : vector<16xf32>
    %xor3A_2172 = arith.constant 4 : i32
    %xor3A_2173 = vector.broadcast %xor3A_2172 : i32 to vector<16xi32>
    %xor3A_2174 = arith.xori %iota3A, %xor3A_2173 : vector<16xi32>
    %lt3A_2175 = arith.constant 0 : i32
    %lt3A_2176 = vector.broadcast %lt3A_2175 : i32 to vector<16xi32>
    %lt3A_2177 = arith.cmpi slt, %xor3A_2174, %lt3A_2176 : vector<16xi32>
    %add3A_2178 = arith.constant 16 : i32
    %add3A_2179 = vector.broadcast %add3A_2178 : i32 to vector<16xi32>
    %add3A_2180 = arith.addi %xor3A_2174, %add3A_2179 : vector<16xi32>
    %select_n3A_2181 = arith.select %lt3A_2177, %add3A_2180, %xor3A_2174 : vector<16xi1>, vector<16xi32>
    %broadcast_in_dim3A_2182 = vector.shape_cast %select_n3A_2181 : vector<16xi32> to vector<16x1xi32>
    %gather3A_2183 = vector.shape_cast %broadcast_in_dim3A_2182 : vector<16x1xi32> to vector<16xi32>
    %gather3A_2184 = tpu.dynamic_gather %add3A_2171[%gather3A_2183] in [0] : vector<16xf32>, vector<16xi32> -> vector<16xf32>
    %add3A_2185 = arith.addf %add3A_2171, %gather3A_2184 : vector<16xf32>
    %xor3A_2186 = arith.constant 2 : i32
    %xor3A_2187 = vector.broadcast %xor3A_2186 : i32 to vector<16xi32>
    %xor3A_2188 = arith.xori %iota3A, %xor3A_2187 : vector<16xi32>
    %lt3A_2189 = arith.constant 0 : i32
    %lt3A_2190 = vector.broadcast %lt3A_2189 : i32 to vector<16xi32>
    %lt3A_2191 = arith.cmpi slt, %xor3A_2188, %lt3A_2190 : vector<16xi32>
    %add3A_2192 = arith.constant 16 : i32
    %add3A_2193 = vector.broadcast %add3A_2192 : i32 to vector<16xi32>
    %add3A_2194 = arith.addi %xor3A_2188, %add3A_2193 : vector<16xi32>
    %select_n3A_2195 = arith.select %lt3A_2191, %add3A_2194, %xor3A_2188 : vector<16xi1>, vector<16xi32>
    %broadcast_in_dim3A_2196 = vector.shape_cast %select_n3A_2195 : vector<16xi32> to vector<16x1xi32>
    %gather3A_2197 = vector.shape_cast %broadcast_in_dim3A_2196 : vector<16x1xi32> to vector<16xi32>
    %gather3A_2198 = tpu.dynamic_gather %add3A_2185[%gather3A_2197] in [0] : vector<16xf32>, vector<16xi32> -> vector<16xf32>
    %add3A_2199 = arith.addf %add3A_2185, %gather3A_2198 : vector<16xf32>
    %xor3A_2200 = arith.constant 1 : i32
    %xor3A_2201 = vector.broadcast %xor3A_2200 : i32 to vector<16xi32>
    %xor3A_2202 = arith.xori %iota3A, %xor3A_2201 : vector<16xi32>
    %lt3A_2203 = arith.constant 0 : i32
    %lt3A_2204 = vector.broadcast %lt3A_2203 : i32 to vector<16xi32>
    %lt3A_2205 = arith.cmpi slt, %xor3A_2202, %lt3A_2204 : vector<16xi32>
    %add3A_2206 = arith.constant 16 : i32
    %add3A_2207 = vector.broadcast %add3A_2206 : i32 to vector<16xi32>
    %add3A_2208 = arith.addi %xor3A_2202, %add3A_2207 : vector<16xi32>
    %select_n3A_2209 = arith.select %lt3A_2205, %add3A_2208, %xor3A_2202 : vector<16xi1>, vector<16xi32>
    %broadcast_in_dim3A_2210 = vector.shape_cast %select_n3A_2209 : vector<16xi32> to vector<16x1xi32>
    %gather3A_2211 = vector.shape_cast %broadcast_in_dim3A_2210 : vector<16x1xi32> to vector<16xi32>
    %gather3A_2212 = tpu.dynamic_gather %add3A_2199[%gather3A_2211] in [0] : vector<16xf32>, vector<16xi32> -> vector<16xf32>
    %add3A_2213 = arith.addf %add3A_2199, %gather3A_2212 : vector<16xf32>
    %select_n3A_2214 = arith.select %eq3A_2157, %add3A_2213, %select_n3A_2154 : vector<16xi1>, vector<16xf32>
    %eq3A_2215 = arith.constant 2 : i32
    %eq3A_2216 = vector.broadcast %eq3A_2215 : i32 to vector<16xi32>
    %eq3A_2217 = arith.cmpi eq, %iota3A, %eq3A_2216 : vector<16xi32>
    %xor3A_2218 = arith.constant 8 : i32
    %xor3A_2219 = vector.broadcast %xor3A_2218 : i32 to vector<16xi32>
    %xor3A_2220 = arith.xori %iota3A, %xor3A_2219 : vector<16xi32>
    %lt3A_2221 = arith.constant 0 : i32
    %lt3A_2222 = vector.broadcast %lt3A_2221 : i32 to vector<16xi32>
    %lt3A_2223 = arith.cmpi slt, %xor3A_2220, %lt3A_2222 : vector<16xi32>
    %add3A_2224 = arith.constant 16 : i32
    %add3A_2225 = vector.broadcast %add3A_2224 : i32 to vector<16xi32>
    %add3A_2226 = arith.addi %xor3A_2220, %add3A_2225 : vector<16xi32>
    %select_n3A_2227 = arith.select %lt3A_2223, %add3A_2226, %xor3A_2220 : vector<16xi1>, vector<16xi32>
    %broadcast_in_dim3A_2228 = vector.shape_cast %select_n3A_2227 : vector<16xi32> to vector<16x1xi32>
    %gather3A_2229 = vector.shape_cast %broadcast_in_dim3A_2228 : vector<16x1xi32> to vector<16xi32>
    %gather3A_2230 = tpu.dynamic_gather %scan3A_154#34[%gather3A_2229] in [0] : vector<16xf32>, vector<16xi32> -> vector<16xf32>
    %add3A_2231 = arith.addf %scan3A_154#34, %gather3A_2230 : vector<16xf32>
    %xor3A_2232 = arith.constant 4 : i32
    %xor3A_2233 = vector.broadcast %xor3A_2232 : i32 to vector<16xi32>
    %xor3A_2234 = arith.xori %iota3A, %xor3A_2233 : vector<16xi32>
    %lt3A_2235 = arith.constant 0 : i32
    %lt3A_2236 = vector.broadcast %lt3A_2235 : i32 to vector<16xi32>
    %lt3A_2237 = arith.cmpi slt, %xor3A_2234, %lt3A_2236 : vector<16xi32>
    %add3A_2238 = arith.constant 16 : i32
    %add3A_2239 = vector.broadcast %add3A_2238 : i32 to vector<16xi32>
    %add3A_2240 = arith.addi %xor3A_2234, %add3A_2239 : vector<16xi32>
    %select_n3A_2241 = arith.select %lt3A_2237, %add3A_2240, %xor3A_2234 : vector<16xi1>, vector<16xi32>
    %broadcast_in_dim3A_2242 = vector.shape_cast %select_n3A_2241 : vector<16xi32> to vector<16x1xi32>
    %gather3A_2243 = vector.shape_cast %broadcast_in_dim3A_2242 : vector<16x1xi32> to vector<16xi32>
    %gather3A_2244 = tpu.dynamic_gather %add3A_2231[%gather3A_2243] in [0] : vector<16xf32>, vector<16xi32> -> vector<16xf32>
    %add3A_2245 = arith.addf %add3A_2231, %gather3A_2244 : vector<16xf32>
    %xor3A_2246 = arith.constant 2 : i32
    %xor3A_2247 = vector.broadcast %xor3A_2246 : i32 to vector<16xi32>
    %xor3A_2248 = arith.xori %iota3A, %xor3A_2247 : vector<16xi32>
    %lt3A_2249 = arith.constant 0 : i32
    %lt3A_2250 = vector.broadcast %lt3A_2249 : i32 to vector<16xi32>
    %lt3A_2251 = arith.cmpi slt, %xor3A_2248, %lt3A_2250 : vector<16xi32>
    %add3A_2252 = arith.constant 16 : i32
    %add3A_2253 = vector.broadcast %add3A_2252 : i32 to vector<16xi32>
    %add3A_2254 = arith.addi %xor3A_2248, %add3A_2253 : vector<16xi32>
    %select_n3A_2255 = arith.select %lt3A_2251, %add3A_2254, %xor3A_2248 : vector<16xi1>, vector<16xi32>
    %broadcast_in_dim3A_2256 = vector.shape_cast %select_n3A_2255 : vector<16xi32> to vector<16x1xi32>
    %gather3A_2257 = vector.shape_cast %broadcast_in_dim3A_2256 : vector<16x1xi32> to vector<16xi32>
    %gather3A_2258 = tpu.dynamic_gather %add3A_2245[%gather3A_2257] in [0] : vector<16xf32>, vector<16xi32> -> vector<16xf32>
    %add3A_2259 = arith.addf %add3A_2245, %gather3A_2258 : vector<16xf32>
    %xor3A_2260 = arith.constant 1 : i32
    %xor3A_2261 = vector.broadcast %xor3A_2260 : i32 to vector<16xi32>
    %xor3A_2262 = arith.xori %iota3A, %xor3A_2261 : vector<16xi32>
    %lt3A_2263 = arith.constant 0 : i32
    %lt3A_2264 = vector.broadcast %lt3A_2263 : i32 to vector<16xi32>
    %lt3A_2265 = arith.cmpi slt, %xor3A_2262, %lt3A_2264 : vector<16xi32>
    %add3A_2266 = arith.constant 16 : i32
    %add3A_2267 = vector.broadcast %add3A_2266 : i32 to vector<16xi32>
    %add3A_2268 = arith.addi %xor3A_2262, %add3A_2267 : vector<16xi32>
    %select_n3A_2269 = arith.select %lt3A_2265, %add3A_2268, %xor3A_2262 : vector<16xi1>, vector<16xi32>
    %broadcast_in_dim3A_2270 = vector.shape_cast %select_n3A_2269 : vector<16xi32> to vector<16x1xi32>
    %gather3A_2271 = vector.shape_cast %broadcast_in_dim3A_2270 : vector<16x1xi32> to vector<16xi32>
    %gather3A_2272 = tpu.dynamic_gather %add3A_2259[%gather3A_2271] in [0] : vector<16xf32>, vector<16xi32> -> vector<16xf32>
    %add3A_2273 = arith.addf %add3A_2259, %gather3A_2272 : vector<16xf32>
    %select_n3A_2274 = arith.select %eq3A_2217, %add3A_2273, %select_n3A_2214 : vector<16xi1>, vector<16xf32>
    %eq3A_2275 = arith.constant 3 : i32
    %eq3A_2276 = vector.broadcast %eq3A_2275 : i32 to vector<16xi32>
    %eq3A_2277 = arith.cmpi eq, %iota3A, %eq3A_2276 : vector<16xi32>
    %xor3A_2278 = arith.constant 8 : i32
    %xor3A_2279 = vector.broadcast %xor3A_2278 : i32 to vector<16xi32>
    %xor3A_2280 = arith.xori %iota3A, %xor3A_2279 : vector<16xi32>
    %lt3A_2281 = arith.constant 0 : i32
    %lt3A_2282 = vector.broadcast %lt3A_2281 : i32 to vector<16xi32>
    %lt3A_2283 = arith.cmpi slt, %xor3A_2280, %lt3A_2282 : vector<16xi32>
    %add3A_2284 = arith.constant 16 : i32
    %add3A_2285 = vector.broadcast %add3A_2284 : i32 to vector<16xi32>
    %add3A_2286 = arith.addi %xor3A_2280, %add3A_2285 : vector<16xi32>
    %select_n3A_2287 = arith.select %lt3A_2283, %add3A_2286, %xor3A_2280 : vector<16xi1>, vector<16xi32>
    %broadcast_in_dim3A_2288 = vector.shape_cast %select_n3A_2287 : vector<16xi32> to vector<16x1xi32>
    %gather3A_2289 = vector.shape_cast %broadcast_in_dim3A_2288 : vector<16x1xi32> to vector<16xi32>
    %gather3A_2290 = tpu.dynamic_gather %scan3A_154#35[%gather3A_2289] in [0] : vector<16xf32>, vector<16xi32> -> vector<16xf32>
    %add3A_2291 = arith.addf %scan3A_154#35, %gather3A_2290 : vector<16xf32>
    %xor3A_2292 = arith.constant 4 : i32
    %xor3A_2293 = vector.broadcast %xor3A_2292 : i32 to vector<16xi32>
    %xor3A_2294 = arith.xori %iota3A, %xor3A_2293 : vector<16xi32>
    %lt3A_2295 = arith.constant 0 : i32
    %lt3A_2296 = vector.broadcast %lt3A_2295 : i32 to vector<16xi32>
    %lt3A_2297 = arith.cmpi slt, %xor3A_2294, %lt3A_2296 : vector<16xi32>
    %add3A_2298 = arith.constant 16 : i32
    %add3A_2299 = vector.broadcast %add3A_2298 : i32 to vector<16xi32>
    %add3A_2300 = arith.addi %xor3A_2294, %add3A_2299 : vector<16xi32>
    %select_n3A_2301 = arith.select %lt3A_2297, %add3A_2300, %xor3A_2294 : vector<16xi1>, vector<16xi32>
    %broadcast_in_dim3A_2302 = vector.shape_cast %select_n3A_2301 : vector<16xi32> to vector<16x1xi32>
    %gather3A_2303 = vector.shape_cast %broadcast_in_dim3A_2302 : vector<16x1xi32> to vector<16xi32>
    %gather3A_2304 = tpu.dynamic_gather %add3A_2291[%gather3A_2303] in [0] : vector<16xf32>, vector<16xi32> -> vector<16xf32>
    %add3A_2305 = arith.addf %add3A_2291, %gather3A_2304 : vector<16xf32>
    %xor3A_2306 = arith.constant 2 : i32
    %xor3A_2307 = vector.broadcast %xor3A_2306 : i32 to vector<16xi32>
    %xor3A_2308 = arith.xori %iota3A, %xor3A_2307 : vector<16xi32>
    %lt3A_2309 = arith.constant 0 : i32
    %lt3A_2310 = vector.broadcast %lt3A_2309 : i32 to vector<16xi32>
    %lt3A_2311 = arith.cmpi slt, %xor3A_2308, %lt3A_2310 : vector<16xi32>
    %add3A_2312 = arith.constant 16 : i32
    %add3A_2313 = vector.broadcast %add3A_2312 : i32 to vector<16xi32>
    %add3A_2314 = arith.addi %xor3A_2308, %add3A_2313 : vector<16xi32>
    %select_n3A_2315 = arith.select %lt3A_2311, %add3A_2314, %xor3A_2308 : vector<16xi1>, vector<16xi32>
    %broadcast_in_dim3A_2316 = vector.shape_cast %select_n3A_2315 : vector<16xi32> to vector<16x1xi32>
    %gather3A_2317 = vector.shape_cast %broadcast_in_dim3A_2316 : vector<16x1xi32> to vector<16xi32>
    %gather3A_2318 = tpu.dynamic_gather %add3A_2305[%gather3A_2317] in [0] : vector<16xf32>, vector<16xi32> -> vector<16xf32>
    %add3A_2319 = arith.addf %add3A_2305, %gather3A_2318 : vector<16xf32>
    %xor3A_2320 = arith.constant 1 : i32
    %xor3A_2321 = vector.broadcast %xor3A_2320 : i32 to vector<16xi32>
    %xor3A_2322 = arith.xori %iota3A, %xor3A_2321 : vector<16xi32>
    %lt3A_2323 = arith.constant 0 : i32
    %lt3A_2324 = vector.broadcast %lt3A_2323 : i32 to vector<16xi32>
    %lt3A_2325 = arith.cmpi slt, %xor3A_2322, %lt3A_2324 : vector<16xi32>
    %add3A_2326 = arith.constant 16 : i32
    %add3A_2327 = vector.broadcast %add3A_2326 : i32 to vector<16xi32>
    %add3A_2328 = arith.addi %xor3A_2322, %add3A_2327 : vector<16xi32>
    %select_n3A_2329 = arith.select %lt3A_2325, %add3A_2328, %xor3A_2322 : vector<16xi1>, vector<16xi32>
    %broadcast_in_dim3A_2330 = vector.shape_cast %select_n3A_2329 : vector<16xi32> to vector<16x1xi32>
    %gather3A_2331 = vector.shape_cast %broadcast_in_dim3A_2330 : vector<16x1xi32> to vector<16xi32>
    %gather3A_2332 = tpu.dynamic_gather %add3A_2319[%gather3A_2331] in [0] : vector<16xf32>, vector<16xi32> -> vector<16xf32>
    %add3A_2333 = arith.addf %add3A_2319, %gather3A_2332 : vector<16xf32>
    %select_n3A_2334 = arith.select %eq3A_2277, %add3A_2333, %select_n3A_2274 : vector<16xi1>, vector<16xf32>
    %eq3A_2335 = arith.constant 4 : i32
    %eq3A_2336 = vector.broadcast %eq3A_2335 : i32 to vector<16xi32>
    %eq3A_2337 = arith.cmpi eq, %iota3A, %eq3A_2336 : vector<16xi32>
    %xor3A_2338 = arith.constant 8 : i32
    %xor3A_2339 = vector.broadcast %xor3A_2338 : i32 to vector<16xi32>
    %xor3A_2340 = arith.xori %iota3A, %xor3A_2339 : vector<16xi32>
    %lt3A_2341 = arith.constant 0 : i32
    %lt3A_2342 = vector.broadcast %lt3A_2341 : i32 to vector<16xi32>
    %lt3A_2343 = arith.cmpi slt, %xor3A_2340, %lt3A_2342 : vector<16xi32>
    %add3A_2344 = arith.constant 16 : i32
    %add3A_2345 = vector.broadcast %add3A_2344 : i32 to vector<16xi32>
    %add3A_2346 = arith.addi %xor3A_2340, %add3A_2345 : vector<16xi32>
    %select_n3A_2347 = arith.select %lt3A_2343, %add3A_2346, %xor3A_2340 : vector<16xi1>, vector<16xi32>
    %broadcast_in_dim3A_2348 = vector.shape_cast %select_n3A_2347 : vector<16xi32> to vector<16x1xi32>
    %gather3A_2349 = vector.shape_cast %broadcast_in_dim3A_2348 : vector<16x1xi32> to vector<16xi32>
    %gather3A_2350 = tpu.dynamic_gather %scan3A_154#36[%gather3A_2349] in [0] : vector<16xf32>, vector<16xi32> -> vector<16xf32>
    %add3A_2351 = arith.addf %scan3A_154#36, %gather3A_2350 : vector<16xf32>
    %xor3A_2352 = arith.constant 4 : i32
    %xor3A_2353 = vector.broadcast %xor3A_2352 : i32 to vector<16xi32>
    %xor3A_2354 = arith.xori %iota3A, %xor3A_2353 : vector<16xi32>
    %lt3A_2355 = arith.constant 0 : i32
    %lt3A_2356 = vector.broadcast %lt3A_2355 : i32 to vector<16xi32>
    %lt3A_2357 = arith.cmpi slt, %xor3A_2354, %lt3A_2356 : vector<16xi32>
    %add3A_2358 = arith.constant 16 : i32
    %add3A_2359 = vector.broadcast %add3A_2358 : i32 to vector<16xi32>
    %add3A_2360 = arith.addi %xor3A_2354, %add3A_2359 : vector<16xi32>
    %select_n3A_2361 = arith.select %lt3A_2357, %add3A_2360, %xor3A_2354 : vector<16xi1>, vector<16xi32>
    %broadcast_in_dim3A_2362 = vector.shape_cast %select_n3A_2361 : vector<16xi32> to vector<16x1xi32>
    %gather3A_2363 = vector.shape_cast %broadcast_in_dim3A_2362 : vector<16x1xi32> to vector<16xi32>
    %gather3A_2364 = tpu.dynamic_gather %add3A_2351[%gather3A_2363] in [0] : vector<16xf32>, vector<16xi32> -> vector<16xf32>
    %add3A_2365 = arith.addf %add3A_2351, %gather3A_2364 : vector<16xf32>
    %xor3A_2366 = arith.constant 2 : i32
    %xor3A_2367 = vector.broadcast %xor3A_2366 : i32 to vector<16xi32>
    %xor3A_2368 = arith.xori %iota3A, %xor3A_2367 : vector<16xi32>
    %lt3A_2369 = arith.constant 0 : i32
    %lt3A_2370 = vector.broadcast %lt3A_2369 : i32 to vector<16xi32>
    %lt3A_2371 = arith.cmpi slt, %xor3A_2368, %lt3A_2370 : vector<16xi32>
    %add3A_2372 = arith.constant 16 : i32
    %add3A_2373 = vector.broadcast %add3A_2372 : i32 to vector<16xi32>
    %add3A_2374 = arith.addi %xor3A_2368, %add3A_2373 : vector<16xi32>
    %select_n3A_2375 = arith.select %lt3A_2371, %add3A_2374, %xor3A_2368 : vector<16xi1>, vector<16xi32>
    %broadcast_in_dim3A_2376 = vector.shape_cast %select_n3A_2375 : vector<16xi32> to vector<16x1xi32>
    %gather3A_2377 = vector.shape_cast %broadcast_in_dim3A_2376 : vector<16x1xi32> to vector<16xi32>
    %gather3A_2378 = tpu.dynamic_gather %add3A_2365[%gather3A_2377] in [0] : vector<16xf32>, vector<16xi32> -> vector<16xf32>
    %add3A_2379 = arith.addf %add3A_2365, %gather3A_2378 : vector<16xf32>
    %xor3A_2380 = arith.constant 1 : i32
    %xor3A_2381 = vector.broadcast %xor3A_2380 : i32 to vector<16xi32>
    %xor3A_2382 = arith.xori %iota3A, %xor3A_2381 : vector<16xi32>
    %lt3A_2383 = arith.constant 0 : i32
    %lt3A_2384 = vector.broadcast %lt3A_2383 : i32 to vector<16xi32>
    %lt3A_2385 = arith.cmpi slt, %xor3A_2382, %lt3A_2384 : vector<16xi32>
    %add3A_2386 = arith.constant 16 : i32
    %add3A_2387 = vector.broadcast %add3A_2386 : i32 to vector<16xi32>
    %add3A_2388 = arith.addi %xor3A_2382, %add3A_2387 : vector<16xi32>
    %select_n3A_2389 = arith.select %lt3A_2385, %add3A_2388, %xor3A_2382 : vector<16xi1>, vector<16xi32>
    %broadcast_in_dim3A_2390 = vector.shape_cast %select_n3A_2389 : vector<16xi32> to vector<16x1xi32>
    %gather3A_2391 = vector.shape_cast %broadcast_in_dim3A_2390 : vector<16x1xi32> to vector<16xi32>
    %gather3A_2392 = tpu.dynamic_gather %add3A_2379[%gather3A_2391] in [0] : vector<16xf32>, vector<16xi32> -> vector<16xf32>
    %add3A_2393 = arith.addf %add3A_2379, %gather3A_2392 : vector<16xf32>
    %select_n3A_2394 = arith.select %eq3A_2337, %add3A_2393, %select_n3A_2334 : vector<16xi1>, vector<16xf32>
    %eq3A_2395 = arith.constant 5 : i32
    %eq3A_2396 = vector.broadcast %eq3A_2395 : i32 to vector<16xi32>
    %eq3A_2397 = arith.cmpi eq, %iota3A, %eq3A_2396 : vector<16xi32>
    %xor3A_2398 = arith.constant 8 : i32
    %xor3A_2399 = vector.broadcast %xor3A_2398 : i32 to vector<16xi32>
    %xor3A_2400 = arith.xori %iota3A, %xor3A_2399 : vector<16xi32>
    %lt3A_2401 = arith.constant 0 : i32
    %lt3A_2402 = vector.broadcast %lt3A_2401 : i32 to vector<16xi32>
    %lt3A_2403 = arith.cmpi slt, %xor3A_2400, %lt3A_2402 : vector<16xi32>
    %add3A_2404 = arith.constant 16 : i32
    %add3A_2405 = vector.broadcast %add3A_2404 : i32 to vector<16xi32>
    %add3A_2406 = arith.addi %xor3A_2400, %add3A_2405 : vector<16xi32>
    %select_n3A_2407 = arith.select %lt3A_2403, %add3A_2406, %xor3A_2400 : vector<16xi1>, vector<16xi32>
    %broadcast_in_dim3A_2408 = vector.shape_cast %select_n3A_2407 : vector<16xi32> to vector<16x1xi32>
    %gather3A_2409 = vector.shape_cast %broadcast_in_dim3A_2408 : vector<16x1xi32> to vector<16xi32>
    %gather3A_2410 = tpu.dynamic_gather %scan3A_154#37[%gather3A_2409] in [0] : vector<16xf32>, vector<16xi32> -> vector<16xf32>
    %add3A_2411 = arith.addf %scan3A_154#37, %gather3A_2410 : vector<16xf32>
    %xor3A_2412 = arith.constant 4 : i32
    %xor3A_2413 = vector.broadcast %xor3A_2412 : i32 to vector<16xi32>
    %xor3A_2414 = arith.xori %iota3A, %xor3A_2413 : vector<16xi32>
    %lt3A_2415 = arith.constant 0 : i32
    %lt3A_2416 = vector.broadcast %lt3A_2415 : i32 to vector<16xi32>
    %lt3A_2417 = arith.cmpi slt, %xor3A_2414, %lt3A_2416 : vector<16xi32>
    %add3A_2418 = arith.constant 16 : i32
    %add3A_2419 = vector.broadcast %add3A_2418 : i32 to vector<16xi32>
    %add3A_2420 = arith.addi %xor3A_2414, %add3A_2419 : vector<16xi32>
    %select_n3A_2421 = arith.select %lt3A_2417, %add3A_2420, %xor3A_2414 : vector<16xi1>, vector<16xi32>
    %broadcast_in_dim3A_2422 = vector.shape_cast %select_n3A_2421 : vector<16xi32> to vector<16x1xi32>
    %gather3A_2423 = vector.shape_cast %broadcast_in_dim3A_2422 : vector<16x1xi32> to vector<16xi32>
    %gather3A_2424 = tpu.dynamic_gather %add3A_2411[%gather3A_2423] in [0] : vector<16xf32>, vector<16xi32> -> vector<16xf32>
    %add3A_2425 = arith.addf %add3A_2411, %gather3A_2424 : vector<16xf32>
    %xor3A_2426 = arith.constant 2 : i32
    %xor3A_2427 = vector.broadcast %xor3A_2426 : i32 to vector<16xi32>
    %xor3A_2428 = arith.xori %iota3A, %xor3A_2427 : vector<16xi32>
    %lt3A_2429 = arith.constant 0 : i32
    %lt3A_2430 = vector.broadcast %lt3A_2429 : i32 to vector<16xi32>
    %lt3A_2431 = arith.cmpi slt, %xor3A_2428, %lt3A_2430 : vector<16xi32>
    %add3A_2432 = arith.constant 16 : i32
    %add3A_2433 = vector.broadcast %add3A_2432 : i32 to vector<16xi32>
    %add3A_2434 = arith.addi %xor3A_2428, %add3A_2433 : vector<16xi32>
    %select_n3A_2435 = arith.select %lt3A_2431, %add3A_2434, %xor3A_2428 : vector<16xi1>, vector<16xi32>
    %broadcast_in_dim3A_2436 = vector.shape_cast %select_n3A_2435 : vector<16xi32> to vector<16x1xi32>
    %gather3A_2437 = vector.shape_cast %broadcast_in_dim3A_2436 : vector<16x1xi32> to vector<16xi32>
    %gather3A_2438 = tpu.dynamic_gather %add3A_2425[%gather3A_2437] in [0] : vector<16xf32>, vector<16xi32> -> vector<16xf32>
    %add3A_2439 = arith.addf %add3A_2425, %gather3A_2438 : vector<16xf32>
    %xor3A_2440 = arith.constant 1 : i32
    %xor3A_2441 = vector.broadcast %xor3A_2440 : i32 to vector<16xi32>
    %xor3A_2442 = arith.xori %iota3A, %xor3A_2441 : vector<16xi32>
    %lt3A_2443 = arith.constant 0 : i32
    %lt3A_2444 = vector.broadcast %lt3A_2443 : i32 to vector<16xi32>
    %lt3A_2445 = arith.cmpi slt, %xor3A_2442, %lt3A_2444 : vector<16xi32>
    %add3A_2446 = arith.constant 16 : i32
    %add3A_2447 = vector.broadcast %add3A_2446 : i32 to vector<16xi32>
    %add3A_2448 = arith.addi %xor3A_2442, %add3A_2447 : vector<16xi32>
    %select_n3A_2449 = arith.select %lt3A_2445, %add3A_2448, %xor3A_2442 : vector<16xi1>, vector<16xi32>
    %broadcast_in_dim3A_2450 = vector.shape_cast %select_n3A_2449 : vector<16xi32> to vector<16x1xi32>
    %gather3A_2451 = vector.shape_cast %broadcast_in_dim3A_2450 : vector<16x1xi32> to vector<16xi32>
    %gather3A_2452 = tpu.dynamic_gather %add3A_2439[%gather3A_2451] in [0] : vector<16xf32>, vector<16xi32> -> vector<16xf32>
    %add3A_2453 = arith.addf %add3A_2439, %gather3A_2452 : vector<16xf32>
    %select_n3A_2454 = arith.select %eq3A_2397, %add3A_2453, %select_n3A_2394 : vector<16xi1>, vector<16xf32>
    %eq3A_2455 = arith.constant 6 : i32
    %eq3A_2456 = vector.broadcast %eq3A_2455 : i32 to vector<16xi32>
    %eq3A_2457 = arith.cmpi eq, %iota3A, %eq3A_2456 : vector<16xi32>
    %xor3A_2458 = arith.constant 8 : i32
    %xor3A_2459 = vector.broadcast %xor3A_2458 : i32 to vector<16xi32>
    %xor3A_2460 = arith.xori %iota3A, %xor3A_2459 : vector<16xi32>
    %lt3A_2461 = arith.constant 0 : i32
    %lt3A_2462 = vector.broadcast %lt3A_2461 : i32 to vector<16xi32>
    %lt3A_2463 = arith.cmpi slt, %xor3A_2460, %lt3A_2462 : vector<16xi32>
    %add3A_2464 = arith.constant 16 : i32
    %add3A_2465 = vector.broadcast %add3A_2464 : i32 to vector<16xi32>
    %add3A_2466 = arith.addi %xor3A_2460, %add3A_2465 : vector<16xi32>
    %select_n3A_2467 = arith.select %lt3A_2463, %add3A_2466, %xor3A_2460 : vector<16xi1>, vector<16xi32>
    %broadcast_in_dim3A_2468 = vector.shape_cast %select_n3A_2467 : vector<16xi32> to vector<16x1xi32>
    %gather3A_2469 = vector.shape_cast %broadcast_in_dim3A_2468 : vector<16x1xi32> to vector<16xi32>
    %gather3A_2470 = tpu.dynamic_gather %scan3A_154#38[%gather3A_2469] in [0] : vector<16xf32>, vector<16xi32> -> vector<16xf32>
    %add3A_2471 = arith.addf %scan3A_154#38, %gather3A_2470 : vector<16xf32>
    %xor3A_2472 = arith.constant 4 : i32
    %xor3A_2473 = vector.broadcast %xor3A_2472 : i32 to vector<16xi32>
    %xor3A_2474 = arith.xori %iota3A, %xor3A_2473 : vector<16xi32>
    %lt3A_2475 = arith.constant 0 : i32
    %lt3A_2476 = vector.broadcast %lt3A_2475 : i32 to vector<16xi32>
    %lt3A_2477 = arith.cmpi slt, %xor3A_2474, %lt3A_2476 : vector<16xi32>
    %add3A_2478 = arith.constant 16 : i32
    %add3A_2479 = vector.broadcast %add3A_2478 : i32 to vector<16xi32>
    %add3A_2480 = arith.addi %xor3A_2474, %add3A_2479 : vector<16xi32>
    %select_n3A_2481 = arith.select %lt3A_2477, %add3A_2480, %xor3A_2474 : vector<16xi1>, vector<16xi32>
    %broadcast_in_dim3A_2482 = vector.shape_cast %select_n3A_2481 : vector<16xi32> to vector<16x1xi32>
    %gather3A_2483 = vector.shape_cast %broadcast_in_dim3A_2482 : vector<16x1xi32> to vector<16xi32>
    %gather3A_2484 = tpu.dynamic_gather %add3A_2471[%gather3A_2483] in [0] : vector<16xf32>, vector<16xi32> -> vector<16xf32>
    %add3A_2485 = arith.addf %add3A_2471, %gather3A_2484 : vector<16xf32>
    %xor3A_2486 = arith.constant 2 : i32
    %xor3A_2487 = vector.broadcast %xor3A_2486 : i32 to vector<16xi32>
    %xor3A_2488 = arith.xori %iota3A, %xor3A_2487 : vector<16xi32>
    %lt3A_2489 = arith.constant 0 : i32
    %lt3A_2490 = vector.broadcast %lt3A_2489 : i32 to vector<16xi32>
    %lt3A_2491 = arith.cmpi slt, %xor3A_2488, %lt3A_2490 : vector<16xi32>
    %add3A_2492 = arith.constant 16 : i32
    %add3A_2493 = vector.broadcast %add3A_2492 : i32 to vector<16xi32>
    %add3A_2494 = arith.addi %xor3A_2488, %add3A_2493 : vector<16xi32>
    %select_n3A_2495 = arith.select %lt3A_2491, %add3A_2494, %xor3A_2488 : vector<16xi1>, vector<16xi32>
    %broadcast_in_dim3A_2496 = vector.shape_cast %select_n3A_2495 : vector<16xi32> to vector<16x1xi32>
    %gather3A_2497 = vector.shape_cast %broadcast_in_dim3A_2496 : vector<16x1xi32> to vector<16xi32>
    %gather3A_2498 = tpu.dynamic_gather %add3A_2485[%gather3A_2497] in [0] : vector<16xf32>, vector<16xi32> -> vector<16xf32>
    %add3A_2499 = arith.addf %add3A_2485, %gather3A_2498 : vector<16xf32>
    %xor3A_2500 = arith.constant 1 : i32
    %xor3A_2501 = vector.broadcast %xor3A_2500 : i32 to vector<16xi32>
    %xor3A_2502 = arith.xori %iota3A, %xor3A_2501 : vector<16xi32>
    %lt3A_2503 = arith.constant 0 : i32
    %lt3A_2504 = vector.broadcast %lt3A_2503 : i32 to vector<16xi32>
    %lt3A_2505 = arith.cmpi slt, %xor3A_2502, %lt3A_2504 : vector<16xi32>
    %add3A_2506 = arith.constant 16 : i32
    %add3A_2507 = vector.broadcast %add3A_2506 : i32 to vector<16xi32>
    %add3A_2508 = arith.addi %xor3A_2502, %add3A_2507 : vector<16xi32>
    %select_n3A_2509 = arith.select %lt3A_2505, %add3A_2508, %xor3A_2502 : vector<16xi1>, vector<16xi32>
    %broadcast_in_dim3A_2510 = vector.shape_cast %select_n3A_2509 : vector<16xi32> to vector<16x1xi32>
    %gather3A_2511 = vector.shape_cast %broadcast_in_dim3A_2510 : vector<16x1xi32> to vector<16xi32>
    %gather3A_2512 = tpu.dynamic_gather %add3A_2499[%gather3A_2511] in [0] : vector<16xf32>, vector<16xi32> -> vector<16xf32>
    %add3A_2513 = arith.addf %add3A_2499, %gather3A_2512 : vector<16xf32>
    %select_n3A_2514 = arith.select %eq3A_2457, %add3A_2513, %select_n3A_2454 : vector<16xi1>, vector<16xf32>
    %eq3A_2515 = arith.constant 7 : i32
    %eq3A_2516 = vector.broadcast %eq3A_2515 : i32 to vector<16xi32>
    %eq3A_2517 = arith.cmpi eq, %iota3A, %eq3A_2516 : vector<16xi32>
    %xor3A_2518 = arith.constant 8 : i32
    %xor3A_2519 = vector.broadcast %xor3A_2518 : i32 to vector<16xi32>
    %xor3A_2520 = arith.xori %iota3A, %xor3A_2519 : vector<16xi32>
    %lt3A_2521 = arith.constant 0 : i32
    %lt3A_2522 = vector.broadcast %lt3A_2521 : i32 to vector<16xi32>
    %lt3A_2523 = arith.cmpi slt, %xor3A_2520, %lt3A_2522 : vector<16xi32>
    %add3A_2524 = arith.constant 16 : i32
    %add3A_2525 = vector.broadcast %add3A_2524 : i32 to vector<16xi32>
    %add3A_2526 = arith.addi %xor3A_2520, %add3A_2525 : vector<16xi32>
    %select_n3A_2527 = arith.select %lt3A_2523, %add3A_2526, %xor3A_2520 : vector<16xi1>, vector<16xi32>
    %broadcast_in_dim3A_2528 = vector.shape_cast %select_n3A_2527 : vector<16xi32> to vector<16x1xi32>
    %gather3A_2529 = vector.shape_cast %broadcast_in_dim3A_2528 : vector<16x1xi32> to vector<16xi32>
    %gather3A_2530 = tpu.dynamic_gather %scan3A_154#39[%gather3A_2529] in [0] : vector<16xf32>, vector<16xi32> -> vector<16xf32>
    %add3A_2531 = arith.addf %scan3A_154#39, %gather3A_2530 : vector<16xf32>
    %xor3A_2532 = arith.constant 4 : i32
    %xor3A_2533 = vector.broadcast %xor3A_2532 : i32 to vector<16xi32>
    %xor3A_2534 = arith.xori %iota3A, %xor3A_2533 : vector<16xi32>
    %lt3A_2535 = arith.constant 0 : i32
    %lt3A_2536 = vector.broadcast %lt3A_2535 : i32 to vector<16xi32>
    %lt3A_2537 = arith.cmpi slt, %xor3A_2534, %lt3A_2536 : vector<16xi32>
    %add3A_2538 = arith.constant 16 : i32
    %add3A_2539 = vector.broadcast %add3A_2538 : i32 to vector<16xi32>
    %add3A_2540 = arith.addi %xor3A_2534, %add3A_2539 : vector<16xi32>
    %select_n3A_2541 = arith.select %lt3A_2537, %add3A_2540, %xor3A_2534 : vector<16xi1>, vector<16xi32>
    %broadcast_in_dim3A_2542 = vector.shape_cast %select_n3A_2541 : vector<16xi32> to vector<16x1xi32>
    %gather3A_2543 = vector.shape_cast %broadcast_in_dim3A_2542 : vector<16x1xi32> to vector<16xi32>
    %gather3A_2544 = tpu.dynamic_gather %add3A_2531[%gather3A_2543] in [0] : vector<16xf32>, vector<16xi32> -> vector<16xf32>
    %add3A_2545 = arith.addf %add3A_2531, %gather3A_2544 : vector<16xf32>
    %xor3A_2546 = arith.constant 2 : i32
    %xor3A_2547 = vector.broadcast %xor3A_2546 : i32 to vector<16xi32>
    %xor3A_2548 = arith.xori %iota3A, %xor3A_2547 : vector<16xi32>
    %lt3A_2549 = arith.constant 0 : i32
    %lt3A_2550 = vector.broadcast %lt3A_2549 : i32 to vector<16xi32>
    %lt3A_2551 = arith.cmpi slt, %xor3A_2548, %lt3A_2550 : vector<16xi32>
    %add3A_2552 = arith.constant 16 : i32
    %add3A_2553 = vector.broadcast %add3A_2552 : i32 to vector<16xi32>
    %add3A_2554 = arith.addi %xor3A_2548, %add3A_2553 : vector<16xi32>
    %select_n3A_2555 = arith.select %lt3A_2551, %add3A_2554, %xor3A_2548 : vector<16xi1>, vector<16xi32>
    %broadcast_in_dim3A_2556 = vector.shape_cast %select_n3A_2555 : vector<16xi32> to vector<16x1xi32>
    %gather3A_2557 = vector.shape_cast %broadcast_in_dim3A_2556 : vector<16x1xi32> to vector<16xi32>
    %gather3A_2558 = tpu.dynamic_gather %add3A_2545[%gather3A_2557] in [0] : vector<16xf32>, vector<16xi32> -> vector<16xf32>
    %add3A_2559 = arith.addf %add3A_2545, %gather3A_2558 : vector<16xf32>
    %xor3A_2560 = arith.constant 1 : i32
    %xor3A_2561 = vector.broadcast %xor3A_2560 : i32 to vector<16xi32>
    %xor3A_2562 = arith.xori %iota3A, %xor3A_2561 : vector<16xi32>
    %lt3A_2563 = arith.constant 0 : i32
    %lt3A_2564 = vector.broadcast %lt3A_2563 : i32 to vector<16xi32>
    %lt3A_2565 = arith.cmpi slt, %xor3A_2562, %lt3A_2564 : vector<16xi32>
    %add3A_2566 = arith.constant 16 : i32
    %add3A_2567 = vector.broadcast %add3A_2566 : i32 to vector<16xi32>
    %add3A_2568 = arith.addi %xor3A_2562, %add3A_2567 : vector<16xi32>
    %select_n3A_2569 = arith.select %lt3A_2565, %add3A_2568, %xor3A_2562 : vector<16xi1>, vector<16xi32>
    %broadcast_in_dim3A_2570 = vector.shape_cast %select_n3A_2569 : vector<16xi32> to vector<16x1xi32>
    %gather3A_2571 = vector.shape_cast %broadcast_in_dim3A_2570 : vector<16x1xi32> to vector<16xi32>
    %gather3A_2572 = tpu.dynamic_gather %add3A_2559[%gather3A_2571] in [0] : vector<16xf32>, vector<16xi32> -> vector<16xf32>
    %add3A_2573 = arith.addf %add3A_2559, %gather3A_2572 : vector<16xf32>
    %select_n3A_2574 = arith.select %eq3A_2517, %add3A_2573, %select_n3A_2514 : vector<16xi1>, vector<16xf32>
    %slice3A_2575 = vector.extract_strided_slice %get3A_51 {offsets = [4], sizes = [1], strides = [1]} : vector<16xf32> to vector<1xf32>
    %squeeze3A_2576 = vector.extract %slice3A_2575[0] : f32 from vector<1xf32>
    %add3A_2577 = vector.broadcast %squeeze3A_2576 : f32 to vector<16xf32>
    %add3A_2578 = arith.addf %select_n3A_2574, %add3A_2577 : vector<16xf32>
    %broadcast_in_dim3A_2579 = arith.constant 0.000000e+00 : f32
    %broadcast_in_dim3A_2580 = vector.broadcast %broadcast_in_dim3A_2579 : f32 to vector<16xf32>
    %eq3A_2581 = arith.constant 0 : i32
    %eq3A_2582 = vector.broadcast %eq3A_2581 : i32 to vector<16xi32>
    %eq3A_2583 = arith.cmpi eq, %iota3A, %eq3A_2582 : vector<16xi32>
    %xor3A_2584 = arith.constant 8 : i32
    %xor3A_2585 = vector.broadcast %xor3A_2584 : i32 to vector<16xi32>
    %xor3A_2586 = arith.xori %iota3A, %xor3A_2585 : vector<16xi32>
    %lt3A_2587 = arith.constant 0 : i32
    %lt3A_2588 = vector.broadcast %lt3A_2587 : i32 to vector<16xi32>
    %lt3A_2589 = arith.cmpi slt, %xor3A_2586, %lt3A_2588 : vector<16xi32>
    %add3A_2590 = arith.constant 16 : i32
    %add3A_2591 = vector.broadcast %add3A_2590 : i32 to vector<16xi32>
    %add3A_2592 = arith.addi %xor3A_2586, %add3A_2591 : vector<16xi32>
    %select_n3A_2593 = arith.select %lt3A_2589, %add3A_2592, %xor3A_2586 : vector<16xi1>, vector<16xi32>
    %broadcast_in_dim3A_2594 = vector.shape_cast %select_n3A_2593 : vector<16xi32> to vector<16x1xi32>
    %gather3A_2595 = vector.shape_cast %broadcast_in_dim3A_2594 : vector<16x1xi32> to vector<16xi32>
    %gather3A_2596 = tpu.dynamic_gather %scan3A_154#40[%gather3A_2595] in [0] : vector<16xf32>, vector<16xi32> -> vector<16xf32>
    %add3A_2597 = arith.addf %scan3A_154#40, %gather3A_2596 : vector<16xf32>
    %xor3A_2598 = arith.constant 4 : i32
    %xor3A_2599 = vector.broadcast %xor3A_2598 : i32 to vector<16xi32>
    %xor3A_2600 = arith.xori %iota3A, %xor3A_2599 : vector<16xi32>
    %lt3A_2601 = arith.constant 0 : i32
    %lt3A_2602 = vector.broadcast %lt3A_2601 : i32 to vector<16xi32>
    %lt3A_2603 = arith.cmpi slt, %xor3A_2600, %lt3A_2602 : vector<16xi32>
    %add3A_2604 = arith.constant 16 : i32
    %add3A_2605 = vector.broadcast %add3A_2604 : i32 to vector<16xi32>
    %add3A_2606 = arith.addi %xor3A_2600, %add3A_2605 : vector<16xi32>
    %select_n3A_2607 = arith.select %lt3A_2603, %add3A_2606, %xor3A_2600 : vector<16xi1>, vector<16xi32>
    %broadcast_in_dim3A_2608 = vector.shape_cast %select_n3A_2607 : vector<16xi32> to vector<16x1xi32>
    %gather3A_2609 = vector.shape_cast %broadcast_in_dim3A_2608 : vector<16x1xi32> to vector<16xi32>
    %gather3A_2610 = tpu.dynamic_gather %add3A_2597[%gather3A_2609] in [0] : vector<16xf32>, vector<16xi32> -> vector<16xf32>
    %add3A_2611 = arith.addf %add3A_2597, %gather3A_2610 : vector<16xf32>
    %xor3A_2612 = arith.constant 2 : i32
    %xor3A_2613 = vector.broadcast %xor3A_2612 : i32 to vector<16xi32>
    %xor3A_2614 = arith.xori %iota3A, %xor3A_2613 : vector<16xi32>
    %lt3A_2615 = arith.constant 0 : i32
    %lt3A_2616 = vector.broadcast %lt3A_2615 : i32 to vector<16xi32>
    %lt3A_2617 = arith.cmpi slt, %xor3A_2614, %lt3A_2616 : vector<16xi32>
    %add3A_2618 = arith.constant 16 : i32
    %add3A_2619 = vector.broadcast %add3A_2618 : i32 to vector<16xi32>
    %add3A_2620 = arith.addi %xor3A_2614, %add3A_2619 : vector<16xi32>
    %select_n3A_2621 = arith.select %lt3A_2617, %add3A_2620, %xor3A_2614 : vector<16xi1>, vector<16xi32>
    %broadcast_in_dim3A_2622 = vector.shape_cast %select_n3A_2621 : vector<16xi32> to vector<16x1xi32>
    %gather3A_2623 = vector.shape_cast %broadcast_in_dim3A_2622 : vector<16x1xi32> to vector<16xi32>
    %gather3A_2624 = tpu.dynamic_gather %add3A_2611[%gather3A_2623] in [0] : vector<16xf32>, vector<16xi32> -> vector<16xf32>
    %add3A_2625 = arith.addf %add3A_2611, %gather3A_2624 : vector<16xf32>
    %xor3A_2626 = arith.constant 1 : i32
    %xor3A_2627 = vector.broadcast %xor3A_2626 : i32 to vector<16xi32>
    %xor3A_2628 = arith.xori %iota3A, %xor3A_2627 : vector<16xi32>
    %lt3A_2629 = arith.constant 0 : i32
    %lt3A_2630 = vector.broadcast %lt3A_2629 : i32 to vector<16xi32>
    %lt3A_2631 = arith.cmpi slt, %xor3A_2628, %lt3A_2630 : vector<16xi32>
    %add3A_2632 = arith.constant 16 : i32
    %add3A_2633 = vector.broadcast %add3A_2632 : i32 to vector<16xi32>
    %add3A_2634 = arith.addi %xor3A_2628, %add3A_2633 : vector<16xi32>
    %select_n3A_2635 = arith.select %lt3A_2631, %add3A_2634, %xor3A_2628 : vector<16xi1>, vector<16xi32>
    %broadcast_in_dim3A_2636 = vector.shape_cast %select_n3A_2635 : vector<16xi32> to vector<16x1xi32>
    %gather3A_2637 = vector.shape_cast %broadcast_in_dim3A_2636 : vector<16x1xi32> to vector<16xi32>
    %gather3A_2638 = tpu.dynamic_gather %add3A_2625[%gather3A_2637] in [0] : vector<16xf32>, vector<16xi32> -> vector<16xf32>
    %add3A_2639 = arith.addf %add3A_2625, %gather3A_2638 : vector<16xf32>
    %select_n3A_2640 = arith.select %eq3A_2583, %add3A_2639, %broadcast_in_dim3A_2580 : vector<16xi1>, vector<16xf32>
    %eq3A_2641 = arith.constant 1 : i32
    %eq3A_2642 = vector.broadcast %eq3A_2641 : i32 to vector<16xi32>
    %eq3A_2643 = arith.cmpi eq, %iota3A, %eq3A_2642 : vector<16xi32>
    %xor3A_2644 = arith.constant 8 : i32
    %xor3A_2645 = vector.broadcast %xor3A_2644 : i32 to vector<16xi32>
    %xor3A_2646 = arith.xori %iota3A, %xor3A_2645 : vector<16xi32>
    %lt3A_2647 = arith.constant 0 : i32
    %lt3A_2648 = vector.broadcast %lt3A_2647 : i32 to vector<16xi32>
    %lt3A_2649 = arith.cmpi slt, %xor3A_2646, %lt3A_2648 : vector<16xi32>
    %add3A_2650 = arith.constant 16 : i32
    %add3A_2651 = vector.broadcast %add3A_2650 : i32 to vector<16xi32>
    %add3A_2652 = arith.addi %xor3A_2646, %add3A_2651 : vector<16xi32>
    %select_n3A_2653 = arith.select %lt3A_2649, %add3A_2652, %xor3A_2646 : vector<16xi1>, vector<16xi32>
    %broadcast_in_dim3A_2654 = vector.shape_cast %select_n3A_2653 : vector<16xi32> to vector<16x1xi32>
    %gather3A_2655 = vector.shape_cast %broadcast_in_dim3A_2654 : vector<16x1xi32> to vector<16xi32>
    %gather3A_2656 = tpu.dynamic_gather %scan3A_154#41[%gather3A_2655] in [0] : vector<16xf32>, vector<16xi32> -> vector<16xf32>
    %add3A_2657 = arith.addf %scan3A_154#41, %gather3A_2656 : vector<16xf32>
    %xor3A_2658 = arith.constant 4 : i32
    %xor3A_2659 = vector.broadcast %xor3A_2658 : i32 to vector<16xi32>
    %xor3A_2660 = arith.xori %iota3A, %xor3A_2659 : vector<16xi32>
    %lt3A_2661 = arith.constant 0 : i32
    %lt3A_2662 = vector.broadcast %lt3A_2661 : i32 to vector<16xi32>
    %lt3A_2663 = arith.cmpi slt, %xor3A_2660, %lt3A_2662 : vector<16xi32>
    %add3A_2664 = arith.constant 16 : i32
    %add3A_2665 = vector.broadcast %add3A_2664 : i32 to vector<16xi32>
    %add3A_2666 = arith.addi %xor3A_2660, %add3A_2665 : vector<16xi32>
    %select_n3A_2667 = arith.select %lt3A_2663, %add3A_2666, %xor3A_2660 : vector<16xi1>, vector<16xi32>
    %broadcast_in_dim3A_2668 = vector.shape_cast %select_n3A_2667 : vector<16xi32> to vector<16x1xi32>
    %gather3A_2669 = vector.shape_cast %broadcast_in_dim3A_2668 : vector<16x1xi32> to vector<16xi32>
    %gather3A_2670 = tpu.dynamic_gather %add3A_2657[%gather3A_2669] in [0] : vector<16xf32>, vector<16xi32> -> vector<16xf32>
    %add3A_2671 = arith.addf %add3A_2657, %gather3A_2670 : vector<16xf32>
    %xor3A_2672 = arith.constant 2 : i32
    %xor3A_2673 = vector.broadcast %xor3A_2672 : i32 to vector<16xi32>
    %xor3A_2674 = arith.xori %iota3A, %xor3A_2673 : vector<16xi32>
    %lt3A_2675 = arith.constant 0 : i32
    %lt3A_2676 = vector.broadcast %lt3A_2675 : i32 to vector<16xi32>
    %lt3A_2677 = arith.cmpi slt, %xor3A_2674, %lt3A_2676 : vector<16xi32>
    %add3A_2678 = arith.constant 16 : i32
    %add3A_2679 = vector.broadcast %add3A_2678 : i32 to vector<16xi32>
    %add3A_2680 = arith.addi %xor3A_2674, %add3A_2679 : vector<16xi32>
    %select_n3A_2681 = arith.select %lt3A_2677, %add3A_2680, %xor3A_2674 : vector<16xi1>, vector<16xi32>
    %broadcast_in_dim3A_2682 = vector.shape_cast %select_n3A_2681 : vector<16xi32> to vector<16x1xi32>
    %gather3A_2683 = vector.shape_cast %broadcast_in_dim3A_2682 : vector<16x1xi32> to vector<16xi32>
    %gather3A_2684 = tpu.dynamic_gather %add3A_2671[%gather3A_2683] in [0] : vector<16xf32>, vector<16xi32> -> vector<16xf32>
    %add3A_2685 = arith.addf %add3A_2671, %gather3A_2684 : vector<16xf32>
    %xor3A_2686 = arith.constant 1 : i32
    %xor3A_2687 = vector.broadcast %xor3A_2686 : i32 to vector<16xi32>
    %xor3A_2688 = arith.xori %iota3A, %xor3A_2687 : vector<16xi32>
    %lt3A_2689 = arith.constant 0 : i32
    %lt3A_2690 = vector.broadcast %lt3A_2689 : i32 to vector<16xi32>
    %lt3A_2691 = arith.cmpi slt, %xor3A_2688, %lt3A_2690 : vector<16xi32>
    %add3A_2692 = arith.constant 16 : i32
    %add3A_2693 = vector.broadcast %add3A_2692 : i32 to vector<16xi32>
    %add3A_2694 = arith.addi %xor3A_2688, %add3A_2693 : vector<16xi32>
    %select_n3A_2695 = arith.select %lt3A_2691, %add3A_2694, %xor3A_2688 : vector<16xi1>, vector<16xi32>
    %broadcast_in_dim3A_2696 = vector.shape_cast %select_n3A_2695 : vector<16xi32> to vector<16x1xi32>
    %gather3A_2697 = vector.shape_cast %broadcast_in_dim3A_2696 : vector<16x1xi32> to vector<16xi32>
    %gather3A_2698 = tpu.dynamic_gather %add3A_2685[%gather3A_2697] in [0] : vector<16xf32>, vector<16xi32> -> vector<16xf32>
    %add3A_2699 = arith.addf %add3A_2685, %gather3A_2698 : vector<16xf32>
    %select_n3A_2700 = arith.select %eq3A_2643, %add3A_2699, %select_n3A_2640 : vector<16xi1>, vector<16xf32>
    %eq3A_2701 = arith.constant 2 : i32
    %eq3A_2702 = vector.broadcast %eq3A_2701 : i32 to vector<16xi32>
    %eq3A_2703 = arith.cmpi eq, %iota3A, %eq3A_2702 : vector<16xi32>
    %xor3A_2704 = arith.constant 8 : i32
    %xor3A_2705 = vector.broadcast %xor3A_2704 : i32 to vector<16xi32>
    %xor3A_2706 = arith.xori %iota3A, %xor3A_2705 : vector<16xi32>
    %lt3A_2707 = arith.constant 0 : i32
    %lt3A_2708 = vector.broadcast %lt3A_2707 : i32 to vector<16xi32>
    %lt3A_2709 = arith.cmpi slt, %xor3A_2706, %lt3A_2708 : vector<16xi32>
    %add3A_2710 = arith.constant 16 : i32
    %add3A_2711 = vector.broadcast %add3A_2710 : i32 to vector<16xi32>
    %add3A_2712 = arith.addi %xor3A_2706, %add3A_2711 : vector<16xi32>
    %select_n3A_2713 = arith.select %lt3A_2709, %add3A_2712, %xor3A_2706 : vector<16xi1>, vector<16xi32>
    %broadcast_in_dim3A_2714 = vector.shape_cast %select_n3A_2713 : vector<16xi32> to vector<16x1xi32>
    %gather3A_2715 = vector.shape_cast %broadcast_in_dim3A_2714 : vector<16x1xi32> to vector<16xi32>
    %gather3A_2716 = tpu.dynamic_gather %scan3A_154#42[%gather3A_2715] in [0] : vector<16xf32>, vector<16xi32> -> vector<16xf32>
    %add3A_2717 = arith.addf %scan3A_154#42, %gather3A_2716 : vector<16xf32>
    %xor3A_2718 = arith.constant 4 : i32
    %xor3A_2719 = vector.broadcast %xor3A_2718 : i32 to vector<16xi32>
    %xor3A_2720 = arith.xori %iota3A, %xor3A_2719 : vector<16xi32>
    %lt3A_2721 = arith.constant 0 : i32
    %lt3A_2722 = vector.broadcast %lt3A_2721 : i32 to vector<16xi32>
    %lt3A_2723 = arith.cmpi slt, %xor3A_2720, %lt3A_2722 : vector<16xi32>
    %add3A_2724 = arith.constant 16 : i32
    %add3A_2725 = vector.broadcast %add3A_2724 : i32 to vector<16xi32>
    %add3A_2726 = arith.addi %xor3A_2720, %add3A_2725 : vector<16xi32>
    %select_n3A_2727 = arith.select %lt3A_2723, %add3A_2726, %xor3A_2720 : vector<16xi1>, vector<16xi32>
    %broadcast_in_dim3A_2728 = vector.shape_cast %select_n3A_2727 : vector<16xi32> to vector<16x1xi32>
    %gather3A_2729 = vector.shape_cast %broadcast_in_dim3A_2728 : vector<16x1xi32> to vector<16xi32>
    %gather3A_2730 = tpu.dynamic_gather %add3A_2717[%gather3A_2729] in [0] : vector<16xf32>, vector<16xi32> -> vector<16xf32>
    %add3A_2731 = arith.addf %add3A_2717, %gather3A_2730 : vector<16xf32>
    %xor3A_2732 = arith.constant 2 : i32
    %xor3A_2733 = vector.broadcast %xor3A_2732 : i32 to vector<16xi32>
    %xor3A_2734 = arith.xori %iota3A, %xor3A_2733 : vector<16xi32>
    %lt3A_2735 = arith.constant 0 : i32
    %lt3A_2736 = vector.broadcast %lt3A_2735 : i32 to vector<16xi32>
    %lt3A_2737 = arith.cmpi slt, %xor3A_2734, %lt3A_2736 : vector<16xi32>
    %add3A_2738 = arith.constant 16 : i32
    %add3A_2739 = vector.broadcast %add3A_2738 : i32 to vector<16xi32>
    %add3A_2740 = arith.addi %xor3A_2734, %add3A_2739 : vector<16xi32>
    %select_n3A_2741 = arith.select %lt3A_2737, %add3A_2740, %xor3A_2734 : vector<16xi1>, vector<16xi32>
    %broadcast_in_dim3A_2742 = vector.shape_cast %select_n3A_2741 : vector<16xi32> to vector<16x1xi32>
    %gather3A_2743 = vector.shape_cast %broadcast_in_dim3A_2742 : vector<16x1xi32> to vector<16xi32>
    %gather3A_2744 = tpu.dynamic_gather %add3A_2731[%gather3A_2743] in [0] : vector<16xf32>, vector<16xi32> -> vector<16xf32>
    %add3A_2745 = arith.addf %add3A_2731, %gather3A_2744 : vector<16xf32>
    %xor3A_2746 = arith.constant 1 : i32
    %xor3A_2747 = vector.broadcast %xor3A_2746 : i32 to vector<16xi32>
    %xor3A_2748 = arith.xori %iota3A, %xor3A_2747 : vector<16xi32>
    %lt3A_2749 = arith.constant 0 : i32
    %lt3A_2750 = vector.broadcast %lt3A_2749 : i32 to vector<16xi32>
    %lt3A_2751 = arith.cmpi slt, %xor3A_2748, %lt3A_2750 : vector<16xi32>
    %add3A_2752 = arith.constant 16 : i32
    %add3A_2753 = vector.broadcast %add3A_2752 : i32 to vector<16xi32>
    %add3A_2754 = arith.addi %xor3A_2748, %add3A_2753 : vector<16xi32>
    %select_n3A_2755 = arith.select %lt3A_2751, %add3A_2754, %xor3A_2748 : vector<16xi1>, vector<16xi32>
    %broadcast_in_dim3A_2756 = vector.shape_cast %select_n3A_2755 : vector<16xi32> to vector<16x1xi32>
    %gather3A_2757 = vector.shape_cast %broadcast_in_dim3A_2756 : vector<16x1xi32> to vector<16xi32>
    %gather3A_2758 = tpu.dynamic_gather %add3A_2745[%gather3A_2757] in [0] : vector<16xf32>, vector<16xi32> -> vector<16xf32>
    %add3A_2759 = arith.addf %add3A_2745, %gather3A_2758 : vector<16xf32>
    %select_n3A_2760 = arith.select %eq3A_2703, %add3A_2759, %select_n3A_2700 : vector<16xi1>, vector<16xf32>
    %eq3A_2761 = arith.constant 3 : i32
    %eq3A_2762 = vector.broadcast %eq3A_2761 : i32 to vector<16xi32>
    %eq3A_2763 = arith.cmpi eq, %iota3A, %eq3A_2762 : vector<16xi32>
    %xor3A_2764 = arith.constant 8 : i32
    %xor3A_2765 = vector.broadcast %xor3A_2764 : i32 to vector<16xi32>
    %xor3A_2766 = arith.xori %iota3A, %xor3A_2765 : vector<16xi32>
    %lt3A_2767 = arith.constant 0 : i32
    %lt3A_2768 = vector.broadcast %lt3A_2767 : i32 to vector<16xi32>
    %lt3A_2769 = arith.cmpi slt, %xor3A_2766, %lt3A_2768 : vector<16xi32>
    %add3A_2770 = arith.constant 16 : i32
    %add3A_2771 = vector.broadcast %add3A_2770 : i32 to vector<16xi32>
    %add3A_2772 = arith.addi %xor3A_2766, %add3A_2771 : vector<16xi32>
    %select_n3A_2773 = arith.select %lt3A_2769, %add3A_2772, %xor3A_2766 : vector<16xi1>, vector<16xi32>
    %broadcast_in_dim3A_2774 = vector.shape_cast %select_n3A_2773 : vector<16xi32> to vector<16x1xi32>
    %gather3A_2775 = vector.shape_cast %broadcast_in_dim3A_2774 : vector<16x1xi32> to vector<16xi32>
    %gather3A_2776 = tpu.dynamic_gather %scan3A_154#43[%gather3A_2775] in [0] : vector<16xf32>, vector<16xi32> -> vector<16xf32>
    %add3A_2777 = arith.addf %scan3A_154#43, %gather3A_2776 : vector<16xf32>
    %xor3A_2778 = arith.constant 4 : i32
    %xor3A_2779 = vector.broadcast %xor3A_2778 : i32 to vector<16xi32>
    %xor3A_2780 = arith.xori %iota3A, %xor3A_2779 : vector<16xi32>
    %lt3A_2781 = arith.constant 0 : i32
    %lt3A_2782 = vector.broadcast %lt3A_2781 : i32 to vector<16xi32>
    %lt3A_2783 = arith.cmpi slt, %xor3A_2780, %lt3A_2782 : vector<16xi32>
    %add3A_2784 = arith.constant 16 : i32
    %add3A_2785 = vector.broadcast %add3A_2784 : i32 to vector<16xi32>
    %add3A_2786 = arith.addi %xor3A_2780, %add3A_2785 : vector<16xi32>
    %select_n3A_2787 = arith.select %lt3A_2783, %add3A_2786, %xor3A_2780 : vector<16xi1>, vector<16xi32>
    %broadcast_in_dim3A_2788 = vector.shape_cast %select_n3A_2787 : vector<16xi32> to vector<16x1xi32>
    %gather3A_2789 = vector.shape_cast %broadcast_in_dim3A_2788 : vector<16x1xi32> to vector<16xi32>
    %gather3A_2790 = tpu.dynamic_gather %add3A_2777[%gather3A_2789] in [0] : vector<16xf32>, vector<16xi32> -> vector<16xf32>
    %add3A_2791 = arith.addf %add3A_2777, %gather3A_2790 : vector<16xf32>
    %xor3A_2792 = arith.constant 2 : i32
    %xor3A_2793 = vector.broadcast %xor3A_2792 : i32 to vector<16xi32>
    %xor3A_2794 = arith.xori %iota3A, %xor3A_2793 : vector<16xi32>
    %lt3A_2795 = arith.constant 0 : i32
    %lt3A_2796 = vector.broadcast %lt3A_2795 : i32 to vector<16xi32>
    %lt3A_2797 = arith.cmpi slt, %xor3A_2794, %lt3A_2796 : vector<16xi32>
    %add3A_2798 = arith.constant 16 : i32
    %add3A_2799 = vector.broadcast %add3A_2798 : i32 to vector<16xi32>
    %add3A_2800 = arith.addi %xor3A_2794, %add3A_2799 : vector<16xi32>
    %select_n3A_2801 = arith.select %lt3A_2797, %add3A_2800, %xor3A_2794 : vector<16xi1>, vector<16xi32>
    %broadcast_in_dim3A_2802 = vector.shape_cast %select_n3A_2801 : vector<16xi32> to vector<16x1xi32>
    %gather3A_2803 = vector.shape_cast %broadcast_in_dim3A_2802 : vector<16x1xi32> to vector<16xi32>
    %gather3A_2804 = tpu.dynamic_gather %add3A_2791[%gather3A_2803] in [0] : vector<16xf32>, vector<16xi32> -> vector<16xf32>
    %add3A_2805 = arith.addf %add3A_2791, %gather3A_2804 : vector<16xf32>
    %xor3A_2806 = arith.constant 1 : i32
    %xor3A_2807 = vector.broadcast %xor3A_2806 : i32 to vector<16xi32>
    %xor3A_2808 = arith.xori %iota3A, %xor3A_2807 : vector<16xi32>
    %lt3A_2809 = arith.constant 0 : i32
    %lt3A_2810 = vector.broadcast %lt3A_2809 : i32 to vector<16xi32>
    %lt3A_2811 = arith.cmpi slt, %xor3A_2808, %lt3A_2810 : vector<16xi32>
    %add3A_2812 = arith.constant 16 : i32
    %add3A_2813 = vector.broadcast %add3A_2812 : i32 to vector<16xi32>
    %add3A_2814 = arith.addi %xor3A_2808, %add3A_2813 : vector<16xi32>
    %select_n3A_2815 = arith.select %lt3A_2811, %add3A_2814, %xor3A_2808 : vector<16xi1>, vector<16xi32>
    %broadcast_in_dim3A_2816 = vector.shape_cast %select_n3A_2815 : vector<16xi32> to vector<16x1xi32>
    %gather3A_2817 = vector.shape_cast %broadcast_in_dim3A_2816 : vector<16x1xi32> to vector<16xi32>
    %gather3A_2818 = tpu.dynamic_gather %add3A_2805[%gather3A_2817] in [0] : vector<16xf32>, vector<16xi32> -> vector<16xf32>
    %add3A_2819 = arith.addf %add3A_2805, %gather3A_2818 : vector<16xf32>
    %select_n3A_2820 = arith.select %eq3A_2763, %add3A_2819, %select_n3A_2760 : vector<16xi1>, vector<16xf32>
    %eq3A_2821 = arith.constant 4 : i32
    %eq3A_2822 = vector.broadcast %eq3A_2821 : i32 to vector<16xi32>
    %eq3A_2823 = arith.cmpi eq, %iota3A, %eq3A_2822 : vector<16xi32>
    %xor3A_2824 = arith.constant 8 : i32
    %xor3A_2825 = vector.broadcast %xor3A_2824 : i32 to vector<16xi32>
    %xor3A_2826 = arith.xori %iota3A, %xor3A_2825 : vector<16xi32>
    %lt3A_2827 = arith.constant 0 : i32
    %lt3A_2828 = vector.broadcast %lt3A_2827 : i32 to vector<16xi32>
    %lt3A_2829 = arith.cmpi slt, %xor3A_2826, %lt3A_2828 : vector<16xi32>
    %add3A_2830 = arith.constant 16 : i32
    %add3A_2831 = vector.broadcast %add3A_2830 : i32 to vector<16xi32>
    %add3A_2832 = arith.addi %xor3A_2826, %add3A_2831 : vector<16xi32>
    %select_n3A_2833 = arith.select %lt3A_2829, %add3A_2832, %xor3A_2826 : vector<16xi1>, vector<16xi32>
    %broadcast_in_dim3A_2834 = vector.shape_cast %select_n3A_2833 : vector<16xi32> to vector<16x1xi32>
    %gather3A_2835 = vector.shape_cast %broadcast_in_dim3A_2834 : vector<16x1xi32> to vector<16xi32>
    %gather3A_2836 = tpu.dynamic_gather %scan3A_154#44[%gather3A_2835] in [0] : vector<16xf32>, vector<16xi32> -> vector<16xf32>
    %add3A_2837 = arith.addf %scan3A_154#44, %gather3A_2836 : vector<16xf32>
    %xor3A_2838 = arith.constant 4 : i32
    %xor3A_2839 = vector.broadcast %xor3A_2838 : i32 to vector<16xi32>
    %xor3A_2840 = arith.xori %iota3A, %xor3A_2839 : vector<16xi32>
    %lt3A_2841 = arith.constant 0 : i32
    %lt3A_2842 = vector.broadcast %lt3A_2841 : i32 to vector<16xi32>
    %lt3A_2843 = arith.cmpi slt, %xor3A_2840, %lt3A_2842 : vector<16xi32>
    %add3A_2844 = arith.constant 16 : i32
    %add3A_2845 = vector.broadcast %add3A_2844 : i32 to vector<16xi32>
    %add3A_2846 = arith.addi %xor3A_2840, %add3A_2845 : vector<16xi32>
    %select_n3A_2847 = arith.select %lt3A_2843, %add3A_2846, %xor3A_2840 : vector<16xi1>, vector<16xi32>
    %broadcast_in_dim3A_2848 = vector.shape_cast %select_n3A_2847 : vector<16xi32> to vector<16x1xi32>
    %gather3A_2849 = vector.shape_cast %broadcast_in_dim3A_2848 : vector<16x1xi32> to vector<16xi32>
    %gather3A_2850 = tpu.dynamic_gather %add3A_2837[%gather3A_2849] in [0] : vector<16xf32>, vector<16xi32> -> vector<16xf32>
    %add3A_2851 = arith.addf %add3A_2837, %gather3A_2850 : vector<16xf32>
    %xor3A_2852 = arith.constant 2 : i32
    %xor3A_2853 = vector.broadcast %xor3A_2852 : i32 to vector<16xi32>
    %xor3A_2854 = arith.xori %iota3A, %xor3A_2853 : vector<16xi32>
    %lt3A_2855 = arith.constant 0 : i32
    %lt3A_2856 = vector.broadcast %lt3A_2855 : i32 to vector<16xi32>
    %lt3A_2857 = arith.cmpi slt, %xor3A_2854, %lt3A_2856 : vector<16xi32>
    %add3A_2858 = arith.constant 16 : i32
    %add3A_2859 = vector.broadcast %add3A_2858 : i32 to vector<16xi32>
    %add3A_2860 = arith.addi %xor3A_2854, %add3A_2859 : vector<16xi32>
    %select_n3A_2861 = arith.select %lt3A_2857, %add3A_2860, %xor3A_2854 : vector<16xi1>, vector<16xi32>
    %broadcast_in_dim3A_2862 = vector.shape_cast %select_n3A_2861 : vector<16xi32> to vector<16x1xi32>
    %gather3A_2863 = vector.shape_cast %broadcast_in_dim3A_2862 : vector<16x1xi32> to vector<16xi32>
    %gather3A_2864 = tpu.dynamic_gather %add3A_2851[%gather3A_2863] in [0] : vector<16xf32>, vector<16xi32> -> vector<16xf32>
    %add3A_2865 = arith.addf %add3A_2851, %gather3A_2864 : vector<16xf32>
    %xor3A_2866 = arith.constant 1 : i32
    %xor3A_2867 = vector.broadcast %xor3A_2866 : i32 to vector<16xi32>
    %xor3A_2868 = arith.xori %iota3A, %xor3A_2867 : vector<16xi32>
    %lt3A_2869 = arith.constant 0 : i32
    %lt3A_2870 = vector.broadcast %lt3A_2869 : i32 to vector<16xi32>
    %lt3A_2871 = arith.cmpi slt, %xor3A_2868, %lt3A_2870 : vector<16xi32>
    %add3A_2872 = arith.constant 16 : i32
    %add3A_2873 = vector.broadcast %add3A_2872 : i32 to vector<16xi32>
    %add3A_2874 = arith.addi %xor3A_2868, %add3A_2873 : vector<16xi32>
    %select_n3A_2875 = arith.select %lt3A_2871, %add3A_2874, %xor3A_2868 : vector<16xi1>, vector<16xi32>
    %broadcast_in_dim3A_2876 = vector.shape_cast %select_n3A_2875 : vector<16xi32> to vector<16x1xi32>
    %gather3A_2877 = vector.shape_cast %broadcast_in_dim3A_2876 : vector<16x1xi32> to vector<16xi32>
    %gather3A_2878 = tpu.dynamic_gather %add3A_2865[%gather3A_2877] in [0] : vector<16xf32>, vector<16xi32> -> vector<16xf32>
    %add3A_2879 = arith.addf %add3A_2865, %gather3A_2878 : vector<16xf32>
    %select_n3A_2880 = arith.select %eq3A_2823, %add3A_2879, %select_n3A_2820 : vector<16xi1>, vector<16xf32>
    %eq3A_2881 = arith.constant 5 : i32
    %eq3A_2882 = vector.broadcast %eq3A_2881 : i32 to vector<16xi32>
    %eq3A_2883 = arith.cmpi eq, %iota3A, %eq3A_2882 : vector<16xi32>
    %xor3A_2884 = arith.constant 8 : i32
    %xor3A_2885 = vector.broadcast %xor3A_2884 : i32 to vector<16xi32>
    %xor3A_2886 = arith.xori %iota3A, %xor3A_2885 : vector<16xi32>
    %lt3A_2887 = arith.constant 0 : i32
    %lt3A_2888 = vector.broadcast %lt3A_2887 : i32 to vector<16xi32>
    %lt3A_2889 = arith.cmpi slt, %xor3A_2886, %lt3A_2888 : vector<16xi32>
    %add3A_2890 = arith.constant 16 : i32
    %add3A_2891 = vector.broadcast %add3A_2890 : i32 to vector<16xi32>
    %add3A_2892 = arith.addi %xor3A_2886, %add3A_2891 : vector<16xi32>
    %select_n3A_2893 = arith.select %lt3A_2889, %add3A_2892, %xor3A_2886 : vector<16xi1>, vector<16xi32>
    %broadcast_in_dim3A_2894 = vector.shape_cast %select_n3A_2893 : vector<16xi32> to vector<16x1xi32>
    %gather3A_2895 = vector.shape_cast %broadcast_in_dim3A_2894 : vector<16x1xi32> to vector<16xi32>
    %gather3A_2896 = tpu.dynamic_gather %scan3A_154#45[%gather3A_2895] in [0] : vector<16xf32>, vector<16xi32> -> vector<16xf32>
    %add3A_2897 = arith.addf %scan3A_154#45, %gather3A_2896 : vector<16xf32>
    %xor3A_2898 = arith.constant 4 : i32
    %xor3A_2899 = vector.broadcast %xor3A_2898 : i32 to vector<16xi32>
    %xor3A_2900 = arith.xori %iota3A, %xor3A_2899 : vector<16xi32>
    %lt3A_2901 = arith.constant 0 : i32
    %lt3A_2902 = vector.broadcast %lt3A_2901 : i32 to vector<16xi32>
    %lt3A_2903 = arith.cmpi slt, %xor3A_2900, %lt3A_2902 : vector<16xi32>
    %add3A_2904 = arith.constant 16 : i32
    %add3A_2905 = vector.broadcast %add3A_2904 : i32 to vector<16xi32>
    %add3A_2906 = arith.addi %xor3A_2900, %add3A_2905 : vector<16xi32>
    %select_n3A_2907 = arith.select %lt3A_2903, %add3A_2906, %xor3A_2900 : vector<16xi1>, vector<16xi32>
    %broadcast_in_dim3A_2908 = vector.shape_cast %select_n3A_2907 : vector<16xi32> to vector<16x1xi32>
    %gather3A_2909 = vector.shape_cast %broadcast_in_dim3A_2908 : vector<16x1xi32> to vector<16xi32>
    %gather3A_2910 = tpu.dynamic_gather %add3A_2897[%gather3A_2909] in [0] : vector<16xf32>, vector<16xi32> -> vector<16xf32>
    %add3A_2911 = arith.addf %add3A_2897, %gather3A_2910 : vector<16xf32>
    %xor3A_2912 = arith.constant 2 : i32
    %xor3A_2913 = vector.broadcast %xor3A_2912 : i32 to vector<16xi32>
    %xor3A_2914 = arith.xori %iota3A, %xor3A_2913 : vector<16xi32>
    %lt3A_2915 = arith.constant 0 : i32
    %lt3A_2916 = vector.broadcast %lt3A_2915 : i32 to vector<16xi32>
    %lt3A_2917 = arith.cmpi slt, %xor3A_2914, %lt3A_2916 : vector<16xi32>
    %add3A_2918 = arith.constant 16 : i32
    %add3A_2919 = vector.broadcast %add3A_2918 : i32 to vector<16xi32>
    %add3A_2920 = arith.addi %xor3A_2914, %add3A_2919 : vector<16xi32>
    %select_n3A_2921 = arith.select %lt3A_2917, %add3A_2920, %xor3A_2914 : vector<16xi1>, vector<16xi32>
    %broadcast_in_dim3A_2922 = vector.shape_cast %select_n3A_2921 : vector<16xi32> to vector<16x1xi32>
    %gather3A_2923 = vector.shape_cast %broadcast_in_dim3A_2922 : vector<16x1xi32> to vector<16xi32>
    %gather3A_2924 = tpu.dynamic_gather %add3A_2911[%gather3A_2923] in [0] : vector<16xf32>, vector<16xi32> -> vector<16xf32>
    %add3A_2925 = arith.addf %add3A_2911, %gather3A_2924 : vector<16xf32>
    %xor3A_2926 = arith.constant 1 : i32
    %xor3A_2927 = vector.broadcast %xor3A_2926 : i32 to vector<16xi32>
    %xor3A_2928 = arith.xori %iota3A, %xor3A_2927 : vector<16xi32>
    %lt3A_2929 = arith.constant 0 : i32
    %lt3A_2930 = vector.broadcast %lt3A_2929 : i32 to vector<16xi32>
    %lt3A_2931 = arith.cmpi slt, %xor3A_2928, %lt3A_2930 : vector<16xi32>
    %add3A_2932 = arith.constant 16 : i32
    %add3A_2933 = vector.broadcast %add3A_2932 : i32 to vector<16xi32>
    %add3A_2934 = arith.addi %xor3A_2928, %add3A_2933 : vector<16xi32>
    %select_n3A_2935 = arith.select %lt3A_2931, %add3A_2934, %xor3A_2928 : vector<16xi1>, vector<16xi32>
    %broadcast_in_dim3A_2936 = vector.shape_cast %select_n3A_2935 : vector<16xi32> to vector<16x1xi32>
    %gather3A_2937 = vector.shape_cast %broadcast_in_dim3A_2936 : vector<16x1xi32> to vector<16xi32>
    %gather3A_2938 = tpu.dynamic_gather %add3A_2925[%gather3A_2937] in [0] : vector<16xf32>, vector<16xi32> -> vector<16xf32>
    %add3A_2939 = arith.addf %add3A_2925, %gather3A_2938 : vector<16xf32>
    %select_n3A_2940 = arith.select %eq3A_2883, %add3A_2939, %select_n3A_2880 : vector<16xi1>, vector<16xf32>
    %eq3A_2941 = arith.constant 6 : i32
    %eq3A_2942 = vector.broadcast %eq3A_2941 : i32 to vector<16xi32>
    %eq3A_2943 = arith.cmpi eq, %iota3A, %eq3A_2942 : vector<16xi32>
    %xor3A_2944 = arith.constant 8 : i32
    %xor3A_2945 = vector.broadcast %xor3A_2944 : i32 to vector<16xi32>
    %xor3A_2946 = arith.xori %iota3A, %xor3A_2945 : vector<16xi32>
    %lt3A_2947 = arith.constant 0 : i32
    %lt3A_2948 = vector.broadcast %lt3A_2947 : i32 to vector<16xi32>
    %lt3A_2949 = arith.cmpi slt, %xor3A_2946, %lt3A_2948 : vector<16xi32>
    %add3A_2950 = arith.constant 16 : i32
    %add3A_2951 = vector.broadcast %add3A_2950 : i32 to vector<16xi32>
    %add3A_2952 = arith.addi %xor3A_2946, %add3A_2951 : vector<16xi32>
    %select_n3A_2953 = arith.select %lt3A_2949, %add3A_2952, %xor3A_2946 : vector<16xi1>, vector<16xi32>
    %broadcast_in_dim3A_2954 = vector.shape_cast %select_n3A_2953 : vector<16xi32> to vector<16x1xi32>
    %gather3A_2955 = vector.shape_cast %broadcast_in_dim3A_2954 : vector<16x1xi32> to vector<16xi32>
    %gather3A_2956 = tpu.dynamic_gather %scan3A_154#46[%gather3A_2955] in [0] : vector<16xf32>, vector<16xi32> -> vector<16xf32>
    %add3A_2957 = arith.addf %scan3A_154#46, %gather3A_2956 : vector<16xf32>
    %xor3A_2958 = arith.constant 4 : i32
    %xor3A_2959 = vector.broadcast %xor3A_2958 : i32 to vector<16xi32>
    %xor3A_2960 = arith.xori %iota3A, %xor3A_2959 : vector<16xi32>
    %lt3A_2961 = arith.constant 0 : i32
    %lt3A_2962 = vector.broadcast %lt3A_2961 : i32 to vector<16xi32>
    %lt3A_2963 = arith.cmpi slt, %xor3A_2960, %lt3A_2962 : vector<16xi32>
    %add3A_2964 = arith.constant 16 : i32
    %add3A_2965 = vector.broadcast %add3A_2964 : i32 to vector<16xi32>
    %add3A_2966 = arith.addi %xor3A_2960, %add3A_2965 : vector<16xi32>
    %select_n3A_2967 = arith.select %lt3A_2963, %add3A_2966, %xor3A_2960 : vector<16xi1>, vector<16xi32>
    %broadcast_in_dim3A_2968 = vector.shape_cast %select_n3A_2967 : vector<16xi32> to vector<16x1xi32>
    %gather3A_2969 = vector.shape_cast %broadcast_in_dim3A_2968 : vector<16x1xi32> to vector<16xi32>
    %gather3A_2970 = tpu.dynamic_gather %add3A_2957[%gather3A_2969] in [0] : vector<16xf32>, vector<16xi32> -> vector<16xf32>
    %add3A_2971 = arith.addf %add3A_2957, %gather3A_2970 : vector<16xf32>
    %xor3A_2972 = arith.constant 2 : i32
    %xor3A_2973 = vector.broadcast %xor3A_2972 : i32 to vector<16xi32>
    %xor3A_2974 = arith.xori %iota3A, %xor3A_2973 : vector<16xi32>
    %lt3A_2975 = arith.constant 0 : i32
    %lt3A_2976 = vector.broadcast %lt3A_2975 : i32 to vector<16xi32>
    %lt3A_2977 = arith.cmpi slt, %xor3A_2974, %lt3A_2976 : vector<16xi32>
    %add3A_2978 = arith.constant 16 : i32
    %add3A_2979 = vector.broadcast %add3A_2978 : i32 to vector<16xi32>
    %add3A_2980 = arith.addi %xor3A_2974, %add3A_2979 : vector<16xi32>
    %select_n3A_2981 = arith.select %lt3A_2977, %add3A_2980, %xor3A_2974 : vector<16xi1>, vector<16xi32>
    %broadcast_in_dim3A_2982 = vector.shape_cast %select_n3A_2981 : vector<16xi32> to vector<16x1xi32>
    %gather3A_2983 = vector.shape_cast %broadcast_in_dim3A_2982 : vector<16x1xi32> to vector<16xi32>
    %gather3A_2984 = tpu.dynamic_gather %add3A_2971[%gather3A_2983] in [0] : vector<16xf32>, vector<16xi32> -> vector<16xf32>
    %add3A_2985 = arith.addf %add3A_2971, %gather3A_2984 : vector<16xf32>
    %xor3A_2986 = arith.constant 1 : i32
    %xor3A_2987 = vector.broadcast %xor3A_2986 : i32 to vector<16xi32>
    %xor3A_2988 = arith.xori %iota3A, %xor3A_2987 : vector<16xi32>
    %lt3A_2989 = arith.constant 0 : i32
    %lt3A_2990 = vector.broadcast %lt3A_2989 : i32 to vector<16xi32>
    %lt3A_2991 = arith.cmpi slt, %xor3A_2988, %lt3A_2990 : vector<16xi32>
    %add3A_2992 = arith.constant 16 : i32
    %add3A_2993 = vector.broadcast %add3A_2992 : i32 to vector<16xi32>
    %add3A_2994 = arith.addi %xor3A_2988, %add3A_2993 : vector<16xi32>
    %select_n3A_2995 = arith.select %lt3A_2991, %add3A_2994, %xor3A_2988 : vector<16xi1>, vector<16xi32>
    %broadcast_in_dim3A_2996 = vector.shape_cast %select_n3A_2995 : vector<16xi32> to vector<16x1xi32>
    %gather3A_2997 = vector.shape_cast %broadcast_in_dim3A_2996 : vector<16x1xi32> to vector<16xi32>
    %gather3A_2998 = tpu.dynamic_gather %add3A_2985[%gather3A_2997] in [0] : vector<16xf32>, vector<16xi32> -> vector<16xf32>
    %add3A_2999 = arith.addf %add3A_2985, %gather3A_2998 : vector<16xf32>
    %select_n3A_3000 = arith.select %eq3A_2943, %add3A_2999, %select_n3A_2940 : vector<16xi1>, vector<16xf32>
    %eq3A_3001 = arith.constant 7 : i32
    %eq3A_3002 = vector.broadcast %eq3A_3001 : i32 to vector<16xi32>
    %eq3A_3003 = arith.cmpi eq, %iota3A, %eq3A_3002 : vector<16xi32>
    %xor3A_3004 = arith.constant 8 : i32
    %xor3A_3005 = vector.broadcast %xor3A_3004 : i32 to vector<16xi32>
    %xor3A_3006 = arith.xori %iota3A, %xor3A_3005 : vector<16xi32>
    %lt3A_3007 = arith.constant 0 : i32
    %lt3A_3008 = vector.broadcast %lt3A_3007 : i32 to vector<16xi32>
    %lt3A_3009 = arith.cmpi slt, %xor3A_3006, %lt3A_3008 : vector<16xi32>
    %add3A_3010 = arith.constant 16 : i32
    %add3A_3011 = vector.broadcast %add3A_3010 : i32 to vector<16xi32>
    %add3A_3012 = arith.addi %xor3A_3006, %add3A_3011 : vector<16xi32>
    %select_n3A_3013 = arith.select %lt3A_3009, %add3A_3012, %xor3A_3006 : vector<16xi1>, vector<16xi32>
    %broadcast_in_dim3A_3014 = vector.shape_cast %select_n3A_3013 : vector<16xi32> to vector<16x1xi32>
    %gather3A_3015 = vector.shape_cast %broadcast_in_dim3A_3014 : vector<16x1xi32> to vector<16xi32>
    %gather3A_3016 = tpu.dynamic_gather %scan3A_154#47[%gather3A_3015] in [0] : vector<16xf32>, vector<16xi32> -> vector<16xf32>
    %add3A_3017 = arith.addf %scan3A_154#47, %gather3A_3016 : vector<16xf32>
    %xor3A_3018 = arith.constant 4 : i32
    %xor3A_3019 = vector.broadcast %xor3A_3018 : i32 to vector<16xi32>
    %xor3A_3020 = arith.xori %iota3A, %xor3A_3019 : vector<16xi32>
    %lt3A_3021 = arith.constant 0 : i32
    %lt3A_3022 = vector.broadcast %lt3A_3021 : i32 to vector<16xi32>
    %lt3A_3023 = arith.cmpi slt, %xor3A_3020, %lt3A_3022 : vector<16xi32>
    %add3A_3024 = arith.constant 16 : i32
    %add3A_3025 = vector.broadcast %add3A_3024 : i32 to vector<16xi32>
    %add3A_3026 = arith.addi %xor3A_3020, %add3A_3025 : vector<16xi32>
    %select_n3A_3027 = arith.select %lt3A_3023, %add3A_3026, %xor3A_3020 : vector<16xi1>, vector<16xi32>
    %broadcast_in_dim3A_3028 = vector.shape_cast %select_n3A_3027 : vector<16xi32> to vector<16x1xi32>
    %gather3A_3029 = vector.shape_cast %broadcast_in_dim3A_3028 : vector<16x1xi32> to vector<16xi32>
    %gather3A_3030 = tpu.dynamic_gather %add3A_3017[%gather3A_3029] in [0] : vector<16xf32>, vector<16xi32> -> vector<16xf32>
    %add3A_3031 = arith.addf %add3A_3017, %gather3A_3030 : vector<16xf32>
    %xor3A_3032 = arith.constant 2 : i32
    %xor3A_3033 = vector.broadcast %xor3A_3032 : i32 to vector<16xi32>
    %xor3A_3034 = arith.xori %iota3A, %xor3A_3033 : vector<16xi32>
    %lt3A_3035 = arith.constant 0 : i32
    %lt3A_3036 = vector.broadcast %lt3A_3035 : i32 to vector<16xi32>
    %lt3A_3037 = arith.cmpi slt, %xor3A_3034, %lt3A_3036 : vector<16xi32>
    %add3A_3038 = arith.constant 16 : i32
    %add3A_3039 = vector.broadcast %add3A_3038 : i32 to vector<16xi32>
    %add3A_3040 = arith.addi %xor3A_3034, %add3A_3039 : vector<16xi32>
    %select_n3A_3041 = arith.select %lt3A_3037, %add3A_3040, %xor3A_3034 : vector<16xi1>, vector<16xi32>
    %broadcast_in_dim3A_3042 = vector.shape_cast %select_n3A_3041 : vector<16xi32> to vector<16x1xi32>
    %gather3A_3043 = vector.shape_cast %broadcast_in_dim3A_3042 : vector<16x1xi32> to vector<16xi32>
    %gather3A_3044 = tpu.dynamic_gather %add3A_3031[%gather3A_3043] in [0] : vector<16xf32>, vector<16xi32> -> vector<16xf32>
    %add3A_3045 = arith.addf %add3A_3031, %gather3A_3044 : vector<16xf32>
    %xor3A_3046 = arith.constant 1 : i32
    %xor3A_3047 = vector.broadcast %xor3A_3046 : i32 to vector<16xi32>
    %xor3A_3048 = arith.xori %iota3A, %xor3A_3047 : vector<16xi32>
    %lt3A_3049 = arith.constant 0 : i32
    %lt3A_3050 = vector.broadcast %lt3A_3049 : i32 to vector<16xi32>
    %lt3A_3051 = arith.cmpi slt, %xor3A_3048, %lt3A_3050 : vector<16xi32>
    %add3A_3052 = arith.constant 16 : i32
    %add3A_3053 = vector.broadcast %add3A_3052 : i32 to vector<16xi32>
    %add3A_3054 = arith.addi %xor3A_3048, %add3A_3053 : vector<16xi32>
    %select_n3A_3055 = arith.select %lt3A_3051, %add3A_3054, %xor3A_3048 : vector<16xi1>, vector<16xi32>
    %broadcast_in_dim3A_3056 = vector.shape_cast %select_n3A_3055 : vector<16xi32> to vector<16x1xi32>
    %gather3A_3057 = vector.shape_cast %broadcast_in_dim3A_3056 : vector<16x1xi32> to vector<16xi32>
    %gather3A_3058 = tpu.dynamic_gather %add3A_3045[%gather3A_3057] in [0] : vector<16xf32>, vector<16xi32> -> vector<16xf32>
    %add3A_3059 = arith.addf %add3A_3045, %gather3A_3058 : vector<16xf32>
    %select_n3A_3060 = arith.select %eq3A_3003, %add3A_3059, %select_n3A_3000 : vector<16xi1>, vector<16xf32>
    %slice3A_3061 = vector.extract_strided_slice %get3A_51 {offsets = [5], sizes = [1], strides = [1]} : vector<16xf32> to vector<1xf32>
    %squeeze3A_3062 = vector.extract %slice3A_3061[0] : f32 from vector<1xf32>
    %add3A_3063 = vector.broadcast %squeeze3A_3062 : f32 to vector<16xf32>
    %add3A_3064 = arith.addf %select_n3A_3060, %add3A_3063 : vector<16xf32>
    %broadcast_in_dim3A_3065 = arith.constant 0 : i32
    %broadcast_in_dim3A_3066 = vector.broadcast %broadcast_in_dim3A_3065 : i32 to vector<16xi32>
    %gt3A = arith.cmpf ogt, %add3A_1120, %add3A_634 : vector<16xf32>
    %select_n3A_3067 = arith.select %gt3A, %add3A_1120, %add3A_634 : vector<16xi1>, vector<16xf32>
    %jit3A = arith.constant 1 : i32
    %broadcast_in_dim3A_3068 = vector.broadcast %jit3A : i32 to vector<16xi32>
    %select_n3A_3069 = arith.select %gt3A, %broadcast_in_dim3A_3068, %broadcast_in_dim3A_3066 : vector<16xi1>, vector<16xi32>
    %gt3A_3070 = arith.cmpf ogt, %add3A_1606, %select_n3A_3067 : vector<16xf32>
    %select_n3A_3071 = arith.select %gt3A_3070, %add3A_1606, %select_n3A_3067 : vector<16xi1>, vector<16xf32>
    %jit3A_3072 = arith.constant 2 : i32
    %broadcast_in_dim3A_3073 = vector.broadcast %jit3A_3072 : i32 to vector<16xi32>
    %select_n3A_3074 = arith.select %gt3A_3070, %broadcast_in_dim3A_3073, %select_n3A_3069 : vector<16xi1>, vector<16xi32>
    %gt3A_3075 = arith.cmpf ogt, %add3A_2092, %select_n3A_3071 : vector<16xf32>
    %select_n3A_3076 = arith.select %gt3A_3075, %add3A_2092, %select_n3A_3071 : vector<16xi1>, vector<16xf32>
    %jit3A_3077 = arith.constant 3 : i32
    %broadcast_in_dim3A_3078 = vector.broadcast %jit3A_3077 : i32 to vector<16xi32>
    %select_n3A_3079 = arith.select %gt3A_3075, %broadcast_in_dim3A_3078, %select_n3A_3074 : vector<16xi1>, vector<16xi32>
    %gt3A_3080 = arith.cmpf ogt, %add3A_2578, %select_n3A_3076 : vector<16xf32>
    %select_n3A_3081 = arith.select %gt3A_3080, %add3A_2578, %select_n3A_3076 : vector<16xi1>, vector<16xf32>
    %jit3A_3082 = arith.constant 4 : i32
    %broadcast_in_dim3A_3083 = vector.broadcast %jit3A_3082 : i32 to vector<16xi32>
    %select_n3A_3084 = arith.select %gt3A_3080, %broadcast_in_dim3A_3083, %select_n3A_3079 : vector<16xi1>, vector<16xi32>
    %gt3A_3085 = arith.cmpf ogt, %add3A_3064, %select_n3A_3081 : vector<16xf32>
    %select_n3A_3086 = arith.select %gt3A_3085, %add3A_3064, %select_n3A_3081 : vector<16xi1>, vector<16xf32>
    %jit3A_3087 = arith.constant 5 : i32
    %broadcast_in_dim3A_3088 = vector.broadcast %jit3A_3087 : i32 to vector<16xi32>
    %select_n3A_3089 = arith.select %gt3A_3085, %broadcast_in_dim3A_3088, %select_n3A_3084 : vector<16xi1>, vector<16xi32>
    %slice3A_3090 = vector.extract_strided_slice %select_n3A_3089 {offsets = [0], sizes = [1], strides = [1]} : vector<16xi32> to vector<1xi32>
    %squeeze3A_3091 = vector.extract %slice3A_3090[0] : i32 from vector<1xi32>
    %add3A_3092 = arith.constant 8 : i32
    %add3A_3093 = arith.addi %squeeze3A_3091, %add3A_3092 : i32
    %slice3A_3094 = vector.extract_strided_slice %select_n3A_3089 {offsets = [1], sizes = [1], strides = [1]} : vector<16xi32> to vector<1xi32>
    %squeeze3A_3095 = vector.extract %slice3A_3094[0] : i32 from vector<1xi32>
    %add3A_3096 = arith.constant 8 : i32
    %add3A_3097 = arith.addi %squeeze3A_3095, %add3A_3096 : i32
    %slice3A_3098 = vector.extract_strided_slice %select_n3A_3089 {offsets = [2], sizes = [1], strides = [1]} : vector<16xi32> to vector<1xi32>
    %squeeze3A_3099 = vector.extract %slice3A_3098[0] : i32 from vector<1xi32>
    %add3A_3100 = arith.constant 8 : i32
    %add3A_3101 = arith.addi %squeeze3A_3099, %add3A_3100 : i32
    %slice3A_3102 = vector.extract_strided_slice %select_n3A_3089 {offsets = [3], sizes = [1], strides = [1]} : vector<16xi32> to vector<1xi32>
    %squeeze3A_3103 = vector.extract %slice3A_3102[0] : i32 from vector<1xi32>
    %add3A_3104 = arith.constant 8 : i32
    %add3A_3105 = arith.addi %squeeze3A_3103, %add3A_3104 : i32
    %slice3A_3106 = vector.extract_strided_slice %select_n3A_3089 {offsets = [4], sizes = [1], strides = [1]} : vector<16xi32> to vector<1xi32>
    %squeeze3A_3107 = vector.extract %slice3A_3106[0] : i32 from vector<1xi32>
    %add3A_3108 = arith.constant 8 : i32
    %add3A_3109 = arith.addi %squeeze3A_3107, %add3A_3108 : i32
    %slice3A_3110 = vector.extract_strided_slice %select_n3A_3089 {offsets = [5], sizes = [1], strides = [1]} : vector<16xi32> to vector<1xi32>
    %squeeze3A_3111 = vector.extract %slice3A_3110[0] : i32 from vector<1xi32>
    %add3A_3112 = arith.constant 8 : i32
    %add3A_3113 = arith.addi %squeeze3A_3111, %add3A_3112 : i32
    %slice3A_3114 = vector.extract_strided_slice %select_n3A_3089 {offsets = [6], sizes = [1], strides = [1]} : vector<16xi32> to vector<1xi32>
    %squeeze3A_3115 = vector.extract %slice3A_3114[0] : i32 from vector<1xi32>
    %add3A_3116 = arith.constant 8 : i32
    %add3A_3117 = arith.addi %squeeze3A_3115, %add3A_3116 : i32
    %slice3A_3118 = vector.extract_strided_slice %select_n3A_3089 {offsets = [7], sizes = [1], strides = [1]} : vector<16xi32> to vector<1xi32>
    %squeeze3A_3119 = vector.extract %slice3A_3118[0] : i32 from vector<1xi32>
    %add3A_3120 = arith.constant 8 : i32
    %add3A_3121 = arith.addi %squeeze3A_3119, %add3A_3120 : i32
    %slice3A_3122 = vector.extract_strided_slice %select_n3A_3089 {offsets = [0], sizes = [1], strides = [1]} : vector<16xi32> to vector<1xi32>
    %squeeze3A_3123 = vector.extract %slice3A_3122[0] : i32 from vector<1xi32>
    %add3A_3124 = arith.constant 8 : i32
    %add3A_3125 = arith.addi %squeeze3A_3123, %add3A_3124 : i32
    %add3A_3126 = arith.constant 6 : i32
    %add3A_3127 = arith.addi %add3A_3125, %add3A_3126 : i32
    %slice3A_3128 = vector.extract_strided_slice %select_n3A_3089 {offsets = [1], sizes = [1], strides = [1]} : vector<16xi32> to vector<1xi32>
    %squeeze3A_3129 = vector.extract %slice3A_3128[0] : i32 from vector<1xi32>
    %add3A_3130 = arith.constant 8 : i32
    %add3A_3131 = arith.addi %squeeze3A_3129, %add3A_3130 : i32
    %add3A_3132 = arith.constant 6 : i32
    %add3A_3133 = arith.addi %add3A_3131, %add3A_3132 : i32
    %slice3A_3134 = vector.extract_strided_slice %select_n3A_3089 {offsets = [2], sizes = [1], strides = [1]} : vector<16xi32> to vector<1xi32>
    %squeeze3A_3135 = vector.extract %slice3A_3134[0] : i32 from vector<1xi32>
    %add3A_3136 = arith.constant 8 : i32
    %add3A_3137 = arith.addi %squeeze3A_3135, %add3A_3136 : i32
    %add3A_3138 = arith.constant 6 : i32
    %add3A_3139 = arith.addi %add3A_3137, %add3A_3138 : i32
    %slice3A_3140 = vector.extract_strided_slice %select_n3A_3089 {offsets = [3], sizes = [1], strides = [1]} : vector<16xi32> to vector<1xi32>
    %squeeze3A_3141 = vector.extract %slice3A_3140[0] : i32 from vector<1xi32>
    %add3A_3142 = arith.constant 8 : i32
    %add3A_3143 = arith.addi %squeeze3A_3141, %add3A_3142 : i32
    %add3A_3144 = arith.constant 6 : i32
    %add3A_3145 = arith.addi %add3A_3143, %add3A_3144 : i32
    %slice3A_3146 = vector.extract_strided_slice %select_n3A_3089 {offsets = [4], sizes = [1], strides = [1]} : vector<16xi32> to vector<1xi32>
    %squeeze3A_3147 = vector.extract %slice3A_3146[0] : i32 from vector<1xi32>
    %add3A_3148 = arith.constant 8 : i32
    %add3A_3149 = arith.addi %squeeze3A_3147, %add3A_3148 : i32
    %add3A_3150 = arith.constant 6 : i32
    %add3A_3151 = arith.addi %add3A_3149, %add3A_3150 : i32
    %slice3A_3152 = vector.extract_strided_slice %select_n3A_3089 {offsets = [5], sizes = [1], strides = [1]} : vector<16xi32> to vector<1xi32>
    %squeeze3A_3153 = vector.extract %slice3A_3152[0] : i32 from vector<1xi32>
    %add3A_3154 = arith.constant 8 : i32
    %add3A_3155 = arith.addi %squeeze3A_3153, %add3A_3154 : i32
    %add3A_3156 = arith.constant 6 : i32
    %add3A_3157 = arith.addi %add3A_3155, %add3A_3156 : i32
    %slice3A_3158 = vector.extract_strided_slice %select_n3A_3089 {offsets = [6], sizes = [1], strides = [1]} : vector<16xi32> to vector<1xi32>
    %squeeze3A_3159 = vector.extract %slice3A_3158[0] : i32 from vector<1xi32>
    %add3A_3160 = arith.constant 8 : i32
    %add3A_3161 = arith.addi %squeeze3A_3159, %add3A_3160 : i32
    %add3A_3162 = arith.constant 6 : i32
    %add3A_3163 = arith.addi %add3A_3161, %add3A_3162 : i32
    %slice3A_3164 = vector.extract_strided_slice %select_n3A_3089 {offsets = [7], sizes = [1], strides = [1]} : vector<16xi32> to vector<1xi32>
    %squeeze3A_3165 = vector.extract %slice3A_3164[0] : i32 from vector<1xi32>
    %add3A_3166 = arith.constant 8 : i32
    %add3A_3167 = arith.addi %squeeze3A_3165, %add3A_3166 : i32
    %add3A_3168 = arith.constant 6 : i32
    %add3A_3169 = arith.addi %add3A_3167, %add3A_3168 : i32
    %dma_wait3A_3170 = arith.constant 8 : i32
    %dma_wait3A_3171 = arith.constant 0 : i32
    %dma_wait3A_3172 = tpu.memref_slice %arg6[%dma_wait3A_3170, %dma_wait3A_3171] : memref<24x1024xf32, #tpu.memory_space<vmem>> -> memref<16x1024xf32, #tpu.memory_space<vmem>>
    %dma_wait3A_3173 = arith.constant 8 : i32
    %dma_wait3A_3174 = arith.constant 0 : i32
    %dma_wait3A_3175 = tpu.memref_slice %arg3[%dma_wait3A_3173, %dma_wait3A_3174] : memref<24x1024xf32, #tpu.memory_space<hbm>> -> memref<16x1024xf32, #tpu.memory_space<hbm>>
    %dma_wait3A_3176 = arith.constant 8 : i32
    %dma_wait3A_3177 = arith.constant 0 : i32
    %dma_wait3A_3178 = tpu.memref_slice %arg6[%dma_wait3A_3176, %dma_wait3A_3177] : memref<24x1024xf32, #tpu.memory_space<vmem>> -> memref<16x1024xf32, #tpu.memory_space<vmem>>
    %dma_wait3A_3179 = arith.constant 8 : i32
    %dma_wait3A_3180 = arith.constant 0 : i32
    %dma_wait3A_3181 = tpu.memref_slice %arg3[%dma_wait3A_3179, %dma_wait3A_3180] : memref<24x1024xf32, #tpu.memory_space<hbm>> -> memref<16x1024xf32, #tpu.memory_space<hbm>>
    tpu.wait_dma2 semaphore(%arg10 : memref<!tpu.dma_semaphore, #tpu.memory_space<semaphore_mem>>) src(%dma_wait3A_3181 : memref<16x1024xf32, #tpu.memory_space<hbm>>) dst(%dma_wait3A_3178 : memref<16x1024xf32, #tpu.memory_space<vmem>>)
    %broadcast_in_dim3A_3182 = arith.constant 0.000000e+00 : f32
    %broadcast_in_dim3A_3183 = vector.broadcast %broadcast_in_dim3A_3182 : f32 to vector<16xf32>
    %broadcast_in_dim3A_3184 = arith.constant 0.000000e+00 : f32
    %broadcast_in_dim3A_3185 = vector.broadcast %broadcast_in_dim3A_3184 : f32 to vector<16xf32>
    %broadcast_in_dim3A_3186 = arith.constant 0.000000e+00 : f32
    %broadcast_in_dim3A_3187 = vector.broadcast %broadcast_in_dim3A_3186 : f32 to vector<16xf32>
    %broadcast_in_dim3A_3188 = arith.constant 0.000000e+00 : f32
    %broadcast_in_dim3A_3189 = vector.broadcast %broadcast_in_dim3A_3188 : f32 to vector<16xf32>
    %broadcast_in_dim3A_3190 = arith.constant 0.000000e+00 : f32
    %broadcast_in_dim3A_3191 = vector.broadcast %broadcast_in_dim3A_3190 : f32 to vector<16xf32>
    %broadcast_in_dim3A_3192 = arith.constant 0.000000e+00 : f32
    %broadcast_in_dim3A_3193 = vector.broadcast %broadcast_in_dim3A_3192 : f32 to vector<16xf32>
    %broadcast_in_dim3A_3194 = arith.constant 0.000000e+00 : f32
    %broadcast_in_dim3A_3195 = vector.broadcast %broadcast_in_dim3A_3194 : f32 to vector<16xf32>
    %broadcast_in_dim3A_3196 = arith.constant 0.000000e+00 : f32
    %broadcast_in_dim3A_3197 = vector.broadcast %broadcast_in_dim3A_3196 : f32 to vector<16xf32>
    %broadcast_in_dim3A_3198 = arith.constant 0.000000e+00 : f32
    %broadcast_in_dim3A_3199 = vector.broadcast %broadcast_in_dim3A_3198 : f32 to vector<16xf32>
    %broadcast_in_dim3A_3200 = arith.constant 0.000000e+00 : f32
    %broadcast_in_dim3A_3201 = vector.broadcast %broadcast_in_dim3A_3200 : f32 to vector<16xf32>
    %broadcast_in_dim3A_3202 = arith.constant 0.000000e+00 : f32
    %broadcast_in_dim3A_3203 = vector.broadcast %broadcast_in_dim3A_3202 : f32 to vector<16xf32>
    %broadcast_in_dim3A_3204 = arith.constant 0.000000e+00 : f32
    %broadcast_in_dim3A_3205 = vector.broadcast %broadcast_in_dim3A_3204 : f32 to vector<16xf32>
    %broadcast_in_dim3A_3206 = arith.constant 0.000000e+00 : f32
    %broadcast_in_dim3A_3207 = vector.broadcast %broadcast_in_dim3A_3206 : f32 to vector<16xf32>
    %broadcast_in_dim3A_3208 = arith.constant 0.000000e+00 : f32
    %broadcast_in_dim3A_3209 = vector.broadcast %broadcast_in_dim3A_3208 : f32 to vector<16xf32>
    %broadcast_in_dim3A_3210 = arith.constant 0.000000e+00 : f32
    %broadcast_in_dim3A_3211 = vector.broadcast %broadcast_in_dim3A_3210 : f32 to vector<16xf32>
    %broadcast_in_dim3A_3212 = arith.constant 0.000000e+00 : f32
    %broadcast_in_dim3A_3213 = vector.broadcast %broadcast_in_dim3A_3212 : f32 to vector<16xf32>
    %scan3A_3214 = arith.constant 0 : i32
    %scan3A_3215 = arith.constant 32 : i32
    %scan3A_3216 = arith.addi %scan3A_3214, %scan3A_3215 : i32
    %scan3A_3217 = arith.constant 1 : i32
    %scan3A_3218:16 = scf.for %scan3A_4237 = %scan3A_3214 to %scan3A_3216 step %scan3A_3217 iter_args(%scan3A_4238 = %broadcast_in_dim3A_3183, %scan3A_4239 = %broadcast_in_dim3A_3185, %scan3A_4240 = %broadcast_in_dim3A_3187, %scan3A_4241 = %broadcast_in_dim3A_3189, %scan3A_4242 = %broadcast_in_dim3A_3191, %scan3A_4243 = %broadcast_in_dim3A_3193, %scan3A_4244 = %broadcast_in_dim3A_3195, %scan3A_4245 = %broadcast_in_dim3A_3197, %scan3A_4246 = %broadcast_in_dim3A_3199, %scan3A_4247 = %broadcast_in_dim3A_3201, %scan3A_4248 = %broadcast_in_dim3A_3203, %scan3A_4249 = %broadcast_in_dim3A_3205, %scan3A_4250 = %broadcast_in_dim3A_3207, %scan3A_4251 = %broadcast_in_dim3A_3209, %scan3A_4252 = %broadcast_in_dim3A_3211, %scan3A_4253 = %broadcast_in_dim3A_3213) -> (vector<16xf32>, vector<16xf32>, vector<16xf32>, vector<16xf32>, vector<16xf32>, vector<16xf32>, vector<16xf32>, vector<16xf32>, vector<16xf32>, vector<16xf32>, vector<16xf32>, vector<16xf32>, vector<16xf32>, vector<16xf32>, vector<16xf32>, vector<16xf32>)  : i32 {
      %mul3A_4254 = arith.constant 2 : i32
      %mul3A_4255 = arith.muli %scan3A_4237, %mul3A_4254 : i32
      %add3A_4256 = arith.constant 0 : i32
      %add3A_4257 = arith.addi %mul3A_4255, %add3A_4256 : i32
      %mul3A_4258 = arith.constant 16 : i32
      %mul3A_4259 = arith.muli %add3A_4257, %mul3A_4258 : i32
      %get3A_4260 = arith.constant 0 : i32
      %get3A_4261 = arith.index_cast %get3A_4260 : i32 to index
      %get3A_4262 = arith.index_cast %mul3A_4259 : i32 to index
      %get3A_4263 = tpu.vector_load %arg8[%get3A_4261, %get3A_4262] {strides = array<i32>} : memref<8x1024xf32, #tpu.memory_space<vmem>>, vector<16xf32>,
      %get3A_4264 = arith.index_cast %add3A_3093 : i32 to index
      %get3A_4265 = arith.index_cast %mul3A_4259 : i32 to index
      %get3A_4266 = tpu.vector_load %arg6[%get3A_4264, %get3A_4265] {strides = array<i32>} : memref<24x1024xf32, #tpu.memory_space<vmem>>, vector<16xf32>,
      %get3A_4267 = arith.index_cast %add3A_3127 : i32 to index
      %get3A_4268 = arith.index_cast %mul3A_4259 : i32 to index
      %get3A_4269 = tpu.vector_load %arg6[%get3A_4267, %get3A_4268] {strides = array<i32>} : memref<24x1024xf32, #tpu.memory_space<vmem>>, vector<16xf32>,
      %mul3A_4270 = arith.mulf %get3A_4263, %get3A_4266 : vector<16xf32>
      %add3A_4271 = arith.addf %scan3A_4238, %mul3A_4270 : vector<16xf32>
      %mul3A_4272 = arith.mulf %get3A_4263, %get3A_4269 : vector<16xf32>
      %add3A_4273 = arith.addf %scan3A_4239, %mul3A_4272 : vector<16xf32>
      %get3A_4274 = arith.constant 1 : i32
      %get3A_4275 = arith.index_cast %get3A_4274 : i32 to index
      %get3A_4276 = arith.index_cast %mul3A_4259 : i32 to index
      %get3A_4277 = tpu.vector_load %arg8[%get3A_4275, %get3A_4276] {strides = array<i32>} : memref<8x1024xf32, #tpu.memory_space<vmem>>, vector<16xf32>,
      %get3A_4278 = arith.index_cast %add3A_3097 : i32 to index
      %get3A_4279 = arith.index_cast %mul3A_4259 : i32 to index
      %get3A_4280 = tpu.vector_load %arg6[%get3A_4278, %get3A_4279] {strides = array<i32>} : memref<24x1024xf32, #tpu.memory_space<vmem>>, vector<16xf32>,
      %get3A_4281 = arith.index_cast %add3A_3133 : i32 to index
      %get3A_4282 = arith.index_cast %mul3A_4259 : i32 to index
      %get3A_4283 = tpu.vector_load %arg6[%get3A_4281, %get3A_4282] {strides = array<i32>} : memref<24x1024xf32, #tpu.memory_space<vmem>>, vector<16xf32>,
      %mul3A_4284 = arith.mulf %get3A_4277, %get3A_4280 : vector<16xf32>
      %add3A_4285 = arith.addf %scan3A_4240, %mul3A_4284 : vector<16xf32>
      %mul3A_4286 = arith.mulf %get3A_4277, %get3A_4283 : vector<16xf32>
      %add3A_4287 = arith.addf %scan3A_4241, %mul3A_4286 : vector<16xf32>
      %get3A_4288 = arith.constant 2 : i32
      %get3A_4289 = arith.index_cast %get3A_4288 : i32 to index
      %get3A_4290 = arith.index_cast %mul3A_4259 : i32 to index
      %get3A_4291 = tpu.vector_load %arg8[%get3A_4289, %get3A_4290] {strides = array<i32>} : memref<8x1024xf32, #tpu.memory_space<vmem>>, vector<16xf32>,
      %get3A_4292 = arith.index_cast %add3A_3101 : i32 to index
      %get3A_4293 = arith.index_cast %mul3A_4259 : i32 to index
      %get3A_4294 = tpu.vector_load %arg6[%get3A_4292, %get3A_4293] {strides = array<i32>} : memref<24x1024xf32, #tpu.memory_space<vmem>>, vector<16xf32>,
      %get3A_4295 = arith.index_cast %add3A_3139 : i32 to index
      %get3A_4296 = arith.index_cast %mul3A_4259 : i32 to index
      %get3A_4297 = tpu.vector_load %arg6[%get3A_4295, %get3A_4296] {strides = array<i32>} : memref<24x1024xf32, #tpu.memory_space<vmem>>, vector<16xf32>,
      %mul3A_4298 = arith.mulf %get3A_4291, %get3A_4294 : vector<16xf32>
      %add3A_4299 = arith.addf %scan3A_4242, %mul3A_4298 : vector<16xf32>
      %mul3A_4300 = arith.mulf %get3A_4291, %get3A_4297 : vector<16xf32>
      %add3A_4301 = arith.addf %scan3A_4243, %mul3A_4300 : vector<16xf32>
      %get3A_4302 = arith.constant 3 : i32
      %get3A_4303 = arith.index_cast %get3A_4302 : i32 to index
      %get3A_4304 = arith.index_cast %mul3A_4259 : i32 to index
      %get3A_4305 = tpu.vector_load %arg8[%get3A_4303, %get3A_4304] {strides = array<i32>} : memref<8x1024xf32, #tpu.memory_space<vmem>>, vector<16xf32>,
      %get3A_4306 = arith.index_cast %add3A_3105 : i32 to index
      %get3A_4307 = arith.index_cast %mul3A_4259 : i32 to index
      %get3A_4308 = tpu.vector_load %arg6[%get3A_4306, %get3A_4307] {strides = array<i32>} : memref<24x1024xf32, #tpu.memory_space<vmem>>, vector<16xf32>,
      %get3A_4309 = arith.index_cast %add3A_3145 : i32 to index
      %get3A_4310 = arith.index_cast %mul3A_4259 : i32 to index
      %get3A_4311 = tpu.vector_load %arg6[%get3A_4309, %get3A_4310] {strides = array<i32>} : memref<24x1024xf32, #tpu.memory_space<vmem>>, vector<16xf32>,
      %mul3A_4312 = arith.mulf %get3A_4305, %get3A_4308 : vector<16xf32>
      %add3A_4313 = arith.addf %scan3A_4244, %mul3A_4312 : vector<16xf32>
      %mul3A_4314 = arith.mulf %get3A_4305, %get3A_4311 : vector<16xf32>
      %add3A_4315 = arith.addf %scan3A_4245, %mul3A_4314 : vector<16xf32>
      %get3A_4316 = arith.constant 4 : i32
      %get3A_4317 = arith.index_cast %get3A_4316 : i32 to index
      %get3A_4318 = arith.index_cast %mul3A_4259 : i32 to index
      %get3A_4319 = tpu.vector_load %arg8[%get3A_4317, %get3A_4318] {strides = array<i32>} : memref<8x1024xf32, #tpu.memory_space<vmem>>, vector<16xf32>,
      %get3A_4320 = arith.index_cast %add3A_3109 : i32 to index
      %get3A_4321 = arith.index_cast %mul3A_4259 : i32 to index
      %get3A_4322 = tpu.vector_load %arg6[%get3A_4320, %get3A_4321] {strides = array<i32>} : memref<24x1024xf32, #tpu.memory_space<vmem>>, vector<16xf32>,
      %get3A_4323 = arith.index_cast %add3A_3151 : i32 to index
      %get3A_4324 = arith.index_cast %mul3A_4259 : i32 to index
      %get3A_4325 = tpu.vector_load %arg6[%get3A_4323, %get3A_4324] {strides = array<i32>} : memref<24x1024xf32, #tpu.memory_space<vmem>>, vector<16xf32>,
      %mul3A_4326 = arith.mulf %get3A_4319, %get3A_4322 : vector<16xf32>
      %add3A_4327 = arith.addf %scan3A_4246, %mul3A_4326 : vector<16xf32>
      %mul3A_4328 = arith.mulf %get3A_4319, %get3A_4325 : vector<16xf32>
      %add3A_4329 = arith.addf %scan3A_4247, %mul3A_4328 : vector<16xf32>
      %get3A_4330 = arith.constant 5 : i32
      %get3A_4331 = arith.index_cast %get3A_4330 : i32 to index
      %get3A_4332 = arith.index_cast %mul3A_4259 : i32 to index
      %get3A_4333 = tpu.vector_load %arg8[%get3A_4331, %get3A_4332] {strides = array<i32>} : memref<8x1024xf32, #tpu.memory_space<vmem>>, vector<16xf32>,
      %get3A_4334 = arith.index_cast %add3A_3113 : i32 to index
      %get3A_4335 = arith.index_cast %mul3A_4259 : i32 to index
      %get3A_4336 = tpu.vector_load %arg6[%get3A_4334, %get3A_4335] {strides = array<i32>} : memref<24x1024xf32, #tpu.memory_space<vmem>>, vector<16xf32>,
      %get3A_4337 = arith.index_cast %add3A_3157 : i32 to index
      %get3A_4338 = arith.index_cast %mul3A_4259 : i32 to index
      %get3A_4339 = tpu.vector_load %arg6[%get3A_4337, %get3A_4338] {strides = array<i32>} : memref<24x1024xf32, #tpu.memory_space<vmem>>, vector<16xf32>,
      %mul3A_4340 = arith.mulf %get3A_4333, %get3A_4336 : vector<16xf32>
      %add3A_4341 = arith.addf %scan3A_4248, %mul3A_4340 : vector<16xf32>
      %mul3A_4342 = arith.mulf %get3A_4333, %get3A_4339 : vector<16xf32>
      %add3A_4343 = arith.addf %scan3A_4249, %mul3A_4342 : vector<16xf32>
      %get3A_4344 = arith.constant 6 : i32
      %get3A_4345 = arith.index_cast %get3A_4344 : i32 to index
      %get3A_4346 = arith.index_cast %mul3A_4259 : i32 to index
      %get3A_4347 = tpu.vector_load %arg8[%get3A_4345, %get3A_4346] {strides = array<i32>} : memref<8x1024xf32, #tpu.memory_space<vmem>>, vector<16xf32>,
      %get3A_4348 = arith.index_cast %add3A_3117 : i32 to index
      %get3A_4349 = arith.index_cast %mul3A_4259 : i32 to index
      %get3A_4350 = tpu.vector_load %arg6[%get3A_4348, %get3A_4349] {strides = array<i32>} : memref<24x1024xf32, #tpu.memory_space<vmem>>, vector<16xf32>,
      %get3A_4351 = arith.index_cast %add3A_3163 : i32 to index
      %get3A_4352 = arith.index_cast %mul3A_4259 : i32 to index
      %get3A_4353 = tpu.vector_load %arg6[%get3A_4351, %get3A_4352] {strides = array<i32>} : memref<24x1024xf32, #tpu.memory_space<vmem>>, vector<16xf32>,
      %mul3A_4354 = arith.mulf %get3A_4347, %get3A_4350 : vector<16xf32>
      %add3A_4355 = arith.addf %scan3A_4250, %mul3A_4354 : vector<16xf32>
      %mul3A_4356 = arith.mulf %get3A_4347, %get3A_4353 : vector<16xf32>
      %add3A_4357 = arith.addf %scan3A_4251, %mul3A_4356 : vector<16xf32>
      %get3A_4358 = arith.constant 7 : i32
      %get3A_4359 = arith.index_cast %get3A_4358 : i32 to index
      %get3A_4360 = arith.index_cast %mul3A_4259 : i32 to index
      %get3A_4361 = tpu.vector_load %arg8[%get3A_4359, %get3A_4360] {strides = array<i32>} : memref<8x1024xf32, #tpu.memory_space<vmem>>, vector<16xf32>,
      %get3A_4362 = arith.index_cast %add3A_3121 : i32 to index
      %get3A_4363 = arith.index_cast %mul3A_4259 : i32 to index
      %get3A_4364 = tpu.vector_load %arg6[%get3A_4362, %get3A_4363] {strides = array<i32>} : memref<24x1024xf32, #tpu.memory_space<vmem>>, vector<16xf32>,
      %get3A_4365 = arith.index_cast %add3A_3169 : i32 to index
      %get3A_4366 = arith.index_cast %mul3A_4259 : i32 to index
      %get3A_4367 = tpu.vector_load %arg6[%get3A_4365, %get3A_4366] {strides = array<i32>} : memref<24x1024xf32, #tpu.memory_space<vmem>>, vector<16xf32>,
      %mul3A_4368 = arith.mulf %get3A_4361, %get3A_4364 : vector<16xf32>
      %add3A_4369 = arith.addf %scan3A_4252, %mul3A_4368 : vector<16xf32>
      %mul3A_4370 = arith.mulf %get3A_4361, %get3A_4367 : vector<16xf32>
      %add3A_4371 = arith.addf %scan3A_4253, %mul3A_4370 : vector<16xf32>
      %mul3A_4372 = arith.constant 2 : i32
      %mul3A_4373 = arith.muli %scan3A_4237, %mul3A_4372 : i32
      %add3A_4374 = arith.constant 1 : i32
      %add3A_4375 = arith.addi %mul3A_4373, %add3A_4374 : i32
      %mul3A_4376 = arith.constant 16 : i32
      %mul3A_4377 = arith.muli %add3A_4375, %mul3A_4376 : i32
      %get3A_4378 = arith.constant 0 : i32
      %get3A_4379 = arith.index_cast %get3A_4378 : i32 to index
      %get3A_4380 = arith.index_cast %mul3A_4377 : i32 to index
      %get3A_4381 = tpu.vector_load %arg8[%get3A_4379, %get3A_4380] {strides = array<i32>} : memref<8x1024xf32, #tpu.memory_space<vmem>>, vector<16xf32>,
      %get3A_4382 = arith.index_cast %add3A_3093 : i32 to index
      %get3A_4383 = arith.index_cast %mul3A_4377 : i32 to index
      %get3A_4384 = tpu.vector_load %arg6[%get3A_4382, %get3A_4383] {strides = array<i32>} : memref<24x1024xf32, #tpu.memory_space<vmem>>, vector<16xf32>,
      %get3A_4385 = arith.index_cast %add3A_3127 : i32 to index
      %get3A_4386 = arith.index_cast %mul3A_4377 : i32 to index
      %get3A_4387 = tpu.vector_load %arg6[%get3A_4385, %get3A_4386] {strides = array<i32>} : memref<24x1024xf32, #tpu.memory_space<vmem>>, vector<16xf32>,
      %mul3A_4388 = arith.mulf %get3A_4381, %get3A_4384 : vector<16xf32>
      %add3A_4389 = arith.addf %add3A_4271, %mul3A_4388 : vector<16xf32>
      %mul3A_4390 = arith.mulf %get3A_4381, %get3A_4387 : vector<16xf32>
      %add3A_4391 = arith.addf %add3A_4273, %mul3A_4390 : vector<16xf32>
      %get3A_4392 = arith.constant 1 : i32
      %get3A_4393 = arith.index_cast %get3A_4392 : i32 to index
      %get3A_4394 = arith.index_cast %mul3A_4377 : i32 to index
      %get3A_4395 = tpu.vector_load %arg8[%get3A_4393, %get3A_4394] {strides = array<i32>} : memref<8x1024xf32, #tpu.memory_space<vmem>>, vector<16xf32>,
      %get3A_4396 = arith.index_cast %add3A_3097 : i32 to index
      %get3A_4397 = arith.index_cast %mul3A_4377 : i32 to index
      %get3A_4398 = tpu.vector_load %arg6[%get3A_4396, %get3A_4397] {strides = array<i32>} : memref<24x1024xf32, #tpu.memory_space<vmem>>, vector<16xf32>,
      %get3A_4399 = arith.index_cast %add3A_3133 : i32 to index
      %get3A_4400 = arith.index_cast %mul3A_4377 : i32 to index
      %get3A_4401 = tpu.vector_load %arg6[%get3A_4399, %get3A_4400] {strides = array<i32>} : memref<24x1024xf32, #tpu.memory_space<vmem>>, vector<16xf32>,
      %mul3A_4402 = arith.mulf %get3A_4395, %get3A_4398 : vector<16xf32>
      %add3A_4403 = arith.addf %add3A_4285, %mul3A_4402 : vector<16xf32>
      %mul3A_4404 = arith.mulf %get3A_4395, %get3A_4401 : vector<16xf32>
      %add3A_4405 = arith.addf %add3A_4287, %mul3A_4404 : vector<16xf32>
      %get3A_4406 = arith.constant 2 : i32
      %get3A_4407 = arith.index_cast %get3A_4406 : i32 to index
      %get3A_4408 = arith.index_cast %mul3A_4377 : i32 to index
      %get3A_4409 = tpu.vector_load %arg8[%get3A_4407, %get3A_4408] {strides = array<i32>} : memref<8x1024xf32, #tpu.memory_space<vmem>>, vector<16xf32>,
      %get3A_4410 = arith.index_cast %add3A_3101 : i32 to index
      %get3A_4411 = arith.index_cast %mul3A_4377 : i32 to index
      %get3A_4412 = tpu.vector_load %arg6[%get3A_4410, %get3A_4411] {strides = array<i32>} : memref<24x1024xf32, #tpu.memory_space<vmem>>, vector<16xf32>,
      %get3A_4413 = arith.index_cast %add3A_3139 : i32 to index
      %get3A_4414 = arith.index_cast %mul3A_4377 : i32 to index
      %get3A_4415 = tpu.vector_load %arg6[%get3A_4413, %get3A_4414] {strides = array<i32>} : memref<24x1024xf32, #tpu.memory_space<vmem>>, vector<16xf32>,
      %mul3A_4416 = arith.mulf %get3A_4409, %get3A_4412 : vector<16xf32>
      %add3A_4417 = arith.addf %add3A_4299, %mul3A_4416 : vector<16xf32>
      %mul3A_4418 = arith.mulf %get3A_4409, %get3A_4415 : vector<16xf32>
      %add3A_4419 = arith.addf %add3A_4301, %mul3A_4418 : vector<16xf32>
      %get3A_4420 = arith.constant 3 : i32
      %get3A_4421 = arith.index_cast %get3A_4420 : i32 to index
      %get3A_4422 = arith.index_cast %mul3A_4377 : i32 to index
      %get3A_4423 = tpu.vector_load %arg8[%get3A_4421, %get3A_4422] {strides = array<i32>} : memref<8x1024xf32, #tpu.memory_space<vmem>>, vector<16xf32>,
      %get3A_4424 = arith.index_cast %add3A_3105 : i32 to index
      %get3A_4425 = arith.index_cast %mul3A_4377 : i32 to index
      %get3A_4426 = tpu.vector_load %arg6[%get3A_4424, %get3A_4425] {strides = array<i32>} : memref<24x1024xf32, #tpu.memory_space<vmem>>, vector<16xf32>,
      %get3A_4427 = arith.index_cast %add3A_3145 : i32 to index
      %get3A_4428 = arith.index_cast %mul3A_4377 : i32 to index
      %get3A_4429 = tpu.vector_load %arg6[%get3A_4427, %get3A_4428] {strides = array<i32>} : memref<24x1024xf32, #tpu.memory_space<vmem>>, vector<16xf32>,
      %mul3A_4430 = arith.mulf %get3A_4423, %get3A_4426 : vector<16xf32>
      %add3A_4431 = arith.addf %add3A_4313, %mul3A_4430 : vector<16xf32>
      %mul3A_4432 = arith.mulf %get3A_4423, %get3A_4429 : vector<16xf32>
      %add3A_4433 = arith.addf %add3A_4315, %mul3A_4432 : vector<16xf32>
      %get3A_4434 = arith.constant 4 : i32
      %get3A_4435 = arith.index_cast %get3A_4434 : i32 to index
      %get3A_4436 = arith.index_cast %mul3A_4377 : i32 to index
      %get3A_4437 = tpu.vector_load %arg8[%get3A_4435, %get3A_4436] {strides = array<i32>} : memref<8x1024xf32, #tpu.memory_space<vmem>>, vector<16xf32>,
      %get3A_4438 = arith.index_cast %add3A_3109 : i32 to index
      %get3A_4439 = arith.index_cast %mul3A_4377 : i32 to index
      %get3A_4440 = tpu.vector_load %arg6[%get3A_4438, %get3A_4439] {strides = array<i32>} : memref<24x1024xf32, #tpu.memory_space<vmem>>, vector<16xf32>,
      %get3A_4441 = arith.index_cast %add3A_3151 : i32 to index
      %get3A_4442 = arith.index_cast %mul3A_4377 : i32 to index
      %get3A_4443 = tpu.vector_load %arg6[%get3A_4441, %get3A_4442] {strides = array<i32>} : memref<24x1024xf32, #tpu.memory_space<vmem>>, vector<16xf32>,
      %mul3A_4444 = arith.mulf %get3A_4437, %get3A_4440 : vector<16xf32>
      %add3A_4445 = arith.addf %add3A_4327, %mul3A_4444 : vector<16xf32>
      %mul3A_4446 = arith.mulf %get3A_4437, %get3A_4443 : vector<16xf32>
      %add3A_4447 = arith.addf %add3A_4329, %mul3A_4446 : vector<16xf32>
      %get3A_4448 = arith.constant 5 : i32
      %get3A_4449 = arith.index_cast %get3A_4448 : i32 to index
      %get3A_4450 = arith.index_cast %mul3A_4377 : i32 to index
      %get3A_4451 = tpu.vector_load %arg8[%get3A_4449, %get3A_4450] {strides = array<i32>} : memref<8x1024xf32, #tpu.memory_space<vmem>>, vector<16xf32>,
      %get3A_4452 = arith.index_cast %add3A_3113 : i32 to index
      %get3A_4453 = arith.index_cast %mul3A_4377 : i32 to index
      %get3A_4454 = tpu.vector_load %arg6[%get3A_4452, %get3A_4453] {strides = array<i32>} : memref<24x1024xf32, #tpu.memory_space<vmem>>, vector<16xf32>,
      %get3A_4455 = arith.index_cast %add3A_3157 : i32 to index
      %get3A_4456 = arith.index_cast %mul3A_4377 : i32 to index
      %get3A_4457 = tpu.vector_load %arg6[%get3A_4455, %get3A_4456] {strides = array<i32>} : memref<24x1024xf32, #tpu.memory_space<vmem>>, vector<16xf32>,
      %mul3A_4458 = arith.mulf %get3A_4451, %get3A_4454 : vector<16xf32>
      %add3A_4459 = arith.addf %add3A_4341, %mul3A_4458 : vector<16xf32>
      %mul3A_4460 = arith.mulf %get3A_4451, %get3A_4457 : vector<16xf32>
      %add3A_4461 = arith.addf %add3A_4343, %mul3A_4460 : vector<16xf32>
      %get3A_4462 = arith.constant 6 : i32
      %get3A_4463 = arith.index_cast %get3A_4462 : i32 to index
      %get3A_4464 = arith.index_cast %mul3A_4377 : i32 to index
      %get3A_4465 = tpu.vector_load %arg8[%get3A_4463, %get3A_4464] {strides = array<i32>} : memref<8x1024xf32, #tpu.memory_space<vmem>>, vector<16xf32>,
      %get3A_4466 = arith.index_cast %add3A_3117 : i32 to index
      %get3A_4467 = arith.index_cast %mul3A_4377 : i32 to index
      %get3A_4468 = tpu.vector_load %arg6[%get3A_4466, %get3A_4467] {strides = array<i32>} : memref<24x1024xf32, #tpu.memory_space<vmem>>, vector<16xf32>,
      %get3A_4469 = arith.index_cast %add3A_3163 : i32 to index
      %get3A_4470 = arith.index_cast %mul3A_4377 : i32 to index
      %get3A_4471 = tpu.vector_load %arg6[%get3A_4469, %get3A_4470] {strides = array<i32>} : memref<24x1024xf32, #tpu.memory_space<vmem>>, vector<16xf32>,
      %mul3A_4472 = arith.mulf %get3A_4465, %get3A_4468 : vector<16xf32>
      %add3A_4473 = arith.addf %add3A_4355, %mul3A_4472 : vector<16xf32>
      %mul3A_4474 = arith.mulf %get3A_4465, %get3A_4471 : vector<16xf32>
      %add3A_4475 = arith.addf %add3A_4357, %mul3A_4474 : vector<16xf32>
      %get3A_4476 = arith.constant 7 : i32
      %get3A_4477 = arith.index_cast %get3A_4476 : i32 to index
      %get3A_4478 = arith.index_cast %mul3A_4377 : i32 to index
      %get3A_4479 = tpu.vector_load %arg8[%get3A_4477, %get3A_4478] {strides = array<i32>} : memref<8x1024xf32, #tpu.memory_space<vmem>>, vector<16xf32>,
      %get3A_4480 = arith.index_cast %add3A_3121 : i32 to index
      %get3A_4481 = arith.index_cast %mul3A_4377 : i32 to index
      %get3A_4482 = tpu.vector_load %arg6[%get3A_4480, %get3A_4481] {strides = array<i32>} : memref<24x1024xf32, #tpu.memory_space<vmem>>, vector<16xf32>,
      %get3A_4483 = arith.index_cast %add3A_3169 : i32 to index
      %get3A_4484 = arith.index_cast %mul3A_4377 : i32 to index
      %get3A_4485 = tpu.vector_load %arg6[%get3A_4483, %get3A_4484] {strides = array<i32>} : memref<24x1024xf32, #tpu.memory_space<vmem>>, vector<16xf32>,
      %mul3A_4486 = arith.mulf %get3A_4479, %get3A_4482 : vector<16xf32>
      %add3A_4487 = arith.addf %add3A_4369, %mul3A_4486 : vector<16xf32>
      %mul3A_4488 = arith.mulf %get3A_4479, %get3A_4485 : vector<16xf32>
      %add3A_4489 = arith.addf %add3A_4371, %mul3A_4488 : vector<16xf32>
      scf.yield %add3A_4389, %add3A_4391, %add3A_4403, %add3A_4405, %add3A_4417, %add3A_4419, %add3A_4431, %add3A_4433, %add3A_4445, %add3A_4447, %add3A_4459, %add3A_4461, %add3A_4473, %add3A_4475, %add3A_4487, %add3A_4489 : vector<16xf32>, vector<16xf32>, vector<16xf32>, vector<16xf32>, vector<16xf32>, vector<16xf32>, vector<16xf32>, vector<16xf32>, vector<16xf32>, vector<16xf32>, vector<16xf32>, vector<16xf32>, vector<16xf32>, vector<16xf32>, vector<16xf32>, vector<16xf32>
    }
    %scan3A_3219 = arith.constant 32 : i32
    %broadcast_in_dim3A_3220 = arith.constant 0.000000e+00 : f32
    %broadcast_in_dim3A_3221 = vector.broadcast %broadcast_in_dim3A_3220 : f32 to vector<16xf32>
    %broadcast_in_dim3A_3222 = arith.constant 0.000000e+00 : f32
    %broadcast_in_dim3A_3223 = vector.broadcast %broadcast_in_dim3A_3222 : f32 to vector<16xf32>
    %eq3A_3224 = arith.constant 0 : i32
    %eq3A_3225 = vector.broadcast %eq3A_3224 : i32 to vector<16xi32>
    %eq3A_3226 = arith.cmpi eq, %iota3A, %eq3A_3225 : vector<16xi32>
    %xor3A_3227 = arith.constant 8 : i32
    %xor3A_3228 = vector.broadcast %xor3A_3227 : i32 to vector<16xi32>
    %xor3A_3229 = arith.xori %iota3A, %xor3A_3228 : vector<16xi32>
    %lt3A_3230 = arith.constant 0 : i32
    %lt3A_3231 = vector.broadcast %lt3A_3230 : i32 to vector<16xi32>
    %lt3A_3232 = arith.cmpi slt, %xor3A_3229, %lt3A_3231 : vector<16xi32>
    %add3A_3233 = arith.constant 16 : i32
    %add3A_3234 = vector.broadcast %add3A_3233 : i32 to vector<16xi32>
    %add3A_3235 = arith.addi %xor3A_3229, %add3A_3234 : vector<16xi32>
    %select_n3A_3236 = arith.select %lt3A_3232, %add3A_3235, %xor3A_3229 : vector<16xi1>, vector<16xi32>
    %broadcast_in_dim3A_3237 = vector.shape_cast %select_n3A_3236 : vector<16xi32> to vector<16x1xi32>
    %gather3A_3238 = vector.shape_cast %broadcast_in_dim3A_3237 : vector<16x1xi32> to vector<16xi32>
    %gather3A_3239 = tpu.dynamic_gather %scan3A_3218#0[%gather3A_3238] in [0] : vector<16xf32>, vector<16xi32> -> vector<16xf32>
    %add3A_3240 = arith.addf %scan3A_3218#0, %gather3A_3239 : vector<16xf32>
    %xor3A_3241 = arith.constant 4 : i32
    %xor3A_3242 = vector.broadcast %xor3A_3241 : i32 to vector<16xi32>
    %xor3A_3243 = arith.xori %iota3A, %xor3A_3242 : vector<16xi32>
    %lt3A_3244 = arith.constant 0 : i32
    %lt3A_3245 = vector.broadcast %lt3A_3244 : i32 to vector<16xi32>
    %lt3A_3246 = arith.cmpi slt, %xor3A_3243, %lt3A_3245 : vector<16xi32>
    %add3A_3247 = arith.constant 16 : i32
    %add3A_3248 = vector.broadcast %add3A_3247 : i32 to vector<16xi32>
    %add3A_3249 = arith.addi %xor3A_3243, %add3A_3248 : vector<16xi32>
    %select_n3A_3250 = arith.select %lt3A_3246, %add3A_3249, %xor3A_3243 : vector<16xi1>, vector<16xi32>
    %broadcast_in_dim3A_3251 = vector.shape_cast %select_n3A_3250 : vector<16xi32> to vector<16x1xi32>
    %gather3A_3252 = vector.shape_cast %broadcast_in_dim3A_3251 : vector<16x1xi32> to vector<16xi32>
    %gather3A_3253 = tpu.dynamic_gather %add3A_3240[%gather3A_3252] in [0] : vector<16xf32>, vector<16xi32> -> vector<16xf32>
    %add3A_3254 = arith.addf %add3A_3240, %gather3A_3253 : vector<16xf32>
    %xor3A_3255 = arith.constant 2 : i32
    %xor3A_3256 = vector.broadcast %xor3A_3255 : i32 to vector<16xi32>
    %xor3A_3257 = arith.xori %iota3A, %xor3A_3256 : vector<16xi32>
    %lt3A_3258 = arith.constant 0 : i32
    %lt3A_3259 = vector.broadcast %lt3A_3258 : i32 to vector<16xi32>
    %lt3A_3260 = arith.cmpi slt, %xor3A_3257, %lt3A_3259 : vector<16xi32>
    %add3A_3261 = arith.constant 16 : i32
    %add3A_3262 = vector.broadcast %add3A_3261 : i32 to vector<16xi32>
    %add3A_3263 = arith.addi %xor3A_3257, %add3A_3262 : vector<16xi32>
    %select_n3A_3264 = arith.select %lt3A_3260, %add3A_3263, %xor3A_3257 : vector<16xi1>, vector<16xi32>
    %broadcast_in_dim3A_3265 = vector.shape_cast %select_n3A_3264 : vector<16xi32> to vector<16x1xi32>
    %gather3A_3266 = vector.shape_cast %broadcast_in_dim3A_3265 : vector<16x1xi32> to vector<16xi32>
    %gather3A_3267 = tpu.dynamic_gather %add3A_3254[%gather3A_3266] in [0] : vector<16xf32>, vector<16xi32> -> vector<16xf32>
    %add3A_3268 = arith.addf %add3A_3254, %gather3A_3267 : vector<16xf32>
    %xor3A_3269 = arith.constant 1 : i32
    %xor3A_3270 = vector.broadcast %xor3A_3269 : i32 to vector<16xi32>
    %xor3A_3271 = arith.xori %iota3A, %xor3A_3270 : vector<16xi32>
    %lt3A_3272 = arith.constant 0 : i32
    %lt3A_3273 = vector.broadcast %lt3A_3272 : i32 to vector<16xi32>
    %lt3A_3274 = arith.cmpi slt, %xor3A_3271, %lt3A_3273 : vector<16xi32>
    %add3A_3275 = arith.constant 16 : i32
    %add3A_3276 = vector.broadcast %add3A_3275 : i32 to vector<16xi32>
    %add3A_3277 = arith.addi %xor3A_3271, %add3A_3276 : vector<16xi32>
    %select_n3A_3278 = arith.select %lt3A_3274, %add3A_3277, %xor3A_3271 : vector<16xi1>, vector<16xi32>
    %broadcast_in_dim3A_3279 = vector.shape_cast %select_n3A_3278 : vector<16xi32> to vector<16x1xi32>
    %gather3A_3280 = vector.shape_cast %broadcast_in_dim3A_3279 : vector<16x1xi32> to vector<16xi32>
    %gather3A_3281 = tpu.dynamic_gather %add3A_3268[%gather3A_3280] in [0] : vector<16xf32>, vector<16xi32> -> vector<16xf32>
    %add3A_3282 = arith.addf %add3A_3268, %gather3A_3281 : vector<16xf32>
    %select_n3A_3283 = arith.select %eq3A_3226, %add3A_3282, %broadcast_in_dim3A_3221 : vector<16xi1>, vector<16xf32>
    %eq3A_3284 = arith.constant 0 : i32
    %eq3A_3285 = vector.broadcast %eq3A_3284 : i32 to vector<16xi32>
    %eq3A_3286 = arith.cmpi eq, %iota3A, %eq3A_3285 : vector<16xi32>
    %xor3A_3287 = arith.constant 8 : i32
    %xor3A_3288 = vector.broadcast %xor3A_3287 : i32 to vector<16xi32>
    %xor3A_3289 = arith.xori %iota3A, %xor3A_3288 : vector<16xi32>
    %lt3A_3290 = arith.constant 0 : i32
    %lt3A_3291 = vector.broadcast %lt3A_3290 : i32 to vector<16xi32>
    %lt3A_3292 = arith.cmpi slt, %xor3A_3289, %lt3A_3291 : vector<16xi32>
    %add3A_3293 = arith.constant 16 : i32
    %add3A_3294 = vector.broadcast %add3A_3293 : i32 to vector<16xi32>
    %add3A_3295 = arith.addi %xor3A_3289, %add3A_3294 : vector<16xi32>
    %select_n3A_3296 = arith.select %lt3A_3292, %add3A_3295, %xor3A_3289 : vector<16xi1>, vector<16xi32>
    %broadcast_in_dim3A_3297 = vector.shape_cast %select_n3A_3296 : vector<16xi32> to vector<16x1xi32>
    %gather3A_3298 = vector.shape_cast %broadcast_in_dim3A_3297 : vector<16x1xi32> to vector<16xi32>
    %gather3A_3299 = tpu.dynamic_gather %scan3A_3218#1[%gather3A_3298] in [0] : vector<16xf32>, vector<16xi32> -> vector<16xf32>
    %add3A_3300 = arith.addf %scan3A_3218#1, %gather3A_3299 : vector<16xf32>
    %xor3A_3301 = arith.constant 4 : i32
    %xor3A_3302 = vector.broadcast %xor3A_3301 : i32 to vector<16xi32>
    %xor3A_3303 = arith.xori %iota3A, %xor3A_3302 : vector<16xi32>
    %lt3A_3304 = arith.constant 0 : i32
    %lt3A_3305 = vector.broadcast %lt3A_3304 : i32 to vector<16xi32>
    %lt3A_3306 = arith.cmpi slt, %xor3A_3303, %lt3A_3305 : vector<16xi32>
    %add3A_3307 = arith.constant 16 : i32
    %add3A_3308 = vector.broadcast %add3A_3307 : i32 to vector<16xi32>
    %add3A_3309 = arith.addi %xor3A_3303, %add3A_3308 : vector<16xi32>
    %select_n3A_3310 = arith.select %lt3A_3306, %add3A_3309, %xor3A_3303 : vector<16xi1>, vector<16xi32>
    %broadcast_in_dim3A_3311 = vector.shape_cast %select_n3A_3310 : vector<16xi32> to vector<16x1xi32>
    %gather3A_3312 = vector.shape_cast %broadcast_in_dim3A_3311 : vector<16x1xi32> to vector<16xi32>
    %gather3A_3313 = tpu.dynamic_gather %add3A_3300[%gather3A_3312] in [0] : vector<16xf32>, vector<16xi32> -> vector<16xf32>
    %add3A_3314 = arith.addf %add3A_3300, %gather3A_3313 : vector<16xf32>
    %xor3A_3315 = arith.constant 2 : i32
    %xor3A_3316 = vector.broadcast %xor3A_3315 : i32 to vector<16xi32>
    %xor3A_3317 = arith.xori %iota3A, %xor3A_3316 : vector<16xi32>
    %lt3A_3318 = arith.constant 0 : i32
    %lt3A_3319 = vector.broadcast %lt3A_3318 : i32 to vector<16xi32>
    %lt3A_3320 = arith.cmpi slt, %xor3A_3317, %lt3A_3319 : vector<16xi32>
    %add3A_3321 = arith.constant 16 : i32
    %add3A_3322 = vector.broadcast %add3A_3321 : i32 to vector<16xi32>
    %add3A_3323 = arith.addi %xor3A_3317, %add3A_3322 : vector<16xi32>
    %select_n3A_3324 = arith.select %lt3A_3320, %add3A_3323, %xor3A_3317 : vector<16xi1>, vector<16xi32>
    %broadcast_in_dim3A_3325 = vector.shape_cast %select_n3A_3324 : vector<16xi32> to vector<16x1xi32>
    %gather3A_3326 = vector.shape_cast %broadcast_in_dim3A_3325 : vector<16x1xi32> to vector<16xi32>
    %gather3A_3327 = tpu.dynamic_gather %add3A_3314[%gather3A_3326] in [0] : vector<16xf32>, vector<16xi32> -> vector<16xf32>
    %add3A_3328 = arith.addf %add3A_3314, %gather3A_3327 : vector<16xf32>
    %xor3A_3329 = arith.constant 1 : i32
    %xor3A_3330 = vector.broadcast %xor3A_3329 : i32 to vector<16xi32>
    %xor3A_3331 = arith.xori %iota3A, %xor3A_3330 : vector<16xi32>
    %lt3A_3332 = arith.constant 0 : i32
    %lt3A_3333 = vector.broadcast %lt3A_3332 : i32 to vector<16xi32>
    %lt3A_3334 = arith.cmpi slt, %xor3A_3331, %lt3A_3333 : vector<16xi32>
    %add3A_3335 = arith.constant 16 : i32
    %add3A_3336 = vector.broadcast %add3A_3335 : i32 to vector<16xi32>
    %add3A_3337 = arith.addi %xor3A_3331, %add3A_3336 : vector<16xi32>
    %select_n3A_3338 = arith.select %lt3A_3334, %add3A_3337, %xor3A_3331 : vector<16xi1>, vector<16xi32>
    %broadcast_in_dim3A_3339 = vector.shape_cast %select_n3A_3338 : vector<16xi32> to vector<16x1xi32>
    %gather3A_3340 = vector.shape_cast %broadcast_in_dim3A_3339 : vector<16x1xi32> to vector<16xi32>
    %gather3A_3341 = tpu.dynamic_gather %add3A_3328[%gather3A_3340] in [0] : vector<16xf32>, vector<16xi32> -> vector<16xf32>
    %add3A_3342 = arith.addf %add3A_3328, %gather3A_3341 : vector<16xf32>
    %select_n3A_3343 = arith.select %eq3A_3286, %add3A_3342, %broadcast_in_dim3A_3223 : vector<16xi1>, vector<16xf32>
    %eq3A_3344 = arith.constant 1 : i32
    %eq3A_3345 = vector.broadcast %eq3A_3344 : i32 to vector<16xi32>
    %eq3A_3346 = arith.cmpi eq, %iota3A, %eq3A_3345 : vector<16xi32>
    %xor3A_3347 = arith.constant 8 : i32
    %xor3A_3348 = vector.broadcast %xor3A_3347 : i32 to vector<16xi32>
    %xor3A_3349 = arith.xori %iota3A, %xor3A_3348 : vector<16xi32>
    %lt3A_3350 = arith.constant 0 : i32
    %lt3A_3351 = vector.broadcast %lt3A_3350 : i32 to vector<16xi32>
    %lt3A_3352 = arith.cmpi slt, %xor3A_3349, %lt3A_3351 : vector<16xi32>
    %add3A_3353 = arith.constant 16 : i32
    %add3A_3354 = vector.broadcast %add3A_3353 : i32 to vector<16xi32>
    %add3A_3355 = arith.addi %xor3A_3349, %add3A_3354 : vector<16xi32>
    %select_n3A_3356 = arith.select %lt3A_3352, %add3A_3355, %xor3A_3349 : vector<16xi1>, vector<16xi32>
    %broadcast_in_dim3A_3357 = vector.shape_cast %select_n3A_3356 : vector<16xi32> to vector<16x1xi32>
    %gather3A_3358 = vector.shape_cast %broadcast_in_dim3A_3357 : vector<16x1xi32> to vector<16xi32>
    %gather3A_3359 = tpu.dynamic_gather %scan3A_3218#2[%gather3A_3358] in [0] : vector<16xf32>, vector<16xi32> -> vector<16xf32>
    %add3A_3360 = arith.addf %scan3A_3218#2, %gather3A_3359 : vector<16xf32>
    %xor3A_3361 = arith.constant 4 : i32
    %xor3A_3362 = vector.broadcast %xor3A_3361 : i32 to vector<16xi32>
    %xor3A_3363 = arith.xori %iota3A, %xor3A_3362 : vector<16xi32>
    %lt3A_3364 = arith.constant 0 : i32
    %lt3A_3365 = vector.broadcast %lt3A_3364 : i32 to vector<16xi32>
    %lt3A_3366 = arith.cmpi slt, %xor3A_3363, %lt3A_3365 : vector<16xi32>
    %add3A_3367 = arith.constant 16 : i32
    %add3A_3368 = vector.broadcast %add3A_3367 : i32 to vector<16xi32>
    %add3A_3369 = arith.addi %xor3A_3363, %add3A_3368 : vector<16xi32>
    %select_n3A_3370 = arith.select %lt3A_3366, %add3A_3369, %xor3A_3363 : vector<16xi1>, vector<16xi32>
    %broadcast_in_dim3A_3371 = vector.shape_cast %select_n3A_3370 : vector<16xi32> to vector<16x1xi32>
    %gather3A_3372 = vector.shape_cast %broadcast_in_dim3A_3371 : vector<16x1xi32> to vector<16xi32>
    %gather3A_3373 = tpu.dynamic_gather %add3A_3360[%gather3A_3372] in [0] : vector<16xf32>, vector<16xi32> -> vector<16xf32>
    %add3A_3374 = arith.addf %add3A_3360, %gather3A_3373 : vector<16xf32>
    %xor3A_3375 = arith.constant 2 : i32
    %xor3A_3376 = vector.broadcast %xor3A_3375 : i32 to vector<16xi32>
    %xor3A_3377 = arith.xori %iota3A, %xor3A_3376 : vector<16xi32>
    %lt3A_3378 = arith.constant 0 : i32
    %lt3A_3379 = vector.broadcast %lt3A_3378 : i32 to vector<16xi32>
    %lt3A_3380 = arith.cmpi slt, %xor3A_3377, %lt3A_3379 : vector<16xi32>
    %add3A_3381 = arith.constant 16 : i32
    %add3A_3382 = vector.broadcast %add3A_3381 : i32 to vector<16xi32>
    %add3A_3383 = arith.addi %xor3A_3377, %add3A_3382 : vector<16xi32>
    %select_n3A_3384 = arith.select %lt3A_3380, %add3A_3383, %xor3A_3377 : vector<16xi1>, vector<16xi32>
    %broadcast_in_dim3A_3385 = vector.shape_cast %select_n3A_3384 : vector<16xi32> to vector<16x1xi32>
    %gather3A_3386 = vector.shape_cast %broadcast_in_dim3A_3385 : vector<16x1xi32> to vector<16xi32>
    %gather3A_3387 = tpu.dynamic_gather %add3A_3374[%gather3A_3386] in [0] : vector<16xf32>, vector<16xi32> -> vector<16xf32>
    %add3A_3388 = arith.addf %add3A_3374, %gather3A_3387 : vector<16xf32>
    %xor3A_3389 = arith.constant 1 : i32
    %xor3A_3390 = vector.broadcast %xor3A_3389 : i32 to vector<16xi32>
    %xor3A_3391 = arith.xori %iota3A, %xor3A_3390 : vector<16xi32>
    %lt3A_3392 = arith.constant 0 : i32
    %lt3A_3393 = vector.broadcast %lt3A_3392 : i32 to vector<16xi32>
    %lt3A_3394 = arith.cmpi slt, %xor3A_3391, %lt3A_3393 : vector<16xi32>
    %add3A_3395 = arith.constant 16 : i32
    %add3A_3396 = vector.broadcast %add3A_3395 : i32 to vector<16xi32>
    %add3A_3397 = arith.addi %xor3A_3391, %add3A_3396 : vector<16xi32>
    %select_n3A_3398 = arith.select %lt3A_3394, %add3A_3397, %xor3A_3391 : vector<16xi1>, vector<16xi32>
    %broadcast_in_dim3A_3399 = vector.shape_cast %select_n3A_3398 : vector<16xi32> to vector<16x1xi32>
    %gather3A_3400 = vector.shape_cast %broadcast_in_dim3A_3399 : vector<16x1xi32> to vector<16xi32>
    %gather3A_3401 = tpu.dynamic_gather %add3A_3388[%gather3A_3400] in [0] : vector<16xf32>, vector<16xi32> -> vector<16xf32>
    %add3A_3402 = arith.addf %add3A_3388, %gather3A_3401 : vector<16xf32>
    %select_n3A_3403 = arith.select %eq3A_3346, %add3A_3402, %select_n3A_3283 : vector<16xi1>, vector<16xf32>
    %eq3A_3404 = arith.constant 1 : i32
    %eq3A_3405 = vector.broadcast %eq3A_3404 : i32 to vector<16xi32>
    %eq3A_3406 = arith.cmpi eq, %iota3A, %eq3A_3405 : vector<16xi32>
    %xor3A_3407 = arith.constant 8 : i32
    %xor3A_3408 = vector.broadcast %xor3A_3407 : i32 to vector<16xi32>
    %xor3A_3409 = arith.xori %iota3A, %xor3A_3408 : vector<16xi32>
    %lt3A_3410 = arith.constant 0 : i32
    %lt3A_3411 = vector.broadcast %lt3A_3410 : i32 to vector<16xi32>
    %lt3A_3412 = arith.cmpi slt, %xor3A_3409, %lt3A_3411 : vector<16xi32>
    %add3A_3413 = arith.constant 16 : i32
    %add3A_3414 = vector.broadcast %add3A_3413 : i32 to vector<16xi32>
    %add3A_3415 = arith.addi %xor3A_3409, %add3A_3414 : vector<16xi32>
    %select_n3A_3416 = arith.select %lt3A_3412, %add3A_3415, %xor3A_3409 : vector<16xi1>, vector<16xi32>
    %broadcast_in_dim3A_3417 = vector.shape_cast %select_n3A_3416 : vector<16xi32> to vector<16x1xi32>
    %gather3A_3418 = vector.shape_cast %broadcast_in_dim3A_3417 : vector<16x1xi32> to vector<16xi32>
    %gather3A_3419 = tpu.dynamic_gather %scan3A_3218#3[%gather3A_3418] in [0] : vector<16xf32>, vector<16xi32> -> vector<16xf32>
    %add3A_3420 = arith.addf %scan3A_3218#3, %gather3A_3419 : vector<16xf32>
    %xor3A_3421 = arith.constant 4 : i32
    %xor3A_3422 = vector.broadcast %xor3A_3421 : i32 to vector<16xi32>
    %xor3A_3423 = arith.xori %iota3A, %xor3A_3422 : vector<16xi32>
    %lt3A_3424 = arith.constant 0 : i32
    %lt3A_3425 = vector.broadcast %lt3A_3424 : i32 to vector<16xi32>
    %lt3A_3426 = arith.cmpi slt, %xor3A_3423, %lt3A_3425 : vector<16xi32>
    %add3A_3427 = arith.constant 16 : i32
    %add3A_3428 = vector.broadcast %add3A_3427 : i32 to vector<16xi32>
    %add3A_3429 = arith.addi %xor3A_3423, %add3A_3428 : vector<16xi32>
    %select_n3A_3430 = arith.select %lt3A_3426, %add3A_3429, %xor3A_3423 : vector<16xi1>, vector<16xi32>
    %broadcast_in_dim3A_3431 = vector.shape_cast %select_n3A_3430 : vector<16xi32> to vector<16x1xi32>
    %gather3A_3432 = vector.shape_cast %broadcast_in_dim3A_3431 : vector<16x1xi32> to vector<16xi32>
    %gather3A_3433 = tpu.dynamic_gather %add3A_3420[%gather3A_3432] in [0] : vector<16xf32>, vector<16xi32> -> vector<16xf32>
    %add3A_3434 = arith.addf %add3A_3420, %gather3A_3433 : vector<16xf32>
    %xor3A_3435 = arith.constant 2 : i32
    %xor3A_3436 = vector.broadcast %xor3A_3435 : i32 to vector<16xi32>
    %xor3A_3437 = arith.xori %iota3A, %xor3A_3436 : vector<16xi32>
    %lt3A_3438 = arith.constant 0 : i32
    %lt3A_3439 = vector.broadcast %lt3A_3438 : i32 to vector<16xi32>
    %lt3A_3440 = arith.cmpi slt, %xor3A_3437, %lt3A_3439 : vector<16xi32>
    %add3A_3441 = arith.constant 16 : i32
    %add3A_3442 = vector.broadcast %add3A_3441 : i32 to vector<16xi32>
    %add3A_3443 = arith.addi %xor3A_3437, %add3A_3442 : vector<16xi32>
    %select_n3A_3444 = arith.select %lt3A_3440, %add3A_3443, %xor3A_3437 : vector<16xi1>, vector<16xi32>
    %broadcast_in_dim3A_3445 = vector.shape_cast %select_n3A_3444 : vector<16xi32> to vector<16x1xi32>
    %gather3A_3446 = vector.shape_cast %broadcast_in_dim3A_3445 : vector<16x1xi32> to vector<16xi32>
    %gather3A_3447 = tpu.dynamic_gather %add3A_3434[%gather3A_3446] in [0] : vector<16xf32>, vector<16xi32> -> vector<16xf32>
    %add3A_3448 = arith.addf %add3A_3434, %gather3A_3447 : vector<16xf32>
    %xor3A_3449 = arith.constant 1 : i32
    %xor3A_3450 = vector.broadcast %xor3A_3449 : i32 to vector<16xi32>
    %xor3A_3451 = arith.xori %iota3A, %xor3A_3450 : vector<16xi32>
    %lt3A_3452 = arith.constant 0 : i32
    %lt3A_3453 = vector.broadcast %lt3A_3452 : i32 to vector<16xi32>
    %lt3A_3454 = arith.cmpi slt, %xor3A_3451, %lt3A_3453 : vector<16xi32>
    %add3A_3455 = arith.constant 16 : i32
    %add3A_3456 = vector.broadcast %add3A_3455 : i32 to vector<16xi32>
    %add3A_3457 = arith.addi %xor3A_3451, %add3A_3456 : vector<16xi32>
    %select_n3A_3458 = arith.select %lt3A_3454, %add3A_3457, %xor3A_3451 : vector<16xi1>, vector<16xi32>
    %broadcast_in_dim3A_3459 = vector.shape_cast %select_n3A_3458 : vector<16xi32> to vector<16x1xi32>
    %gather3A_3460 = vector.shape_cast %broadcast_in_dim3A_3459 : vector<16x1xi32> to vector<16xi32>
    %gather3A_3461 = tpu.dynamic_gather %add3A_3448[%gather3A_3460] in [0] : vector<16xf32>, vector<16xi32> -> vector<16xf32>
    %add3A_3462 = arith.addf %add3A_3448, %gather3A_3461 : vector<16xf32>
    %select_n3A_3463 = arith.select %eq3A_3406, %add3A_3462, %select_n3A_3343 : vector<16xi1>, vector<16xf32>
    %eq3A_3464 = arith.constant 2 : i32
    %eq3A_3465 = vector.broadcast %eq3A_3464 : i32 to vector<16xi32>
    %eq3A_3466 = arith.cmpi eq, %iota3A, %eq3A_3465 : vector<16xi32>
    %xor3A_3467 = arith.constant 8 : i32
    %xor3A_3468 = vector.broadcast %xor3A_3467 : i32 to vector<16xi32>
    %xor3A_3469 = arith.xori %iota3A, %xor3A_3468 : vector<16xi32>
    %lt3A_3470 = arith.constant 0 : i32
    %lt3A_3471 = vector.broadcast %lt3A_3470 : i32 to vector<16xi32>
    %lt3A_3472 = arith.cmpi slt, %xor3A_3469, %lt3A_3471 : vector<16xi32>
    %add3A_3473 = arith.constant 16 : i32
    %add3A_3474 = vector.broadcast %add3A_3473 : i32 to vector<16xi32>
    %add3A_3475 = arith.addi %xor3A_3469, %add3A_3474 : vector<16xi32>
    %select_n3A_3476 = arith.select %lt3A_3472, %add3A_3475, %xor3A_3469 : vector<16xi1>, vector<16xi32>
    %broadcast_in_dim3A_3477 = vector.shape_cast %select_n3A_3476 : vector<16xi32> to vector<16x1xi32>
    %gather3A_3478 = vector.shape_cast %broadcast_in_dim3A_3477 : vector<16x1xi32> to vector<16xi32>
    %gather3A_3479 = tpu.dynamic_gather %scan3A_3218#4[%gather3A_3478] in [0] : vector<16xf32>, vector<16xi32> -> vector<16xf32>
    %add3A_3480 = arith.addf %scan3A_3218#4, %gather3A_3479 : vector<16xf32>
    %xor3A_3481 = arith.constant 4 : i32
    %xor3A_3482 = vector.broadcast %xor3A_3481 : i32 to vector<16xi32>
    %xor3A_3483 = arith.xori %iota3A, %xor3A_3482 : vector<16xi32>
    %lt3A_3484 = arith.constant 0 : i32
    %lt3A_3485 = vector.broadcast %lt3A_3484 : i32 to vector<16xi32>
    %lt3A_3486 = arith.cmpi slt, %xor3A_3483, %lt3A_3485 : vector<16xi32>
    %add3A_3487 = arith.constant 16 : i32
    %add3A_3488 = vector.broadcast %add3A_3487 : i32 to vector<16xi32>
    %add3A_3489 = arith.addi %xor3A_3483, %add3A_3488 : vector<16xi32>
    %select_n3A_3490 = arith.select %lt3A_3486, %add3A_3489, %xor3A_3483 : vector<16xi1>, vector<16xi32>
    %broadcast_in_dim3A_3491 = vector.shape_cast %select_n3A_3490 : vector<16xi32> to vector<16x1xi32>
    %gather3A_3492 = vector.shape_cast %broadcast_in_dim3A_3491 : vector<16x1xi32> to vector<16xi32>
    %gather3A_3493 = tpu.dynamic_gather %add3A_3480[%gather3A_3492] in [0] : vector<16xf32>, vector<16xi32> -> vector<16xf32>
    %add3A_3494 = arith.addf %add3A_3480, %gather3A_3493 : vector<16xf32>
    %xor3A_3495 = arith.constant 2 : i32
    %xor3A_3496 = vector.broadcast %xor3A_3495 : i32 to vector<16xi32>
    %xor3A_3497 = arith.xori %iota3A, %xor3A_3496 : vector<16xi32>
    %lt3A_3498 = arith.constant 0 : i32
    %lt3A_3499 = vector.broadcast %lt3A_3498 : i32 to vector<16xi32>
    %lt3A_3500 = arith.cmpi slt, %xor3A_3497, %lt3A_3499 : vector<16xi32>
    %add3A_3501 = arith.constant 16 : i32
    %add3A_3502 = vector.broadcast %add3A_3501 : i32 to vector<16xi32>
    %add3A_3503 = arith.addi %xor3A_3497, %add3A_3502 : vector<16xi32>
    %select_n3A_3504 = arith.select %lt3A_3500, %add3A_3503, %xor3A_3497 : vector<16xi1>, vector<16xi32>
    %broadcast_in_dim3A_3505 = vector.shape_cast %select_n3A_3504 : vector<16xi32> to vector<16x1xi32>
    %gather3A_3506 = vector.shape_cast %broadcast_in_dim3A_3505 : vector<16x1xi32> to vector<16xi32>
    %gather3A_3507 = tpu.dynamic_gather %add3A_3494[%gather3A_3506] in [0] : vector<16xf32>, vector<16xi32> -> vector<16xf32>
    %add3A_3508 = arith.addf %add3A_3494, %gather3A_3507 : vector<16xf32>
    %xor3A_3509 = arith.constant 1 : i32
    %xor3A_3510 = vector.broadcast %xor3A_3509 : i32 to vector<16xi32>
    %xor3A_3511 = arith.xori %iota3A, %xor3A_3510 : vector<16xi32>
    %lt3A_3512 = arith.constant 0 : i32
    %lt3A_3513 = vector.broadcast %lt3A_3512 : i32 to vector<16xi32>
    %lt3A_3514 = arith.cmpi slt, %xor3A_3511, %lt3A_3513 : vector<16xi32>
    %add3A_3515 = arith.constant 16 : i32
    %add3A_3516 = vector.broadcast %add3A_3515 : i32 to vector<16xi32>
    %add3A_3517 = arith.addi %xor3A_3511, %add3A_3516 : vector<16xi32>
    %select_n3A_3518 = arith.select %lt3A_3514, %add3A_3517, %xor3A_3511 : vector<16xi1>, vector<16xi32>
    %broadcast_in_dim3A_3519 = vector.shape_cast %select_n3A_3518 : vector<16xi32> to vector<16x1xi32>
    %gather3A_3520 = vector.shape_cast %broadcast_in_dim3A_3519 : vector<16x1xi32> to vector<16xi32>
    %gather3A_3521 = tpu.dynamic_gather %add3A_3508[%gather3A_3520] in [0] : vector<16xf32>, vector<16xi32> -> vector<16xf32>
    %add3A_3522 = arith.addf %add3A_3508, %gather3A_3521 : vector<16xf32>
    %select_n3A_3523 = arith.select %eq3A_3466, %add3A_3522, %select_n3A_3403 : vector<16xi1>, vector<16xf32>
    %eq3A_3524 = arith.constant 2 : i32
    %eq3A_3525 = vector.broadcast %eq3A_3524 : i32 to vector<16xi32>
    %eq3A_3526 = arith.cmpi eq, %iota3A, %eq3A_3525 : vector<16xi32>
    %xor3A_3527 = arith.constant 8 : i32
    %xor3A_3528 = vector.broadcast %xor3A_3527 : i32 to vector<16xi32>
    %xor3A_3529 = arith.xori %iota3A, %xor3A_3528 : vector<16xi32>
    %lt3A_3530 = arith.constant 0 : i32
    %lt3A_3531 = vector.broadcast %lt3A_3530 : i32 to vector<16xi32>
    %lt3A_3532 = arith.cmpi slt, %xor3A_3529, %lt3A_3531 : vector<16xi32>
    %add3A_3533 = arith.constant 16 : i32
    %add3A_3534 = vector.broadcast %add3A_3533 : i32 to vector<16xi32>
    %add3A_3535 = arith.addi %xor3A_3529, %add3A_3534 : vector<16xi32>
    %select_n3A_3536 = arith.select %lt3A_3532, %add3A_3535, %xor3A_3529 : vector<16xi1>, vector<16xi32>
    %broadcast_in_dim3A_3537 = vector.shape_cast %select_n3A_3536 : vector<16xi32> to vector<16x1xi32>
    %gather3A_3538 = vector.shape_cast %broadcast_in_dim3A_3537 : vector<16x1xi32> to vector<16xi32>
    %gather3A_3539 = tpu.dynamic_gather %scan3A_3218#5[%gather3A_3538] in [0] : vector<16xf32>, vector<16xi32> -> vector<16xf32>
    %add3A_3540 = arith.addf %scan3A_3218#5, %gather3A_3539 : vector<16xf32>
    %xor3A_3541 = arith.constant 4 : i32
    %xor3A_3542 = vector.broadcast %xor3A_3541 : i32 to vector<16xi32>
    %xor3A_3543 = arith.xori %iota3A, %xor3A_3542 : vector<16xi32>
    %lt3A_3544 = arith.constant 0 : i32
    %lt3A_3545 = vector.broadcast %lt3A_3544 : i32 to vector<16xi32>
    %lt3A_3546 = arith.cmpi slt, %xor3A_3543, %lt3A_3545 : vector<16xi32>
    %add3A_3547 = arith.constant 16 : i32
    %add3A_3548 = vector.broadcast %add3A_3547 : i32 to vector<16xi32>
    %add3A_3549 = arith.addi %xor3A_3543, %add3A_3548 : vector<16xi32>
    %select_n3A_3550 = arith.select %lt3A_3546, %add3A_3549, %xor3A_3543 : vector<16xi1>, vector<16xi32>
    %broadcast_in_dim3A_3551 = vector.shape_cast %select_n3A_3550 : vector<16xi32> to vector<16x1xi32>
    %gather3A_3552 = vector.shape_cast %broadcast_in_dim3A_3551 : vector<16x1xi32> to vector<16xi32>
    %gather3A_3553 = tpu.dynamic_gather %add3A_3540[%gather3A_3552] in [0] : vector<16xf32>, vector<16xi32> -> vector<16xf32>
    %add3A_3554 = arith.addf %add3A_3540, %gather3A_3553 : vector<16xf32>
    %xor3A_3555 = arith.constant 2 : i32
    %xor3A_3556 = vector.broadcast %xor3A_3555 : i32 to vector<16xi32>
    %xor3A_3557 = arith.xori %iota3A, %xor3A_3556 : vector<16xi32>
    %lt3A_3558 = arith.constant 0 : i32
    %lt3A_3559 = vector.broadcast %lt3A_3558 : i32 to vector<16xi32>
    %lt3A_3560 = arith.cmpi slt, %xor3A_3557, %lt3A_3559 : vector<16xi32>
    %add3A_3561 = arith.constant 16 : i32
    %add3A_3562 = vector.broadcast %add3A_3561 : i32 to vector<16xi32>
    %add3A_3563 = arith.addi %xor3A_3557, %add3A_3562 : vector<16xi32>
    %select_n3A_3564 = arith.select %lt3A_3560, %add3A_3563, %xor3A_3557 : vector<16xi1>, vector<16xi32>
    %broadcast_in_dim3A_3565 = vector.shape_cast %select_n3A_3564 : vector<16xi32> to vector<16x1xi32>
    %gather3A_3566 = vector.shape_cast %broadcast_in_dim3A_3565 : vector<16x1xi32> to vector<16xi32>
    %gather3A_3567 = tpu.dynamic_gather %add3A_3554[%gather3A_3566] in [0] : vector<16xf32>, vector<16xi32> -> vector<16xf32>
    %add3A_3568 = arith.addf %add3A_3554, %gather3A_3567 : vector<16xf32>
    %xor3A_3569 = arith.constant 1 : i32
    %xor3A_3570 = vector.broadcast %xor3A_3569 : i32 to vector<16xi32>
    %xor3A_3571 = arith.xori %iota3A, %xor3A_3570 : vector<16xi32>
    %lt3A_3572 = arith.constant 0 : i32
    %lt3A_3573 = vector.broadcast %lt3A_3572 : i32 to vector<16xi32>
    %lt3A_3574 = arith.cmpi slt, %xor3A_3571, %lt3A_3573 : vector<16xi32>
    %add3A_3575 = arith.constant 16 : i32
    %add3A_3576 = vector.broadcast %add3A_3575 : i32 to vector<16xi32>
    %add3A_3577 = arith.addi %xor3A_3571, %add3A_3576 : vector<16xi32>
    %select_n3A_3578 = arith.select %lt3A_3574, %add3A_3577, %xor3A_3571 : vector<16xi1>, vector<16xi32>
    %broadcast_in_dim3A_3579 = vector.shape_cast %select_n3A_3578 : vector<16xi32> to vector<16x1xi32>
    %gather3A_3580 = vector.shape_cast %broadcast_in_dim3A_3579 : vector<16x1xi32> to vector<16xi32>
    %gather3A_3581 = tpu.dynamic_gather %add3A_3568[%gather3A_3580] in [0] : vector<16xf32>, vector<16xi32> -> vector<16xf32>
    %add3A_3582 = arith.addf %add3A_3568, %gather3A_3581 : vector<16xf32>
    %select_n3A_3583 = arith.select %eq3A_3526, %add3A_3582, %select_n3A_3463 : vector<16xi1>, vector<16xf32>
    %eq3A_3584 = arith.constant 3 : i32
    %eq3A_3585 = vector.broadcast %eq3A_3584 : i32 to vector<16xi32>
    %eq3A_3586 = arith.cmpi eq, %iota3A, %eq3A_3585 : vector<16xi32>
    %xor3A_3587 = arith.constant 8 : i32
    %xor3A_3588 = vector.broadcast %xor3A_3587 : i32 to vector<16xi32>
    %xor3A_3589 = arith.xori %iota3A, %xor3A_3588 : vector<16xi32>
    %lt3A_3590 = arith.constant 0 : i32
    %lt3A_3591 = vector.broadcast %lt3A_3590 : i32 to vector<16xi32>
    %lt3A_3592 = arith.cmpi slt, %xor3A_3589, %lt3A_3591 : vector<16xi32>
    %add3A_3593 = arith.constant 16 : i32
    %add3A_3594 = vector.broadcast %add3A_3593 : i32 to vector<16xi32>
    %add3A_3595 = arith.addi %xor3A_3589, %add3A_3594 : vector<16xi32>
    %select_n3A_3596 = arith.select %lt3A_3592, %add3A_3595, %xor3A_3589 : vector<16xi1>, vector<16xi32>
    %broadcast_in_dim3A_3597 = vector.shape_cast %select_n3A_3596 : vector<16xi32> to vector<16x1xi32>
    %gather3A_3598 = vector.shape_cast %broadcast_in_dim3A_3597 : vector<16x1xi32> to vector<16xi32>
    %gather3A_3599 = tpu.dynamic_gather %scan3A_3218#6[%gather3A_3598] in [0] : vector<16xf32>, vector<16xi32> -> vector<16xf32>
    %add3A_3600 = arith.addf %scan3A_3218#6, %gather3A_3599 : vector<16xf32>
    %xor3A_3601 = arith.constant 4 : i32
    %xor3A_3602 = vector.broadcast %xor3A_3601 : i32 to vector<16xi32>
    %xor3A_3603 = arith.xori %iota3A, %xor3A_3602 : vector<16xi32>
    %lt3A_3604 = arith.constant 0 : i32
    %lt3A_3605 = vector.broadcast %lt3A_3604 : i32 to vector<16xi32>
    %lt3A_3606 = arith.cmpi slt, %xor3A_3603, %lt3A_3605 : vector<16xi32>
    %add3A_3607 = arith.constant 16 : i32
    %add3A_3608 = vector.broadcast %add3A_3607 : i32 to vector<16xi32>
    %add3A_3609 = arith.addi %xor3A_3603, %add3A_3608 : vector<16xi32>
    %select_n3A_3610 = arith.select %lt3A_3606, %add3A_3609, %xor3A_3603 : vector<16xi1>, vector<16xi32>
    %broadcast_in_dim3A_3611 = vector.shape_cast %select_n3A_3610 : vector<16xi32> to vector<16x1xi32>
    %gather3A_3612 = vector.shape_cast %broadcast_in_dim3A_3611 : vector<16x1xi32> to vector<16xi32>
    %gather3A_3613 = tpu.dynamic_gather %add3A_3600[%gather3A_3612] in [0] : vector<16xf32>, vector<16xi32> -> vector<16xf32>
    %add3A_3614 = arith.addf %add3A_3600, %gather3A_3613 : vector<16xf32>
    %xor3A_3615 = arith.constant 2 : i32
    %xor3A_3616 = vector.broadcast %xor3A_3615 : i32 to vector<16xi32>
    %xor3A_3617 = arith.xori %iota3A, %xor3A_3616 : vector<16xi32>
    %lt3A_3618 = arith.constant 0 : i32
    %lt3A_3619 = vector.broadcast %lt3A_3618 : i32 to vector<16xi32>
    %lt3A_3620 = arith.cmpi slt, %xor3A_3617, %lt3A_3619 : vector<16xi32>
    %add3A_3621 = arith.constant 16 : i32
    %add3A_3622 = vector.broadcast %add3A_3621 : i32 to vector<16xi32>
    %add3A_3623 = arith.addi %xor3A_3617, %add3A_3622 : vector<16xi32>
    %select_n3A_3624 = arith.select %lt3A_3620, %add3A_3623, %xor3A_3617 : vector<16xi1>, vector<16xi32>
    %broadcast_in_dim3A_3625 = vector.shape_cast %select_n3A_3624 : vector<16xi32> to vector<16x1xi32>
    %gather3A_3626 = vector.shape_cast %broadcast_in_dim3A_3625 : vector<16x1xi32> to vector<16xi32>
    %gather3A_3627 = tpu.dynamic_gather %add3A_3614[%gather3A_3626] in [0] : vector<16xf32>, vector<16xi32> -> vector<16xf32>
    %add3A_3628 = arith.addf %add3A_3614, %gather3A_3627 : vector<16xf32>
    %xor3A_3629 = arith.constant 1 : i32
    %xor3A_3630 = vector.broadcast %xor3A_3629 : i32 to vector<16xi32>
    %xor3A_3631 = arith.xori %iota3A, %xor3A_3630 : vector<16xi32>
    %lt3A_3632 = arith.constant 0 : i32
    %lt3A_3633 = vector.broadcast %lt3A_3632 : i32 to vector<16xi32>
    %lt3A_3634 = arith.cmpi slt, %xor3A_3631, %lt3A_3633 : vector<16xi32>
    %add3A_3635 = arith.constant 16 : i32
    %add3A_3636 = vector.broadcast %add3A_3635 : i32 to vector<16xi32>
    %add3A_3637 = arith.addi %xor3A_3631, %add3A_3636 : vector<16xi32>
    %select_n3A_3638 = arith.select %lt3A_3634, %add3A_3637, %xor3A_3631 : vector<16xi1>, vector<16xi32>
    %broadcast_in_dim3A_3639 = vector.shape_cast %select_n3A_3638 : vector<16xi32> to vector<16x1xi32>
    %gather3A_3640 = vector.shape_cast %broadcast_in_dim3A_3639 : vector<16x1xi32> to vector<16xi32>
    %gather3A_3641 = tpu.dynamic_gather %add3A_3628[%gather3A_3640] in [0] : vector<16xf32>, vector<16xi32> -> vector<16xf32>
    %add3A_3642 = arith.addf %add3A_3628, %gather3A_3641 : vector<16xf32>
    %select_n3A_3643 = arith.select %eq3A_3586, %add3A_3642, %select_n3A_3523 : vector<16xi1>, vector<16xf32>
    %eq3A_3644 = arith.constant 3 : i32
    %eq3A_3645 = vector.broadcast %eq3A_3644 : i32 to vector<16xi32>
    %eq3A_3646 = arith.cmpi eq, %iota3A, %eq3A_3645 : vector<16xi32>
    %xor3A_3647 = arith.constant 8 : i32
    %xor3A_3648 = vector.broadcast %xor3A_3647 : i32 to vector<16xi32>
    %xor3A_3649 = arith.xori %iota3A, %xor3A_3648 : vector<16xi32>
    %lt3A_3650 = arith.constant 0 : i32
    %lt3A_3651 = vector.broadcast %lt3A_3650 : i32 to vector<16xi32>
    %lt3A_3652 = arith.cmpi slt, %xor3A_3649, %lt3A_3651 : vector<16xi32>
    %add3A_3653 = arith.constant 16 : i32
    %add3A_3654 = vector.broadcast %add3A_3653 : i32 to vector<16xi32>
    %add3A_3655 = arith.addi %xor3A_3649, %add3A_3654 : vector<16xi32>
    %select_n3A_3656 = arith.select %lt3A_3652, %add3A_3655, %xor3A_3649 : vector<16xi1>, vector<16xi32>
    %broadcast_in_dim3A_3657 = vector.shape_cast %select_n3A_3656 : vector<16xi32> to vector<16x1xi32>
    %gather3A_3658 = vector.shape_cast %broadcast_in_dim3A_3657 : vector<16x1xi32> to vector<16xi32>
    %gather3A_3659 = tpu.dynamic_gather %scan3A_3218#7[%gather3A_3658] in [0] : vector<16xf32>, vector<16xi32> -> vector<16xf32>
    %add3A_3660 = arith.addf %scan3A_3218#7, %gather3A_3659 : vector<16xf32>
    %xor3A_3661 = arith.constant 4 : i32
    %xor3A_3662 = vector.broadcast %xor3A_3661 : i32 to vector<16xi32>
    %xor3A_3663 = arith.xori %iota3A, %xor3A_3662 : vector<16xi32>
    %lt3A_3664 = arith.constant 0 : i32
    %lt3A_3665 = vector.broadcast %lt3A_3664 : i32 to vector<16xi32>
    %lt3A_3666 = arith.cmpi slt, %xor3A_3663, %lt3A_3665 : vector<16xi32>
    %add3A_3667 = arith.constant 16 : i32
    %add3A_3668 = vector.broadcast %add3A_3667 : i32 to vector<16xi32>
    %add3A_3669 = arith.addi %xor3A_3663, %add3A_3668 : vector<16xi32>
    %select_n3A_3670 = arith.select %lt3A_3666, %add3A_3669, %xor3A_3663 : vector<16xi1>, vector<16xi32>
    %broadcast_in_dim3A_3671 = vector.shape_cast %select_n3A_3670 : vector<16xi32> to vector<16x1xi32>
    %gather3A_3672 = vector.shape_cast %broadcast_in_dim3A_3671 : vector<16x1xi32> to vector<16xi32>
    %gather3A_3673 = tpu.dynamic_gather %add3A_3660[%gather3A_3672] in [0] : vector<16xf32>, vector<16xi32> -> vector<16xf32>
    %add3A_3674 = arith.addf %add3A_3660, %gather3A_3673 : vector<16xf32>
    %xor3A_3675 = arith.constant 2 : i32
    %xor3A_3676 = vector.broadcast %xor3A_3675 : i32 to vector<16xi32>
    %xor3A_3677 = arith.xori %iota3A, %xor3A_3676 : vector<16xi32>
    %lt3A_3678 = arith.constant 0 : i32
    %lt3A_3679 = vector.broadcast %lt3A_3678 : i32 to vector<16xi32>
    %lt3A_3680 = arith.cmpi slt, %xor3A_3677, %lt3A_3679 : vector<16xi32>
    %add3A_3681 = arith.constant 16 : i32
    %add3A_3682 = vector.broadcast %add3A_3681 : i32 to vector<16xi32>
    %add3A_3683 = arith.addi %xor3A_3677, %add3A_3682 : vector<16xi32>
    %select_n3A_3684 = arith.select %lt3A_3680, %add3A_3683, %xor3A_3677 : vector<16xi1>, vector<16xi32>
    %broadcast_in_dim3A_3685 = vector.shape_cast %select_n3A_3684 : vector<16xi32> to vector<16x1xi32>
    %gather3A_3686 = vector.shape_cast %broadcast_in_dim3A_3685 : vector<16x1xi32> to vector<16xi32>
    %gather3A_3687 = tpu.dynamic_gather %add3A_3674[%gather3A_3686] in [0] : vector<16xf32>, vector<16xi32> -> vector<16xf32>
    %add3A_3688 = arith.addf %add3A_3674, %gather3A_3687 : vector<16xf32>
    %xor3A_3689 = arith.constant 1 : i32
    %xor3A_3690 = vector.broadcast %xor3A_3689 : i32 to vector<16xi32>
    %xor3A_3691 = arith.xori %iota3A, %xor3A_3690 : vector<16xi32>
    %lt3A_3692 = arith.constant 0 : i32
    %lt3A_3693 = vector.broadcast %lt3A_3692 : i32 to vector<16xi32>
    %lt3A_3694 = arith.cmpi slt, %xor3A_3691, %lt3A_3693 : vector<16xi32>
    %add3A_3695 = arith.constant 16 : i32
    %add3A_3696 = vector.broadcast %add3A_3695 : i32 to vector<16xi32>
    %add3A_3697 = arith.addi %xor3A_3691, %add3A_3696 : vector<16xi32>
    %select_n3A_3698 = arith.select %lt3A_3694, %add3A_3697, %xor3A_3691 : vector<16xi1>, vector<16xi32>
    %broadcast_in_dim3A_3699 = vector.shape_cast %select_n3A_3698 : vector<16xi32> to vector<16x1xi32>
    %gather3A_3700 = vector.shape_cast %broadcast_in_dim3A_3699 : vector<16x1xi32> to vector<16xi32>
    %gather3A_3701 = tpu.dynamic_gather %add3A_3688[%gather3A_3700] in [0] : vector<16xf32>, vector<16xi32> -> vector<16xf32>
    %add3A_3702 = arith.addf %add3A_3688, %gather3A_3701 : vector<16xf32>
    %select_n3A_3703 = arith.select %eq3A_3646, %add3A_3702, %select_n3A_3583 : vector<16xi1>, vector<16xf32>
    %eq3A_3704 = arith.constant 4 : i32
    %eq3A_3705 = vector.broadcast %eq3A_3704 : i32 to vector<16xi32>
    %eq3A_3706 = arith.cmpi eq, %iota3A, %eq3A_3705 : vector<16xi32>
    %xor3A_3707 = arith.constant 8 : i32
    %xor3A_3708 = vector.broadcast %xor3A_3707 : i32 to vector<16xi32>
    %xor3A_3709 = arith.xori %iota3A, %xor3A_3708 : vector<16xi32>
    %lt3A_3710 = arith.constant 0 : i32
    %lt3A_3711 = vector.broadcast %lt3A_3710 : i32 to vector<16xi32>
    %lt3A_3712 = arith.cmpi slt, %xor3A_3709, %lt3A_3711 : vector<16xi32>
    %add3A_3713 = arith.constant 16 : i32
    %add3A_3714 = vector.broadcast %add3A_3713 : i32 to vector<16xi32>
    %add3A_3715 = arith.addi %xor3A_3709, %add3A_3714 : vector<16xi32>
    %select_n3A_3716 = arith.select %lt3A_3712, %add3A_3715, %xor3A_3709 : vector<16xi1>, vector<16xi32>
    %broadcast_in_dim3A_3717 = vector.shape_cast %select_n3A_3716 : vector<16xi32> to vector<16x1xi32>
    %gather3A_3718 = vector.shape_cast %broadcast_in_dim3A_3717 : vector<16x1xi32> to vector<16xi32>
    %gather3A_3719 = tpu.dynamic_gather %scan3A_3218#8[%gather3A_3718] in [0] : vector<16xf32>, vector<16xi32> -> vector<16xf32>
    %add3A_3720 = arith.addf %scan3A_3218#8, %gather3A_3719 : vector<16xf32>
    %xor3A_3721 = arith.constant 4 : i32
    %xor3A_3722 = vector.broadcast %xor3A_3721 : i32 to vector<16xi32>
    %xor3A_3723 = arith.xori %iota3A, %xor3A_3722 : vector<16xi32>
    %lt3A_3724 = arith.constant 0 : i32
    %lt3A_3725 = vector.broadcast %lt3A_3724 : i32 to vector<16xi32>
    %lt3A_3726 = arith.cmpi slt, %xor3A_3723, %lt3A_3725 : vector<16xi32>
    %add3A_3727 = arith.constant 16 : i32
    %add3A_3728 = vector.broadcast %add3A_3727 : i32 to vector<16xi32>
    %add3A_3729 = arith.addi %xor3A_3723, %add3A_3728 : vector<16xi32>
    %select_n3A_3730 = arith.select %lt3A_3726, %add3A_3729, %xor3A_3723 : vector<16xi1>, vector<16xi32>
    %broadcast_in_dim3A_3731 = vector.shape_cast %select_n3A_3730 : vector<16xi32> to vector<16x1xi32>
    %gather3A_3732 = vector.shape_cast %broadcast_in_dim3A_3731 : vector<16x1xi32> to vector<16xi32>
    %gather3A_3733 = tpu.dynamic_gather %add3A_3720[%gather3A_3732] in [0] : vector<16xf32>, vector<16xi32> -> vector<16xf32>
    %add3A_3734 = arith.addf %add3A_3720, %gather3A_3733 : vector<16xf32>
    %xor3A_3735 = arith.constant 2 : i32
    %xor3A_3736 = vector.broadcast %xor3A_3735 : i32 to vector<16xi32>
    %xor3A_3737 = arith.xori %iota3A, %xor3A_3736 : vector<16xi32>
    %lt3A_3738 = arith.constant 0 : i32
    %lt3A_3739 = vector.broadcast %lt3A_3738 : i32 to vector<16xi32>
    %lt3A_3740 = arith.cmpi slt, %xor3A_3737, %lt3A_3739 : vector<16xi32>
    %add3A_3741 = arith.constant 16 : i32
    %add3A_3742 = vector.broadcast %add3A_3741 : i32 to vector<16xi32>
    %add3A_3743 = arith.addi %xor3A_3737, %add3A_3742 : vector<16xi32>
    %select_n3A_3744 = arith.select %lt3A_3740, %add3A_3743, %xor3A_3737 : vector<16xi1>, vector<16xi32>
    %broadcast_in_dim3A_3745 = vector.shape_cast %select_n3A_3744 : vector<16xi32> to vector<16x1xi32>
    %gather3A_3746 = vector.shape_cast %broadcast_in_dim3A_3745 : vector<16x1xi32> to vector<16xi32>
    %gather3A_3747 = tpu.dynamic_gather %add3A_3734[%gather3A_3746] in [0] : vector<16xf32>, vector<16xi32> -> vector<16xf32>
    %add3A_3748 = arith.addf %add3A_3734, %gather3A_3747 : vector<16xf32>
    %xor3A_3749 = arith.constant 1 : i32
    %xor3A_3750 = vector.broadcast %xor3A_3749 : i32 to vector<16xi32>
    %xor3A_3751 = arith.xori %iota3A, %xor3A_3750 : vector<16xi32>
    %lt3A_3752 = arith.constant 0 : i32
    %lt3A_3753 = vector.broadcast %lt3A_3752 : i32 to vector<16xi32>
    %lt3A_3754 = arith.cmpi slt, %xor3A_3751, %lt3A_3753 : vector<16xi32>
    %add3A_3755 = arith.constant 16 : i32
    %add3A_3756 = vector.broadcast %add3A_3755 : i32 to vector<16xi32>
    %add3A_3757 = arith.addi %xor3A_3751, %add3A_3756 : vector<16xi32>
    %select_n3A_3758 = arith.select %lt3A_3754, %add3A_3757, %xor3A_3751 : vector<16xi1>, vector<16xi32>
    %broadcast_in_dim3A_3759 = vector.shape_cast %select_n3A_3758 : vector<16xi32> to vector<16x1xi32>
    %gather3A_3760 = vector.shape_cast %broadcast_in_dim3A_3759 : vector<16x1xi32> to vector<16xi32>
    %gather3A_3761 = tpu.dynamic_gather %add3A_3748[%gather3A_3760] in [0] : vector<16xf32>, vector<16xi32> -> vector<16xf32>
    %add3A_3762 = arith.addf %add3A_3748, %gather3A_3761 : vector<16xf32>
    %select_n3A_3763 = arith.select %eq3A_3706, %add3A_3762, %select_n3A_3643 : vector<16xi1>, vector<16xf32>
    %eq3A_3764 = arith.constant 4 : i32
    %eq3A_3765 = vector.broadcast %eq3A_3764 : i32 to vector<16xi32>
    %eq3A_3766 = arith.cmpi eq, %iota3A, %eq3A_3765 : vector<16xi32>
    %xor3A_3767 = arith.constant 8 : i32
    %xor3A_3768 = vector.broadcast %xor3A_3767 : i32 to vector<16xi32>
    %xor3A_3769 = arith.xori %iota3A, %xor3A_3768 : vector<16xi32>
    %lt3A_3770 = arith.constant 0 : i32
    %lt3A_3771 = vector.broadcast %lt3A_3770 : i32 to vector<16xi32>
    %lt3A_3772 = arith.cmpi slt, %xor3A_3769, %lt3A_3771 : vector<16xi32>
    %add3A_3773 = arith.constant 16 : i32
    %add3A_3774 = vector.broadcast %add3A_3773 : i32 to vector<16xi32>
    %add3A_3775 = arith.addi %xor3A_3769, %add3A_3774 : vector<16xi32>
    %select_n3A_3776 = arith.select %lt3A_3772, %add3A_3775, %xor3A_3769 : vector<16xi1>, vector<16xi32>
    %broadcast_in_dim3A_3777 = vector.shape_cast %select_n3A_3776 : vector<16xi32> to vector<16x1xi32>
    %gather3A_3778 = vector.shape_cast %broadcast_in_dim3A_3777 : vector<16x1xi32> to vector<16xi32>
    %gather3A_3779 = tpu.dynamic_gather %scan3A_3218#9[%gather3A_3778] in [0] : vector<16xf32>, vector<16xi32> -> vector<16xf32>
    %add3A_3780 = arith.addf %scan3A_3218#9, %gather3A_3779 : vector<16xf32>
    %xor3A_3781 = arith.constant 4 : i32
    %xor3A_3782 = vector.broadcast %xor3A_3781 : i32 to vector<16xi32>
    %xor3A_3783 = arith.xori %iota3A, %xor3A_3782 : vector<16xi32>
    %lt3A_3784 = arith.constant 0 : i32
    %lt3A_3785 = vector.broadcast %lt3A_3784 : i32 to vector<16xi32>
    %lt3A_3786 = arith.cmpi slt, %xor3A_3783, %lt3A_3785 : vector<16xi32>
    %add3A_3787 = arith.constant 16 : i32
    %add3A_3788 = vector.broadcast %add3A_3787 : i32 to vector<16xi32>
    %add3A_3789 = arith.addi %xor3A_3783, %add3A_3788 : vector<16xi32>
    %select_n3A_3790 = arith.select %lt3A_3786, %add3A_3789, %xor3A_3783 : vector<16xi1>, vector<16xi32>
    %broadcast_in_dim3A_3791 = vector.shape_cast %select_n3A_3790 : vector<16xi32> to vector<16x1xi32>
    %gather3A_3792 = vector.shape_cast %broadcast_in_dim3A_3791 : vector<16x1xi32> to vector<16xi32>
    %gather3A_3793 = tpu.dynamic_gather %add3A_3780[%gather3A_3792] in [0] : vector<16xf32>, vector<16xi32> -> vector<16xf32>
    %add3A_3794 = arith.addf %add3A_3780, %gather3A_3793 : vector<16xf32>
    %xor3A_3795 = arith.constant 2 : i32
    %xor3A_3796 = vector.broadcast %xor3A_3795 : i32 to vector<16xi32>
    %xor3A_3797 = arith.xori %iota3A, %xor3A_3796 : vector<16xi32>
    %lt3A_3798 = arith.constant 0 : i32
    %lt3A_3799 = vector.broadcast %lt3A_3798 : i32 to vector<16xi32>
    %lt3A_3800 = arith.cmpi slt, %xor3A_3797, %lt3A_3799 : vector<16xi32>
    %add3A_3801 = arith.constant 16 : i32
    %add3A_3802 = vector.broadcast %add3A_3801 : i32 to vector<16xi32>
    %add3A_3803 = arith.addi %xor3A_3797, %add3A_3802 : vector<16xi32>
    %select_n3A_3804 = arith.select %lt3A_3800, %add3A_3803, %xor3A_3797 : vector<16xi1>, vector<16xi32>
    %broadcast_in_dim3A_3805 = vector.shape_cast %select_n3A_3804 : vector<16xi32> to vector<16x1xi32>
    %gather3A_3806 = vector.shape_cast %broadcast_in_dim3A_3805 : vector<16x1xi32> to vector<16xi32>
    %gather3A_3807 = tpu.dynamic_gather %add3A_3794[%gather3A_3806] in [0] : vector<16xf32>, vector<16xi32> -> vector<16xf32>
    %add3A_3808 = arith.addf %add3A_3794, %gather3A_3807 : vector<16xf32>
    %xor3A_3809 = arith.constant 1 : i32
    %xor3A_3810 = vector.broadcast %xor3A_3809 : i32 to vector<16xi32>
    %xor3A_3811 = arith.xori %iota3A, %xor3A_3810 : vector<16xi32>
    %lt3A_3812 = arith.constant 0 : i32
    %lt3A_3813 = vector.broadcast %lt3A_3812 : i32 to vector<16xi32>
    %lt3A_3814 = arith.cmpi slt, %xor3A_3811, %lt3A_3813 : vector<16xi32>
    %add3A_3815 = arith.constant 16 : i32
    %add3A_3816 = vector.broadcast %add3A_3815 : i32 to vector<16xi32>
    %add3A_3817 = arith.addi %xor3A_3811, %add3A_3816 : vector<16xi32>
    %select_n3A_3818 = arith.select %lt3A_3814, %add3A_3817, %xor3A_3811 : vector<16xi1>, vector<16xi32>
    %broadcast_in_dim3A_3819 = vector.shape_cast %select_n3A_3818 : vector<16xi32> to vector<16x1xi32>
    %gather3A_3820 = vector.shape_cast %broadcast_in_dim3A_3819 : vector<16x1xi32> to vector<16xi32>
    %gather3A_3821 = tpu.dynamic_gather %add3A_3808[%gather3A_3820] in [0] : vector<16xf32>, vector<16xi32> -> vector<16xf32>
    %add3A_3822 = arith.addf %add3A_3808, %gather3A_3821 : vector<16xf32>
    %select_n3A_3823 = arith.select %eq3A_3766, %add3A_3822, %select_n3A_3703 : vector<16xi1>, vector<16xf32>
    %eq3A_3824 = arith.constant 5 : i32
    %eq3A_3825 = vector.broadcast %eq3A_3824 : i32 to vector<16xi32>
    %eq3A_3826 = arith.cmpi eq, %iota3A, %eq3A_3825 : vector<16xi32>
    %xor3A_3827 = arith.constant 8 : i32
    %xor3A_3828 = vector.broadcast %xor3A_3827 : i32 to vector<16xi32>
    %xor3A_3829 = arith.xori %iota3A, %xor3A_3828 : vector<16xi32>
    %lt3A_3830 = arith.constant 0 : i32
    %lt3A_3831 = vector.broadcast %lt3A_3830 : i32 to vector<16xi32>
    %lt3A_3832 = arith.cmpi slt, %xor3A_3829, %lt3A_3831 : vector<16xi32>
    %add3A_3833 = arith.constant 16 : i32
    %add3A_3834 = vector.broadcast %add3A_3833 : i32 to vector<16xi32>
    %add3A_3835 = arith.addi %xor3A_3829, %add3A_3834 : vector<16xi32>
    %select_n3A_3836 = arith.select %lt3A_3832, %add3A_3835, %xor3A_3829 : vector<16xi1>, vector<16xi32>
    %broadcast_in_dim3A_3837 = vector.shape_cast %select_n3A_3836 : vector<16xi32> to vector<16x1xi32>
    %gather3A_3838 = vector.shape_cast %broadcast_in_dim3A_3837 : vector<16x1xi32> to vector<16xi32>
    %gather3A_3839 = tpu.dynamic_gather %scan3A_3218#10[%gather3A_3838] in [0] : vector<16xf32>, vector<16xi32> -> vector<16xf32>
    %add3A_3840 = arith.addf %scan3A_3218#10, %gather3A_3839 : vector<16xf32>
    %xor3A_3841 = arith.constant 4 : i32
    %xor3A_3842 = vector.broadcast %xor3A_3841 : i32 to vector<16xi32>
    %xor3A_3843 = arith.xori %iota3A, %xor3A_3842 : vector<16xi32>
    %lt3A_3844 = arith.constant 0 : i32
    %lt3A_3845 = vector.broadcast %lt3A_3844 : i32 to vector<16xi32>
    %lt3A_3846 = arith.cmpi slt, %xor3A_3843, %lt3A_3845 : vector<16xi32>
    %add3A_3847 = arith.constant 16 : i32
    %add3A_3848 = vector.broadcast %add3A_3847 : i32 to vector<16xi32>
    %add3A_3849 = arith.addi %xor3A_3843, %add3A_3848 : vector<16xi32>
    %select_n3A_3850 = arith.select %lt3A_3846, %add3A_3849, %xor3A_3843 : vector<16xi1>, vector<16xi32>
    %broadcast_in_dim3A_3851 = vector.shape_cast %select_n3A_3850 : vector<16xi32> to vector<16x1xi32>
    %gather3A_3852 = vector.shape_cast %broadcast_in_dim3A_3851 : vector<16x1xi32> to vector<16xi32>
    %gather3A_3853 = tpu.dynamic_gather %add3A_3840[%gather3A_3852] in [0] : vector<16xf32>, vector<16xi32> -> vector<16xf32>
    %add3A_3854 = arith.addf %add3A_3840, %gather3A_3853 : vector<16xf32>
    %xor3A_3855 = arith.constant 2 : i32
    %xor3A_3856 = vector.broadcast %xor3A_3855 : i32 to vector<16xi32>
    %xor3A_3857 = arith.xori %iota3A, %xor3A_3856 : vector<16xi32>
    %lt3A_3858 = arith.constant 0 : i32
    %lt3A_3859 = vector.broadcast %lt3A_3858 : i32 to vector<16xi32>
    %lt3A_3860 = arith.cmpi slt, %xor3A_3857, %lt3A_3859 : vector<16xi32>
    %add3A_3861 = arith.constant 16 : i32
    %add3A_3862 = vector.broadcast %add3A_3861 : i32 to vector<16xi32>
    %add3A_3863 = arith.addi %xor3A_3857, %add3A_3862 : vector<16xi32>
    %select_n3A_3864 = arith.select %lt3A_3860, %add3A_3863, %xor3A_3857 : vector<16xi1>, vector<16xi32>
    %broadcast_in_dim3A_3865 = vector.shape_cast %select_n3A_3864 : vector<16xi32> to vector<16x1xi32>
    %gather3A_3866 = vector.shape_cast %broadcast_in_dim3A_3865 : vector<16x1xi32> to vector<16xi32>
    %gather3A_3867 = tpu.dynamic_gather %add3A_3854[%gather3A_3866] in [0] : vector<16xf32>, vector<16xi32> -> vector<16xf32>
    %add3A_3868 = arith.addf %add3A_3854, %gather3A_3867 : vector<16xf32>
    %xor3A_3869 = arith.constant 1 : i32
    %xor3A_3870 = vector.broadcast %xor3A_3869 : i32 to vector<16xi32>
    %xor3A_3871 = arith.xori %iota3A, %xor3A_3870 : vector<16xi32>
    %lt3A_3872 = arith.constant 0 : i32
    %lt3A_3873 = vector.broadcast %lt3A_3872 : i32 to vector<16xi32>
    %lt3A_3874 = arith.cmpi slt, %xor3A_3871, %lt3A_3873 : vector<16xi32>
    %add3A_3875 = arith.constant 16 : i32
    %add3A_3876 = vector.broadcast %add3A_3875 : i32 to vector<16xi32>
    %add3A_3877 = arith.addi %xor3A_3871, %add3A_3876 : vector<16xi32>
    %select_n3A_3878 = arith.select %lt3A_3874, %add3A_3877, %xor3A_3871 : vector<16xi1>, vector<16xi32>
    %broadcast_in_dim3A_3879 = vector.shape_cast %select_n3A_3878 : vector<16xi32> to vector<16x1xi32>
    %gather3A_3880 = vector.shape_cast %broadcast_in_dim3A_3879 : vector<16x1xi32> to vector<16xi32>
    %gather3A_3881 = tpu.dynamic_gather %add3A_3868[%gather3A_3880] in [0] : vector<16xf32>, vector<16xi32> -> vector<16xf32>
    %add3A_3882 = arith.addf %add3A_3868, %gather3A_3881 : vector<16xf32>
    %select_n3A_3883 = arith.select %eq3A_3826, %add3A_3882, %select_n3A_3763 : vector<16xi1>, vector<16xf32>
    %eq3A_3884 = arith.constant 5 : i32
    %eq3A_3885 = vector.broadcast %eq3A_3884 : i32 to vector<16xi32>
    %eq3A_3886 = arith.cmpi eq, %iota3A, %eq3A_3885 : vector<16xi32>
    %xor3A_3887 = arith.constant 8 : i32
    %xor3A_3888 = vector.broadcast %xor3A_3887 : i32 to vector<16xi32>
    %xor3A_3889 = arith.xori %iota3A, %xor3A_3888 : vector<16xi32>
    %lt3A_3890 = arith.constant 0 : i32
    %lt3A_3891 = vector.broadcast %lt3A_3890 : i32 to vector<16xi32>
    %lt3A_3892 = arith.cmpi slt, %xor3A_3889, %lt3A_3891 : vector<16xi32>
    %add3A_3893 = arith.constant 16 : i32
    %add3A_3894 = vector.broadcast %add3A_3893 : i32 to vector<16xi32>
    %add3A_3895 = arith.addi %xor3A_3889, %add3A_3894 : vector<16xi32>
    %select_n3A_3896 = arith.select %lt3A_3892, %add3A_3895, %xor3A_3889 : vector<16xi1>, vector<16xi32>
    %broadcast_in_dim3A_3897 = vector.shape_cast %select_n3A_3896 : vector<16xi32> to vector<16x1xi32>
    %gather3A_3898 = vector.shape_cast %broadcast_in_dim3A_3897 : vector<16x1xi32> to vector<16xi32>
    %gather3A_3899 = tpu.dynamic_gather %scan3A_3218#11[%gather3A_3898] in [0] : vector<16xf32>, vector<16xi32> -> vector<16xf32>
    %add3A_3900 = arith.addf %scan3A_3218#11, %gather3A_3899 : vector<16xf32>
    %xor3A_3901 = arith.constant 4 : i32
    %xor3A_3902 = vector.broadcast %xor3A_3901 : i32 to vector<16xi32>
    %xor3A_3903 = arith.xori %iota3A, %xor3A_3902 : vector<16xi32>
    %lt3A_3904 = arith.constant 0 : i32
    %lt3A_3905 = vector.broadcast %lt3A_3904 : i32 to vector<16xi32>
    %lt3A_3906 = arith.cmpi slt, %xor3A_3903, %lt3A_3905 : vector<16xi32>
    %add3A_3907 = arith.constant 16 : i32
    %add3A_3908 = vector.broadcast %add3A_3907 : i32 to vector<16xi32>
    %add3A_3909 = arith.addi %xor3A_3903, %add3A_3908 : vector<16xi32>
    %select_n3A_3910 = arith.select %lt3A_3906, %add3A_3909, %xor3A_3903 : vector<16xi1>, vector<16xi32>
    %broadcast_in_dim3A_3911 = vector.shape_cast %select_n3A_3910 : vector<16xi32> to vector<16x1xi32>
    %gather3A_3912 = vector.shape_cast %broadcast_in_dim3A_3911 : vector<16x1xi32> to vector<16xi32>
    %gather3A_3913 = tpu.dynamic_gather %add3A_3900[%gather3A_3912] in [0] : vector<16xf32>, vector<16xi32> -> vector<16xf32>
    %add3A_3914 = arith.addf %add3A_3900, %gather3A_3913 : vector<16xf32>
    %xor3A_3915 = arith.constant 2 : i32
    %xor3A_3916 = vector.broadcast %xor3A_3915 : i32 to vector<16xi32>
    %xor3A_3917 = arith.xori %iota3A, %xor3A_3916 : vector<16xi32>
    %lt3A_3918 = arith.constant 0 : i32
    %lt3A_3919 = vector.broadcast %lt3A_3918 : i32 to vector<16xi32>
    %lt3A_3920 = arith.cmpi slt, %xor3A_3917, %lt3A_3919 : vector<16xi32>
    %add3A_3921 = arith.constant 16 : i32
    %add3A_3922 = vector.broadcast %add3A_3921 : i32 to vector<16xi32>
    %add3A_3923 = arith.addi %xor3A_3917, %add3A_3922 : vector<16xi32>
    %select_n3A_3924 = arith.select %lt3A_3920, %add3A_3923, %xor3A_3917 : vector<16xi1>, vector<16xi32>
    %broadcast_in_dim3A_3925 = vector.shape_cast %select_n3A_3924 : vector<16xi32> to vector<16x1xi32>
    %gather3A_3926 = vector.shape_cast %broadcast_in_dim3A_3925 : vector<16x1xi32> to vector<16xi32>
    %gather3A_3927 = tpu.dynamic_gather %add3A_3914[%gather3A_3926] in [0] : vector<16xf32>, vector<16xi32> -> vector<16xf32>
    %add3A_3928 = arith.addf %add3A_3914, %gather3A_3927 : vector<16xf32>
    %xor3A_3929 = arith.constant 1 : i32
    %xor3A_3930 = vector.broadcast %xor3A_3929 : i32 to vector<16xi32>
    %xor3A_3931 = arith.xori %iota3A, %xor3A_3930 : vector<16xi32>
    %lt3A_3932 = arith.constant 0 : i32
    %lt3A_3933 = vector.broadcast %lt3A_3932 : i32 to vector<16xi32>
    %lt3A_3934 = arith.cmpi slt, %xor3A_3931, %lt3A_3933 : vector<16xi32>
    %add3A_3935 = arith.constant 16 : i32
    %add3A_3936 = vector.broadcast %add3A_3935 : i32 to vector<16xi32>
    %add3A_3937 = arith.addi %xor3A_3931, %add3A_3936 : vector<16xi32>
    %select_n3A_3938 = arith.select %lt3A_3934, %add3A_3937, %xor3A_3931 : vector<16xi1>, vector<16xi32>
    %broadcast_in_dim3A_3939 = vector.shape_cast %select_n3A_3938 : vector<16xi32> to vector<16x1xi32>
    %gather3A_3940 = vector.shape_cast %broadcast_in_dim3A_3939 : vector<16x1xi32> to vector<16xi32>
    %gather3A_3941 = tpu.dynamic_gather %add3A_3928[%gather3A_3940] in [0] : vector<16xf32>, vector<16xi32> -> vector<16xf32>
    %add3A_3942 = arith.addf %add3A_3928, %gather3A_3941 : vector<16xf32>
    %select_n3A_3943 = arith.select %eq3A_3886, %add3A_3942, %select_n3A_3823 : vector<16xi1>, vector<16xf32>
    %eq3A_3944 = arith.constant 6 : i32
    %eq3A_3945 = vector.broadcast %eq3A_3944 : i32 to vector<16xi32>
    %eq3A_3946 = arith.cmpi eq, %iota3A, %eq3A_3945 : vector<16xi32>
    %xor3A_3947 = arith.constant 8 : i32
    %xor3A_3948 = vector.broadcast %xor3A_3947 : i32 to vector<16xi32>
    %xor3A_3949 = arith.xori %iota3A, %xor3A_3948 : vector<16xi32>
    %lt3A_3950 = arith.constant 0 : i32
    %lt3A_3951 = vector.broadcast %lt3A_3950 : i32 to vector<16xi32>
    %lt3A_3952 = arith.cmpi slt, %xor3A_3949, %lt3A_3951 : vector<16xi32>
    %add3A_3953 = arith.constant 16 : i32
    %add3A_3954 = vector.broadcast %add3A_3953 : i32 to vector<16xi32>
    %add3A_3955 = arith.addi %xor3A_3949, %add3A_3954 : vector<16xi32>
    %select_n3A_3956 = arith.select %lt3A_3952, %add3A_3955, %xor3A_3949 : vector<16xi1>, vector<16xi32>
    %broadcast_in_dim3A_3957 = vector.shape_cast %select_n3A_3956 : vector<16xi32> to vector<16x1xi32>
    %gather3A_3958 = vector.shape_cast %broadcast_in_dim3A_3957 : vector<16x1xi32> to vector<16xi32>
    %gather3A_3959 = tpu.dynamic_gather %scan3A_3218#12[%gather3A_3958] in [0] : vector<16xf32>, vector<16xi32> -> vector<16xf32>
    %add3A_3960 = arith.addf %scan3A_3218#12, %gather3A_3959 : vector<16xf32>
    %xor3A_3961 = arith.constant 4 : i32
    %xor3A_3962 = vector.broadcast %xor3A_3961 : i32 to vector<16xi32>
    %xor3A_3963 = arith.xori %iota3A, %xor3A_3962 : vector<16xi32>
    %lt3A_3964 = arith.constant 0 : i32
    %lt3A_3965 = vector.broadcast %lt3A_3964 : i32 to vector<16xi32>
    %lt3A_3966 = arith.cmpi slt, %xor3A_3963, %lt3A_3965 : vector<16xi32>
    %add3A_3967 = arith.constant 16 : i32
    %add3A_3968 = vector.broadcast %add3A_3967 : i32 to vector<16xi32>
    %add3A_3969 = arith.addi %xor3A_3963, %add3A_3968 : vector<16xi32>
    %select_n3A_3970 = arith.select %lt3A_3966, %add3A_3969, %xor3A_3963 : vector<16xi1>, vector<16xi32>
    %broadcast_in_dim3A_3971 = vector.shape_cast %select_n3A_3970 : vector<16xi32> to vector<16x1xi32>
    %gather3A_3972 = vector.shape_cast %broadcast_in_dim3A_3971 : vector<16x1xi32> to vector<16xi32>
    %gather3A_3973 = tpu.dynamic_gather %add3A_3960[%gather3A_3972] in [0] : vector<16xf32>, vector<16xi32> -> vector<16xf32>
    %add3A_3974 = arith.addf %add3A_3960, %gather3A_3973 : vector<16xf32>
    %xor3A_3975 = arith.constant 2 : i32
    %xor3A_3976 = vector.broadcast %xor3A_3975 : i32 to vector<16xi32>
    %xor3A_3977 = arith.xori %iota3A, %xor3A_3976 : vector<16xi32>
    %lt3A_3978 = arith.constant 0 : i32
    %lt3A_3979 = vector.broadcast %lt3A_3978 : i32 to vector<16xi32>
    %lt3A_3980 = arith.cmpi slt, %xor3A_3977, %lt3A_3979 : vector<16xi32>
    %add3A_3981 = arith.constant 16 : i32
    %add3A_3982 = vector.broadcast %add3A_3981 : i32 to vector<16xi32>
    %add3A_3983 = arith.addi %xor3A_3977, %add3A_3982 : vector<16xi32>
    %select_n3A_3984 = arith.select %lt3A_3980, %add3A_3983, %xor3A_3977 : vector<16xi1>, vector<16xi32>
    %broadcast_in_dim3A_3985 = vector.shape_cast %select_n3A_3984 : vector<16xi32> to vector<16x1xi32>
    %gather3A_3986 = vector.shape_cast %broadcast_in_dim3A_3985 : vector<16x1xi32> to vector<16xi32>
    %gather3A_3987 = tpu.dynamic_gather %add3A_3974[%gather3A_3986] in [0] : vector<16xf32>, vector<16xi32> -> vector<16xf32>
    %add3A_3988 = arith.addf %add3A_3974, %gather3A_3987 : vector<16xf32>
    %xor3A_3989 = arith.constant 1 : i32
    %xor3A_3990 = vector.broadcast %xor3A_3989 : i32 to vector<16xi32>
    %xor3A_3991 = arith.xori %iota3A, %xor3A_3990 : vector<16xi32>
    %lt3A_3992 = arith.constant 0 : i32
    %lt3A_3993 = vector.broadcast %lt3A_3992 : i32 to vector<16xi32>
    %lt3A_3994 = arith.cmpi slt, %xor3A_3991, %lt3A_3993 : vector<16xi32>
    %add3A_3995 = arith.constant 16 : i32
    %add3A_3996 = vector.broadcast %add3A_3995 : i32 to vector<16xi32>
    %add3A_3997 = arith.addi %xor3A_3991, %add3A_3996 : vector<16xi32>
    %select_n3A_3998 = arith.select %lt3A_3994, %add3A_3997, %xor3A_3991 : vector<16xi1>, vector<16xi32>
    %broadcast_in_dim3A_3999 = vector.shape_cast %select_n3A_3998 : vector<16xi32> to vector<16x1xi32>
    %gather3A_4000 = vector.shape_cast %broadcast_in_dim3A_3999 : vector<16x1xi32> to vector<16xi32>
    %gather3A_4001 = tpu.dynamic_gather %add3A_3988[%gather3A_4000] in [0] : vector<16xf32>, vector<16xi32> -> vector<16xf32>
    %add3A_4002 = arith.addf %add3A_3988, %gather3A_4001 : vector<16xf32>
    %select_n3A_4003 = arith.select %eq3A_3946, %add3A_4002, %select_n3A_3883 : vector<16xi1>, vector<16xf32>
    %eq3A_4004 = arith.constant 6 : i32
    %eq3A_4005 = vector.broadcast %eq3A_4004 : i32 to vector<16xi32>
    %eq3A_4006 = arith.cmpi eq, %iota3A, %eq3A_4005 : vector<16xi32>
    %xor3A_4007 = arith.constant 8 : i32
    %xor3A_4008 = vector.broadcast %xor3A_4007 : i32 to vector<16xi32>
    %xor3A_4009 = arith.xori %iota3A, %xor3A_4008 : vector<16xi32>
    %lt3A_4010 = arith.constant 0 : i32
    %lt3A_4011 = vector.broadcast %lt3A_4010 : i32 to vector<16xi32>
    %lt3A_4012 = arith.cmpi slt, %xor3A_4009, %lt3A_4011 : vector<16xi32>
    %add3A_4013 = arith.constant 16 : i32
    %add3A_4014 = vector.broadcast %add3A_4013 : i32 to vector<16xi32>
    %add3A_4015 = arith.addi %xor3A_4009, %add3A_4014 : vector<16xi32>
    %select_n3A_4016 = arith.select %lt3A_4012, %add3A_4015, %xor3A_4009 : vector<16xi1>, vector<16xi32>
    %broadcast_in_dim3A_4017 = vector.shape_cast %select_n3A_4016 : vector<16xi32> to vector<16x1xi32>
    %gather3A_4018 = vector.shape_cast %broadcast_in_dim3A_4017 : vector<16x1xi32> to vector<16xi32>
    %gather3A_4019 = tpu.dynamic_gather %scan3A_3218#13[%gather3A_4018] in [0] : vector<16xf32>, vector<16xi32> -> vector<16xf32>
    %add3A_4020 = arith.addf %scan3A_3218#13, %gather3A_4019 : vector<16xf32>
    %xor3A_4021 = arith.constant 4 : i32
    %xor3A_4022 = vector.broadcast %xor3A_4021 : i32 to vector<16xi32>
    %xor3A_4023 = arith.xori %iota3A, %xor3A_4022 : vector<16xi32>
    %lt3A_4024 = arith.constant 0 : i32
    %lt3A_4025 = vector.broadcast %lt3A_4024 : i32 to vector<16xi32>
    %lt3A_4026 = arith.cmpi slt, %xor3A_4023, %lt3A_4025 : vector<16xi32>
    %add3A_4027 = arith.constant 16 : i32
    %add3A_4028 = vector.broadcast %add3A_4027 : i32 to vector<16xi32>
    %add3A_4029 = arith.addi %xor3A_4023, %add3A_4028 : vector<16xi32>
    %select_n3A_4030 = arith.select %lt3A_4026, %add3A_4029, %xor3A_4023 : vector<16xi1>, vector<16xi32>
    %broadcast_in_dim3A_4031 = vector.shape_cast %select_n3A_4030 : vector<16xi32> to vector<16x1xi32>
    %gather3A_4032 = vector.shape_cast %broadcast_in_dim3A_4031 : vector<16x1xi32> to vector<16xi32>
    %gather3A_4033 = tpu.dynamic_gather %add3A_4020[%gather3A_4032] in [0] : vector<16xf32>, vector<16xi32> -> vector<16xf32>
    %add3A_4034 = arith.addf %add3A_4020, %gather3A_4033 : vector<16xf32>
    %xor3A_4035 = arith.constant 2 : i32
    %xor3A_4036 = vector.broadcast %xor3A_4035 : i32 to vector<16xi32>
    %xor3A_4037 = arith.xori %iota3A, %xor3A_4036 : vector<16xi32>
    %lt3A_4038 = arith.constant 0 : i32
    %lt3A_4039 = vector.broadcast %lt3A_4038 : i32 to vector<16xi32>
    %lt3A_4040 = arith.cmpi slt, %xor3A_4037, %lt3A_4039 : vector<16xi32>
    %add3A_4041 = arith.constant 16 : i32
    %add3A_4042 = vector.broadcast %add3A_4041 : i32 to vector<16xi32>
    %add3A_4043 = arith.addi %xor3A_4037, %add3A_4042 : vector<16xi32>
    %select_n3A_4044 = arith.select %lt3A_4040, %add3A_4043, %xor3A_4037 : vector<16xi1>, vector<16xi32>
    %broadcast_in_dim3A_4045 = vector.shape_cast %select_n3A_4044 : vector<16xi32> to vector<16x1xi32>
    %gather3A_4046 = vector.shape_cast %broadcast_in_dim3A_4045 : vector<16x1xi32> to vector<16xi32>
    %gather3A_4047 = tpu.dynamic_gather %add3A_4034[%gather3A_4046] in [0] : vector<16xf32>, vector<16xi32> -> vector<16xf32>
    %add3A_4048 = arith.addf %add3A_4034, %gather3A_4047 : vector<16xf32>
    %xor3A_4049 = arith.constant 1 : i32
    %xor3A_4050 = vector.broadcast %xor3A_4049 : i32 to vector<16xi32>
    %xor3A_4051 = arith.xori %iota3A, %xor3A_4050 : vector<16xi32>
    %lt3A_4052 = arith.constant 0 : i32
    %lt3A_4053 = vector.broadcast %lt3A_4052 : i32 to vector<16xi32>
    %lt3A_4054 = arith.cmpi slt, %xor3A_4051, %lt3A_4053 : vector<16xi32>
    %add3A_4055 = arith.constant 16 : i32
    %add3A_4056 = vector.broadcast %add3A_4055 : i32 to vector<16xi32>
    %add3A_4057 = arith.addi %xor3A_4051, %add3A_4056 : vector<16xi32>
    %select_n3A_4058 = arith.select %lt3A_4054, %add3A_4057, %xor3A_4051 : vector<16xi1>, vector<16xi32>
    %broadcast_in_dim3A_4059 = vector.shape_cast %select_n3A_4058 : vector<16xi32> to vector<16x1xi32>
    %gather3A_4060 = vector.shape_cast %broadcast_in_dim3A_4059 : vector<16x1xi32> to vector<16xi32>
    %gather3A_4061 = tpu.dynamic_gather %add3A_4048[%gather3A_4060] in [0] : vector<16xf32>, vector<16xi32> -> vector<16xf32>
    %add3A_4062 = arith.addf %add3A_4048, %gather3A_4061 : vector<16xf32>
    %select_n3A_4063 = arith.select %eq3A_4006, %add3A_4062, %select_n3A_3943 : vector<16xi1>, vector<16xf32>
    %eq3A_4064 = arith.constant 7 : i32
    %eq3A_4065 = vector.broadcast %eq3A_4064 : i32 to vector<16xi32>
    %eq3A_4066 = arith.cmpi eq, %iota3A, %eq3A_4065 : vector<16xi32>
    %xor3A_4067 = arith.constant 8 : i32
    %xor3A_4068 = vector.broadcast %xor3A_4067 : i32 to vector<16xi32>
    %xor3A_4069 = arith.xori %iota3A, %xor3A_4068 : vector<16xi32>
    %lt3A_4070 = arith.constant 0 : i32
    %lt3A_4071 = vector.broadcast %lt3A_4070 : i32 to vector<16xi32>
    %lt3A_4072 = arith.cmpi slt, %xor3A_4069, %lt3A_4071 : vector<16xi32>
    %add3A_4073 = arith.constant 16 : i32
    %add3A_4074 = vector.broadcast %add3A_4073 : i32 to vector<16xi32>
    %add3A_4075 = arith.addi %xor3A_4069, %add3A_4074 : vector<16xi32>
    %select_n3A_4076 = arith.select %lt3A_4072, %add3A_4075, %xor3A_4069 : vector<16xi1>, vector<16xi32>
    %broadcast_in_dim3A_4077 = vector.shape_cast %select_n3A_4076 : vector<16xi32> to vector<16x1xi32>
    %gather3A_4078 = vector.shape_cast %broadcast_in_dim3A_4077 : vector<16x1xi32> to vector<16xi32>
    %gather3A_4079 = tpu.dynamic_gather %scan3A_3218#14[%gather3A_4078] in [0] : vector<16xf32>, vector<16xi32> -> vector<16xf32>
    %add3A_4080 = arith.addf %scan3A_3218#14, %gather3A_4079 : vector<16xf32>
    %xor3A_4081 = arith.constant 4 : i32
    %xor3A_4082 = vector.broadcast %xor3A_4081 : i32 to vector<16xi32>
    %xor3A_4083 = arith.xori %iota3A, %xor3A_4082 : vector<16xi32>
    %lt3A_4084 = arith.constant 0 : i32
    %lt3A_4085 = vector.broadcast %lt3A_4084 : i32 to vector<16xi32>
    %lt3A_4086 = arith.cmpi slt, %xor3A_4083, %lt3A_4085 : vector<16xi32>
    %add3A_4087 = arith.constant 16 : i32
    %add3A_4088 = vector.broadcast %add3A_4087 : i32 to vector<16xi32>
    %add3A_4089 = arith.addi %xor3A_4083, %add3A_4088 : vector<16xi32>
    %select_n3A_4090 = arith.select %lt3A_4086, %add3A_4089, %xor3A_4083 : vector<16xi1>, vector<16xi32>
    %broadcast_in_dim3A_4091 = vector.shape_cast %select_n3A_4090 : vector<16xi32> to vector<16x1xi32>
    %gather3A_4092 = vector.shape_cast %broadcast_in_dim3A_4091 : vector<16x1xi32> to vector<16xi32>
    %gather3A_4093 = tpu.dynamic_gather %add3A_4080[%gather3A_4092] in [0] : vector<16xf32>, vector<16xi32> -> vector<16xf32>
    %add3A_4094 = arith.addf %add3A_4080, %gather3A_4093 : vector<16xf32>
    %xor3A_4095 = arith.constant 2 : i32
    %xor3A_4096 = vector.broadcast %xor3A_4095 : i32 to vector<16xi32>
    %xor3A_4097 = arith.xori %iota3A, %xor3A_4096 : vector<16xi32>
    %lt3A_4098 = arith.constant 0 : i32
    %lt3A_4099 = vector.broadcast %lt3A_4098 : i32 to vector<16xi32>
    %lt3A_4100 = arith.cmpi slt, %xor3A_4097, %lt3A_4099 : vector<16xi32>
    %add3A_4101 = arith.constant 16 : i32
    %add3A_4102 = vector.broadcast %add3A_4101 : i32 to vector<16xi32>
    %add3A_4103 = arith.addi %xor3A_4097, %add3A_4102 : vector<16xi32>
    %select_n3A_4104 = arith.select %lt3A_4100, %add3A_4103, %xor3A_4097 : vector<16xi1>, vector<16xi32>
    %broadcast_in_dim3A_4105 = vector.shape_cast %select_n3A_4104 : vector<16xi32> to vector<16x1xi32>
    %gather3A_4106 = vector.shape_cast %broadcast_in_dim3A_4105 : vector<16x1xi32> to vector<16xi32>
    %gather3A_4107 = tpu.dynamic_gather %add3A_4094[%gather3A_4106] in [0] : vector<16xf32>, vector<16xi32> -> vector<16xf32>
    %add3A_4108 = arith.addf %add3A_4094, %gather3A_4107 : vector<16xf32>
    %xor3A_4109 = arith.constant 1 : i32
    %xor3A_4110 = vector.broadcast %xor3A_4109 : i32 to vector<16xi32>
    %xor3A_4111 = arith.xori %iota3A, %xor3A_4110 : vector<16xi32>
    %lt3A_4112 = arith.constant 0 : i32
    %lt3A_4113 = vector.broadcast %lt3A_4112 : i32 to vector<16xi32>
    %lt3A_4114 = arith.cmpi slt, %xor3A_4111, %lt3A_4113 : vector<16xi32>
    %add3A_4115 = arith.constant 16 : i32
    %add3A_4116 = vector.broadcast %add3A_4115 : i32 to vector<16xi32>
    %add3A_4117 = arith.addi %xor3A_4111, %add3A_4116 : vector<16xi32>
    %select_n3A_4118 = arith.select %lt3A_4114, %add3A_4117, %xor3A_4111 : vector<16xi1>, vector<16xi32>
    %broadcast_in_dim3A_4119 = vector.shape_cast %select_n3A_4118 : vector<16xi32> to vector<16x1xi32>
    %gather3A_4120 = vector.shape_cast %broadcast_in_dim3A_4119 : vector<16x1xi32> to vector<16xi32>
    %gather3A_4121 = tpu.dynamic_gather %add3A_4108[%gather3A_4120] in [0] : vector<16xf32>, vector<16xi32> -> vector<16xf32>
    %add3A_4122 = arith.addf %add3A_4108, %gather3A_4121 : vector<16xf32>
    %select_n3A_4123 = arith.select %eq3A_4066, %add3A_4122, %select_n3A_4003 : vector<16xi1>, vector<16xf32>
    %eq3A_4124 = arith.constant 7 : i32
    %eq3A_4125 = vector.broadcast %eq3A_4124 : i32 to vector<16xi32>
    %eq3A_4126 = arith.cmpi eq, %iota3A, %eq3A_4125 : vector<16xi32>
    %xor3A_4127 = arith.constant 8 : i32
    %xor3A_4128 = vector.broadcast %xor3A_4127 : i32 to vector<16xi32>
    %xor3A_4129 = arith.xori %iota3A, %xor3A_4128 : vector<16xi32>
    %lt3A_4130 = arith.constant 0 : i32
    %lt3A_4131 = vector.broadcast %lt3A_4130 : i32 to vector<16xi32>
    %lt3A_4132 = arith.cmpi slt, %xor3A_4129, %lt3A_4131 : vector<16xi32>
    %add3A_4133 = arith.constant 16 : i32
    %add3A_4134 = vector.broadcast %add3A_4133 : i32 to vector<16xi32>
    %add3A_4135 = arith.addi %xor3A_4129, %add3A_4134 : vector<16xi32>
    %select_n3A_4136 = arith.select %lt3A_4132, %add3A_4135, %xor3A_4129 : vector<16xi1>, vector<16xi32>
    %broadcast_in_dim3A_4137 = vector.shape_cast %select_n3A_4136 : vector<16xi32> to vector<16x1xi32>
    %gather3A_4138 = vector.shape_cast %broadcast_in_dim3A_4137 : vector<16x1xi32> to vector<16xi32>
    %gather3A_4139 = tpu.dynamic_gather %scan3A_3218#15[%gather3A_4138] in [0] : vector<16xf32>, vector<16xi32> -> vector<16xf32>
    %add3A_4140 = arith.addf %scan3A_3218#15, %gather3A_4139 : vector<16xf32>
    %xor3A_4141 = arith.constant 4 : i32
    %xor3A_4142 = vector.broadcast %xor3A_4141 : i32 to vector<16xi32>
    %xor3A_4143 = arith.xori %iota3A, %xor3A_4142 : vector<16xi32>
    %lt3A_4144 = arith.constant 0 : i32
    %lt3A_4145 = vector.broadcast %lt3A_4144 : i32 to vector<16xi32>
    %lt3A_4146 = arith.cmpi slt, %xor3A_4143, %lt3A_4145 : vector<16xi32>
    %add3A_4147 = arith.constant 16 : i32
    %add3A_4148 = vector.broadcast %add3A_4147 : i32 to vector<16xi32>
    %add3A_4149 = arith.addi %xor3A_4143, %add3A_4148 : vector<16xi32>
    %select_n3A_4150 = arith.select %lt3A_4146, %add3A_4149, %xor3A_4143 : vector<16xi1>, vector<16xi32>
    %broadcast_in_dim3A_4151 = vector.shape_cast %select_n3A_4150 : vector<16xi32> to vector<16x1xi32>
    %gather3A_4152 = vector.shape_cast %broadcast_in_dim3A_4151 : vector<16x1xi32> to vector<16xi32>
    %gather3A_4153 = tpu.dynamic_gather %add3A_4140[%gather3A_4152] in [0] : vector<16xf32>, vector<16xi32> -> vector<16xf32>
    %add3A_4154 = arith.addf %add3A_4140, %gather3A_4153 : vector<16xf32>
    %xor3A_4155 = arith.constant 2 : i32
    %xor3A_4156 = vector.broadcast %xor3A_4155 : i32 to vector<16xi32>
    %xor3A_4157 = arith.xori %iota3A, %xor3A_4156 : vector<16xi32>
    %lt3A_4158 = arith.constant 0 : i32
    %lt3A_4159 = vector.broadcast %lt3A_4158 : i32 to vector<16xi32>
    %lt3A_4160 = arith.cmpi slt, %xor3A_4157, %lt3A_4159 : vector<16xi32>
    %add3A_4161 = arith.constant 16 : i32
    %add3A_4162 = vector.broadcast %add3A_4161 : i32 to vector<16xi32>
    %add3A_4163 = arith.addi %xor3A_4157, %add3A_4162 : vector<16xi32>
    %select_n3A_4164 = arith.select %lt3A_4160, %add3A_4163, %xor3A_4157 : vector<16xi1>, vector<16xi32>
    %broadcast_in_dim3A_4165 = vector.shape_cast %select_n3A_4164 : vector<16xi32> to vector<16x1xi32>
    %gather3A_4166 = vector.shape_cast %broadcast_in_dim3A_4165 : vector<16x1xi32> to vector<16xi32>
    %gather3A_4167 = tpu.dynamic_gather %add3A_4154[%gather3A_4166] in [0] : vector<16xf32>, vector<16xi32> -> vector<16xf32>
    %add3A_4168 = arith.addf %add3A_4154, %gather3A_4167 : vector<16xf32>
    %xor3A_4169 = arith.constant 1 : i32
    %xor3A_4170 = vector.broadcast %xor3A_4169 : i32 to vector<16xi32>
    %xor3A_4171 = arith.xori %iota3A, %xor3A_4170 : vector<16xi32>
    %lt3A_4172 = arith.constant 0 : i32
    %lt3A_4173 = vector.broadcast %lt3A_4172 : i32 to vector<16xi32>
    %lt3A_4174 = arith.cmpi slt, %xor3A_4171, %lt3A_4173 : vector<16xi32>
    %add3A_4175 = arith.constant 16 : i32
    %add3A_4176 = vector.broadcast %add3A_4175 : i32 to vector<16xi32>
    %add3A_4177 = arith.addi %xor3A_4171, %add3A_4176 : vector<16xi32>
    %select_n3A_4178 = arith.select %lt3A_4174, %add3A_4177, %xor3A_4171 : vector<16xi1>, vector<16xi32>
    %broadcast_in_dim3A_4179 = vector.shape_cast %select_n3A_4178 : vector<16xi32> to vector<16x1xi32>
    %gather3A_4180 = vector.shape_cast %broadcast_in_dim3A_4179 : vector<16x1xi32> to vector<16xi32>
    %gather3A_4181 = tpu.dynamic_gather %add3A_4168[%gather3A_4180] in [0] : vector<16xf32>, vector<16xi32> -> vector<16xf32>
    %add3A_4182 = arith.addf %add3A_4168, %gather3A_4181 : vector<16xf32>
    %select_n3A_4183 = arith.select %eq3A_4126, %add3A_4182, %select_n3A_4063 : vector<16xi1>, vector<16xf32>
    %lt3A_4184 = arith.constant 0 : i32
    %lt3A_4185 = vector.broadcast %lt3A_4184 : i32 to vector<16xi32>
    %lt3A_4186 = arith.cmpi slt, %select_n3A_3089, %lt3A_4185 : vector<16xi32>
    %add3A_4187 = arith.constant 16 : i32
    %add3A_4188 = vector.broadcast %add3A_4187 : i32 to vector<16xi32>
    %add3A_4189 = arith.addi %select_n3A_3089, %add3A_4188 : vector<16xi32>
    %select_n3A_4190 = arith.select %lt3A_4186, %add3A_4189, %select_n3A_3089 : vector<16xi1>, vector<16xi32>
    %broadcast_in_dim3A_4191 = vector.shape_cast %select_n3A_4190 : vector<16xi32> to vector<16x1xi32>
    %gather3A_4192 = vector.shape_cast %broadcast_in_dim3A_4191 : vector<16x1xi32> to vector<16xi32>
    %gather3A_4193 = tpu.dynamic_gather %get3A_53[%gather3A_4192] in [0] : vector<16xf32>, vector<16xi32> -> vector<16xf32>
    %add3A_4194 = arith.addf %select_n3A_4123, %gather3A_4193 : vector<16xf32>
    %lt3A_4195 = arith.constant 0 : i32
    %lt3A_4196 = vector.broadcast %lt3A_4195 : i32 to vector<16xi32>
    %lt3A_4197 = arith.cmpi slt, %select_n3A_3089, %lt3A_4196 : vector<16xi32>
    %add3A_4198 = arith.constant 16 : i32
    %add3A_4199 = vector.broadcast %add3A_4198 : i32 to vector<16xi32>
    %add3A_4200 = arith.addi %select_n3A_3089, %add3A_4199 : vector<16xi32>
    %select_n3A_4201 = arith.select %lt3A_4197, %add3A_4200, %select_n3A_3089 : vector<16xi1>, vector<16xi32>
    %broadcast_in_dim3A_4202 = vector.shape_cast %select_n3A_4201 : vector<16xi32> to vector<16x1xi32>
    %gather3A_4203 = vector.shape_cast %broadcast_in_dim3A_4202 : vector<16x1xi32> to vector<16xi32>
    %gather3A_4204 = tpu.dynamic_gather %get3A_55[%gather3A_4203] in [0] : vector<16xf32>, vector<16xi32> -> vector<16xf32>
    %add3A_4205 = arith.addf %select_n3A_4183, %gather3A_4204 : vector<16xf32>
    %shift_right_logical3A = arith.constant 1 : i32
    %shift_right_logical3A_4206 = vector.broadcast %shift_right_logical3A : i32 to vector<16xi32>
    %shift_right_logical3A_4207 = arith.shrui %iota3A, %shift_right_logical3A_4206 : vector<16xi32>
    %and3A = arith.constant 1 : i32
    %and3A_4208 = vector.broadcast %and3A : i32 to vector<16xi32>
    %and3A_4209 = arith.andi %iota3A, %and3A_4208 : vector<16xi32>
    %eq3A_4210 = arith.constant 0 : i32
    %eq3A_4211 = vector.broadcast %eq3A_4210 : i32 to vector<16xi32>
    %eq3A_4212 = arith.cmpi eq, %and3A_4209, %eq3A_4211 : vector<16xi32>
    %lt3A_4213 = arith.constant 0 : i32
    %lt3A_4214 = vector.broadcast %lt3A_4213 : i32 to vector<16xi32>
    %lt3A_4215 = arith.cmpi slt, %shift_right_logical3A_4207, %lt3A_4214 : vector<16xi32>
    %add3A_4216 = arith.constant 16 : i32
    %add3A_4217 = vector.broadcast %add3A_4216 : i32 to vector<16xi32>
    %add3A_4218 = arith.addi %shift_right_logical3A_4207, %add3A_4217 : vector<16xi32>
    %select_n3A_4219 = arith.select %lt3A_4215, %add3A_4218, %shift_right_logical3A_4207 : vector<16xi1>, vector<16xi32>
    %broadcast_in_dim3A_4220 = vector.shape_cast %select_n3A_4219 : vector<16xi32> to vector<16x1xi32>
    %gather3A_4221 = vector.shape_cast %broadcast_in_dim3A_4220 : vector<16x1xi32> to vector<16xi32>
    %gather3A_4222 = tpu.dynamic_gather %add3A_4194[%gather3A_4221] in [0] : vector<16xf32>, vector<16xi32> -> vector<16xf32>
    %lt3A_4223 = arith.constant 0 : i32
    %lt3A_4224 = vector.broadcast %lt3A_4223 : i32 to vector<16xi32>
    %lt3A_4225 = arith.cmpi slt, %shift_right_logical3A_4207, %lt3A_4224 : vector<16xi32>
    %add3A_4226 = arith.constant 16 : i32
    %add3A_4227 = vector.broadcast %add3A_4226 : i32 to vector<16xi32>
    %add3A_4228 = arith.addi %shift_right_logical3A_4207, %add3A_4227 : vector<16xi32>
    %select_n3A_4229 = arith.select %lt3A_4225, %add3A_4228, %shift_right_logical3A_4207 : vector<16xi1>, vector<16xi32>
    %broadcast_in_dim3A_4230 = vector.shape_cast %select_n3A_4229 : vector<16xi32> to vector<16x1xi32>
    %gather3A_4231 = vector.shape_cast %broadcast_in_dim3A_4230 : vector<16x1xi32> to vector<16xi32>
    %gather3A_4232 = tpu.dynamic_gather %add3A_4205[%gather3A_4231] in [0] : vector<16xf32>, vector<16xi32> -> vector<16xf32>
    %select_n3A_4233 = arith.select %eq3A_4212, %gather3A_4222, %gather3A_4232 : vector<16xi1>, vector<16xf32>
    %swap3A = arith.constant 0 : index
    %swap3A_4234 = tpu.vector_load %arg9[%swap3A] {strides = array<i32>} : memref<16xf32, #tpu.memory_space<vmem>>, vector<16xf32>,
    tpu.vector_store %arg9[%swap3A], %select_n3A_4233 {strides = array<i32>} : memref<16xf32, #tpu.memory_space<vmem>>, vector<16xf32>,
    %mul3A_4235 = arith.constant 16 : i32
    %mul3A_4236 = arith.muli %add3A, %mul3A_4235 : i32
    "tpu.region"() ({
      %run_scoped3A = tpu.sem_alloc : memref<!tpu.dma_semaphore, #tpu.memory_space<semaphore_mem>>
      %dma_start3A_4237 = tpu.memref_slice %arg5[%mul3A_4236] : memref<512xf32, #tpu.memory_space<hbm>> -> memref<16xf32, #tpu.memory_space<hbm>>
      %dma_start3A_4238 = tpu.memref_slice %arg5[%mul3A_4236] : memref<512xf32, #tpu.memory_space<hbm>> -> memref<16xf32, #tpu.memory_space<hbm>>
      tpu.enqueue_dma source(%arg9 : memref<16xf32, #tpu.memory_space<vmem>>) target(%dma_start3A_4238 : memref<16xf32, #tpu.memory_space<hbm>>) target_semaphore(%run_scoped3A : memref<!tpu.dma_semaphore, #tpu.memory_space<semaphore_mem>>)
      %dma_wait3A_4239 = tpu.memref_slice %arg5[%mul3A_4236] : memref<512xf32, #tpu.memory_space<hbm>> -> memref<16xf32, #tpu.memory_space<hbm>>
      %dma_wait3A_4240 = tpu.memref_slice %arg5[%mul3A_4236] : memref<512xf32, #tpu.memory_space<hbm>> -> memref<16xf32, #tpu.memory_space<hbm>>
      tpu.wait_dma2 semaphore(%run_scoped3A : memref<!tpu.dma_semaphore, #tpu.memory_space<semaphore_mem>>) src(%arg9 : memref<16xf32, #tpu.memory_space<vmem>>) dst(%dma_wait3A_4240 : memref<16xf32, #tpu.memory_space<hbm>>)
      tpu.yield
    }) : () -> ()
    return
  }
}

</mosaic_0001>

<sc_bundles>
// kernel: kernel.3.cloned.1.call-start
scs
__scs_entry_jumppad:
0x0: {  	(pc) =	sbr.rel $0x88, $3  }
0x1: {  	(tag) =	ssettag $0x0;
	lr =	simm.s32 $0x1  }
0x2: {  	[smem:$0x3F9C] =	sst lr;
	_ =	strace $0xD0000000  }
0x3: {  	_ = 	snop  }
0x4: {  	_ = 	snop  }
0x5: {  	_ = 	snop  }
0x6: {  	_ = 	snop  }
0x7: {  	_ = 	snop  }
__scs_overlays_trampoline_lowered:
0x8: {  	[smem:$0x3FAB] =	sst s0  }
0x9: {  	[smem:$0x3FAC] =	sst s1  }
0xa: {  	[smem:$0x3FAD] =	sst s2  }
0xb: {  	[smem:$0x3FAE] =	sst s3  }
0xc: {  	[smem:$0x3FAF] =	sst s4  }
0xd: {  	[smem:$0x3FB0] =	sst s5  }
0xe: {  	[smem:$0x3FB1] =	sst s6  }
0xf: {  	[smem:$0x3FB2] =	sst s7  }
0x10: {  	[smem:$0x3FB3] =	sst s8  }
0x11: {  	[smem:$0x3FB4] =	sst s9;
	s0 =	simm.s32 @!p0 $0x0  }
0x12: {  	s1 =	sld [smem:$0x3F9A];
	s0 =	simm.s32 @p0 $0x1  }
0x13: {  	[smem:$0x3FB5] =	sst s0;
	s0 =	simm.s32 @!p1 $0x0  }
0x14: {  	s2 =	sld [smem:$0x3F99];
	s0 =	simm.s32 @p1 $0x1  }
0x15: {  	[smem:$0x3FB6] =	sst s0;
	s0 =	simm.s32 @!p2 $0x0  }
0x16: {  	s3 =	sld [smem:$0x3FDB];
	s0 =	simm.s32 @p2 $0x1  }
0x17: {  	s4 =	simm.s32 $0x1BF5;
	[smem:$0x3FB8] =	sst s0  }
0x18: {  	s0 =	sld [smem:$0x3F9B];
	_ =	swait.ge [sflag:s4], $0x0  }
0x19: {  	s7 =	sld [smem:$0x3F9C]  }
0x1a: {  	s8 =	sadd.s32 $0xFFFFE003, lr  }
0x1b: {  	s9 =	sadd.s32 $0xFFFFFEF7, lr;
	s5 =	simm.s32 $0xFFFFFFFF;
	p2 =	slt.u32 s8, $0xFFFFF086  }
0x1c: {  	p1 =	slt.u32 s9, $0xF7A;
	s5 =	simm.s32 @!p2 $0x0  }
0x1d: {  	s5 =	simm.s32 @p1 $0x1;
	p0 =	seq.s32 s7, s2  }
0x1e: {  	s7 =	smul.u32 @!p0 $0xF7A, s2;
	p2 =	seq.s32 @!p0 s5, $0x0  }
0x1f: {  	s9 =	smul.u32 $0xF7A, s1;
	s8 =	simm.s32 @!p0 $0x1BF5;
	p2 =	por !p2, p0  }
0x20: {  	[sflag:s8] =	ssyncset.s32 @!p0 $0xFFFFF086;
	s6 =	sadd.s32 @!p0 s3, s7;
	s7 =	simm.s32 @!p0 $0x108  }
0x21: {  	s3 =	sadd.s32 s3, s9;
	s6 =	sadd.s32 @!p0 $0x88, s6;
	s7 =	simm.s32 @p2 $0x1082  }
0x22: {  	[simem:s7], [sflag:s8] =	dma.local @!p0 [hbm:s6], $0xF7A  }
0x23: {  	s9 =	sor.u32 $0xD0000000, s2;
	s6 =	simm.s32 $0x108;
	_ =	swait.ge @!p0 [sflag:s8], $0x0  }
0x24: {  	s3 =	sadd.s32 $0x88, s3;
	s6 =	simm.s32 @!p1 $0x1082;
	[sflag:s4] =	ssyncset.s32 $0xFFFFF086  }
0x25: {  	[simem:s6], [sflag:s4] =	dma.local [hbm:s3], $0xF7A  }
0x26: {  	[smem:$0x3F9C] =	sst s1;
	(tag) =	ssettag s2;
	_ =	strace s9  }
0x27: {  	s1 =	sld [smem:$0x3FAC]  }
0x28: {  	s2 =	sld [smem:$0x3FAD]  }
0x29: {  	s4 =	sld [smem:$0x3FAF]  }
0x2a: {  	p0 =	seq.s32 s5, $0x0;
	s5 =	sld [smem:$0x3FB0]  }
0x2b: {  	s6 =	sld [smem:$0x3FB1]  }
0x2c: {  	s7 =	sld [smem:$0x3FB2]  }
0x2d: {  	s3 =	simm.s32 $0x108;
	s8 =	sld [smem:$0x3FB3]  }
0x2e: {  	s3 =	simm.s32 @!p0 $0x1082;
	s9 =	sld [smem:$0x3FB4]  }
0x2f: {  	lr =	sadd.s32 s0, s3;
	s0 =	sld [smem:$0x3FAB]  }
0x30: {  	s3 =	sld [smem:$0x3FAE]  }
0x31: {  	[smem:$0x3FB7] =	sst s10  }
0x32: {  	s10 =	sld [smem:$0x3FB5];
	_ =	sdelay $0x3  }
0x33: {  	p0 =	seq.s32 s10, $0x1;
	s10 =	sld [smem:$0x3FB7];
	_ =	sdelay $0x3  }
0x34: {  	[smem:$0x3FB7] =	sst s10  }
0x35: {  	s10 =	sld [smem:$0x3FB6];
	_ =	sdelay $0x3  }
0x36: {  	p1 =	seq.s32 s10, $0x1;
	s10 =	sld [smem:$0x3FB7];
	_ =	sdelay $0x3  }
0x37: {  	[smem:$0x3FB7] =	sst s10  }
0x38: {  	s10 =	sld [smem:$0x3FB8]  }
0x39: {  	_ = 	snop;
	(pc) =	sbr.ind lr, $3  }
0x3a: {  	_ = 	snop  }
0x3b: {  	_ = 	snop  }
0x3c: {  	p2 =	seq.s32 s10, $0x1;
	s10 =	sld [smem:$0x3FB7]  }
0x3d: {  	_ =	shalt  }
0x3e: {  	_ =	shalt  }
0x3f: {  	_ =	shalt  }
0x40: {  	_ =	shalt  }
0x41: {  	_ =	shalt  }
0x42: {  	_ =	shalt  }
0x43: {  	_ =	shalt  }
0x44: {  	_ =	shalt  }
0x45: {  	_ =	shalt  }
0x46: {  	_ =	shalt  }
0x47: {  	_ =	shalt  }
0x48: {  	_ =	shalt  }
0x49: {  	_ =	shalt  }
0x4a: {  	_ =	shalt  }
0x4b: {  	_ =	shalt  }
0x4c: {  	_ =	shalt  }
0x4d: {  	_ =	shalt  }
0x4e: {  	_ =	shalt  }
0x4f: {  	_ =	shalt  }
0x50: {  	_ =	shalt  }
0x51: {  	_ =	shalt  }
0x52: {  	_ =	shalt  }
0x53: {  	_ =	shalt  }
0x54: {  	_ =	shalt  }
0x55: {  	_ =	shalt  }
0x56: {  	_ =	shalt  }
0x57: {  	_ =	shalt  }
0x58: {  	_ =	shalt  }
0x59: {  	_ =	shalt  }
0x5a: {  	_ =	shalt  }
0x5b: {  	_ =	shalt  }
0x5c: {  	_ =	shalt  }
0x5d: {  	_ =	shalt  }
0x5e: {  	_ =	shalt  }
0x5f: {  	_ =	shalt  }
0x60: {  	_ =	shalt  }
0x61: {  	_ =	shalt  }
0x62: {  	_ =	shalt  }
0x63: {  	_ =	shalt  }
0x64: {  	_ =	shalt  }
0x65: {  	_ =	shalt  }
0x66: {  	_ =	shalt  }
0x67: {  	_ =	shalt  }
0x68: {  	_ =	shalt  }
0x69: {  	_ =	shalt  }
0x6a: {  	_ =	shalt  }
0x6b: {  	_ =	shalt  }
0x6c: {  	_ =	shalt  }
0x6d: {  	_ =	shalt  }
0x6e: {  	_ =	shalt  }
0x6f: {  	_ =	shalt  }
0x70: {  	_ =	shalt  }
0x71: {  	_ =	shalt  }
0x72: {  	_ =	shalt  }
0x73: {  	_ =	shalt  }
0x74: {  	_ =	shalt  }
0x75: {  	_ =	shalt  }
0x76: {  	_ =	shalt  }
0x77: {  	_ =	shalt  }
0x78: {  	_ =	shalt  }
0x79: {  	_ =	shalt  }
0x7a: {  	_ =	shalt  }
0x7b: {  	_ =	shalt  }
0x7c: {  	_ =	shalt  }
0x7d: {  	_ =	shalt  }
0x7e: {  	_ =	shalt  }
0x7f: {  	_ =	shalt  }
0x80: {  	_ =	shalt  }
0x81: {  	_ =	shalt  }
0x82: {  	_ =	shalt  }
0x83: {  	_ =	shalt  }
0x84: {  	_ =	shalt  }
0x85: {  	_ =	shalt  }
0x86: {  	_ =	shalt  }
0x87: {  	_ =	shalt  }
.Lfunc_end0:
.L_simem_size_0:
called_computation_lowered:
.L_overlay_start_0:
0x88: {  	s2 =	sld [smem:$0x3FD9]  }
0x89: {  	s3 =	sld [smem:$0x3FFE];
	_ =	sdelay $0x1  }
0x8a: {  	s1 =	srdreg.scid  }
0x8b: {  	s0 =	sand.u32 $0x1, s1  }
0x8c: {  	s17 =	sshll.u32 s0, $0xA;
	s2 =	sadd.s32 s3, s2  }
0x8d: {  	s2 =	sadd.s32 s2, s17  }
0x8e: {  	[smem:$0x3FC3] =	sst s2  }
0x8f: {  	_ = 	snop  }
0x90: {  	s2 =	sld [smem:$0x3FC9]  }
0x91: {  	s18 =	sld [smem:$0x3FD0];
	(tm) =	ssettm $0x1  }
0x92: {  	s4 =	sld [smem:$0x3FFB];
	_ =	sdelay $0x3  }
0x93: {  	_ =	strace s4  }
0x94: {  	s4 =	sld [smem:$0x3FFC];
	_ =	sdelay $0x3  }
0x95: {  	_ =	strace s4  }
0x96: {  	s4 =	sld [smem:$0x3FFD];
	_ =	sdelay $0x3  }
0x97: {  	_ =	strace s4  }
0x98: {  	_ =	strace $0x8FFFFFFF  }
0x99: {  	s19 =	sld [smem:$0x3FDB];
	_ =	sdelay $0x1  }
0x9a: {  	s5 =	simm.s32 $_scs_section_size  }
0x9b: {  	s6 =	simm.s32 $_size__tile_overlayer_lowered;
	s7 =	simm.s32 $_tile_overlayer_lowered  }
0x9c: {  	s22 =	simm.s32 $0x1BFF;
	s21 =	sshll.u32 s7, $0x1;
	s4 =	sadd.s32 s5, s19  }
0x9d: {  	s8 =	simm.s32 $0x0;
	s20 =	sshll.u32 s6, $0x1;
	s6 =	sadd.s32 s21, s4  }
0x9e: {  	[timem:s8], [sflag:s22] =	dma.local [hbm:s6], s20  }
0x9f: {  	_ =	swait.ge [sflag:s22], s20  }
0xa0: {  	s5 =	ssub.s32 $0x0, s20;
	[sflag:s22] =	ssyncset.done $0x0  }
0xa1: {  	[sflag:s22] =	ssyncadd.s32 s5;
	_ =	sdelay $0x1  }
0xa2: {  	s23 =	simm.s32 $0x1B8B  }
0xa3: {  	_ =	swait.ge [sflag:s23], $0x1  }
0xa4: {  	[sflag:s23] =	ssyncset.done $0x0  }
0xa5: {  	s25 =	simm.s32 $0x1B8E;
	s24 =	sld [smem:$0x3FFE];
	[sflag:s23] =	ssyncadd.s32 $0xFFFFFFFF  }
0xa6: {  	s26 =	simm.s32 $execute0_lowered;
	[smem:$0x3FD2] =	sst s25  }
0xa7: {  	s6 =	sshll.u32 s26, $0x1;
	_ =	strace $0x80000046;
	[dreg:$0x1] =	wrdreg $0xFFFFFFFF  }
0xa8: {  	s28 =	simm.s32 $_size_execute0_lowered;
	s4 =	sadd.s32 s4, s6;
	[dreg:$0x0] =	wrdreg $0x0  }
0xa9: {  	s6 =	sshll.u32 s28, $0x1;
	[dreg:$0x2] =	wrdreg s4  }
0xaa: {  	[dreg:$0x3] =	wrdreg s6  }
0xab: {  	[dreg:$0x4] =	wrdreg $0xC0  }
0xac: {  	_ =	task [dreg:s8], $0x5FFFF  }
0xad: {  	[dreg:$0x1] =	wrdreg $0xFFFFFFFF  }
0xae: {  	[dreg:$0x0] =	wrdreg $0x60  }
0xaf: {  	[dreg:$0x2] =	wrdreg s2  }
0xb0: {  	[dreg:$0x3] =	wrdreg s24  }
0xb1: {  	[dreg:$0x4] =	wrdreg s18  }
0xb2: {  	[dreg:$0x5] =	wrdreg $0x9  }
0xb3: {  	_ =	task.clear_ibuf [dreg:s8], $0x6FFFF;
	_ =	strace $0x90000046  }
0xb4: {  	s29 =	simm.s32 $0x9;
	_ =	strace $0x80000048  }
0xb5: {  	_ =	swait.ge [sflag:s29], $0x1  }
0xb6: {  	[sflag:s29] =	ssyncadd.s32 $0xFFFFFFFF  }
0xb7: {  	_ =	strace $0x90000048  }
0xb8: {  	_ =	sfence  }
0xb9: {  	s30 =	sld [smem:$0x0];
	_ =	sdelay $0x2  }
0xba: {  	s31 =	sshll.u32 s1, $0xD;
	s1 =	sshrl.u32 s1, $0x2  }
0xbb: {  	s3 =	sand.u32 $0x4000, s31;
	s1 =	sadd.s32 s1, s30  }
0xbc: {  	s0 =	sor.u32 s3, s0;
	s1 =	sshll.u32 s1, $0x11  }
0xbd: {  	s0 =	sor.u32 s1, s0  }
0xbe: {  	s0 =	sadd.s32 $0x8F2B, s0  }
0xbf: {  	[sflag:s0] =	ssyncadd.remote.s32 $0x1  }
0xc0: {  	_ =	sfence.sel $0xFFFF  }
0xc1: {  	[dreg:$0x0] =	wrdreg $0xFFFFFFFF;
	(pc) =	sbr.abs _section_cstart, $3  }
0xc2: {  	[dreg:$0x1] =	wrdreg $0xFFFFFFFF  }
0xc3: {  	_ =	task.clear_ibuf [dreg:s8], $0x2FFFF;
	_ =	strace $0x9FFFFFFF  }
0xc4: {  	(tm) =	ssettm $0x7FFFFFFF  }
0xc5: {  	_ =	shalt  }
tec
execute0_lowered:
.L_overlay_start_1:
0x0: {  	(tag) =	ssettag $0x1  }
0x1: {  	v0 =	vimm.s32 $0xFEDCBA98;
	v1 =	vimm.s32 $0x76543210;
	v2 =	vimm.s32 $0xBA98FEDC  }
0x2: {  	s0 =	rddreg [dreg:$0x0];
	v3 =	vimm.s32 $0x32107654;
	v4 =	vimm.s32 $0xDCFE98BA;
	v5 =	vimm.s32 $0x54761032  }
0x3: {  	s2 =	rddreg [dreg:$0x1];
	v6 =	vimm.s32 $0xEFCDAB89;
	v7 =	vimm.s32 $0x67452301;
	vm0 =	vcmask $0x320  }
0x4: {  	s3 =	rddreg [dreg:$0x2];
	s1 =	simm.s32 $0x0;
	s4 =	srdreg.scid;
	vm1 =	vcmask $0x720;
	vm3 =	vcmask $0xB08;
	vm4 =	vcmask $0x300  }
0x5: {  	s7 =	stileid.u32;
	vm2 =	vcmask $0xB20;
	vm5 =	vcmask $0x1310;
	vm6 =	vcmask $0x1B18;
	[smem:$0x7FF] =	sst s1;
	s4 =	sand.u32 $0x1, s4  }
0x6: {  	vm7 =	vcmask $0x2320;
	vm8 =	vcmask $0x2B28;
	v63 =	vlaneseq.u32;
	s6 =	sadd.s32 $0x800, s2;
	s7 =	sshll.u32 s7, $0x1;
	s8 =	sadd.s32 $0x1400, s2  }
0x7: {  	v0 =	vunpack.c.l.s4.s8 v0;
	v1 =	vunpack.c.l.s4.s8 v1;
	v2 =	vunpack.c.l.s4.s8 v2;
	s2 =	sadd.s32 $0xC00, s2;
	_ =	strace $0x80000047;
	[dreg:$0x14] =	wrdreg s6  }
0x8: {  	v3 =	vunpack.c.l.s4.s8 v3;
	v4 =	vunpack.c.l.s4.s8 v4;
	v5 =	vunpack.c.l.s4.s8 v5;
	s5 =	ssub.s32 $0x2, s4;
	[dreg:$0x15] =	wrdreg s8;
	s4 =	sor.u32 s4, s7  }
0x9: {  	v6 =	vunpack.c.l.s4.s8 v6;
	v7 =	vunpack.c.l.s4.s8 v7;
	vm4 =	vmor vm4, vm3;
	s18 =	sshrl.u32 s5, $0x1;
	s19 =	sshll.u32 s4, $0x11;
	s4 =	sshll.u32 s4, $0x1  }
0xa: {  	vm3 =	vcmask $0xF20;
	[dreg:$0x16] =	wrdreg s2;
	vm5 =	vmor vm4, vm5;
	vm4 =	vcmask $0x1320;
	s5 =	ssub.s32 s5, s18;
	s20 =	sadd.s32 s3, s4  }
0xb: {  	v0 =	vunpack.c.0.s8.s32 v0;
	v2 =	vunpack.c.0.s8.s32 v2;
	v3 =	vunpack.c.0.s8.s32 v3;
	s6 =	sadd.s32 s0, s19;
	[dreg:$0x17] =	wrdreg s20;
	s21 =	smax.u32 s5, $0x1  }
0xc: {  	v4 =	vunpack.c.0.s8.s32 v4;
	v5 =	vunpack.c.0.s8.s32 v5;
	v1 =	vunpack.c.0.s8.s32 v1;
	s22 =	sadd.s32 $0x80, s6;
	[dreg:$0x18] =	wrdreg s21  }
0xd: {  	v6 =	vunpack.c.0.s8.s32 v6;
	v7 =	vunpack.c.0.s8.s32 v7;
	v0 =	vand.u32 $0xF, v0;
	s23 =	sadd.s32 $0x100, s6;
	[dreg:$0x19] =	wrdreg s22  }
0xe: {  	v2 =	vcombine.low v3, v2;
	s24 =	sadd.s32 $0x180, s6;
	v53 =	vcombine.low v0, v1;
	[dreg:$0x1a] =	wrdreg s23;
	v0 =	vshrl.u32 v63, $0x1  }
0xf: {  	s29 =	simm.s32 $0x2;
	vm6 =	vmor vm5, vm6;
	vm5 =	vcmask $0x1720;
	v61 =	vcombine.low v5, v4;
	s25 =	sadd.s32 $0x200, s6;
	[dreg:$0x1b] =	wrdreg s24;
	[tilespmem:$0x1FFB0] =	vst v0  }
0x10: {  	s30 =	simm.s32 $0x1;
	vm7 =	vmor vm6, vm7;
	v62 =	vcombine.low v7, v6;
	s26 =	sadd.s32 $0x280, s6;
	[dreg:$0x1c] =	wrdreg s25;
	v54 =	vand.u32 $0xF, v2;
	[tilespmem:$0x1FFC0] =	vst v53  }
0x11: {  	s2 =	simm.s32 $0x0;
	s28 =	sadd.s32 $0x300, s6;
	vm7 =	vmor vm7, vm8;
	vm8 =	vcmask $0x3330;
	[dreg:$0x1d] =	wrdreg s26;
	v55 =	vand.u32 $0xF, v61;
	[tilespmem:$0x1FFD0] =	vst v54  }
0x12: {  	s18 =	simm.s32 $0x80;
	s31 =	sadd.s32 $0x380, s6;
	[dreg:$0x1e] =	wrdreg s28;
	vm7 =	vmor vm7, vm8;
	vm8 =	vcmask $0x3B38;
	v56 =	vand.u32 $0xF, v62;
	[tilespmem:$0x1FFE0] =	vst v55  }
0x13: {  	s19 =	simm.s32 $0x20000;
	vm6 =	vcmask $0x1B20;
	s0 =	simm.s32 $0x3;
	[dreg:$0x1f] =	wrdreg s31;
	vm7 =	vmor vm7, vm8;
	vm8 =	vmmov $0x1;
	[tilespmem:$0x1FFF0] =	vst v56  }
.LBB2_1:
0x14: {  	s3 =	rddreg [dreg:$0x16];
	s4 =	simm.s32 $0x2000  }
0x15: {  	[tilespmem:s4], [sflag:$0x1] =	stream.linear.gather [hbm4b:s3+s1], $0x4000, $0x38;
	[tilespmem:$0x8100] =	vst v63  }
0x16: {  	s9 =	rddreg [dreg:$0x14]  }
0x17: {  	[tilespmem:s1], [sflag:$0x2] =	stream.linear.gather [hbm4b:s9+s1], $0x2000, $0x38;
	[tilespmem:$0x8100] =	vst v63  }
0x18: {  	s10 =	rddreg [dreg:$0x15];
	s11 =	simm.s32 $0x6000  }
0x19: {  	[tilespmem:s11], [sflag:$0x2] =	stream.linear.gather [hbm4b:s10+s1], $0x80, $0x38;
	[tilespmem:$0x8100] =	vst v63  }
0x1a: {  	s12 =	simm.s32 $0x6080  }
0x1b: {  	[tilespmem:s12], [sflag:$0x2] =	stream.strided.gather [hbm4b:s6+s18], $0x400, s19, s18, $0x38;
	[tilespmem:$0x8100] =	vst v63  }
0x1c: {  	s13 =	rddreg [dreg:$0x19];
	s14 =	simm.s32 $0x6480  }
0x1d: {  	[tilespmem:s14], [sflag:$0x2] =	stream.strided.gather [hbm4b:s13+s18], $0x400, s19, s18, $0x38;
	[tilespmem:$0x8100] =	vst v63  }
0x1e: {  	s15 =	rddreg [dreg:$0x1a];
	s16 =	simm.s32 $0x6880  }
0x1f: {  	[tilespmem:s16], [sflag:$0x2] =	stream.strided.gather [hbm4b:s15+s18], $0x400, s19, s18, $0x38;
	[tilespmem:$0x8100] =	vst v63  }
0x20: {  	s17 =	rddreg [dreg:$0x1b];
	s20 =	simm.s32 $0x6C80  }
0x21: {  	[tilespmem:s20], [sflag:$0x2] =	stream.strided.gather [hbm4b:s17+s18], $0x400, s19, s18, $0x38;
	[tilespmem:$0x8100] =	vst v63  }
0x22: {  	s21 =	rddreg [dreg:$0x1c];
	s22 =	simm.s32 $0x7080  }
0x23: {  	[tilespmem:s22], [sflag:$0x2] =	stream.strided.gather [hbm4b:s21+s18], $0x400, s19, s18, $0x38;
	[tilespmem:$0x8100] =	vst v63  }
0x24: {  	s23 =	rddreg [dreg:$0x1d];
	s24 =	simm.s32 $0x7480  }
0x25: {  	[tilespmem:s24], [sflag:$0x2] =	stream.strided.gather [hbm4b:s23+s18], $0x400, s19, s18, $0x38;
	[tilespmem:$0x8100] =	vst v63  }
0x26: {  	s25 =	rddreg [dreg:$0x1e];
	s26 =	simm.s32 $0x7880  }
0x27: {  	v0 =	vimm.f32 $0.0e+00;
	[tilespmem:s26], [sflag:$0x2] =	stream.strided.gather [hbm4b:s25+s18], $0x400, s19, s18, $0x38;
	[tilespmem:$0x8100] =	vst v63  }
0x28: {  	s28 =	rddreg [dreg:$0x1f];
	s31 =	simm.s32 $0x7C80;
	[tilespmem:$0x1FF40] =	vst v0  }
0x29: {  	[tilespmem:s31], [sflag:$0x2] =	stream.strided.gather [hbm4b:s28+s18], $0x400, s19, s18, $0x38;
	[tilespmem:$0x8100] =	vst v63  }
0x2a: {  	_ =	swait.ge [sflag:s29], $0x2000  }
0x2b: {  	v13 =	vimm.f32 $0.0e+00;
	v57 =	vimm.f32 $0.0e+00;
	[sflag:s29] =	ssyncset.done $0x0  }
0x2c: {  	v15 =	vimm.f32 $0.0e+00;
	v16 =	vimm.f32 $0.0e+00;
	v36 =	vimm.f32 $0.0e+00;
	[tilespmem:$0x1FF50] =	vst v57;
	[sflag:s29] =	ssyncadd.s32 $0xFFFFE000  }
0x2d: {  	v41 =	vimm.f32 $0.0e+00;
	v49 =	vimm.f32 $0.0e+00;
	v58 =	vimm.f32 $0.0e+00;
	_ =	swait.ge [sflag:s29], $0x80  }
0x2e: {  	v61 =	vimm.f32 $0.0e+00;
	v17 =	vimm.f32 $0.0e+00;
	v59 =	vimm.f32 $0.0e+00;
	[sflag:s29] =	ssyncset.done $0x0;
	[tilespmem:$0x1FF60] =	vst v58  }
0x2f: {  	v18 =	vimm.f32 $0.0e+00;
	v19 =	vimm.f32 $0.0e+00;
	v20 =	vimm.f32 $0.0e+00;
	[tilespmem:$0x1FF70] =	vst v59;
	[sflag:s29] =	ssyncadd.s32 $0xFFFFFF80  }
0x30: {  	v21 =	vimm.f32 $0.0e+00;
	v22 =	vimm.f32 $0.0e+00;
	v23 =	vimm.f32 $0.0e+00;
	_ =	swait.ge [sflag:s29], $0x2000  }
0x31: {  	v24 =	vimm.f32 $0.0e+00;
	v25 =	vimm.f32 $0.0e+00;
	v27 =	vimm.f32 $0.0e+00;
	[sflag:s29] =	ssyncset.done $0x0  }
0x32: {  	v28 =	vimm.f32 $0.0e+00;
	v29 =	vimm.f32 $0.0e+00;
	v30 =	vimm.f32 $0.0e+00;
	[sflag:s29] =	ssyncadd.s32 $0xFFFFE000  }
0x33: {  	v31 =	vimm.f32 $0.0e+00;
	v32 =	vimm.f32 $0.0e+00;
	v34 =	vimm.f32 $0.0e+00;
	v60 =	vld [tilespmem:$0x6000]  }
0x34: {  	v35 =	vimm.f32 $0.0e+00;
	v33 =	vimm.f32 $0.0e+00;
	v38 =	vimm.f32 $0.0e+00;
	v62 =	vld [tilespmem:$0x6010]  }
0x35: {  	v39 =	vimm.f32 $0.0e+00;
	v40 =	vimm.f32 $0.0e+00;
	v26 =	vimm.f32 $0.0e+00;
	v63 =	vld [tilespmem:$0x6020]  }
0x36: {  	v42 =	vimm.f32 $0.0e+00;
	v43 =	vimm.f32 $0.0e+00;
	v45 =	vimm.f32 $0.0e+00  }
0x37: {  	v44 =	vimm.f32 $0.0e+00;
	v46 =	vimm.f32 $0.0e+00;
	v37 =	vimm.f32 $0.0e+00  }
0x38: {  	v48 =	vimm.f32 $0.0e+00;
	v47 =	vimm.f32 $0.0e+00;
	v50 =	vimm.f32 $0.0e+00;
	[tilespmem:$0x1FF80] =	vst v60  }
0x39: {  	v51 =	vimm.f32 $0.0e+00;
	v52 =	vimm.f32 $0.0e+00;
	v56 =	vimm.f32 $0.0e+00;
	[tilespmem:$0x1FF90] =	vst v62  }
0x3a: {  	v4 =	vimm.f32 $0.0e+00;
	v5 =	vimm.f32 $0.0e+00;
	s16 =	simm.s32 $0x0;
	s17 =	simm.s32 $0x0;
	s20 =	simm.s32 $0x0;
	[tilespmem:$0x1FFA0] =	vst v63;
	v60 =	vimm.f32 $0.0e+00  }
.LBB2_2:
0x3b: {  	s3 =	sand.u32 $0x60, s20;
	s4 =	sand.u32 $0x1C00, s17  }
0x3c: {  	s21 =	sor.u32 s3, s4  }
0x3d: {  	v0 =	vld [tilespmem:s21+$0x6080]  }
0x3e: {  	v1 =	vld [tilespmem:s21+$0x6100]  }
0x3f: {  	v2 =	vld [tilespmem:s21+$0x6180]  }
0x40: {  	v53 =	vld [tilespmem:s21+$0x6280]  }
0x41: {  	v54 =	vld [tilespmem:s21+$0x6300]  }
0x42: {  	v7 =	vld [tilespmem:s21+$0x6200];
	_ =	sdelay $0x2  }
0x43: {  	v6 =	vshrl.u32 v0, $0x10;
	v8 =	vshrl.u32 v1, $0x10;
	v57 =	vshrl.u32 v2, $0x10  }
0x44: {  	v10 =	vshrl.u32 v53, $0x10;
	v11 =	vshrl.u32 v54, $0x10;
	v6 =	vand.u32 $0x1, v6  }
0x45: {  	v0 =	vadd.s32 v6, v0;
	v6 =	vand.u32 $0x1, v8;
	v8 =	vshrl.u32 v7, $0x10  }
0x46: {  	v0 =	vadd.s32 $0x7FFF, v0;
	v1 =	vadd.s32 v6, v1;
	v6 =	vand.u32 $0x1, v57  }
0x47: {  	[tilespmem:$0x1FEE0] =	vst v61;
	v9 =	vand.u32 $0x1, v8;
	v61 =	vand.u32 $0xFFFF0000, v0;
	v58 =	vadd.s32 $0x7FFF, v1  }
0x48: {  	v59 =	vadd.s32 v6, v2;
	v0 =	vadd.s32 v9, v7;
	v1 =	vand.u32 $0x1, v10  }
0x49: {  	v2 =	vand.u32 $0x1, v11;
	v63 =	vand.u32 $0xFFFF0000, v58;
	v62 =	vadd.s32 $0x7FFF, v59;
	[tilespmem:s21+$0x6080] =	vst v61  }
0x4a: {  	v0 =	vadd.s32 $0x7FFF, v0;
	v1 =	vadd.s32 v1, v53;
	v62 =	vand.u32 $0xFFFF0000, v62;
	[tilespmem:s21+$0x6100] =	vst v63  }
0x4b: {  	s24 =	sand.u32 $0x3, s16;
	v54 =	vadd.s32 v2, v54;
	v6 =	vand.u32 $0xFFFF0000, v0;
	v53 =	vadd.s32 $0x7FFF, v1;
	[tilespmem:s21+$0x6180] =	vst v62  }
0x4c: {  	s3 =	sshll.u32 s24, $0x5;
	v55 =	vadd.s32 $0x7FFF, v54;
	[tilespmem:s21+$0x6200] =	vst v6;
	v7 =	vand.u32 $0xFFFF0000, v53  }
0x4d: {  	s22 =	sadd.s32 s3, s17;
	v8 =	vand.u32 $0xFFFF0000, v55;
	[tilespmem:s21+$0x6280] =	vst v7  }
0x4e: {  	s3 =	sor.u32 $0x300, s22;
	[tilespmem:s21+$0x6300] =	vst v8  }
0x4f: {  	v57 =	vld [tilespmem:s3+$0x6080];
	_ =	sdelay $0x4  }
0x50: {  	v58 =	vshrl.u32 v57, $0x10  }
0x51: {  	v1 =	vand.u32 $0x1, v58  }
0x52: {  	v0 =	vadd.s32 v1, v57  }
0x53: {  	v0 =	vadd.s32 $0x7FFF, v0  }
0x54: {  	s25 =	sor.u32 s17, s20;
	v0 =	vand.u32 $0xFFFF0000, v0  }
0x55: {  	s26 =	sor.u32 $0x380, s25;
	[tilespmem:s3+$0x6080] =	vst v0  }
0x56: {  	v59 =	vld [tilespmem:s26+$0x6080];
	_ =	sdelay $0x4  }
0x57: {  	v9 =	vshrl.u32 v59, $0x10  }
0x58: {  	v2 =	vand.u32 $0x1, v9  }
0x59: {  	v1 =	vadd.s32 v2, v59  }
0x5a: {  	v1 =	vadd.s32 $0x7FFF, v1  }
0x5b: {  	v1 =	vand.u32 $0xFFFF0000, v1  }
0x5c: {  	[tilespmem:s26+$0x6080] =	vst v1  }
0x5d: {  	v2 =	vld [tilespmem:s21+$0x0];
	_ =	sdelay $0x2  }
0x5e: {  	v53 =	vld [tilespmem:s21+$0x6090];
	_ =	sdelay $0x1  }
0x5f: {  	v3 =	vld [tilespmem:s21+$0x6190];
	v10 =	vmul.f32 v61, v2;
	v55 =	vmul.f32 v63, v2  }
0x60: {  	v58 =	vmul.f32 v62, v2;
	v59 =	vmul.f32 v6, v2  }
0x61: {  	v57 =	vld [tilespmem:s21+$0x6110];
	v11 =	vmul.f32 v7, v2;
	v54 =	vmul.f32 v0, v2  }
0x62: {  	v9 =	vshrl.u32 v53, $0x10;
	v5 =	vadd.f32 v10, v5;
	v4 =	vadd.f32 v55, v4;
	v55 =	vld [tilespmem:s21+$0x6210]  }
0x63: {  	v9 =	vand.u32 $0x1, v9;
	v60 =	vadd.f32 v58, v60;
	v56 =	vadd.f32 v59, v56;
	v59 =	vld [tilespmem:s21+$0x6290]  }
0x64: {  	v58 =	vmul.f32 v8, v2;
	v9 =	vadd.s32 v9, v53;
	v53 =	vshrl.u32 v3, $0x10  }
0x65: {  	v52 =	vadd.f32 v11, v52;
	v50 =	vadd.f32 v54, v50;
	v53 =	vand.u32 $0x1, v53  }
0x66: {  	v10 =	vld [tilespmem:s21+$0x6310];
	v9 =	vadd.s32 $0x7FFF, v9;
	v51 =	vadd.f32 v58, v51;
	v58 =	vshrl.u32 v57, $0x10  }
0x67: {  	v3 =	vadd.s32 v53, v3;
	v58 =	vand.u32 $0x1, v58;
	v11 =	vshrl.u32 v55, $0x10  }
0x68: {  	v54 =	vadd.s32 v58, v57;
	v57 =	vand.u32 $0x1, v11;
	v11 =	vshrl.u32 v59, $0x10  }
0x69: {  	v53 =	vand.u32 $0xFFFF0000, v9;
	v9 =	vadd.s32 $0x7FFF, v54;
	v58 =	vand.u32 $0x1, v11;
	v11 =	vld [tilespmem:s21+$0x80]  }
0x6a: {  	v2 =	vmul.f32 v1, v2;
	[tilespmem:$0x1FEF0] =	vst v5;
	v3 =	vadd.s32 $0x7FFF, v3;
	v54 =	vand.u32 $0xFFFF0000, v9  }
0x6b: {  	[tilespmem:s21+$0x6090] =	vst v53;
	v57 =	vadd.s32 v57, v55;
	v58 =	vadd.s32 v58, v59;
	v59 =	vshrl.u32 v10, $0x10  }
0x6c: {  	v12 =	vld [tilespmem:s21+$0x100];
	[tilespmem:s21+$0x6110] =	vst v54;
	v55 =	vand.u32 $0xFFFF0000, v3;
	v3 =	vadd.s32 $0x7FFF, v57;
	v59 =	vand.u32 $0x1, v59  }
0x6d: {  	[tilespmem:s21+$0x6190] =	vst v55;
	v9 =	vadd.s32 $0x7FFF, v58;
	v58 =	vand.u32 $0xFFFF0000, v3;
	v10 =	vadd.s32 v59, v10  }
0x6e: {  	v57 =	vand.u32 $0xFFFF0000, v9;
	[tilespmem:s21+$0x6210] =	vst v58;
	v3 =	vadd.s32 $0x7FFF, v10;
	v9 =	vmul.f32 v61, v11  }
0x6f: {  	s28 =	sadd.s32 $0x10, s22;
	v2 =	vadd.f32 v2, v47;
	[tilespmem:s21+$0x6290] =	vst v57;
	v59 =	vand.u32 $0xFFFF0000, v3  }
0x70: {  	s31 =	sor.u32 $0x300, s28;
	v10 =	vmul.f32 v63, v11;
	v47 =	vmul.f32 v62, v11;
	[tilespmem:s21+$0x6310] =	vst v59;
	v3 =	vadd.f32 v9, v48  }
0x71: {  	[tilespmem:$0x1FF10] =	vst v2;
	v5 =	vmov v41;
	v41 =	vmul.f32 v62, v12;
	v2 =	vmul.f32 v7, v11;
	v48 =	vld [tilespmem:s31+$0x6080]  }
0x72: {  	v46 =	vadd.f32 v47, v46;
	v47 =	vmul.f32 v8, v11;
	[tilespmem:$0x1FF20] =	vst v3;
	v3 =	vadd.f32 v10, v37  }
0x73: {  	v38 =	vadd.f32 v41, v38;
	v37 =	vmul.f32 v6, v11  }
0x74: {  	v45 =	vadd.f32 v2, v45;
	v43 =	vadd.f32 v47, v43;
	[tilespmem:$0x1FF30] =	vst v3;
	v3 =	vld [tilespmem:$0x1FF70]  }
0x75: {  	v47 =	vmul.f32 v61, v12;
	v10 =	vadd.f32 v37, v44;
	v37 =	vmul.f32 v0, v11  }
0x76: {  	v9 =	vmovc v13;
	v13 =	vmul.f32 v7, v12;
	v11 =	vmul.f32 v1, v11;
	v44 =	vld [tilespmem:s21+$0x180];
	v14 =	vshrl.u32 v48, $0x10  }
0x77: {  	v40 =	vadd.f32 v47, v40;
	v42 =	vadd.f32 v37, v42;
	v41 =	vand.u32 $0x1, v14  }
0x78: {  	v11 =	vadd.f32 v11, v26;
	v37 =	vmul.f32 v63, v12;
	v26 =	vld [tilespmem:$0x1FF50];
	v2 =	vadd.s32 v41, v48  }
0x79: {  	v47 =	vmul.f32 v6, v12;
	v2 =	vadd.s32 $0x7FFF, v2;
	v13 =	vadd.f32 v13, v3;
	v3 =	vld [tilespmem:$0x1FF60]  }
0x7a: {  	[tilespmem:$0x1FF00] =	vst v4;
	v41 =	vld [tilespmem:s21+$0x200];
	v39 =	vadd.f32 v37, v39;
	v37 =	vmul.f32 v0, v12;
	v2 =	vand.u32 $0xFFFF0000, v2  }
0x7b: {  	s3 =	sor.u32 $0x380, s28;
	v14 =	vadd.f32 v47, v33;
	v33 =	vmul.f32 v8, v12;
	v48 =	vld [tilespmem:s21+$0x280];
	v47 =	vmul.f32 v61, v44;
	[tilespmem:s31+$0x6080] =	vst v2  }
0x7c: {  	v4 =	vmovc v36;
	v12 =	vmul.f32 v1, v12;
	v36 =	vmul.f32 v63, v44;
	v34 =	vadd.f32 v37, v34;
	v37 =	vld [tilespmem:s3+$0x6080]  }
0x7d: {  	v35 =	vadd.f32 v33, v35;
	v33 =	vmul.f32 v62, v44;
	v32 =	vadd.f32 v47, v32  }
0x7e: {  	v31 =	vadd.f32 v36, v31;
	v12 =	vadd.f32 v12, v3;
	v3 =	vmovc v15;
	v15 =	vmul.f32 v0, v44  }
0x7f: {  	v36 =	vmul.f32 v6, v44;
	v47 =	vmul.f32 v7, v44;
	v30 =	vadd.f32 v33, v30  }
0x80: {  	v33 =	vmul.f32 v8, v44;
	v15 =	vadd.f32 v15, v26;
	v26 =	vmul.f32 v61, v41  }
0x81: {  	v28 =	vadd.f32 v47, v28;
	v47 =	vmul.f32 v1, v44;
	v44 =	vshrl.u32 v37, $0x10  }
0x82: {  	v24 =	vadd.f32 v26, v24;
	v26 =	vand.u32 $0x1, v44;
	v44 =	vmul.f32 v6, v41;
	_ =	sdelay $0x1  }
0x83: {  	v29 =	vadd.f32 v36, v29;
	v27 =	vadd.f32 v33, v27;
	v26 =	vadd.s32 v26, v37  }
0x84: {  	v33 =	vmul.f32 v63, v41;
	v37 =	vmul.f32 v63, v48;
	v63 =	vld [tilespmem:$0x1FF40];
	v26 =	vadd.s32 $0x7FFF, v26  }
0x85: {  	v21 =	vadd.f32 v44, v21;
	v44 =	vmovc v16;
	v16 =	vand.u32 $0xFFFF0000, v26;
	v26 =	vmul.f32 v8, v41  }
0x86: {  	v36 =	vmul.f32 v7, v41;
	v25 =	vadd.f32 v47, v25;
	v47 =	vmul.f32 v62, v41  }
0x87: {  	v23 =	vadd.f32 v33, v23;
	[tilespmem:s3+$0x6080] =	vst v16;
	v19 =	vadd.f32 v26, v19;
	v26 =	vmul.f32 v61, v48  }
0x88: {  	v33 =	vmul.f32 v0, v41;
	v22 =	vadd.f32 v47, v22;
	v47 =	vmul.f32 v1, v41;
	v41 =	vld [tilespmem:s21+$0x10]  }
0x89: {  	v0 =	vmul.f32 v0, v48;
	v61 =	vadd.f32 v26, v63;
	v26 =	vld [tilespmem:$0x1FEE0];
	_ =	sdelay $0x1  }
0x8a: {  	v0 =	vadd.f32 v0, v3;
	v3 =	vld [tilespmem:$0x1FEF0];
	_ =	sdelay $0x1  }
0x8b: {  	v6 =	vmul.f32 v6, v48;
	v17 =	vadd.f32 v47, v17  }
0x8c: {  	v47 =	vmul.f32 v62, v48;
	v62 =	vadd.f32 v37, v26;
	v26 =	vmul.f32 v53, v41;
	_ =	sdelay $0x1  }
0x8d: {  	v6 =	vadd.f32 v6, v5;
	v5 =	vadd.f32 v26, v3;
	v3 =	vld [tilespmem:$0x1FF00];
	_ =	sdelay $0x2  }
0x8e: {  	v7 =	vmul.f32 v7, v48;
	v63 =	vadd.f32 v47, v49;
	v47 =	vmul.f32 v54, v41;
	_ =	sdelay $0x1  }
0x8f: {  	v7 =	vadd.f32 v7, v4;
	v4 =	vadd.f32 v47, v3;
	v3 =	vld [tilespmem:$0x1FF10];
	_ =	sdelay $0x2  }
0x90: {  	v20 =	vadd.f32 v36, v20;
	v36 =	vld [tilespmem:s21+$0x90];
	v47 =	vmul.f32 v16, v41  }
0x91: {  	v26 =	vmul.f32 v55, v41  }
0x92: {  	v47 =	vadd.f32 v47, v3;
	v3 =	vld [tilespmem:$0x1FF20]  }
0x93: {  	v60 =	vadd.f32 v26, v60;
	v26 =	vmul.f32 v2, v41  }
0x94: {  	v1 =	vmul.f32 v1, v48;
	v8 =	vmul.f32 v8, v48  }
0x95: {  	v48 =	vmul.f32 v58, v41;
	v50 =	vadd.f32 v26, v50;
	v26 =	vmul.f32 v53, v36;
	_ =	sdelay $0x1  }
0x96: {  	v56 =	vadd.f32 v48, v56;
	v48 =	vadd.f32 v26, v3;
	v3 =	vld [tilespmem:$0x1FF30];
	_ =	sdelay $0x2  }
0x97: {  	v37 =	vmul.f32 v54, v36  }
0x98: {  	v1 =	vadd.f32 v1, v9;
	v49 =	vmul.f32 v57, v41;
	v9 =	vmul.f32 v59, v41;
	v41 =	vld [tilespmem:s21+$0x110]  }
0x99: {  	v37 =	vadd.f32 v37, v3;
	v3 =	vmul.f32 v57, v36  }
0x9a: {  	v18 =	vadd.f32 v33, v18;
	v8 =	vadd.f32 v8, v44  }
0x9b: {  	v33 =	vmul.f32 v55, v36;
	v45 =	vadd.f32 v3, v45;
	v3 =	vmul.f32 v2, v36  }
0x9c: {  	v52 =	vadd.f32 v49, v52;
	v51 =	vadd.f32 v9, v51;
	v9 =	vmul.f32 v58, v36  }
0x9d: {  	v46 =	vadd.f32 v33, v46;
	v42 =	vadd.f32 v3, v42;
	v3 =	vmul.f32 v55, v41  }
0x9e: {  	v33 =	vmul.f32 v59, v36;
	v44 =	vadd.f32 v9, v10;
	v10 =	vmul.f32 v16, v36;
	v36 =	vld [tilespmem:s21+$0x190]  }
0x9f: {  	v49 =	vmul.f32 v54, v41;
	v38 =	vadd.f32 v3, v38;
	v3 =	vmul.f32 v57, v41  }
0xa0: {  	v43 =	vadd.f32 v33, v43;
	v9 =	vmul.f32 v53, v41;
	v33 =	vmul.f32 v58, v41  }
0xa1: {  	v39 =	vadd.f32 v49, v39;
	v49 =	vmul.f32 v2, v41;
	v3 =	vadd.f32 v3, v13  }
0xa2: {  	v26 =	vadd.f32 v10, v11;
	v10 =	vmul.f32 v59, v41;
	v41 =	vmul.f32 v16, v41  }
0xa3: {  	v34 =	vadd.f32 v49, v34;
	[tilespmem:$0x1FF70] =	vst v3;
	v3 =	vmul.f32 v53, v36  }
0xa4: {  	v35 =	vadd.f32 v10, v35;
	v10 =	vld [tilespmem:s21+$0x210];
	v49 =	vadd.f32 v41, v12  }
0xa5: {  	v12 =	vmul.f32 v59, v36;
	v32 =	vadd.f32 v3, v32;
	v3 =	vmul.f32 v55, v36  }
0xa6: {  	v40 =	vadd.f32 v9, v40;
	v41 =	vmul.f32 v54, v36;
	[tilespmem:$0x1FF60] =	vst v49;
	v49 =	vmul.f32 v58, v36  }
0xa7: {  	v27 =	vadd.f32 v12, v27;
	v12 =	vld [tilespmem:s21+$0x290];
	v30 =	vadd.f32 v3, v30;
	v3 =	vmul.f32 v2, v36  }
0xa8: {  	v33 =	vadd.f32 v33, v14;
	v31 =	vadd.f32 v41, v31;
	v41 =	vmul.f32 v57, v36  }
0xa9: {  	v13 =	vmul.f32 v58, v10;
	v29 =	vadd.f32 v49, v29;
	v3 =	vadd.f32 v3, v15  }
0xaa: {  	v28 =	vadd.f32 v41, v28;
	v49 =	vmul.f32 v16, v36;
	v41 =	vmul.f32 v55, v10  }
0xab: {  	v21 =	vadd.f32 v13, v21;
	v36 =	vmul.f32 v54, v10;
	[tilespmem:$0x1FF50] =	vst v3;
	v3 =	vmul.f32 v53, v10  }
0xac: {  	v25 =	vadd.f32 v49, v25;
	v54 =	vmul.f32 v54, v12;
	v53 =	vmul.f32 v53, v12  }
0xad: {  	v22 =	vadd.f32 v41, v22;
	v24 =	vadd.f32 v3, v24;
	v3 =	vmul.f32 v57, v10  }
0xae: {  	v49 =	vmul.f32 v59, v10;
	v9 =	vadd.f32 v53, v61;
	v61 =	vadd.f32 v54, v62  }
0xaf: {  	v62 =	vmul.f32 v58, v12;
	v20 =	vadd.f32 v3, v20;
	v3 =	vmul.f32 v2, v10  }
0xb0: {  	p0 =	sne.s32 s20, $0x3E0;
	v23 =	vadd.f32 v36, v23;
	v19 =	vadd.f32 v49, v19;
	v10 =	vmul.f32 v16, v10  }
.Ltmp0:
0xb1: {  	v41 =	vadd.f32 v62, v6;
	v18 =	vadd.f32 v3, v18;
	v3 =	vmul.f32 v55, v12;
	(pc) =	sbr.rel @p0 .LBB2_2-.Ltmp0, $4  }
0xb2: {  	v2 =	vmul.f32 v2, v12;
	v6 =	vmul.f32 v16, v12;
	v17 =	vadd.f32 v10, v17  }
0xb3: {  	v49 =	vadd.f32 v3, v63;
	v3 =	vmul.f32 v57, v12;
	v63 =	vmul.f32 v59, v12  }
0xb4: {  	v15 =	vadd.f32 v2, v0;
	v13 =	vadd.f32 v6, v1  }
0xb5: {  	s16 =	sadd.s32 $0x1, s16;
	s20 =	sadd.s32 $0x20, s20;
	s17 =	sadd.s32 $0x100, s17;
	[tilespmem:$0x1FF40] =	vst v9;
	v36 =	vadd.f32 v3, v7;
	v16 =	vadd.f32 v63, v8  }
0xb6: {  	v53 =	vld [tilespmem:$0x1FFC0];
	_ =	sdelay $0x3  }
0xb7: {  	v54 =	vld [tilespmem:$0x1FFD0]  }
0xb8: {  	v0 =	vperm.xlane v5, v53;
	_ =	sdelay $0x1  }
0xb9: {  	v1 =	vperm.xlane v4, v53;
	v0 =	vadd.f32 v0, v5  }
0xba: {  	v55 =	vld [tilespmem:$0x1FFE0]  }
0xbb: {  	v1 =	vadd.f32 v1, v4;
	v2 =	vperm.xlane v0, v54;
	_ =	sdelay $0x1  }
0xbc: {  	v3 =	vperm.xlane v1, v54;
	v0 =	vadd.f32 v2, v0;
	_ =	sdelay $0x1  }
0xbd: {  	v1 =	vadd.f32 v3, v1;
	v3 =	vperm.xlane v0, v55;
	_ =	sdelay $0x1  }
0xbe: {  	v0 =	vadd.f32 v3, v0;
	v3 =	vperm.xlane v56, v53;
	_ =	sdelay $0x1  }
0xbf: {  	v2 =	vperm.xlane v60, v53;
	v3 =	vadd.f32 v3, v56;
	v56 =	vld [tilespmem:$0x1FFF0];
	_ =	sdelay $0x1  }
0xc0: {  	v4 =	vperm.xlane v1, v55;
	v2 =	vadd.f32 v2, v60;
	_ =	sdelay $0x1  }
0xc1: {  	v5 =	vperm.xlane v52, v53;
	v1 =	vadd.f32 v4, v1;
	v4 =	vperm.xlane v2, v54  }
0xc2: {  	v6 =	vperm.xlane v0, v56  }
0xc3: {  	v5 =	vadd.f32 v5, v52;
	v2 =	vadd.f32 v4, v2;
	v4 =	vperm.xlane v1, v56  }
0xc4: {  	v0 =	vadd.f32 v6, v0;
	v6 =	vperm.xlane v3, v54  }
0xc5: {  	v7 =	vperm.xlane v5, v54;
	v1 =	vadd.f32 v4, v1;
	v4 =	vperm.xlane v2, v55  }
0xc6: {  	v3 =	vadd.f32 v6, v3;
	v6 =	vperm.xlane v51, v53  }
0xc7: {  	v0 =	vnsel vm8, $0x0, v0;
	v2 =	vadd.f32 v4, v2;
	v4 =	vadd.f32 v7, v5  }
0xc8: {  	v7 =	vperm.xlane v50, v53;
	v5 =	vperm.xlane v3, v55;
	v6 =	vadd.f32 v6, v51  }
0xc9: {  	v0 =	vsel vm0, v0, v1;
	v1 =	vperm.xlane v2, v56;
	v8 =	vperm.xlane v4, v55  }
0xca: {  	v3 =	vadd.f32 v5, v3;
	v5 =	vadd.f32 v7, v50;
	v7 =	vperm.xlane v6, v54  }
0xcb: {  	v1 =	vadd.f32 v1, v2;
	v2 =	vadd.f32 v8, v4;
	v4 =	vperm.xlane v47, v53  }
0xcc: {  	v8 =	vperm.xlane v3, v56;
	v6 =	vadd.f32 v7, v6;
	v7 =	vperm.xlane v5, v54  }
0xcd: {  	v0 =	vsel vm1, v0, v1;
	v1 =	vperm.xlane v2, v56;
	v4 =	vadd.f32 v4, v47  }
0xce: {  	v3 =	vadd.f32 v8, v3;
	v8 =	vperm.xlane v6, v55;
	v5 =	vadd.f32 v7, v5  }
0xcf: {  	v1 =	vadd.f32 v1, v2;
	v2 =	vperm.xlane v4, v54;
	v7 =	vperm.xlane v48, v53  }
0xd0: {  	v9 =	vperm.xlane v37, v53;
	v6 =	vadd.f32 v8, v6;
	v8 =	vperm.xlane v5, v55  }
0xd1: {  	v0 =	vsel vm2, v0, v3;
	v2 =	vadd.f32 v2, v4;
	v3 =	vadd.f32 v7, v48  }
0xd2: {  	v7 =	vadd.f32 v9, v37;
	v4 =	vperm.xlane v6, v56;
	v5 =	vadd.f32 v8, v5  }
0xd3: {  	v0 =	vsel vm3, v0, v1;
	v1 =	vperm.xlane v2, v55;
	v8 =	vperm.xlane v3, v54  }
0xd4: {  	v9 =	vperm.xlane v7, v54;
	v4 =	vadd.f32 v4, v6;
	v6 =	vperm.xlane v5, v56  }
0xd5: {  	v14 =	vld [tilespmem:$0x1FF80];
	v1 =	vadd.f32 v1, v2;
	v2 =	vadd.f32 v8, v3;
	v3 =	vperm.xlane v46, v53  }
0xd6: {  	v0 =	vsel vm4, v0, v4;
	v4 =	vadd.f32 v6, v5;
	v5 =	vadd.f32 v9, v7  }
0xd7: {  	v6 =	vperm.xlane v1, v56;
	v7 =	vperm.xlane v2, v55;
	v3 =	vadd.f32 v3, v46  }
0xd8: {  	v8 =	vperm.xlane v44, v53;
	v0 =	vsel vm5, v0, v4;
	v4 =	vperm.xlane v5, v55  }
0xd9: {  	v1 =	vadd.f32 v6, v1;
	v2 =	vadd.f32 v7, v2;
	v6 =	vperm.xlane v3, v54  }
0xda: {  	v7 =	vbroadcast v14, $0x0;
	v4 =	vadd.f32 v4, v5;
	v5 =	vadd.f32 v8, v44  }
0xdb: {  	v0 =	vsel vm6, v0, v1;
	v1 =	vperm.xlane v2, v56;
	v3 =	vadd.f32 v6, v3  }
0xdc: {  	v60 =	vadd.f32 v0, v7;
	v0 =	vperm.xlane v4, v56;
	v6 =	vperm.xlane v5, v54  }
0xdd: {  	v7 =	vperm.xlane v45, v53;
	v1 =	vadd.f32 v1, v2;
	v2 =	vperm.xlane v3, v55  }
0xde: {  	v0 =	vadd.f32 v0, v4;
	v4 =	vadd.f32 v6, v5  }
0xdf: {  	v2 =	vadd.f32 v2, v3;
	v3 =	vadd.f32 v7, v45  }
0xe0: {  	v1 =	vnsel vm8, $0x0, v1;
	v6 =	vperm.xlane v43, v53;
	v5 =	vperm.xlane v4, v55  }
0xe1: {  	v0 =	vsel vm0, v1, v0;
	v1 =	vperm.xlane v2, v56;
	v7 =	vperm.xlane v3, v54  }
0xe2: {  	v4 =	vadd.f32 v5, v4;
	v5 =	vadd.f32 v6, v43;
	v6 =	vperm.xlane v42, v53  }
0xe3: {  	v1 =	vadd.f32 v1, v2;
	v2 =	vadd.f32 v7, v3;
	v3 =	vperm.xlane v26, v53  }
0xe4: {  	v7 =	vperm.xlane v4, v56;
	v8 =	vperm.xlane v5, v54;
	v6 =	vadd.f32 v6, v42  }
0xe5: {  	v0 =	vsel vm1, v0, v1;
	v1 =	vperm.xlane v2, v55;
	v3 =	vadd.f32 v3, v26  }
0xe6: {  	v4 =	vadd.f32 v7, v4;
	v5 =	vadd.f32 v8, v5;
	v7 =	vperm.xlane v6, v54  }
0xe7: {  	v1 =	vadd.f32 v1, v2;
	v2 =	vperm.xlane v3, v54;
	v8 =	vperm.xlane v40, v53  }
0xe8: {  	v9 =	vperm.xlane v5, v55;
	v6 =	vadd.f32 v7, v6;
	v7 =	vperm.xlane v39, v53  }
0xe9: {  	v10 =	vperm.xlane v1, v56;
	v2 =	vadd.f32 v2, v3;
	v3 =	vadd.f32 v8, v40  }
0xea: {  	v5 =	vadd.f32 v9, v5;
	v8 =	vperm.xlane v6, v55;
	v7 =	vadd.f32 v7, v39  }
0xeb: {  	v1 =	vadd.f32 v10, v1;
	v9 =	vperm.xlane v2, v55;
	v10 =	vperm.xlane v3, v54  }
0xec: {  	v11 =	vperm.xlane v5, v56;
	v6 =	vadd.f32 v8, v6;
	v8 =	vperm.xlane v7, v54  }
0xed: {  	v0 =	vsel vm2, v0, v4;
	v2 =	vadd.f32 v9, v2;
	v3 =	vadd.f32 v10, v3  }
0xee: {  	v4 =	vadd.f32 v11, v5;
	v5 =	vperm.xlane v6, v56;
	v7 =	vadd.f32 v8, v7  }
0xef: {  	v0 =	vsel vm3, v0, v1;
	v1 =	vperm.xlane v2, v56;
	v8 =	vperm.xlane v3, v55  }
0xf0: {  	v63 =	vld [tilespmem:$0x1FF70];
	v0 =	vsel vm4, v0, v4;
	v4 =	vadd.f32 v5, v6;
	v5 =	vperm.xlane v7, v55  }
0xf1: {  	v1 =	vadd.f32 v1, v2;
	v2 =	vadd.f32 v8, v3;
	v3 =	vperm.xlane v38, v53  }
0xf2: {  	v0 =	vsel vm5, v0, v4;
	v4 =	vbroadcast v14, $0x1;
	v5 =	vadd.f32 v5, v7  }
0xf3: {  	v3 =	vadd.f32 v3, v38;
	v0 =	vsel vm6, v0, v1;
	v1 =	vperm.xlane v2, v56  }
0xf4: {  	v62 =	vadd.f32 v0, v4;
	v0 =	vperm.xlane v5, v56;
	v4 =	vperm.xlane v33, v53  }
0xf5: {  	v6 =	vperm.xlane v63, v53;
	v7 =	vmovc v33;
	v1 =	vadd.f32 v1, v2;
	v2 =	vperm.xlane v3, v54  }
0xf6: {  	v11 =	vld [tilespmem:$0x1FF60];
	v0 =	vadd.f32 v0, v5;
	v4 =	vadd.f32 v4, v7  }
0xf7: {  	v2 =	vadd.f32 v2, v3;
	v3 =	vadd.f32 v6, v63  }
0xf8: {  	v1 =	vnsel vm8, $0x0, v1;
	v6 =	vperm.xlane v35, v53;
	v5 =	vperm.xlane v4, v54  }
0xf9: {  	v0 =	vsel vm0, v1, v0;
	v1 =	vperm.xlane v2, v55;
	v7 =	vperm.xlane v3, v54  }
0xfa: {  	v4 =	vadd.f32 v5, v4;
	v5 =	vadd.f32 v6, v35;
	v6 =	vperm.xlane v34, v53  }
0xfb: {  	v1 =	vadd.f32 v1, v2;
	v2 =	vadd.f32 v7, v3;
	v3 =	vperm.xlane v11, v53  }
0xfc: {  	v7 =	vperm.xlane v4, v55;
	v8 =	vperm.xlane v5, v54;
	v6 =	vadd.f32 v6, v34  }
0xfd: {  	v9 =	vperm.xlane v1, v56;
	v10 =	vperm.xlane v2, v55;
	v3 =	vadd.f32 v3, v11  }
0xfe: {  	v4 =	vadd.f32 v7, v4;
	v5 =	vadd.f32 v8, v5;
	v7 =	vperm.xlane v6, v54  }
0xff: {  	v1 =	vadd.f32 v9, v1;
	v2 =	vadd.f32 v10, v2;
	v8 =	vperm.xlane v3, v54  }
0x100: {  	v10 =	vperm.xlane v5, v55;
	v6 =	vadd.f32 v7, v6  }
0x101: {  	v0 =	vsel vm1, v0, v1;
	v1 =	vperm.xlane v2, v56;
	v3 =	vadd.f32 v8, v3  }
0x102: {  	v9 =	vperm.xlane v4, v56;
	v5 =	vadd.f32 v10, v5;
	v7 =	vperm.xlane v6, v55  }
0x103: {  	v8 =	vperm.xlane v32, v53;
	v1 =	vadd.f32 v1, v2;
	v2 =	vperm.xlane v3, v55  }
0x104: {  	v4 =	vadd.f32 v9, v4;
	v9 =	vperm.xlane v5, v56;
	v6 =	vadd.f32 v7, v6  }
0x105: {  	v7 =	vperm.xlane v31, v53;
	v2 =	vadd.f32 v2, v3;
	v3 =	vadd.f32 v8, v32  }
0x106: {  	v0 =	vsel vm2, v0, v4;
	v4 =	vadd.f32 v9, v5;
	v5 =	vperm.xlane v6, v56  }
0x107: {  	v0 =	vsel vm3, v0, v1;
	v1 =	vperm.xlane v2, v56;
	v8 =	vperm.xlane v3, v54  }
0x108: {  	v7 =	vadd.f32 v7, v31;
	v0 =	vsel vm4, v0, v4;
	v4 =	vadd.f32 v5, v6  }
0x109: {  	v1 =	vadd.f32 v1, v2;
	v2 =	vadd.f32 v8, v3;
	v3 =	vperm.xlane v30, v53  }
0x10a: {  	v5 =	vperm.xlane v7, v54;
	v0 =	vsel vm5, v0, v4  }
0x10b: {  	v0 =	vsel vm6, v0, v1;
	v1 =	vperm.xlane v2, v55;
	v3 =	vadd.f32 v3, v30  }
0x10c: {  	v4 =	vbroadcast v14, $0x2;
	v5 =	vadd.f32 v5, v7  }
0x10d: {  	v6 =	vperm.xlane v28, v53;
	v1 =	vadd.f32 v1, v2;
	v2 =	vperm.xlane v3, v54  }
0x10e: {  	v30 =	vadd.f32 v0, v4;
	v0 =	vperm.xlane v5, v55;
	v4 =	vperm.xlane v29, v53  }
0x10f: {  	v2 =	vadd.f32 v2, v3;
	v3 =	vadd.f32 v6, v28  }
0x110: {  	v0 =	vadd.f32 v0, v5;
	v4 =	vadd.f32 v4, v29;
	v5 =	vperm.xlane v27, v53  }
0x111: {  	v7 =	vperm.xlane v1, v56;
	v9 =	vperm.xlane v3, v54  }
0x112: {  	v6 =	vperm.xlane v0, v56;
	v8 =	vperm.xlane v4, v54;
	v5 =	vadd.f32 v5, v27  }
0x113: {  	v1 =	vadd.f32 v7, v1;
	v7 =	vperm.xlane v2, v55;
	v3 =	vadd.f32 v9, v3;
	v9 =	vld [tilespmem:$0x1FF50]  }
0x114: {  	v0 =	vadd.f32 v6, v0;
	v4 =	vadd.f32 v8, v4;
	v6 =	vperm.xlane v5, v54  }
0x115: {  	v2 =	vadd.f32 v7, v2  }
0x116: {  	v1 =	vnsel vm8, $0x0, v1;
	v7 =	vperm.xlane v4, v55;
	v5 =	vadd.f32 v6, v5  }
0x117: {  	v0 =	vsel vm0, v1, v0;
	v1 =	vperm.xlane v2, v56;
	v6 =	vperm.xlane v3, v55  }
0x118: {  	v4 =	vadd.f32 v7, v4;
	v7 =	vperm.xlane v5, v55;
	v8 =	vperm.xlane v9, v53  }
0x119: {  	v1 =	vadd.f32 v1, v2;
	v2 =	vadd.f32 v6, v3;
	v3 =	vperm.xlane v25, v53  }
0x11a: {  	v6 =	vperm.xlane v4, v56;
	v5 =	vadd.f32 v7, v5;
	v7 =	vadd.f32 v8, v9  }
0x11b: {  	v0 =	vsel vm1, v0, v1;
	v1 =	vperm.xlane v2, v56;
	v3 =	vadd.f32 v3, v25  }
0x11c: {  	v4 =	vadd.f32 v6, v4;
	v6 =	vperm.xlane v5, v56;
	v8 =	vperm.xlane v7, v54  }
0x11d: {  	v9 =	vperm.xlane v24, v53;
	v1 =	vadd.f32 v1, v2;
	v2 =	vperm.xlane v3, v54  }
0x11e: {  	v5 =	vadd.f32 v6, v5;
	v6 =	vadd.f32 v8, v7;
	v7 =	vperm.xlane v23, v53  }
0x11f: {  	v0 =	vsel vm2, v0, v4;
	v2 =	vadd.f32 v2, v3;
	v3 =	vadd.f32 v9, v24  }
0x120: {  	v0 =	vsel vm3, v0, v1;
	v1 =	vperm.xlane v6, v55;
	v4 =	vadd.f32 v7, v23  }
0x121: {  	v0 =	vsel vm4, v0, v5;
	v5 =	vperm.xlane v2, v55;
	v7 =	vperm.xlane v3, v54  }
0x122: {  	v8 =	vperm.xlane v22, v53;
	v1 =	vadd.f32 v1, v6;
	v6 =	vperm.xlane v4, v54  }
0x123: {  	v2 =	vadd.f32 v5, v2;
	v5 =	vperm.xlane v21, v53;
	v3 =	vadd.f32 v7, v3  }
0x124: {  	v7 =	vperm.xlane v1, v56;
	v4 =	vadd.f32 v6, v4;
	v6 =	vadd.f32 v8, v22  }
0x125: {  	v5 =	vadd.f32 v5, v21;
	v8 =	vperm.xlane v2, v56;
	v9 =	vperm.xlane v3, v55  }
0x126: {  	v1 =	vadd.f32 v7, v1;
	v7 =	vperm.xlane v4, v55;
	v10 =	vperm.xlane v6, v54  }
0x127: {  	v2 =	vadd.f32 v8, v2;
	v3 =	vadd.f32 v9, v3;
	v8 =	vperm.xlane v5, v54  }
0x128: {  	v0 =	vsel vm5, v0, v1;
	v1 =	vadd.f32 v7, v4;
	v4 =	vadd.f32 v10, v6  }
0x129: {  	v6 =	vbroadcast v14, $0x3;
	v7 =	vperm.xlane v3, v56;
	v5 =	vadd.f32 v8, v5  }
0x12a: {  	v0 =	vsel vm6, v0, v2;
	v2 =	vperm.xlane v1, v56;
	v8 =	vperm.xlane v4, v55  }
0x12b: {  	v0 =	vadd.f32 v0, v6;
	v3 =	vadd.f32 v7, v3;
	v6 =	vperm.xlane v5, v55  }
0x12c: {  	v1 =	vadd.f32 v2, v1;
	v2 =	vadd.f32 v8, v4  }
0x12d: {  	v3 =	vnsel vm8, $0x0, v3;
	v4 =	vadd.f32 v6, v5;
	v5 =	vperm.xlane v20, v53  }
0x12e: {  	v6 =	vperm.xlane v19, v53;
	v1 =	vsel vm0, v3, v1;
	v3 =	vperm.xlane v2, v56  }
0x12f: {  	v11 =	vld [tilespmem:$0x1FF40];
	v8 =	vperm.xlane v18, v53;
	v7 =	vperm.xlane v4, v56;
	v5 =	vadd.f32 v5, v20  }
0x130: {  	v2 =	vadd.f32 v3, v2;
	v3 =	vadd.f32 v6, v19;
	v6 =	vperm.xlane v17, v53  }
0x131: {  	v8 =	vadd.f32 v8, v18;
	v4 =	vadd.f32 v7, v4;
	v7 =	vperm.xlane v5, v54  }
0x132: {  	v1 =	vsel vm1, v1, v2;
	v2 =	vperm.xlane v3, v54;
	v6 =	vadd.f32 v6, v17  }
0x133: {  	v1 =	vsel vm2, v1, v4;
	v4 =	vadd.f32 v7, v5;
	v5 =	vperm.xlane v8, v54  }
0x134: {  	v7 =	vperm.xlane v11, v53;
	v2 =	vadd.f32 v2, v3;
	v3 =	vperm.xlane v6, v54  }
0x135: {  	v9 =	vperm.xlane v4, v55;
	v5 =	vadd.f32 v5, v8;
	v8 =	vperm.xlane v61, v53  }
0x136: {  	v10 =	vperm.xlane v2, v55;
	v3 =	vadd.f32 v3, v6;
	v6 =	vadd.f32 v7, v11  }
0x137: {  	v4 =	vadd.f32 v9, v4;
	v7 =	vperm.xlane v5, v55;
	v8 =	vadd.f32 v8, v61  }
0x138: {  	v2 =	vadd.f32 v10, v2;
	v9 =	vperm.xlane v3, v55;
	v10 =	vperm.xlane v6, v54  }
0x139: {  	v11 =	vperm.xlane v4, v56;
	v5 =	vadd.f32 v7, v5;
	v7 =	vperm.xlane v8, v54  }
0x13a: {  	v12 =	vperm.xlane v2, v56;
	v3 =	vadd.f32 v9, v3;
	v6 =	vadd.f32 v10, v6  }
0x13b: {  	v4 =	vadd.f32 v11, v4;
	v9 =	vperm.xlane v5, v56;
	v7 =	vadd.f32 v7, v8  }
0x13c: {  	v2 =	vadd.f32 v12, v2;
	v8 =	vperm.xlane v3, v56;
	v10 =	vperm.xlane v6, v55  }
0x13d: {  	v1 =	vsel vm3, v1, v4;
	v4 =	vadd.f32 v9, v5;
	v5 =	vperm.xlane v7, v55  }
0x13e: {  	v1 =	vsel vm4, v1, v2;
	v2 =	vadd.f32 v8, v3;
	v3 =	vadd.f32 v10, v6  }
0x13f: {  	v1 =	vsel vm5, v1, v4;
	v4 =	vbroadcast v14, $0x4;
	v5 =	vadd.f32 v5, v7  }
0x140: {  	v6 =	vperm.xlane v49, v53;
	v1 =	vsel vm6, v1, v2;
	v2 =	vperm.xlane v3, v56  }
0x141: {  	v7 =	vperm.xlane v41, v53;
	v1 =	vadd.f32 v1, v4;
	v4 =	vperm.xlane v5, v56  }
0x142: {  	v2 =	vadd.f32 v2, v3;
	v3 =	vadd.f32 v6, v49  }
0x143: {  	vm9 =	vgt.f32 v62, v60;
	v4 =	vadd.f32 v4, v5;
	v5 =	vadd.f32 v7, v41  }
0x144: {  	v7 =	vperm.xlane v36, v53;
	v2 =	vnsel vm8, $0x0, v2;
	v6 =	vperm.xlane v3, v54  }
0x145: {  	v8 =	vperm.xlane v16, v53;
	v2 =	vsel vm0, v2, v4;
	v4 =	vperm.xlane v5, v54  }
0x146: {  	v3 =	vadd.f32 v6, v3;
	v6 =	vadd.f32 v7, v36;
	v7 =	vperm.xlane v15, v53  }
0x147: {  	v4 =	vadd.f32 v4, v5;
	v5 =	vadd.f32 v8, v16;
	v8 =	vperm.xlane v13, v53  }
0x148: {  	v9 =	vperm.xlane v3, v55;
	v10 =	vperm.xlane v6, v54;
	v7 =	vadd.f32 v7, v15  }
0x149: {  	v11 =	vperm.xlane v4, v55;
	v12 =	vperm.xlane v5, v54;
	v8 =	vadd.f32 v8, v13  }
0x14a: {  	v3 =	vadd.f32 v9, v3;
	v6 =	vadd.f32 v10, v6;
	v9 =	vperm.xlane v7, v54  }
0x14b: {  	v4 =	vadd.f32 v11, v4;
	v5 =	vadd.f32 v12, v5;
	v10 =	vperm.xlane v8, v54  }
0x14c: {  	v11 =	vperm.xlane v3, v56;
	v12 =	vperm.xlane v6, v55;
	v7 =	vadd.f32 v9, v7  }
0x14d: {  	v9 =	vperm.xlane v4, v56;
	v13 =	vperm.xlane v5, v55;
	v8 =	vadd.f32 v10, v8  }
0x14e: {  	v3 =	vadd.f32 v11, v3;
	v6 =	vadd.f32 v12, v6;
	v10 =	vperm.xlane v7, v55  }
0x14f: {  	v4 =	vadd.f32 v9, v4;
	v5 =	vadd.f32 v13, v5;
	v9 =	vperm.xlane v8, v55  }
0x150: {  	v2 =	vsel vm1, v2, v3;
	v3 =	vperm.xlane v6, v56;
	v7 =	vadd.f32 v10, v7  }
0x151: {  	v2 =	vsel vm2, v2, v4;
	v4 =	vperm.xlane v5, v56;
	v8 =	vadd.f32 v9, v8  }
0x152: {  	v9 =	vsel vm9, v62, v60;
	v3 =	vadd.f32 v3, v6;
	v6 =	vperm.xlane v7, v56  }
0x153: {  	vm10 =	vgt.f32 v30, v9;
	v4 =	vadd.f32 v4, v5;
	v5 =	vperm.xlane v8, v56  }
0x154: {  	v2 =	vsel vm3, v2, v3;
	v3 =	vadd.f32 v6, v7;
	v6 =	vimm.s32 $0x0  }
0x155: {  	v2 =	vsel vm4, v2, v4;
	v4 =	vadd.f32 v5, v8;
	v5 =	vsel vm10, v30, v9  }
0x156: {  	v2 =	vsel vm5, v2, v3;
	v3 =	vbroadcast v14, $0x5;
	vm11 =	vgt.f32 v0, v5  }
0x157: {  	v6 =	vsel vm9, $0x1, v6;
	v2 =	vsel vm6, v2, v4;
	v0 =	vsel vm11, v0, v5  }
0x158: {  	v2 =	vadd.f32 v2, v3;
	v3 =	vsel vm10, $0x2, v6;
	vm9 =	vgt.f32 v1, v0  }
0x159: {  	v3 =	vsel vm11, $0x3, v3;
	v0 =	vsel vm9, v1, v0  }
0x15a: {  	v1 =	vsel vm9, $0x4, v3;
	vm9 =	vgt.f32 v2, v0  }
0x15b: {  	v8 =	vsel vm9, $0x5, v1  }
0x15c: {  	(v2sf) =	vpush v8, $0x0  }
0x15d: {  	(v2sf) =	vpush v8, $0x1  }
0x15e: {  	(v2sf) =	vpush v8, $0x2;
	_ =	sdelay $0x1  }
0x15f: {  	(v2sf) =	vpush v8, $0x3;
	_ =	sdelay $0x1  }
0x160: {  	(v2sf) =	vpush v8, $0x4;
	_ =	sdelay $0x2  }
0x161: {  	(v2sf) =	vpush v8, $0x5  }
0x162: {  	(v2sf) =	vpush v8, $0x6  }
0x163: {  	(v2sf) =	vpush v8, $0x7;
	_ =	sdelay $0x2  }
0x164: {  	s17 =	simm.s32 $0x0  }
0x165: {  	s20 =	sand.u32 $0x60, s17;
	s4 =	spop (v2sf)  }
0x166: {  	s16 =	sor.u32 $0x10, s20;
	s5 =	spop (v2sf)  }
0x167: {  	s10 =	sadd.s32 $0xE, s4;
	s4 =	sshll.u32 s4, $0x7;
	s7 =	spop (v2sf)  }
0x168: {  	s4 =	sand.u32 $0x380, s4;
	s11 =	sshll.u32 s10, $0xA;
	s10 =	sshll.u32 s10, $0x7  }
0x169: {  	s12 =	sadd.s32 $0xE, s5;
	s5 =	sshll.u32 s5, $0x7;
	s8 =	spop (v2sf)  }
0x16a: {  	s4 =	sor.u32 $0x2000, s4;
	s11 =	sand.u32 $0xFFFFE000, s11;
	s10 =	sand.u32 $0x380, s10  }
0x16b: {  	s31 =	sadd.s32 $0xE, s7;
	s21 =	sshll.u32 s7, $0x7;
	s9 =	spop (v2sf)  }
0x16c: {  	s28 =	sor.u32 s10, s11;
	s11 =	sshll.u32 s12, $0xA;
	s12 =	sshll.u32 s12, $0x7  }
0x16d: {  	s13 =	sadd.s32 $0xE, s8;
	s24 =	sshll.u32 s31, $0xA;
	s10 =	sshll.u32 s31, $0x7  }
0x16e: {  	s26 =	sshll.u32 s8, $0x7;
	s3 =	spop (v2sf);
	s15 =	sadd.s32 $0xE, s9  }
0x16f: {  	s7 =	sand.u32 $0xFFFFE000, s24;
	s10 =	sand.u32 $0x380, s10;
	s23 =	spop (v2sf)  }
0x170: {  	s31 =	sshll.u32 s13, $0x7;
	s25 =	sor.u32 s10, s7;
	s22 =	spop (v2sf)  }
0x171: {  	s8 =	sand.u32 $0x380, s31;
	_ =	swait.ge [sflag:s30], $0x4000;
	[dreg:$0x4] =	wrdreg s4  }
0x172: {  	[dreg:$0x5] =	wrdreg s28;
	s4 =	sand.u32 $0x380, s5;
	s5 =	sand.u32 $0xFFFFE000, s11  }
0x173: {  	s11 =	sand.u32 $0x380, s12;
	s28 =	sshll.u32 s13, $0xA;
	s12 =	sor.u32 s17, s17  }
0x174: {  	s4 =	sor.u32 $0x2000, s4;
	s14 =	sor.u32 s11, s5;
	[sflag:s30] =	ssyncset.done $0x0  }
0x175: {  	s7 =	sand.u32 $0xFFFFE000, s28;
	s5 =	sshll.u32 s15, $0x7;
	[dreg:$0x6] =	wrdreg s4  }
0x176: {  	s4 =	sand.u32 $0x380, s21;
	[sflag:s30] =	ssyncadd.s32 $0xFFFFC000;
	s21 =	sand.u32 $0x1C00, s17  }
0x177: {  	s8 =	sor.u32 s8, s7;
	s7 =	sor.u32 $0x380, s12;
	s13 =	sor.u32 $0x6080, s21  }
0x178: {  	[dreg:$0x7] =	wrdreg s14;
	s14 =	sshll.u32 s15, $0xA;
	v9 =	vld [tilespmem:s7+$0x6080];
	s15 =	sor.u32 s16, s13  }
0x179: {  	[dreg:$0x9] =	wrdreg s25;
	s25 =	sadd.s32 $0xE, s3;
	s3 =	sshll.u32 s3, $0x7;
	v0 =	vld [tilespmem:s15+$0x0]  }
0x17a: {  	s3 =	sand.u32 $0x380, s3;
	v2 =	vld [tilespmem:s15+$0x80]  }
0x17b: {  	s3 =	sor.u32 $0x2000, s3;
	[dreg:$0xb] =	wrdreg s8;
	v3 =	vld [tilespmem:s15+$0x100]  }
0x17c: {  	[dreg:$0xe] =	wrdreg s3;
	v6 =	vld [tilespmem:s15+$0x180]  }
0x17d: {  	s10 =	sshll.u32 s9, $0x7;
	s8 =	rddreg [dreg:$0x4];
	v7 =	vld [tilespmem:s15+$0x200]  }
0x17e: {  	s11 =	sand.u32 $0x380, s10;
	s10 =	rddreg [dreg:$0x6];
	s31 =	sor.u32 s20, s13;
	v12 =	vld [tilespmem:s15+$0x280]  }
0x17f: {  	s4 =	sor.u32 $0x2000, s4;
	s9 =	sand.u32 $0xFFFFE000, s14;
	s14 =	rddreg [dreg:$0x9];
	v13 =	vld [tilespmem:s31+$0x0]  }
0x180: {  	s5 =	sand.u32 $0x380, s5;
	[dreg:$0x8] =	wrdreg s4;
	s4 =	sand.u32 $0x380, s26;
	v14 =	vld [tilespmem:s31+$0x80]  }
0x181: {  	s24 =	sor.u32 s5, s9;
	s26 =	sshll.u32 s25, $0xA;
	s5 =	sshll.u32 s25, $0x7;
	v15 =	vld [tilespmem:s31+$0x100]  }
0x182: {  	s9 =	rddreg [dreg:$0x5];
	s3 =	sadd.s32 s21, s8;
	s7 =	sadd.s32 s21, s10;
	v17 =	vld [tilespmem:s31+$0x180]  }
0x183: {  	s10 =	sadd.s32 s21, s14;
	s4 =	sor.u32 $0x2000, s4;
	[dreg:$0xd] =	wrdreg s24;
	v11 =	vld [tilespmem:s31+$0x200]  }
0x184: {  	s5 =	sand.u32 $0x380, s5;
	s12 =	rddreg [dreg:$0x8];
	v10 =	vld [tilespmem:s31+$0x280];
	s13 =	sadd.s32 s16, s3  }
0x185: {  	s25 =	sadd.s32 s16, s7;
	s14 =	sadd.s32 s16, s10;
	[dreg:$0xa] =	wrdreg s4;
	v1 =	vld [tilespmem:s13+$0x0]  }
0x186: {  	s3 =	sadd.s32 s20, s3;
	s4 =	sor.u32 $0x2000, s11;
	s11 =	rddreg [dreg:$0x7];
	v5 =	vld [tilespmem:s25+$0x0]  }
0x187: {  	s7 =	sadd.s32 s20, s7;
	v19 =	vld [tilespmem:s14+$0x0];
	[dreg:$0xc] =	wrdreg s4;
	s4 =	sand.u32 $0xFFFFE000, s26  }
0x188: {  	s25 =	rddreg [dreg:$0xe];
	v26 =	vld [tilespmem:s3+$0x0];
	s28 =	sor.u32 s5, s4;
	s5 =	sadd.s32 s21, s9  }
0x189: {  	v28 =	vld [tilespmem:s7+$0x0];
	s8 =	sadd.s32 s21, s11;
	s26 =	rddreg [dreg:$0xb];
	s15 =	sadd.s32 s16, s5  }
0x18a: {  	s9 =	sadd.s32 s21, s12;
	[dreg:$0xf] =	wrdreg s28;
	s28 =	sadd.s32 s16, s8;
	v4 =	vld [tilespmem:s15+$0x0]  }
0x18b: {  	s24 =	rddreg [dreg:$0xa];
	s12 =	sadd.s32 s21, s26;
	s31 =	sadd.s32 s16, s9;
	v16 =	vld [tilespmem:s28+$0x0]  }
0x18c: {  	s10 =	sadd.s32 s20, s10;
	s13 =	rddreg [dreg:$0xc];
	s26 =	sadd.s32 s16, s12;
	v18 =	vld [tilespmem:s31+$0x0]  }
0x18d: {  	s11 =	sadd.s32 s21, s24;
	s24 =	rddreg [dreg:$0xd];
	s5 =	sadd.s32 s20, s5;
	v21 =	vld [tilespmem:s26+$0x0]  }
0x18e: {  	s15 =	sadd.s32 s16, s11;
	s31 =	sadd.s32 s21, s13;
	s13 =	rddreg [dreg:$0xf];
	v27 =	vld [tilespmem:s5+$0x0]  }
0x18f: {  	s28 =	sadd.s32 s21, s24;
	s26 =	sadd.s32 s21, s25;
	s11 =	sadd.s32 s20, s11;
	v20 =	vld [tilespmem:s15+$0x0]  }
0x190: {  	s14 =	sadd.s32 s16, s31;
	s15 =	sshll.u32 s23, $0x7;
	s25 =	sadd.s32 s21, s13;
	v34 =	vmul.f32 v19, v3;
	v19 =	vld [tilespmem:s11+$0x0]  }
0x191: {  	s13 =	sadd.s32 $0xE, s23;
	v22 =	vld [tilespmem:s14+$0x0];
	s24 =	sand.u32 $0x380, s15;
	s15 =	sadd.s32 s16, s26  }
0x192: {  	s14 =	sadd.s32 s16, s28;
	s23 =	sor.u32 $0x2000, s24;
	v24 =	vld [tilespmem:s15+$0x0];
	s15 =	sshll.u32 s13, $0xA  }
0x193: {  	v23 =	vld [tilespmem:s14+$0x0];
	s14 =	sadd.s32 s16, s25;
	s13 =	sshll.u32 s13, $0x7;
	s24 =	sand.u32 $0xFFFFE000, s15  }
0x194: {  	v1 =	vmul.f32 v1, v0;
	v25 =	vld [tilespmem:s14+$0x0];
	s13 =	sand.u32 $0x380, s13;
	[dreg:$0x10] =	wrdreg s23;
	s15 =	sadd.s32 s20, s9;
	v35 =	vmul.f32 v4, v0  }
0x195: {  	s23 =	sshll.u32 s22, $0x7;
	s4 =	sor.u32 s13, s24;
	v0 =	vmul.f32 v5, v2;
	s14 =	rddreg [dreg:$0x10];
	v5 =	vmul.f32 v18, v3;
	v18 =	vld [tilespmem:s15+$0x0]  }
0x196: {  	s13 =	sadd.s32 s20, s8;
	v2 =	vmul.f32 v16, v2;
	s5 =	sand.u32 $0x380, s23;
	v3 =	vld [tilespmem:s10+$0x0];
	[dreg:$0x11] =	wrdreg s4  }
0x197: {  	v16 =	vimm.f32 $0.0e+00;
	v29 =	vld [tilespmem:s13+$0x0];
	v4 =	vmul.f32 v20, v6;
	v6 =	vmul.f32 v21, v6;
	s13 =	sand.u32 $0x3, s17;
	s9 =	sadd.s32 s21, s14;
	s14 =	sadd.s32 s20, s12  }
0x198: {  	s10 =	sor.u32 $0x2000, s5;
	v21 =	vmul.f32 v28, v14;
	s12 =	sadd.s32 $0xE, s22;
	s22 =	sadd.s32 s20, s28;
	v39 =	vmul.f32 v19, v17;
	v19 =	vimm.f32 $0.0e+00;
	v20 =	vld [tilespmem:s14+$0x0]  }
0x199: {  	s28 =	sadd.s32 s20, s25;
	s24 =	rddreg [dreg:$0x11];
	v31 =	vmul.f32 v22, v7;
	s15 =	sshll.u32 s13, $0x5;
	v41 =	vld [tilespmem:s22+$0x0];
	v22 =	vimm.f32 $0.0e+00;
	v32 =	vmul.f32 v23, v7  }
0x19a: {  	s23 =	sadd.s32 s16, s9;
	[dreg:$0x12] =	wrdreg s10;
	s14 =	sshll.u32 s12, $0xA;
	v42 =	vld [tilespmem:s28+$0x0];
	v33 =	vmul.f32 v24, v12;
	v28 =	vadd.f32 v21, v16;
	v30 =	vmul.f32 v25, v12  }
0x19b: {  	s7 =	sadd.s32 s21, s24;
	s24 =	sadd.s32 $0x0, s15;
	v24 =	vld [tilespmem:s23+$0x0];
	s15 =	sadd.s32 s20, s31;
	v21 =	vimm.f32 $0.0e+00;
	v12 =	vmul.f32 v26, v13;
	v13 =	vmul.f32 v27, v13  }
0x19c: {  	s5 =	sshll.u32 s12, $0x7;
	s22 =	simm.s32 $0x20;
	s23 =	sadd.s32 s20, s26;
	v23 =	vimm.f32 $0.0e+00;
	v43 =	vld [tilespmem:s15+$0x0];
	v38 =	vmul.f32 v18, v15;
	v37 =	vmul.f32 v3, v15  }
0x19d: {  	s4 =	sand.u32 $0xFFFFE000, s14;
	s5 =	sand.u32 $0x380, s5;
	s31 =	sadd.s32 s20, s9;
	v40 =	vld [tilespmem:s23+$0x0];
	v18 =	vimm.f32 $0.0e+00;
	v15 =	vimm.f32 $0.0e+00;
	v14 =	vmul.f32 v29, v14  }
0x19e: {  	s26 =	rddreg [dreg:$0x12];
	s11 =	sadd.s32 s16, s7;
	s4 =	sor.u32 s5, s4;
	v44 =	vld [tilespmem:s31+$0x0];
	v26 =	vadd.f32 v12, v16;
	v27 =	vadd.f32 v13, v16;
	v12 =	vimm.f32 $0.0e+00  }
0x19f: {  	s13 =	sor.u32 $0x300, s24;
	s5 =	sadd.s32 s20, s7;
	v25 =	vld [tilespmem:s11+$0x0];
	[dreg:$0x13] =	wrdreg s4;
	v13 =	vimm.f32 $0.0e+00;
	v36 =	vmul.f32 v20, v17;
	v17 =	vimm.f32 $0.0e+00  }
0x1a0: {  	s3 =	sadd.s32 s21, s26;
	s23 =	simm.s32 $0x0;
	v7 =	vld [tilespmem:s13+$0x6080];
	s4 =	rddreg [dreg:$0x13];
	v20 =	vimm.f32 $0.0e+00;
	v29 =	vadd.f32 v14, v16;
	v14 =	vimm.f32 $0.0e+00  }
.LBB2_4:
0x1a1: {  	s4 =	sadd.s32 s21, s4  }
0x1a2: {  	v49 =	vld [tilespmem:s5+$0x0];
	s15 =	sadd.s32 s20, s3;
	s7 =	sadd.s32 $0x10, s24;
	s20 =	sadd.s32 s20, s4  }
0x1a3: {  	v28 =	vadd.f32 v0, v28;
	v0 =	vadd.f32 v38, v16;
	s21 =	sor.u32 $0x300, s7;
	v51 =	vld [tilespmem:s20+$0x0]  }
0x1a4: {  	s24 =	sadd.s32 s16, s3;
	v22 =	vadd.f32 v39, v22;
	v52 =	vld [tilespmem:s21+$0x6080]  }
0x1a5: {  	s17 =	sadd.s32 $0x100, s17;
	v23 =	vadd.f32 v36, v23;
	s25 =	sor.u32 $0x380, s7;
	v16 =	vadd.f32 v5, v0;
	v0 =	vld [tilespmem:s24+$0x0]  }
0x1a6: {  	s4 =	sadd.s32 s16, s4;
	s20 =	sand.u32 $0x60, s22;
	s21 =	sand.u32 $0x1C00, s17;
	v22 =	vadd.f32 v4, v22;
	v4 =	vld [tilespmem:s25+$0x6080]  }
0x1a7: {  	v23 =	vadd.f32 v6, v23;
	s28 =	sor.u32 $0x6080, s21;
	s16 =	sor.u32 $0x10, s20;
	v6 =	vld [tilespmem:s4+$0x0]  }
0x1a8: {  	v26 =	vadd.f32 v1, v26;
	v3 =	vmul.f32 v43, v11;
	v1 =	vmul.f32 v41, v11;
	v11 =	vld [tilespmem:s15+$0x0];
	s31 =	sor.u32 s16, s28  }
0x1a9: {  	v58 =	vld [tilespmem:s31+$0x0]  }
0x1aa: {  	s9 =	rddreg [dreg:$0x4];
	v59 =	vld [tilespmem:s31+$0x200]  }
0x1ab: {  	s10 =	rddreg [dreg:$0x5];
	s7 =	sor.u32 s20, s28;
	v39 =	vld [tilespmem:s31+$0x280]  }
0x1ac: {  	s11 =	rddreg [dreg:$0x6];
	v50 =	vmul.f32 v40, v10;
	v40 =	vld [tilespmem:s7+$0x0]  }
0x1ad: {  	s8 =	rddreg [dreg:$0x7];
	s26 =	sor.u32 s17, s22;
	v38 =	vld [tilespmem:s7+$0x80]  }
0x1ae: {  	v29 =	vadd.f32 v2, v29;
	v2 =	vadd.f32 v37, v21;
	s3 =	sor.u32 $0x380, s26;
	s26 =	sadd.s32 s21, s9;
	s4 =	sadd.s32 s21, s11;
	v37 =	vld [tilespmem:s7+$0x100]  }
0x1af: {  	s11 =	rddreg [dreg:$0xa];
	s13 =	sadd.s32 s16, s26;
	s26 =	sadd.s32 s20, s26;
	v36 =	vld [tilespmem:s7+$0x180]  }
0x1b0: {  	s24 =	sadd.s32 s16, s4;
	s11 =	sadd.s32 s21, s11;
	s4 =	sadd.s32 s20, s4;
	v47 =	vld [tilespmem:s26+$0x0]  }
0x1b1: {  	s12 =	rddreg [dreg:$0x8];
	v21 =	vadd.f32 v34, v2;
	s28 =	sadd.s32 s21, s10;
	v2 =	vmul.f32 v49, v7;
	s5 =	sadd.s32 s16, s11;
	v49 =	vld [tilespmem:s4+$0x0]  }
0x1b2: {  	s8 =	sadd.s32 s21, s8;
	v10 =	vmul.f32 v42, v10;
	s15 =	sadd.s32 s16, s28;
	s28 =	sadd.s32 s20, s28;
	v61 =	vld [tilespmem:s5+$0x0]  }
0x1b3: {  	s9 =	sadd.s32 s21, s12;
	s12 =	sadd.s32 s16, s8;
	s8 =	sadd.s32 s20, s8;
	v3 =	vadd.f32 v3, v17;
	v48 =	vld [tilespmem:s28+$0x0]  }
0x1b4: {  	v57 =	vmul.f32 v44, v7;
	v7 =	vadd.f32 v50, v19;
	v10 =	vadd.f32 v10, v20;
	v50 =	vld [tilespmem:s8+$0x0]  }
0x1b5: {  	v17 =	vadd.f32 v31, v3;
	v3 =	vld [tilespmem:s31+$0x80]  }
0x1b6: {  	s14 =	rddreg [dreg:$0x9];
	v20 =	vadd.f32 v30, v10;
	v30 =	vld [tilespmem:s31+$0x100]  }
0x1b7: {  	s10 =	sadd.s32 s21, s14;
	s14 =	sadd.s32 s16, s9;
	v31 =	vld [tilespmem:s31+$0x180]  }
0x1b8: {  	v1 =	vadd.f32 v1, v18;
	v0 =	vmul.f32 v0, v4;
	v4 =	vmul.f32 v6, v4;
	v6 =	vld [tilespmem:s14+$0x0]  }
0x1b9: {  	s31 =	sadd.s32 s16, s10;
	v5 =	vmul.f32 v11, v9;
	v11 =	vmul.f32 v51, v9;
	v9 =	vld [tilespmem:s3+$0x6080]  }
0x1ba: {  	v18 =	vadd.f32 v32, v1;
	v1 =	vmul.f32 v24, v52;
	v10 =	vadd.f32 v57, v15;
	s10 =	sadd.s32 s20, s10;
	v60 =	vld [tilespmem:s31+$0x0]  }
0x1bb: {  	v2 =	vadd.f32 v2, v14;
	v19 =	vadd.f32 v33, v7;
	v7 =	vmul.f32 v25, v52;
	v51 =	vld [tilespmem:s10+$0x0]  }
0x1bc: {  	v15 =	vadd.f32 v1, v10;
	v10 =	vld [tilespmem:s7+$0x280];
	v11 =	vadd.f32 v11, v13  }
0x1bd: {  	v14 =	vadd.f32 v7, v2;
	v2 =	vld [tilespmem:s15+$0x0];
	v5 =	vadd.f32 v5, v12  }
0x1be: {  	v13 =	vadd.f32 v4, v11;
	v11 =	vld [tilespmem:s7+$0x200]  }
0x1bf: {  	s25 =	rddreg [dreg:$0xb];
	v12 =	vadd.f32 v0, v5;
	v0 =	vld [tilespmem:s13+$0x0]  }
0x1c0: {  	s31 =	rddreg [dreg:$0xf];
	v5 =	vld [tilespmem:s12+$0x0];
	s12 =	sadd.s32 s21, s25  }
0x1c1: {  	s3 =	sadd.s32 s21, s31;
	v4 =	vld [tilespmem:s24+$0x0];
	s24 =	rddreg [dreg:$0x10];
	s14 =	sadd.s32 s16, s12  }
0x1c2: {  	s13 =	rddreg [dreg:$0xc];
	s31 =	sadd.s32 s21, s24;
	s24 =	sadd.s32 s16, s3;
	v62 =	vld [tilespmem:s14+$0x0]  }
0x1c3: {  	s15 =	rddreg [dreg:$0xd];
	s13 =	sadd.s32 s21, s13;
	s3 =	sadd.s32 s20, s3;
	v46 =	vld [tilespmem:s24+$0x0]  }
0x1c4: {  	s5 =	sadd.s32 s21, s15;
	s25 =	rddreg [dreg:$0xe];
	s15 =	sadd.s32 s16, s13;
	v42 =	vld [tilespmem:s3+$0x0]  }
0x1c5: {  	s7 =	sadd.s32 s21, s25;
	s14 =	sadd.s32 s16, s5;
	v63 =	vld [tilespmem:s15+$0x0]  }
0x1c6: {  	v57 =	vld [tilespmem:s14+$0x0];
	s14 =	sadd.s32 s16, s7  }
0x1c7: {  	v34 =	vmul.f32 v60, v30;
	v60 =	vmul.f32 v47, v40;
	v45 =	vld [tilespmem:s14+$0x0];
	s14 =	sadd.s32 s16, s31  }
0x1c8: {  	v27 =	vadd.f32 v35, v27;
	s9 =	sadd.s32 s20, s9;
	v35 =	vmul.f32 v2, v58;
	v24 =	vld [tilespmem:s14+$0x0];
	v1 =	vmul.f32 v0, v58  }
0x1c9: {  	s11 =	sadd.s32 s20, s11;
	v0 =	vmul.f32 v4, v3;
	v2 =	vmul.f32 v5, v3;
	v3 =	vld [tilespmem:s9+$0x0]  }
0x1ca: {  	p0 =	sne.s32 s22, $0x3E0;
	s23 =	sadd.s32 $0x1, s23;
	s26 =	sadd.s32 s20, s7;
	v5 =	vmul.f32 v6, v30;
	v4 =	vmul.f32 v61, v31;
	v58 =	vld [tilespmem:s11+$0x0]  }
0x1cb: {  	s25 =	rddreg [dreg:$0x11];
	s12 =	sadd.s32 s20, s12;
	s15 =	sand.u32 $0x3, s23;
	v61 =	vmul.f32 v48, v40;
	v40 =	vld [tilespmem:s26+$0x0];
	v6 =	vmul.f32 v62, v31  }
0x1cc: {  	s25 =	sadd.s32 s21, s25;
	s15 =	sshll.u32 s15, $0x5;
	s31 =	sadd.s32 s20, s31;
	v31 =	vmul.f32 v63, v59;
	v32 =	vmul.f32 v57, v59;
	v59 =	vld [tilespmem:s12+$0x0]  }
.Ltmp1:
0x1cd: {  	s24 =	sadd.s32 s15, s17;
	s14 =	sadd.s32 s16, s25;
	v44 =	vld [tilespmem:s31+$0x0];
	(pc) =	sbr.rel @p0 .LBB2_4-.Ltmp1, $4  }
0x1ce: {  	v26 =	vadd.f32 v60, v26;
	s15 =	sor.u32 $0x300, s24;
	v25 =	vld [tilespmem:s14+$0x0];
	v30 =	vmul.f32 v46, v39;
	v62 =	vmul.f32 v49, v38  }
0x1cf: {  	s14 =	sadd.s32 s20, s13;
	v7 =	vld [tilespmem:s15+$0x6080];
	v27 =	vadd.f32 v61, v27;
	v63 =	vmul.f32 v50, v38;
	v33 =	vmul.f32 v45, v39  }
0x1d0: {  	s22 =	sadd.s32 $0x20, s22;
	s28 =	rddreg [dreg:$0x12];
	v43 =	vld [tilespmem:s14+$0x0];
	s15 =	sadd.s32 s20, s5;
	v28 =	vadd.f32 v62, v28;
	v38 =	vmul.f32 v3, v37;
	v37 =	vmul.f32 v51, v37  }
0x1d1: {  	s4 =	rddreg [dreg:$0x13];
	s3 =	sadd.s32 s21, s28;
	s5 =	sadd.s32 s20, s25;
	v41 =	vld [tilespmem:s15+$0x0];
	v39 =	vmul.f32 v58, v36;
	v29 =	vadd.f32 v63, v29;
	v36 =	vmul.f32 v59, v36  }
0x1d2: {  	v1 =	vadd.f32 v1, v26;
	v3 =	vadd.f32 v35, v27  }
0x1d3: {  	v0 =	vadd.f32 v0, v28;
	v16 =	vadd.f32 v38, v16  }
0x1d4: {  	v21 =	vadd.f32 v37, v21;
	v49 =	vmul.f32 v40, v10;
	v2 =	vadd.f32 v2, v29  }
0x1d5: {  	v51 =	vmul.f32 v42, v10;
	v22 =	vadd.f32 v39, v22;
	v23 =	vadd.f32 v36, v23  }
0x1d6: {  	v5 =	vadd.f32 v5, v16;
	v16 =	vadd.f32 v34, v21;
	v52 =	vmul.f32 v44, v7  }
0x1d7: {  	v46 =	vld [tilespmem:s5+$0x0];
	s17 =	sadd.s32 s20, s3;
	s4 =	sadd.s32 s21, s4;
	v19 =	vadd.f32 v49, v19;
	v10 =	vadd.f32 v51, v20;
	v61 =	vperm.xlane v1, v53  }
0x1d8: {  	s23 =	sadd.s32 $0x10, s24;
	v48 =	vld [tilespmem:s17+$0x0];
	s22 =	sadd.s32 s20, s4;
	v63 =	vperm.xlane v3, v53;
	v45 =	vmul.f32 v43, v11;
	v4 =	vadd.f32 v4, v22  }
0x1d9: {  	s7 =	sor.u32 $0x300, s23;
	v50 =	vld [tilespmem:s22+$0x0];
	v6 =	vadd.f32 v6, v23;
	v34 =	vperm.xlane v2, v53;
	v19 =	vadd.f32 v33, v19  }
0x1da: {  	v57 =	vld [tilespmem:s7+$0x6080];
	v47 =	vmul.f32 v41, v11;
	v1 =	vadd.f32 v61, v1;
	v10 =	vadd.f32 v30, v10  }
0x1db: {  	v33 =	vperm.xlane v0, v53;
	v3 =	vadd.f32 v63, v3;
	v15 =	vadd.f32 v52, v15  }
0x1dc: {  	v51 =	vperm.xlane v16, v53;
	v58 =	vmul.f32 v46, v7;
	v17 =	vadd.f32 v45, v17  }
0x1dd: {  	v2 =	vadd.f32 v34, v2;
	v11 =	vadd.f32 v47, v18;
	v59 =	vmul.f32 v48, v9  }
0x1de: {  	v35 =	vperm.xlane v1, v54;
	v0 =	vadd.f32 v33, v0;
	v37 =	vperm.xlane v3, v54  }
0x1df: {  	v60 =	vmul.f32 v50, v9;
	v17 =	vadd.f32 v31, v17;
	v24 =	vmul.f32 v24, v57  }
0x1e0: {  	v36 =	vmul.f32 v25, v57;
	v40 =	vperm.xlane v2, v54;
	v7 =	vadd.f32 v58, v14  }
0x1e1: {  	v50 =	vperm.xlane v5, v53;
	v11 =	vadd.f32 v32, v11;
	v1 =	vadd.f32 v35, v1  }
0x1e2: {  	v57 =	vperm.xlane v4, v53;
	v3 =	vadd.f32 v37, v3;
	v12 =	vadd.f32 v59, v12  }
0x1e3: {  	s24 =	sadd.s32 s16, s3;
	v39 =	vperm.xlane v0, v54;
	v59 =	vadd.f32 v51, v16;
	v2 =	vadd.f32 v40, v2  }
0x1e4: {  	s5 =	sor.u32 $0x380, s23;
	v62 =	vld [tilespmem:s24+$0x0];
	v37 =	vperm.xlane v10, v53;
	v9 =	vadd.f32 v60, v13;
	v15 =	vadd.f32 v24, v15  }
0x1e5: {  	s25 =	sadd.s32 s16, s4;
	v32 =	vld [tilespmem:s5+$0x6080];
	v7 =	vadd.f32 v36, v7;
	v60 =	vperm.xlane v6, v53;
	v61 =	vperm.xlane v17, v53  }
0x1e6: {  	v38 =	vld [tilespmem:s25+$0x0];
	v58 =	vadd.f32 v50, v5;
	v36 =	vperm.xlane v19, v53;
	v42 =	vperm.xlane v1, v55  }
0x1e7: {  	v0 =	vadd.f32 v39, v0;
	v43 =	vperm.xlane v3, v55;
	v21 =	vperm.xlane v59, v54  }
0x1e8: {  	v39 =	vadd.f32 v37, v10;
	v45 =	vperm.xlane v2, v55;
	v63 =	vperm.xlane v58, v54  }
0x1e9: {  	v6 =	vadd.f32 v60, v6;
	v40 =	vperm.xlane v7, v53;
	v1 =	vadd.f32 v42, v1  }
0x1ea: {  	v44 =	vperm.xlane v0, v55;
	v3 =	vadd.f32 v43, v3;
	v41 =	vmul.f32 v62, v32  }
0x1eb: {  	v5 =	vadd.f32 v21, v59;
	v22 =	vmul.f32 v38, v32;
	v62 =	vperm.xlane v11, v53  }
0x1ec: {  	v2 =	vadd.f32 v45, v2;
	v23 =	vperm.xlane v6, v54;
	v38 =	vperm.xlane v15, v53  }
0x1ed: {  	v46 =	vperm.xlane v1, v56;
	v0 =	vadd.f32 v44, v0;
	v47 =	vperm.xlane v3, v56  }
0x1ee: {  	v18 =	vperm.xlane v5, v55;
	v12 =	vadd.f32 v41, v12;
	v9 =	vadd.f32 v22, v9  }
0x1ef: {  	v49 =	vperm.xlane v2, v56;
	v11 =	vadd.f32 v62, v11;
	v6 =	vadd.f32 v23, v6  }
0x1f0: {  	v44 =	vperm.xlane v39, v54;
	v1 =	vadd.f32 v46, v1;
	v3 =	vadd.f32 v47, v3  }
0x1f1: {  	v48 =	vperm.xlane v0, v56;
	v5 =	vadd.f32 v18, v5;
	v2 =	vadd.f32 v49, v2  }
0x1f2: {  	v25 =	vperm.xlane v11, v54;
	v28 =	vperm.xlane v6, v55;
	v3 =	vnsel vm8, $0x0, v3  }
0x1f3: {  	v41 =	vperm.xlane v12, v53;
	v52 =	vsel vm0, v3, v2;
	v2 =	vadd.f32 v57, v4  }
0x1f4: {  	v42 =	vperm.xlane v9, v53;
	v1 =	vnsel vm8, $0x0, v1;
	v0 =	vadd.f32 v48, v0  }
0x1f5: {  	v4 =	vadd.f32 v61, v17;
	v3 =	vadd.f32 v63, v58;
	v22 =	vperm.xlane v2, v54  }
0x1f6: {  	v18 =	vperm.xlane v5, v56;
	v11 =	vadd.f32 v25, v11;
	v6 =	vadd.f32 v28, v6  }
0x1f7: {  	v9 =	vadd.f32 v42, v9;
	v24 =	vperm.xlane v4, v54;
	v2 =	vadd.f32 v22, v2  }
0x1f8: {  	v5 =	vadd.f32 v18, v5;
	v26 =	vperm.xlane v3, v55;
	v16 =	vperm.xlane v11, v55  }
0x1f9: {  	v0 =	vsel vm0, v1, v0;
	v31 =	vperm.xlane v6, v56;
	v27 =	vperm.xlane v2, v55  }
0x1fa: {  	v1 =	vsel vm1, v52, v5;
	v5 =	vadd.f32 v40, v7;
	v3 =	vadd.f32 v26, v3  }
0x1fb: {  	v48 =	vperm.xlane v9, v54;
	v4 =	vadd.f32 v24, v4;
	v2 =	vadd.f32 v27, v2  }
0x1fc: {  	v11 =	vadd.f32 v16, v11;
	v33 =	vadd.f32 v31, v6;
	v17 =	vperm.xlane v3, v56  }
0x1fd: {  	v6 =	vadd.f32 v41, v12;
	v29 =	vperm.xlane v4, v55;
	v30 =	vperm.xlane v2, v56  }
0x1fe: {  	v51 =	vadd.f32 v48, v9;
	v46 =	vperm.xlane v5, v54;
	v3 =	vadd.f32 v17, v3  }
0x1ff: {  	v16 =	vperm.xlane v11, v56;
	v4 =	vadd.f32 v29, v4;
	v2 =	vadd.f32 v30, v2  }
0x200: {  	v47 =	vperm.xlane v6, v54;
	v0 =	vsel vm1, v0, v3;
	v3 =	vadd.f32 v36, v19  }
0x201: {  	v32 =	vperm.xlane v4, v56;
	v0 =	vsel vm2, v0, v2;
	v2 =	vadd.f32 v38, v15  }
0x202: {  	v1 =	vsel vm2, v1, v33;
	v35 =	vadd.f32 v16, v11;
	v43 =	vperm.xlane v3, v54  }
0x203: {  	v6 =	vadd.f32 v47, v6;
	v34 =	vadd.f32 v32, v4;
	v45 =	vperm.xlane v2, v54  }
0x204: {  	v11 =	vperm.xlane v51, v55;
	v4 =	vadd.f32 v44, v39;
	v3 =	vadd.f32 v43, v3  }
0x205: {  	v5 =	vadd.f32 v46, v5;
	v53 =	vperm.xlane v6, v55;
	v2 =	vadd.f32 v45, v2  }
0x206: {  	v7 =	vadd.f32 v11, v51;
	v13 =	vperm.xlane v4, v55;
	v49 =	vperm.xlane v3, v55  }
0x207: {  	v52 =	vperm.xlane v5, v55;
	v6 =	vadd.f32 v53, v6;
	v50 =	vperm.xlane v2, v55  }
0x208: {  	v11 =	vperm.xlane v7, v56;
	v4 =	vadd.f32 v13, v4;
	v3 =	vadd.f32 v49, v3  }
0x209: {  	v62 =	vld [tilespmem:$0x1FFA0];
	v5 =	vadd.f32 v52, v5;
	v57 =	vperm.xlane v6, v56;
	v2 =	vadd.f32 v50, v2  }
0x20a: {  	v61 =	vld [tilespmem:$0x1FF90];
	v60 =	vadd.f32 v11, v7;
	v13 =	vperm.xlane v4, v56;
	v12 =	vperm.xlane v3, v56  }
0x20b: {  	v59 =	vadd.f32 v57, v6;
	v55 =	vperm.xlane v5, v56;
	v54 =	vperm.xlane v2, v56  }
0x20c: {  	v1 =	vsel vm3, v1, v35;
	v4 =	vadd.f32 v13, v4;
	v3 =	vadd.f32 v12, v3  }
0x20d: {  	v0 =	vsel vm3, v0, v34;
	v58 =	vadd.f32 v55, v5;
	v2 =	vadd.f32 v54, v2  }
0x20e: {  	v63 =	vld [tilespmem:$0x1FFB0];
	v1 =	vsel vm4, v1, v4;
	v5 =	vperm.xlane v62, v8;
	v0 =	vsel vm4, v0, v3  }
0x20f: {  	v1 =	vsel vm5, v1, v58;
	v3 =	vperm.xlane v61, v8;
	v0 =	vsel vm5, v0, v2  }
0x210: {  	v1 =	vsel vm6, v1, v60;
	v0 =	vsel vm6, v0, v59  }
0x211: {  	v1 =	vadd.f32 v5, v1;
	v0 =	vadd.f32 v3, v0;
	_ =	sdelay $0x1  }
0x212: {  	v1 =	vperm.xlane v1, v63;
	v0 =	vperm.xlane v0, v63;
	_ =	sdelay $0x1  }
0x213: {  	v0 =	vsel vm7, v0, v1  }
0x214: {  	s26 =	rddreg [dreg:$0x17];
	s28 =	simm.s32 $0x8080;
	[tilespmem:$0x8080] =	vst v0  }
0x215: {  	[hbm4b:s26+s1] =	stream.linear.scatter [tilespmem:s28], [sflag:$0x3], $0x10, $0x38;
	[tilespmem:$0x8100] =	vst v63  }
0x216: {  	_ =	swait.ge [sflag:s0], $0x10  }
0x217: {  	s2 =	sadd.s32 $0x1, s2;
	s31 =	rddreg [dreg:$0x18]  }
0x218: {  	p0 =	sne.s32 s2, s31  }
.Ltmp2:
0x219: {  	_ = 	snop;
	(pc) =	sbr.rel @p0 .LBB2_1-.Ltmp2, $3  }
0x21a: {  	_ =	sdelay $0x1  }
0x21b: {  	[sflag:s0] =	ssyncset.done $0x0  }
0x21c: {  	[sflag:s0] =	ssyncadd.s32 $0xFFFFFFF0  }
0x21d: {  	_ =	sfence.sel $0x180000  }
0x21e: {  	[bflag:$0x0] =	sbarrier.arrive $0xFFFF  }
0x21f: {  	_ =	strace $0x90000047  }
0x220: {  	s0 =	stileid.u32;
	[bflag:$0x2] =	sbarrier.arrive $0xFFFF  }
0x221: {  	p0 =	sne.s32 s0, $0x0;
	s0 =	rddreg [dreg:$0x3]  }
0x222: {  	s0 =	sadd.s32 @!p0 $0x100000, s0  }
0x223: {  	[sflag:s0] =	ssyncadd.tile.s32 @!p0 $0x1;
	_ =	shalt  }
.Lfunc_end2:
_tile_overlayer_lowered:
.L_overlay_start_2:
0x224: {  	(tag) =	ssettag $0x2  }
0x225: {  	s0 =	rddreg [dreg:$0x0];
	s2 =	stileid.u32  }
0x226: {  	s1 =	rddreg [dreg:$0x1];
	p0 =	sne.s32 s2, $0x0  }
0x227: {  	s3 =	rddreg [dreg:$0x2];
	[bflag:$0x3] =	sbarrier.arrive $0xFFFF;
	s2 =	simm.s32 @!p0 $0x1C03  }
0x228: {  	[timem:s3], [sflag:s2] =	dma.local @!p0 [hbm:s0], s1  }
0x229: {  	s0 =	simm.s32 @!p0 $0x3  }
0x22a: {  	_ =	swait.ge @!p0 [sflag:s0], s1  }
0x22b: {  	s1 =	ssub.s32 @!p0 $0x0, s1;
	[sflag:s0] =	ssyncset.done @!p0 $0x0  }
0x22c: {  	[sflag:s0] =	ssyncadd.s32 @!p0 s1  }
0x22d: {  	[bflag:$0x3] =	sbarrier.arrive $0xFFFF  }
0x22e: {  	_ =	shalt  }

</sc_bundles>
